<compile_context>
chip_gen: v7x
topology: tpu7x:2x2x1
jax: 0.10.2.dev20260603
libtpu: 0.0.44.dev20260713+nightly
codegen_flags: <defaults>
</compile_context>

<pallas_src>
import functools

import jax
import jax.numpy as jnp
import numpy as np
from jax import lax
from jax.experimental import pallas as pl
from jax.experimental.pallas import tpu as pltpu
from jax.experimental.pallas import tpu_sc as plsc

N = 10000
E = 320000
D = 128
H = 128
C = 40
CP = 40

NC = 2
NS = 16
NW = NC * NS
CH = 128
NCHUNK = 80
EPT = NCHUNK * CH
E_PAD = NW * EPT
N_PAD = 10240
ROWS_T = N_PAD // NS
TRASH = N

_MESH = plsc.VectorSubcoreMesh(core_axis_name="c", subcore_axis_name="s")
_SC_PARAMS = pltpu.CompilerParams(use_tc_tiling_on_sc=False)


_FULL = N // ROWS_T
_LAST = N - _FULL * ROWS_T


def _drain_stripes(c, s, acc, outA, outB):
    def drain(out, rows, base):
        pltpu.sync_copy(acc.at[pl.ds(base, rows)], out.at[pl.ds(base, rows)])

    for cc, out in ((0, outA), (1, outB)):
        @pl.when(jnp.logical_and(c == cc, s < _FULL))
        def _(out=out):
            drain(out, ROWS_T, s * ROWS_T)
        if _LAST:
            @pl.when(jnp.logical_and(c == cc, s == _FULL))
            def _(out=out):
                drain(out, _LAST, _FULL * ROWS_T)


NHALF = 2
CPH = NCHUNK // NHALF


def _sc_agg(width, ch=CH, nb=2, nstage=NHALF, params=_SC_PARAMS):
    nchunk = EPT // ch
    cps = nchunk // nstage
    ng = cps // nb

    @functools.partial(
        pl.kernel, mesh=_MESH, compiler_params=params,
        out_type=[jax.ShapeDtypeStruct((N, width), jnp.float32),
                  jax.ShapeDtypeStruct((N, width), jnp.float32)],
        scratch_types=[pltpu.VMEM((cps, ch), jnp.int32) for _ in range(4)]
        + [pltpu.VMEM((ch, width), jnp.float32) for _ in range(nb)]
        + [pltpu.VMEM_SHARED((N_PAD, width), jnp.float32)]
        + [pltpu.SemaphoreType.DMA] * (2 * nb + 2))
    def body(feat_hbm, src_hbm, dst_hbm, zrows_hbm, outA, outB, *rest):
        src_b = rest[0:2]
        dst_b = rest[2:4]
        rows = rest[4:4 + nb]
        acc_sh = rest[4 + nb]
        gsem = rest[5 + nb:5 + 2 * nb]
        ssem = rest[5 + 2 * nb:5 + 3 * nb]
        isem = rest[5 + 3 * nb:]
        c = lax.axis_index("c")
        s = lax.axis_index("s")
        wid = c * NS + s

        pltpu.sync_copy(zrows_hbm, acc_sh.at[pl.ds(s * ROWS_T, ROWS_T)])
        plsc.subcore_barrier()

        def prefetch(h, p):
            base = wid * nchunk + h * cps
            pltpu.async_copy(src_hbm.at[pl.ds(base, cps)], src_b[p], isem[p])
            pltpu.async_copy(dst_hbm.at[pl.ds(base, cps)], dst_b[p], isem[p])

        def wait_prefetch(p):
            pltpu.make_async_copy(src_hbm.at[pl.ds(0, cps)], src_b[p],
                                  isem[p]).wait()
            pltpu.make_async_copy(dst_hbm.at[pl.ds(0, cps)], dst_b[p],
                                  isem[p]).wait()

        def gather(j, b, p):
            pltpu.async_copy(feat_hbm.at[src_b[p].at[j]], rows[b], gsem[b])

        def scatter(j, b, p):
            pltpu.async_copy(rows[b], acc_sh.at[dst_b[p].at[j]], ssem[b],
                             add=True)

        def wait_gather(b):
            pltpu.make_async_copy(feat_hbm.at[src_b[0].at[0]], rows[b],
                                  gsem[b]).wait()

        def wait_scatter(b):
            pltpu.make_async_copy(rows[b], acc_sh.at[dst_b[0].at[0]],
                                  ssem[b]).wait()

        def run_groups(p):
            def group(g, carry2):
                for b in range(nb):
                    wait_gather(b)
                    scatter(g * nb + b, b, p)
                for b in range(nb):
                    jn = (g + 1) * nb + b

                    @pl.when(jn < cps)
                    def _(jn=jn, b=b):
                        wait_scatter(b)
                        gather(jn, b, p)
                return carry2

            lax.fori_loop(0, ng, group, 0)

        prefetch(0, 0)
        prefetch(1, 1)
        wait_prefetch(0)
        for b in range(nb):
            gather(b, b, 0)

        def pair(g, carry):
            for p in range(2):
                h = 2 * g + p
                run_groups(p)

                @pl.when(h + 1 < nstage)
                def _(p=p):
                    wait_prefetch(1 - p)
                    for b in range(nb):
                        wait_scatter(b)
                        gather(b, b, 1 - p)

                @pl.when(h + 1 >= nstage)
                def _():
                    for b in range(nb):
                        wait_scatter(b)

                @pl.when(h + 2 < nstage)
                def _(h=h, p=p):
                    prefetch(h + 2, p)
            return carry

        lax.fori_loop(0, nstage // 2, pair, 0)

        plsc.subcore_barrier()
        _drain_stripes(c, s, acc_sh, outA, outB)

    return body


@functools.partial(
    pl.kernel, mesh=_MESH, compiler_params=_SC_PARAMS,
    out_type=[jax.ShapeDtypeStruct((N, 16), jnp.float32),
              jax.ShapeDtypeStruct((N, 16), jnp.float32)],
    scratch_types=[
        pltpu.VMEM((NCHUNK, CH), jnp.int32),
        pltpu.VMEM((CH, 16), jnp.float32),
        pltpu.VMEM_SHARED((N_PAD, 16), jnp.float32),
        pltpu.SemaphoreType.DMA,
    ])
def _sc_deg(dst_hbm, ones_hbm, zdeg_hbm, degA, degB, dst_v, ones_v, deg_sh,
            sem):
    c = lax.axis_index("c")
    s = lax.axis_index("s")
    wid = c * NS + s
    GRP = 16

    pltpu.sync_copy(zdeg_hbm, deg_sh.at[pl.ds(s * ROWS_T, ROWS_T)])
    pltpu.sync_copy(ones_hbm, ones_v)
    pltpu.sync_copy(dst_hbm.at[pl.ds(wid * NCHUNK, NCHUNK)], dst_v)

    plsc.subcore_barrier()

    def fire(g):
        for b in range(GRP):
            pltpu.async_copy(ones_v, deg_sh.at[dst_v.at[g * GRP + b]], sem,
                             add=True)

    def drain():
        for _ in range(GRP):
            pltpu.make_async_copy(ones_v, deg_sh.at[dst_v.at[0]],
                                  sem).wait()

    fire(0)

    def group(g, carry):
        fire(g)
        drain()
        return carry

    lax.fori_loop(1, NCHUNK // GRP, group, 0)
    drain()

    plsc.subcore_barrier()
    _drain_stripes(c, s, deg_sh, degA, degB)


CH48 = 64
_sc_agg128 = _sc_agg(D, ch=CH48, nb=4, nstage=8)
_sc_agg48 = _sc_agg(CP, ch=CH48, nb=4, nstage=8)

BLK = 2000


def _selfproj_body(x, W, b, out):
    dn = (((1,), (1,)), ((), ()))
    out[...] = lax.dot_general(x[...], W[...], dn,
                               preferred_element_type=jnp.float32) + b[...]


def _dense0_body(aggA, aggB, degA, degB, xr, W0l, W1lp, h_out, hW_out):
    deg = jnp.maximum(degA[:, :1] + degB[:, :1], 1.0)
    mean = (aggA[...] + aggB[...]) / deg
    dn = (((1,), (1,)), ((), ()))
    h = lax.dot_general(mean, W0l[...], dn, preferred_element_type=jnp.float32)
    h = jnp.maximum(h + xr[...], 0.0)
    h_out[...] = h
    hW_out[...] = lax.dot_general(h, W1lp[...], dn,
                                  preferred_element_type=jnp.float32)


def _final_body(aggA, aggB, degA, degB, hr, out):
    deg = jnp.maximum(degA[:, :1] + degB[:, :1], 1.0)
    mean = (aggA[...] + aggB[...]) / deg
    z = jnp.maximum(mean + hr[...], 0.0)
    m = jnp.max(z, axis=1, keepdims=True)
    lse = jnp.log(jnp.sum(jnp.exp(z - m), axis=1, keepdims=True)) + m
    out[...] = z - lse


def _row_spec(width):
    return pl.BlockSpec((BLK, width), lambda i: (i, 0))


def _full_spec(shape):
    return pl.BlockSpec(shape, lambda i: (0,) * len(shape))


def _selfproj(width):
    return pl.pallas_call(
        _selfproj_body,
        grid=(N // BLK,),
        in_specs=[_row_spec(H), _full_spec((width, H)),
                  _full_spec((1, width))],
        out_specs=_row_spec(width),
        out_shape=jax.ShapeDtypeStruct((N, width), jnp.float32),
    )


_selfproj128 = _selfproj(H)
_selfproj48 = _selfproj(CP)

_dense0 = pl.pallas_call(
    _dense0_body,
    grid=(N // BLK,),
    in_specs=[
        _row_spec(D), _row_spec(D),
        _row_spec(16), _row_spec(16),
        _row_spec(H),
        _full_spec((H, D)), _full_spec((CP, H)),
    ],
    out_specs=[_row_spec(H), _row_spec(CP)],
    out_shape=[jax.ShapeDtypeStruct((N, H), jnp.float32),
               jax.ShapeDtypeStruct((N, CP), jnp.float32)],
)

_final = pl.pallas_call(
    _final_body,
    grid=(N // BLK,),
    in_specs=[
        _row_spec(CP), _row_spec(CP),
        _row_spec(16), _row_spec(16),
        _row_spec(CP),
    ],
    out_specs=_row_spec(CP),
    out_shape=jax.ShapeDtypeStruct((N, CP), jnp.float32),
)


_PAD = E_PAD - E
_SRC_PAD = np.arange(_PAD, dtype=np.int32) * 37 % N
_DST_PAD = (TRASH + np.arange(_PAD, dtype=np.int32) % (N_PAD - N)).astype(
    np.int32)
_ZROWS128 = np.zeros((ROWS_T, D), np.float32)
_ZROWS48 = np.zeros((ROWS_T, CP), np.float32)
_ZDEG = np.zeros((ROWS_T, 16), np.float32)
_ONES_ROWS = np.ones((CH, 16), np.float32)


def kernel(x, edge_index, y, W0_l, b0, W0_r, W1_l, b1, W1_r):
    src1 = jnp.concatenate([edge_index[0], _SRC_PAD]).reshape(
        E_PAD // CH, CH)
    dst1 = jnp.concatenate([edge_index[1], _DST_PAD]).reshape(
        E_PAD // CH, CH)

    src64 = src1.reshape(E_PAD // CH48, CH48)
    dst64 = dst1.reshape(E_PAD // CH48, CH48)

    xr = _selfproj128(x, W0_r, b0.reshape(1, H))
    degA, degB = _sc_deg(dst1, _ONES_ROWS, _ZDEG)
    aggA, aggB = _sc_agg128(x, src64, dst64, _ZROWS128)
    h, hW = _dense0(aggA, aggB, degA, degB, xr, W0_l, W1_l)
    hr = _selfproj48(h, W1_r, b1.reshape(1, C))
    agg1A, agg1B = _sc_agg48(hW, src64, dst64, _ZROWS48)
    return _final(agg1A, agg1B, degA, degB, hr)

# --- scband reference (transcript-rebuilt; emitter-appended) ---
"""Pipeline reference for scband-graph-sage-net-69363721831026 (READ-ONLY COPY).

The authoritative reference and input builder live on the scoring server;
editing this copy changes nothing except your own understanding.
"""

import jax, jax.numpy as jnp
import numpy as np

N = 10000
E = 320000
D = 128
H = 128
C = 40


def setup_inputs(seed: int = 0) -> dict:
    key = jax.random.key(seed)
    ks = jax.random.split(key, 10)
    x = jax.random.normal(ks[0], (N, D), dtype=jnp.float32)
    edge_index = jax.random.randint(ks[1], (2, E), 0, N, dtype=jnp.int32)
    y = jax.random.randint(ks[2], (N,), 0, C, dtype=jnp.int32)
    s0 = 1.0 / np.sqrt(D)
    s1 = 1.0 / np.sqrt(H)
    W0_l = jax.random.uniform(ks[3], (H, D), dtype=jnp.float32, minval=-s0, maxval=s0)
    b0 = jax.random.uniform(ks[4], (H,), dtype=jnp.float32, minval=-s0, maxval=s0)
    W0_r = jax.random.uniform(ks[5], (H, D), dtype=jnp.float32, minval=-s0, maxval=s0)
    W1_l = jax.random.uniform(ks[6], (C, H), dtype=jnp.float32, minval=-s1, maxval=s1)
    b1 = jax.random.uniform(ks[7], (C,), dtype=jnp.float32, minval=-s1, maxval=s1)
    W1_r = jax.random.uniform(ks[8], (C, H), dtype=jnp.float32, minval=-s1, maxval=s1)
    return {"x": x, "edge_index": edge_index, "y": y, "W0_l": W0_l, "b0": b0, "W0_r": W0_r, "W1_l": W1_l, "b1": b1, "W1_r": W1_r}


def _sage_conv(x, src, dst, W_l, b, W_r):
    # PyG SAGEConv with mean aggregation: out = lin_l(mean_{j in N(i)} x_j) + lin_r(x_i)
    msgs = x[src]  # gather source-node features along edges
    agg = jax.ops.segment_sum(msgs, dst, num_segments=N)
    deg = jax.ops.segment_sum(jnp.ones((src.shape[0],), dtype=x.dtype), dst, num_segments=N)
    mean = agg / jnp.clip(deg, 1.0)[:, None]
    return mean @ W_l.T + b + x @ W_r.T


def reference(x, edge_index, y, W0_l, b0, W0_r, W1_l, b1, W1_r):
    src = edge_index[0]
    dst = edge_index[1]
    h = jax.nn.relu(_sage_conv(x, src, dst, W0_l, b0, W0_r))
    h = jax.nn.relu(_sage_conv(h, src, dst, W1_l, b1, W1_r))
    # F.dropout with training=False is identity in eval mode
    return jax.nn.log_softmax(h, axis=1)

if __name__ == "__main__":
    import jax
    _d = setup_inputs()
    print(jax.jit(kernel)(*tuple(_d.values())))

</pallas_src>

<mosaic_0001>
#map = affine_map<(d0, d1) -> (0, 0)>
module attributes {stable_mosaic.version = 14 : i64} {
  func.func @_sc_deg(%arg0: i32, %arg1: i32, %arg2: memref<2560x128xi32, #tpu.memory_space<hbm>>, %arg3: memref<128x16xf32, #tpu.memory_space<hbm>>, %arg4: memref<640x16xf32, #tpu.memory_space<hbm>>, %arg5: memref<10000x16xf32, #tpu.memory_space<hbm>>, %arg6: memref<10000x16xf32, #tpu.memory_space<hbm>>, %arg7: memref<80x128xi32, #tpu.memory_space<vmem>>, %arg8: memref<128x16xf32, #tpu.memory_space<vmem>>, %arg9: memref<10240x16xf32, #tpu.memory_space<vmem_shared>>, %arg10: memref<!tpu.dma_semaphore, #tpu.memory_space<semaphore_mem>>) attributes {dimension_semantics = [#tpu.dimension_semantics<core_parallel>, #tpu.dimension_semantics<subcore_parallel>], iteration_bounds = array<i64: 2, 16>, scalar_prefetch = 0 : i64, scratch_operands = 4 : i64, tpu.core_type = #tpu.core_type<sc_vector_subcore>, window_params = [{transform_indices = #map}, {transform_indices = #map}, {transform_indices = #map}, {transform_indices = #map}, {transform_indices = #map}]} {
    %mul3A = arith.constant 16 : i32
    %mul3A_0 = arith.muli %arg0, %mul3A : i32
    %add3A = arith.addi %mul3A_0, %arg1 : i32
    %mul3A_1 = arith.constant 640 : i32
    %mul3A_2 = arith.muli %arg1, %mul3A_1 : i32
    "tpu.region"() ({
      %run_scoped3A = tpu.sem_alloc : memref<!tpu.dma_semaphore, #tpu.memory_space<semaphore_mem>>
      %dma_start3A_260 = arith.constant 0 : i32
      %dma_start3A_261 = tpu.memref_slice %arg9[%mul3A_2, %dma_start3A_260] : memref<10240x16xf32, #tpu.memory_space<vmem_shared>> -> memref<640x16xf32, #tpu.memory_space<vmem_shared>>
      tpu.enqueue_dma source(%arg4 : memref<640x16xf32, #tpu.memory_space<hbm>>) target(%dma_start3A_261 : memref<640x16xf32, #tpu.memory_space<vmem_shared>>) target_semaphore(%run_scoped3A : memref<!tpu.dma_semaphore, #tpu.memory_space<semaphore_mem>>)
      %dma_wait3A_262 = arith.constant 0 : i32
      %dma_wait3A_263 = tpu.memref_slice %arg9[%mul3A_2, %dma_wait3A_262] : memref<10240x16xf32, #tpu.memory_space<vmem_shared>> -> memref<640x16xf32, #tpu.memory_space<vmem_shared>>
      tpu.wait_dma2 semaphore(%run_scoped3A : memref<!tpu.dma_semaphore, #tpu.memory_space<semaphore_mem>>) src(%arg4 : memref<640x16xf32, #tpu.memory_space<hbm>>) dst(%dma_wait3A_263 : memref<640x16xf32, #tpu.memory_space<vmem_shared>>)
      tpu.yield
    }) : () -> ()
    "tpu.region"() ({
      %run_scoped3A = tpu.sem_alloc : memref<!tpu.dma_semaphore, #tpu.memory_space<semaphore_mem>>
      tpu.enqueue_dma source(%arg3 : memref<128x16xf32, #tpu.memory_space<hbm>>) target(%arg8 : memref<128x16xf32, #tpu.memory_space<vmem>>) target_semaphore(%run_scoped3A : memref<!tpu.dma_semaphore, #tpu.memory_space<semaphore_mem>>)
      tpu.wait_dma2 semaphore(%run_scoped3A : memref<!tpu.dma_semaphore, #tpu.memory_space<semaphore_mem>>) src(%arg3 : memref<128x16xf32, #tpu.memory_space<hbm>>) dst(%arg8 : memref<128x16xf32, #tpu.memory_space<vmem>>)
      tpu.yield
    }) : () -> ()
    %mul3A_3 = arith.constant 80 : i32
    %mul3A_4 = arith.muli %add3A, %mul3A_3 : i32
    "tpu.region"() ({
      %run_scoped3A = tpu.sem_alloc : memref<!tpu.dma_semaphore, #tpu.memory_space<semaphore_mem>>
      %dma_start3A_260 = arith.constant 0 : i32
      %dma_start3A_261 = tpu.memref_slice %arg2[%mul3A_4, %dma_start3A_260] : memref<2560x128xi32, #tpu.memory_space<hbm>> -> memref<80x128xi32, #tpu.memory_space<hbm>>
      %dma_start3A_262 = arith.constant 0 : i32
      %dma_start3A_263 = tpu.memref_slice %arg2[%mul3A_4, %dma_start3A_262] : memref<2560x128xi32, #tpu.memory_space<hbm>> -> memref<80x128xi32, #tpu.memory_space<hbm>>
      tpu.enqueue_dma source(%dma_start3A_263 : memref<80x128xi32, #tpu.memory_space<hbm>>) target(%arg7 : memref<80x128xi32, #tpu.memory_space<vmem>>) target_semaphore(%run_scoped3A : memref<!tpu.dma_semaphore, #tpu.memory_space<semaphore_mem>>)
      %dma_wait3A_264 = arith.constant 0 : i32
      %dma_wait3A_265 = tpu.memref_slice %arg2[%mul3A_4, %dma_wait3A_264] : memref<2560x128xi32, #tpu.memory_space<hbm>> -> memref<80x128xi32, #tpu.memory_space<hbm>>
      %dma_wait3A_266 = arith.constant 0 : i32
      %dma_wait3A_267 = tpu.memref_slice %arg2[%mul3A_4, %dma_wait3A_266] : memref<2560x128xi32, #tpu.memory_space<hbm>> -> memref<80x128xi32, #tpu.memory_space<hbm>>
      tpu.wait_dma2 semaphore(%run_scoped3A : memref<!tpu.dma_semaphore, #tpu.memory_space<semaphore_mem>>) src(%dma_wait3A_267 : memref<80x128xi32, #tpu.memory_space<hbm>>) dst(%arg7 : memref<80x128xi32, #tpu.memory_space<vmem>>)
      tpu.yield
    }) : () -> ()
    %barrier3A = arith.constant 0 : index
    tpu.barrier barrier_id(%barrier3A)
    %dma_start3A = arith.constant 0 : i32
    %dma_start3A_5 = arith.constant 0 : i32
    %dma_start3A_6 = tpu.memref_slice %arg7[%dma_start3A, %dma_start3A_5] : memref<80x128xi32, #tpu.memory_space<vmem>> -> memref<1x128xi32, #tpu.memory_space<vmem>>
    %dma_start3A_7 = tpu.memref_squeeze %dma_start3A_6 : memref<1x128xi32, #tpu.memory_space<vmem>> -> memref<128xi32, #tpu.memory_space<vmem>>
    %dma_start3A_8 = arith.constant 0 : i32
    %dma_start3A_9 = arith.constant 0 : i32
    %dma_start3A_10 = tpu.memref_slice %arg9[%dma_start3A_8, %dma_start3A_9] : memref<10240x16xf32, #tpu.memory_space<vmem_shared>> -> memref<10240x16xf32, #tpu.memory_space<vmem_shared>>
    tpu.enqueue_indirect_dma source(%arg8 : memref<128x16xf32, #tpu.memory_space<vmem>>) target(%dma_start3A_10 : memref<10240x16xf32, #tpu.memory_space<vmem_shared>>) offsets(%dma_start3A_7 : memref<128xi32, #tpu.memory_space<vmem>>) semaphore(%arg10 : memref<!tpu.dma_semaphore, #tpu.memory_space<semaphore_mem>>) {add = true}
    %dma_start3A_11 = arith.constant 1 : i32
    %dma_start3A_12 = arith.constant 0 : i32
    %dma_start3A_13 = tpu.memref_slice %arg7[%dma_start3A_11, %dma_start3A_12] : memref<80x128xi32, #tpu.memory_space<vmem>> -> memref<1x128xi32, #tpu.memory_space<vmem>>
    %dma_start3A_14 = tpu.memref_squeeze %dma_start3A_13 : memref<1x128xi32, #tpu.memory_space<vmem>> -> memref<128xi32, #tpu.memory_space<vmem>>
    %dma_start3A_15 = arith.constant 0 : i32
    %dma_start3A_16 = arith.constant 0 : i32
    %dma_start3A_17 = tpu.memref_slice %arg9[%dma_start3A_15, %dma_start3A_16] : memref<10240x16xf32, #tpu.memory_space<vmem_shared>> -> memref<10240x16xf32, #tpu.memory_space<vmem_shared>>
    tpu.enqueue_indirect_dma source(%arg8 : memref<128x16xf32, #tpu.memory_space<vmem>>) target(%dma_start3A_17 : memref<10240x16xf32, #tpu.memory_space<vmem_shared>>) offsets(%dma_start3A_14 : memref<128xi32, #tpu.memory_space<vmem>>) semaphore(%arg10 : memref<!tpu.dma_semaphore, #tpu.memory_space<semaphore_mem>>) {add = true}
    %dma_start3A_18 = arith.constant 2 : i32
    %dma_start3A_19 = arith.constant 0 : i32
    %dma_start3A_20 = tpu.memref_slice %arg7[%dma_start3A_18, %dma_start3A_19] : memref<80x128xi32, #tpu.memory_space<vmem>> -> memref<1x128xi32, #tpu.memory_space<vmem>>
    %dma_start3A_21 = tpu.memref_squeeze %dma_start3A_20 : memref<1x128xi32, #tpu.memory_space<vmem>> -> memref<128xi32, #tpu.memory_space<vmem>>
    %dma_start3A_22 = arith.constant 0 : i32
    %dma_start3A_23 = arith.constant 0 : i32
    %dma_start3A_24 = tpu.memref_slice %arg9[%dma_start3A_22, %dma_start3A_23] : memref<10240x16xf32, #tpu.memory_space<vmem_shared>> -> memref<10240x16xf32, #tpu.memory_space<vmem_shared>>
    tpu.enqueue_indirect_dma source(%arg8 : memref<128x16xf32, #tpu.memory_space<vmem>>) target(%dma_start3A_24 : memref<10240x16xf32, #tpu.memory_space<vmem_shared>>) offsets(%dma_start3A_21 : memref<128xi32, #tpu.memory_space<vmem>>) semaphore(%arg10 : memref<!tpu.dma_semaphore, #tpu.memory_space<semaphore_mem>>) {add = true}
    %dma_start3A_25 = arith.constant 3 : i32
    %dma_start3A_26 = arith.constant 0 : i32
    %dma_start3A_27 = tpu.memref_slice %arg7[%dma_start3A_25, %dma_start3A_26] : memref<80x128xi32, #tpu.memory_space<vmem>> -> memref<1x128xi32, #tpu.memory_space<vmem>>
    %dma_start3A_28 = tpu.memref_squeeze %dma_start3A_27 : memref<1x128xi32, #tpu.memory_space<vmem>> -> memref<128xi32, #tpu.memory_space<vmem>>
    %dma_start3A_29 = arith.constant 0 : i32
    %dma_start3A_30 = arith.constant 0 : i32
    %dma_start3A_31 = tpu.memref_slice %arg9[%dma_start3A_29, %dma_start3A_30] : memref<10240x16xf32, #tpu.memory_space<vmem_shared>> -> memref<10240x16xf32, #tpu.memory_space<vmem_shared>>
    tpu.enqueue_indirect_dma source(%arg8 : memref<128x16xf32, #tpu.memory_space<vmem>>) target(%dma_start3A_31 : memref<10240x16xf32, #tpu.memory_space<vmem_shared>>) offsets(%dma_start3A_28 : memref<128xi32, #tpu.memory_space<vmem>>) semaphore(%arg10 : memref<!tpu.dma_semaphore, #tpu.memory_space<semaphore_mem>>) {add = true}
    %dma_start3A_32 = arith.constant 4 : i32
    %dma_start3A_33 = arith.constant 0 : i32
    %dma_start3A_34 = tpu.memref_slice %arg7[%dma_start3A_32, %dma_start3A_33] : memref<80x128xi32, #tpu.memory_space<vmem>> -> memref<1x128xi32, #tpu.memory_space<vmem>>
    %dma_start3A_35 = tpu.memref_squeeze %dma_start3A_34 : memref<1x128xi32, #tpu.memory_space<vmem>> -> memref<128xi32, #tpu.memory_space<vmem>>
    %dma_start3A_36 = arith.constant 0 : i32
    %dma_start3A_37 = arith.constant 0 : i32
    %dma_start3A_38 = tpu.memref_slice %arg9[%dma_start3A_36, %dma_start3A_37] : memref<10240x16xf32, #tpu.memory_space<vmem_shared>> -> memref<10240x16xf32, #tpu.memory_space<vmem_shared>>
    tpu.enqueue_indirect_dma source(%arg8 : memref<128x16xf32, #tpu.memory_space<vmem>>) target(%dma_start3A_38 : memref<10240x16xf32, #tpu.memory_space<vmem_shared>>) offsets(%dma_start3A_35 : memref<128xi32, #tpu.memory_space<vmem>>) semaphore(%arg10 : memref<!tpu.dma_semaphore, #tpu.memory_space<semaphore_mem>>) {add = true}
    %dma_start3A_39 = arith.constant 5 : i32
    %dma_start3A_40 = arith.constant 0 : i32
    %dma_start3A_41 = tpu.memref_slice %arg7[%dma_start3A_39, %dma_start3A_40] : memref<80x128xi32, #tpu.memory_space<vmem>> -> memref<1x128xi32, #tpu.memory_space<vmem>>
    %dma_start3A_42 = tpu.memref_squeeze %dma_start3A_41 : memref<1x128xi32, #tpu.memory_space<vmem>> -> memref<128xi32, #tpu.memory_space<vmem>>
    %dma_start3A_43 = arith.constant 0 : i32
    %dma_start3A_44 = arith.constant 0 : i32
    %dma_start3A_45 = tpu.memref_slice %arg9[%dma_start3A_43, %dma_start3A_44] : memref<10240x16xf32, #tpu.memory_space<vmem_shared>> -> memref<10240x16xf32, #tpu.memory_space<vmem_shared>>
    tpu.enqueue_indirect_dma source(%arg8 : memref<128x16xf32, #tpu.memory_space<vmem>>) target(%dma_start3A_45 : memref<10240x16xf32, #tpu.memory_space<vmem_shared>>) offsets(%dma_start3A_42 : memref<128xi32, #tpu.memory_space<vmem>>) semaphore(%arg10 : memref<!tpu.dma_semaphore, #tpu.memory_space<semaphore_mem>>) {add = true}
    %dma_start3A_46 = arith.constant 6 : i32
    %dma_start3A_47 = arith.constant 0 : i32
    %dma_start3A_48 = tpu.memref_slice %arg7[%dma_start3A_46, %dma_start3A_47] : memref<80x128xi32, #tpu.memory_space<vmem>> -> memref<1x128xi32, #tpu.memory_space<vmem>>
    %dma_start3A_49 = tpu.memref_squeeze %dma_start3A_48 : memref<1x128xi32, #tpu.memory_space<vmem>> -> memref<128xi32, #tpu.memory_space<vmem>>
    %dma_start3A_50 = arith.constant 0 : i32
    %dma_start3A_51 = arith.constant 0 : i32
    %dma_start3A_52 = tpu.memref_slice %arg9[%dma_start3A_50, %dma_start3A_51] : memref<10240x16xf32, #tpu.memory_space<vmem_shared>> -> memref<10240x16xf32, #tpu.memory_space<vmem_shared>>
    tpu.enqueue_indirect_dma source(%arg8 : memref<128x16xf32, #tpu.memory_space<vmem>>) target(%dma_start3A_52 : memref<10240x16xf32, #tpu.memory_space<vmem_shared>>) offsets(%dma_start3A_49 : memref<128xi32, #tpu.memory_space<vmem>>) semaphore(%arg10 : memref<!tpu.dma_semaphore, #tpu.memory_space<semaphore_mem>>) {add = true}
    %dma_start3A_53 = arith.constant 7 : i32
    %dma_start3A_54 = arith.constant 0 : i32
    %dma_start3A_55 = tpu.memref_slice %arg7[%dma_start3A_53, %dma_start3A_54] : memref<80x128xi32, #tpu.memory_space<vmem>> -> memref<1x128xi32, #tpu.memory_space<vmem>>
    %dma_start3A_56 = tpu.memref_squeeze %dma_start3A_55 : memref<1x128xi32, #tpu.memory_space<vmem>> -> memref<128xi32, #tpu.memory_space<vmem>>
    %dma_start3A_57 = arith.constant 0 : i32
    %dma_start3A_58 = arith.constant 0 : i32
    %dma_start3A_59 = tpu.memref_slice %arg9[%dma_start3A_57, %dma_start3A_58] : memref<10240x16xf32, #tpu.memory_space<vmem_shared>> -> memref<10240x16xf32, #tpu.memory_space<vmem_shared>>
    tpu.enqueue_indirect_dma source(%arg8 : memref<128x16xf32, #tpu.memory_space<vmem>>) target(%dma_start3A_59 : memref<10240x16xf32, #tpu.memory_space<vmem_shared>>) offsets(%dma_start3A_56 : memref<128xi32, #tpu.memory_space<vmem>>) semaphore(%arg10 : memref<!tpu.dma_semaphore, #tpu.memory_space<semaphore_mem>>) {add = true}
    %dma_start3A_60 = arith.constant 8 : i32
    %dma_start3A_61 = arith.constant 0 : i32
    %dma_start3A_62 = tpu.memref_slice %arg7[%dma_start3A_60, %dma_start3A_61] : memref<80x128xi32, #tpu.memory_space<vmem>> -> memref<1x128xi32, #tpu.memory_space<vmem>>
    %dma_start3A_63 = tpu.memref_squeeze %dma_start3A_62 : memref<1x128xi32, #tpu.memory_space<vmem>> -> memref<128xi32, #tpu.memory_space<vmem>>
    %dma_start3A_64 = arith.constant 0 : i32
    %dma_start3A_65 = arith.constant 0 : i32
    %dma_start3A_66 = tpu.memref_slice %arg9[%dma_start3A_64, %dma_start3A_65] : memref<10240x16xf32, #tpu.memory_space<vmem_shared>> -> memref<10240x16xf32, #tpu.memory_space<vmem_shared>>
    tpu.enqueue_indirect_dma source(%arg8 : memref<128x16xf32, #tpu.memory_space<vmem>>) target(%dma_start3A_66 : memref<10240x16xf32, #tpu.memory_space<vmem_shared>>) offsets(%dma_start3A_63 : memref<128xi32, #tpu.memory_space<vmem>>) semaphore(%arg10 : memref<!tpu.dma_semaphore, #tpu.memory_space<semaphore_mem>>) {add = true}
    %dma_start3A_67 = arith.constant 9 : i32
    %dma_start3A_68 = arith.constant 0 : i32
    %dma_start3A_69 = tpu.memref_slice %arg7[%dma_start3A_67, %dma_start3A_68] : memref<80x128xi32, #tpu.memory_space<vmem>> -> memref<1x128xi32, #tpu.memory_space<vmem>>
    %dma_start3A_70 = tpu.memref_squeeze %dma_start3A_69 : memref<1x128xi32, #tpu.memory_space<vmem>> -> memref<128xi32, #tpu.memory_space<vmem>>
    %dma_start3A_71 = arith.constant 0 : i32
    %dma_start3A_72 = arith.constant 0 : i32
    %dma_start3A_73 = tpu.memref_slice %arg9[%dma_start3A_71, %dma_start3A_72] : memref<10240x16xf32, #tpu.memory_space<vmem_shared>> -> memref<10240x16xf32, #tpu.memory_space<vmem_shared>>
    tpu.enqueue_indirect_dma source(%arg8 : memref<128x16xf32, #tpu.memory_space<vmem>>) target(%dma_start3A_73 : memref<10240x16xf32, #tpu.memory_space<vmem_shared>>) offsets(%dma_start3A_70 : memref<128xi32, #tpu.memory_space<vmem>>) semaphore(%arg10 : memref<!tpu.dma_semaphore, #tpu.memory_space<semaphore_mem>>) {add = true}
    %dma_start3A_74 = arith.constant 10 : i32
    %dma_start3A_75 = arith.constant 0 : i32
    %dma_start3A_76 = tpu.memref_slice %arg7[%dma_start3A_74, %dma_start3A_75] : memref<80x128xi32, #tpu.memory_space<vmem>> -> memref<1x128xi32, #tpu.memory_space<vmem>>
    %dma_start3A_77 = tpu.memref_squeeze %dma_start3A_76 : memref<1x128xi32, #tpu.memory_space<vmem>> -> memref<128xi32, #tpu.memory_space<vmem>>
    %dma_start3A_78 = arith.constant 0 : i32
    %dma_start3A_79 = arith.constant 0 : i32
    %dma_start3A_80 = tpu.memref_slice %arg9[%dma_start3A_78, %dma_start3A_79] : memref<10240x16xf32, #tpu.memory_space<vmem_shared>> -> memref<10240x16xf32, #tpu.memory_space<vmem_shared>>
    tpu.enqueue_indirect_dma source(%arg8 : memref<128x16xf32, #tpu.memory_space<vmem>>) target(%dma_start3A_80 : memref<10240x16xf32, #tpu.memory_space<vmem_shared>>) offsets(%dma_start3A_77 : memref<128xi32, #tpu.memory_space<vmem>>) semaphore(%arg10 : memref<!tpu.dma_semaphore, #tpu.memory_space<semaphore_mem>>) {add = true}
    %dma_start3A_81 = arith.constant 11 : i32
    %dma_start3A_82 = arith.constant 0 : i32
    %dma_start3A_83 = tpu.memref_slice %arg7[%dma_start3A_81, %dma_start3A_82] : memref<80x128xi32, #tpu.memory_space<vmem>> -> memref<1x128xi32, #tpu.memory_space<vmem>>
    %dma_start3A_84 = tpu.memref_squeeze %dma_start3A_83 : memref<1x128xi32, #tpu.memory_space<vmem>> -> memref<128xi32, #tpu.memory_space<vmem>>
    %dma_start3A_85 = arith.constant 0 : i32
    %dma_start3A_86 = arith.constant 0 : i32
    %dma_start3A_87 = tpu.memref_slice %arg9[%dma_start3A_85, %dma_start3A_86] : memref<10240x16xf32, #tpu.memory_space<vmem_shared>> -> memref<10240x16xf32, #tpu.memory_space<vmem_shared>>
    tpu.enqueue_indirect_dma source(%arg8 : memref<128x16xf32, #tpu.memory_space<vmem>>) target(%dma_start3A_87 : memref<10240x16xf32, #tpu.memory_space<vmem_shared>>) offsets(%dma_start3A_84 : memref<128xi32, #tpu.memory_space<vmem>>) semaphore(%arg10 : memref<!tpu.dma_semaphore, #tpu.memory_space<semaphore_mem>>) {add = true}
    %dma_start3A_88 = arith.constant 12 : i32
    %dma_start3A_89 = arith.constant 0 : i32
    %dma_start3A_90 = tpu.memref_slice %arg7[%dma_start3A_88, %dma_start3A_89] : memref<80x128xi32, #tpu.memory_space<vmem>> -> memref<1x128xi32, #tpu.memory_space<vmem>>
    %dma_start3A_91 = tpu.memref_squeeze %dma_start3A_90 : memref<1x128xi32, #tpu.memory_space<vmem>> -> memref<128xi32, #tpu.memory_space<vmem>>
    %dma_start3A_92 = arith.constant 0 : i32
    %dma_start3A_93 = arith.constant 0 : i32
    %dma_start3A_94 = tpu.memref_slice %arg9[%dma_start3A_92, %dma_start3A_93] : memref<10240x16xf32, #tpu.memory_space<vmem_shared>> -> memref<10240x16xf32, #tpu.memory_space<vmem_shared>>
    tpu.enqueue_indirect_dma source(%arg8 : memref<128x16xf32, #tpu.memory_space<vmem>>) target(%dma_start3A_94 : memref<10240x16xf32, #tpu.memory_space<vmem_shared>>) offsets(%dma_start3A_91 : memref<128xi32, #tpu.memory_space<vmem>>) semaphore(%arg10 : memref<!tpu.dma_semaphore, #tpu.memory_space<semaphore_mem>>) {add = true}
    %dma_start3A_95 = arith.constant 13 : i32
    %dma_start3A_96 = arith.constant 0 : i32
    %dma_start3A_97 = tpu.memref_slice %arg7[%dma_start3A_95, %dma_start3A_96] : memref<80x128xi32, #tpu.memory_space<vmem>> -> memref<1x128xi32, #tpu.memory_space<vmem>>
    %dma_start3A_98 = tpu.memref_squeeze %dma_start3A_97 : memref<1x128xi32, #tpu.memory_space<vmem>> -> memref<128xi32, #tpu.memory_space<vmem>>
    %dma_start3A_99 = arith.constant 0 : i32
    %dma_start3A_100 = arith.constant 0 : i32
    %dma_start3A_101 = tpu.memref_slice %arg9[%dma_start3A_99, %dma_start3A_100] : memref<10240x16xf32, #tpu.memory_space<vmem_shared>> -> memref<10240x16xf32, #tpu.memory_space<vmem_shared>>
    tpu.enqueue_indirect_dma source(%arg8 : memref<128x16xf32, #tpu.memory_space<vmem>>) target(%dma_start3A_101 : memref<10240x16xf32, #tpu.memory_space<vmem_shared>>) offsets(%dma_start3A_98 : memref<128xi32, #tpu.memory_space<vmem>>) semaphore(%arg10 : memref<!tpu.dma_semaphore, #tpu.memory_space<semaphore_mem>>) {add = true}
    %dma_start3A_102 = arith.constant 14 : i32
    %dma_start3A_103 = arith.constant 0 : i32
    %dma_start3A_104 = tpu.memref_slice %arg7[%dma_start3A_102, %dma_start3A_103] : memref<80x128xi32, #tpu.memory_space<vmem>> -> memref<1x128xi32, #tpu.memory_space<vmem>>
    %dma_start3A_105 = tpu.memref_squeeze %dma_start3A_104 : memref<1x128xi32, #tpu.memory_space<vmem>> -> memref<128xi32, #tpu.memory_space<vmem>>
    %dma_start3A_106 = arith.constant 0 : i32
    %dma_start3A_107 = arith.constant 0 : i32
    %dma_start3A_108 = tpu.memref_slice %arg9[%dma_start3A_106, %dma_start3A_107] : memref<10240x16xf32, #tpu.memory_space<vmem_shared>> -> memref<10240x16xf32, #tpu.memory_space<vmem_shared>>
    tpu.enqueue_indirect_dma source(%arg8 : memref<128x16xf32, #tpu.memory_space<vmem>>) target(%dma_start3A_108 : memref<10240x16xf32, #tpu.memory_space<vmem_shared>>) offsets(%dma_start3A_105 : memref<128xi32, #tpu.memory_space<vmem>>) semaphore(%arg10 : memref<!tpu.dma_semaphore, #tpu.memory_space<semaphore_mem>>) {add = true}
    %dma_start3A_109 = arith.constant 15 : i32
    %dma_start3A_110 = arith.constant 0 : i32
    %dma_start3A_111 = tpu.memref_slice %arg7[%dma_start3A_109, %dma_start3A_110] : memref<80x128xi32, #tpu.memory_space<vmem>> -> memref<1x128xi32, #tpu.memory_space<vmem>>
    %dma_start3A_112 = tpu.memref_squeeze %dma_start3A_111 : memref<1x128xi32, #tpu.memory_space<vmem>> -> memref<128xi32, #tpu.memory_space<vmem>>
    %dma_start3A_113 = arith.constant 0 : i32
    %dma_start3A_114 = arith.constant 0 : i32
    %dma_start3A_115 = tpu.memref_slice %arg9[%dma_start3A_113, %dma_start3A_114] : memref<10240x16xf32, #tpu.memory_space<vmem_shared>> -> memref<10240x16xf32, #tpu.memory_space<vmem_shared>>
    tpu.enqueue_indirect_dma source(%arg8 : memref<128x16xf32, #tpu.memory_space<vmem>>) target(%dma_start3A_115 : memref<10240x16xf32, #tpu.memory_space<vmem_shared>>) offsets(%dma_start3A_112 : memref<128xi32, #tpu.memory_space<vmem>>) semaphore(%arg10 : memref<!tpu.dma_semaphore, #tpu.memory_space<semaphore_mem>>) {add = true}
    %scan3A = arith.constant 0 : i32
    %scan3A_116 = arith.constant 1 : i32
    %scan3A_117 = arith.constant 4 : i32
    %scan3A_118 = arith.addi %scan3A_116, %scan3A_117 : i32
    %scan3A_119 = arith.constant 1 : i32
    scf.for %scan3A_260 = %scan3A_116 to %scan3A_118 step %scan3A_119  : i32 {
      %mul3A_261 = arith.constant 16 : i32
      %mul3A_262 = arith.muli %scan3A_260, %mul3A_261 : i32
      %add3A_263 = arith.constant 0 : i32
      %add3A_264 = arith.addi %mul3A_262, %add3A_263 : i32
      %dma_start3A_265 = arith.constant 0 : i32
      %dma_start3A_266 = tpu.memref_slice %arg7[%add3A_264, %dma_start3A_265] : memref<80x128xi32, #tpu.memory_space<vmem>> -> memref<1x128xi32, #tpu.memory_space<vmem>>
      %dma_start3A_267 = tpu.memref_squeeze %dma_start3A_266 : memref<1x128xi32, #tpu.memory_space<vmem>> -> memref<128xi32, #tpu.memory_space<vmem>>
      %dma_start3A_268 = arith.constant 0 : i32
      %dma_start3A_269 = arith.constant 0 : i32
      %dma_start3A_270 = tpu.memref_slice %arg9[%dma_start3A_268, %dma_start3A_269] : memref<10240x16xf32, #tpu.memory_space<vmem_shared>> -> memref<10240x16xf32, #tpu.memory_space<vmem_shared>>
      tpu.enqueue_indirect_dma source(%arg8 : memref<128x16xf32, #tpu.memory_space<vmem>>) target(%dma_start3A_270 : memref<10240x16xf32, #tpu.memory_space<vmem_shared>>) offsets(%dma_start3A_267 : memref<128xi32, #tpu.memory_space<vmem>>) semaphore(%arg10 : memref<!tpu.dma_semaphore, #tpu.memory_space<semaphore_mem>>) {add = true}
      %mul3A_271 = arith.constant 16 : i32
      %mul3A_272 = arith.muli %scan3A_260, %mul3A_271 : i32
      %add3A_273 = arith.constant 1 : i32
      %add3A_274 = arith.addi %mul3A_272, %add3A_273 : i32
      %dma_start3A_275 = arith.constant 0 : i32
      %dma_start3A_276 = tpu.memref_slice %arg7[%add3A_274, %dma_start3A_275] : memref<80x128xi32, #tpu.memory_space<vmem>> -> memref<1x128xi32, #tpu.memory_space<vmem>>
      %dma_start3A_277 = tpu.memref_squeeze %dma_start3A_276 : memref<1x128xi32, #tpu.memory_space<vmem>> -> memref<128xi32, #tpu.memory_space<vmem>>
      %dma_start3A_278 = arith.constant 0 : i32
      %dma_start3A_279 = arith.constant 0 : i32
      %dma_start3A_280 = tpu.memref_slice %arg9[%dma_start3A_278, %dma_start3A_279] : memref<10240x16xf32, #tpu.memory_space<vmem_shared>> -> memref<10240x16xf32, #tpu.memory_space<vmem_shared>>
      tpu.enqueue_indirect_dma source(%arg8 : memref<128x16xf32, #tpu.memory_space<vmem>>) target(%dma_start3A_280 : memref<10240x16xf32, #tpu.memory_space<vmem_shared>>) offsets(%dma_start3A_277 : memref<128xi32, #tpu.memory_space<vmem>>) semaphore(%arg10 : memref<!tpu.dma_semaphore, #tpu.memory_space<semaphore_mem>>) {add = true}
      %mul3A_281 = arith.constant 16 : i32
      %mul3A_282 = arith.muli %scan3A_260, %mul3A_281 : i32
      %add3A_283 = arith.constant 2 : i32
      %add3A_284 = arith.addi %mul3A_282, %add3A_283 : i32
      %dma_start3A_285 = arith.constant 0 : i32
      %dma_start3A_286 = tpu.memref_slice %arg7[%add3A_284, %dma_start3A_285] : memref<80x128xi32, #tpu.memory_space<vmem>> -> memref<1x128xi32, #tpu.memory_space<vmem>>
      %dma_start3A_287 = tpu.memref_squeeze %dma_start3A_286 : memref<1x128xi32, #tpu.memory_space<vmem>> -> memref<128xi32, #tpu.memory_space<vmem>>
      %dma_start3A_288 = arith.constant 0 : i32
      %dma_start3A_289 = arith.constant 0 : i32
      %dma_start3A_290 = tpu.memref_slice %arg9[%dma_start3A_288, %dma_start3A_289] : memref<10240x16xf32, #tpu.memory_space<vmem_shared>> -> memref<10240x16xf32, #tpu.memory_space<vmem_shared>>
      tpu.enqueue_indirect_dma source(%arg8 : memref<128x16xf32, #tpu.memory_space<vmem>>) target(%dma_start3A_290 : memref<10240x16xf32, #tpu.memory_space<vmem_shared>>) offsets(%dma_start3A_287 : memref<128xi32, #tpu.memory_space<vmem>>) semaphore(%arg10 : memref<!tpu.dma_semaphore, #tpu.memory_space<semaphore_mem>>) {add = true}
      %mul3A_291 = arith.constant 16 : i32
      %mul3A_292 = arith.muli %scan3A_260, %mul3A_291 : i32
      %add3A_293 = arith.constant 3 : i32
      %add3A_294 = arith.addi %mul3A_292, %add3A_293 : i32
      %dma_start3A_295 = arith.constant 0 : i32
      %dma_start3A_296 = tpu.memref_slice %arg7[%add3A_294, %dma_start3A_295] : memref<80x128xi32, #tpu.memory_space<vmem>> -> memref<1x128xi32, #tpu.memory_space<vmem>>
      %dma_start3A_297 = tpu.memref_squeeze %dma_start3A_296 : memref<1x128xi32, #tpu.memory_space<vmem>> -> memref<128xi32, #tpu.memory_space<vmem>>
      %dma_start3A_298 = arith.constant 0 : i32
      %dma_start3A_299 = arith.constant 0 : i32
      %dma_start3A_300 = tpu.memref_slice %arg9[%dma_start3A_298, %dma_start3A_299] : memref<10240x16xf32, #tpu.memory_space<vmem_shared>> -> memref<10240x16xf32, #tpu.memory_space<vmem_shared>>
      tpu.enqueue_indirect_dma source(%arg8 : memref<128x16xf32, #tpu.memory_space<vmem>>) target(%dma_start3A_300 : memref<10240x16xf32, #tpu.memory_space<vmem_shared>>) offsets(%dma_start3A_297 : memref<128xi32, #tpu.memory_space<vmem>>) semaphore(%arg10 : memref<!tpu.dma_semaphore, #tpu.memory_space<semaphore_mem>>) {add = true}
      %mul3A_301 = arith.constant 16 : i32
      %mul3A_302 = arith.muli %scan3A_260, %mul3A_301 : i32
      %add3A_303 = arith.constant 4 : i32
      %add3A_304 = arith.addi %mul3A_302, %add3A_303 : i32
      %dma_start3A_305 = arith.constant 0 : i32
      %dma_start3A_306 = tpu.memref_slice %arg7[%add3A_304, %dma_start3A_305] : memref<80x128xi32, #tpu.memory_space<vmem>> -> memref<1x128xi32, #tpu.memory_space<vmem>>
      %dma_start3A_307 = tpu.memref_squeeze %dma_start3A_306 : memref<1x128xi32, #tpu.memory_space<vmem>> -> memref<128xi32, #tpu.memory_space<vmem>>
      %dma_start3A_308 = arith.constant 0 : i32
      %dma_start3A_309 = arith.constant 0 : i32
      %dma_start3A_310 = tpu.memref_slice %arg9[%dma_start3A_308, %dma_start3A_309] : memref<10240x16xf32, #tpu.memory_space<vmem_shared>> -> memref<10240x16xf32, #tpu.memory_space<vmem_shared>>
      tpu.enqueue_indirect_dma source(%arg8 : memref<128x16xf32, #tpu.memory_space<vmem>>) target(%dma_start3A_310 : memref<10240x16xf32, #tpu.memory_space<vmem_shared>>) offsets(%dma_start3A_307 : memref<128xi32, #tpu.memory_space<vmem>>) semaphore(%arg10 : memref<!tpu.dma_semaphore, #tpu.memory_space<semaphore_mem>>) {add = true}
      %mul3A_311 = arith.constant 16 : i32
      %mul3A_312 = arith.muli %scan3A_260, %mul3A_311 : i32
      %add3A_313 = arith.constant 5 : i32
      %add3A_314 = arith.addi %mul3A_312, %add3A_313 : i32
      %dma_start3A_315 = arith.constant 0 : i32
      %dma_start3A_316 = tpu.memref_slice %arg7[%add3A_314, %dma_start3A_315] : memref<80x128xi32, #tpu.memory_space<vmem>> -> memref<1x128xi32, #tpu.memory_space<vmem>>
      %dma_start3A_317 = tpu.memref_squeeze %dma_start3A_316 : memref<1x128xi32, #tpu.memory_space<vmem>> -> memref<128xi32, #tpu.memory_space<vmem>>
      %dma_start3A_318 = arith.constant 0 : i32
      %dma_start3A_319 = arith.constant 0 : i32
      %dma_start3A_320 = tpu.memref_slice %arg9[%dma_start3A_318, %dma_start3A_319] : memref<10240x16xf32, #tpu.memory_space<vmem_shared>> -> memref<10240x16xf32, #tpu.memory_space<vmem_shared>>
      tpu.enqueue_indirect_dma source(%arg8 : memref<128x16xf32, #tpu.memory_space<vmem>>) target(%dma_start3A_320 : memref<10240x16xf32, #tpu.memory_space<vmem_shared>>) offsets(%dma_start3A_317 : memref<128xi32, #tpu.memory_space<vmem>>) semaphore(%arg10 : memref<!tpu.dma_semaphore, #tpu.memory_space<semaphore_mem>>) {add = true}
      %mul3A_321 = arith.constant 16 : i32
      %mul3A_322 = arith.muli %scan3A_260, %mul3A_321 : i32
      %add3A_323 = arith.constant 6 : i32
      %add3A_324 = arith.addi %mul3A_322, %add3A_323 : i32
      %dma_start3A_325 = arith.constant 0 : i32
      %dma_start3A_326 = tpu.memref_slice %arg7[%add3A_324, %dma_start3A_325] : memref<80x128xi32, #tpu.memory_space<vmem>> -> memref<1x128xi32, #tpu.memory_space<vmem>>
      %dma_start3A_327 = tpu.memref_squeeze %dma_start3A_326 : memref<1x128xi32, #tpu.memory_space<vmem>> -> memref<128xi32, #tpu.memory_space<vmem>>
      %dma_start3A_328 = arith.constant 0 : i32
      %dma_start3A_329 = arith.constant 0 : i32
      %dma_start3A_330 = tpu.memref_slice %arg9[%dma_start3A_328, %dma_start3A_329] : memref<10240x16xf32, #tpu.memory_space<vmem_shared>> -> memref<10240x16xf32, #tpu.memory_space<vmem_shared>>
      tpu.enqueue_indirect_dma source(%arg8 : memref<128x16xf32, #tpu.memory_space<vmem>>) target(%dma_start3A_330 : memref<10240x16xf32, #tpu.memory_space<vmem_shared>>) offsets(%dma_start3A_327 : memref<128xi32, #tpu.memory_space<vmem>>) semaphore(%arg10 : memref<!tpu.dma_semaphore, #tpu.memory_space<semaphore_mem>>) {add = true}
      %mul3A_331 = arith.constant 16 : i32
      %mul3A_332 = arith.muli %scan3A_260, %mul3A_331 : i32
      %add3A_333 = arith.constant 7 : i32
      %add3A_334 = arith.addi %mul3A_332, %add3A_333 : i32
      %dma_start3A_335 = arith.constant 0 : i32
      %dma_start3A_336 = tpu.memref_slice %arg7[%add3A_334, %dma_start3A_335] : memref<80x128xi32, #tpu.memory_space<vmem>> -> memref<1x128xi32, #tpu.memory_space<vmem>>
      %dma_start3A_337 = tpu.memref_squeeze %dma_start3A_336 : memref<1x128xi32, #tpu.memory_space<vmem>> -> memref<128xi32, #tpu.memory_space<vmem>>
      %dma_start3A_338 = arith.constant 0 : i32
      %dma_start3A_339 = arith.constant 0 : i32
      %dma_start3A_340 = tpu.memref_slice %arg9[%dma_start3A_338, %dma_start3A_339] : memref<10240x16xf32, #tpu.memory_space<vmem_shared>> -> memref<10240x16xf32, #tpu.memory_space<vmem_shared>>
      tpu.enqueue_indirect_dma source(%arg8 : memref<128x16xf32, #tpu.memory_space<vmem>>) target(%dma_start3A_340 : memref<10240x16xf32, #tpu.memory_space<vmem_shared>>) offsets(%dma_start3A_337 : memref<128xi32, #tpu.memory_space<vmem>>) semaphore(%arg10 : memref<!tpu.dma_semaphore, #tpu.memory_space<semaphore_mem>>) {add = true}
      %mul3A_341 = arith.constant 16 : i32
      %mul3A_342 = arith.muli %scan3A_260, %mul3A_341 : i32
      %add3A_343 = arith.constant 8 : i32
      %add3A_344 = arith.addi %mul3A_342, %add3A_343 : i32
      %dma_start3A_345 = arith.constant 0 : i32
      %dma_start3A_346 = tpu.memref_slice %arg7[%add3A_344, %dma_start3A_345] : memref<80x128xi32, #tpu.memory_space<vmem>> -> memref<1x128xi32, #tpu.memory_space<vmem>>
      %dma_start3A_347 = tpu.memref_squeeze %dma_start3A_346 : memref<1x128xi32, #tpu.memory_space<vmem>> -> memref<128xi32, #tpu.memory_space<vmem>>
      %dma_start3A_348 = arith.constant 0 : i32
      %dma_start3A_349 = arith.constant 0 : i32
      %dma_start3A_350 = tpu.memref_slice %arg9[%dma_start3A_348, %dma_start3A_349] : memref<10240x16xf32, #tpu.memory_space<vmem_shared>> -> memref<10240x16xf32, #tpu.memory_space<vmem_shared>>
      tpu.enqueue_indirect_dma source(%arg8 : memref<128x16xf32, #tpu.memory_space<vmem>>) target(%dma_start3A_350 : memref<10240x16xf32, #tpu.memory_space<vmem_shared>>) offsets(%dma_start3A_347 : memref<128xi32, #tpu.memory_space<vmem>>) semaphore(%arg10 : memref<!tpu.dma_semaphore, #tpu.memory_space<semaphore_mem>>) {add = true}
      %mul3A_351 = arith.constant 16 : i32
      %mul3A_352 = arith.muli %scan3A_260, %mul3A_351 : i32
      %add3A_353 = arith.constant 9 : i32
      %add3A_354 = arith.addi %mul3A_352, %add3A_353 : i32
      %dma_start3A_355 = arith.constant 0 : i32
      %dma_start3A_356 = tpu.memref_slice %arg7[%add3A_354, %dma_start3A_355] : memref<80x128xi32, #tpu.memory_space<vmem>> -> memref<1x128xi32, #tpu.memory_space<vmem>>
      %dma_start3A_357 = tpu.memref_squeeze %dma_start3A_356 : memref<1x128xi32, #tpu.memory_space<vmem>> -> memref<128xi32, #tpu.memory_space<vmem>>
      %dma_start3A_358 = arith.constant 0 : i32
      %dma_start3A_359 = arith.constant 0 : i32
      %dma_start3A_360 = tpu.memref_slice %arg9[%dma_start3A_358, %dma_start3A_359] : memref<10240x16xf32, #tpu.memory_space<vmem_shared>> -> memref<10240x16xf32, #tpu.memory_space<vmem_shared>>
      tpu.enqueue_indirect_dma source(%arg8 : memref<128x16xf32, #tpu.memory_space<vmem>>) target(%dma_start3A_360 : memref<10240x16xf32, #tpu.memory_space<vmem_shared>>) offsets(%dma_start3A_357 : memref<128xi32, #tpu.memory_space<vmem>>) semaphore(%arg10 : memref<!tpu.dma_semaphore, #tpu.memory_space<semaphore_mem>>) {add = true}
      %mul3A_361 = arith.constant 16 : i32
      %mul3A_362 = arith.muli %scan3A_260, %mul3A_361 : i32
      %add3A_363 = arith.constant 10 : i32
      %add3A_364 = arith.addi %mul3A_362, %add3A_363 : i32
      %dma_start3A_365 = arith.constant 0 : i32
      %dma_start3A_366 = tpu.memref_slice %arg7[%add3A_364, %dma_start3A_365] : memref<80x128xi32, #tpu.memory_space<vmem>> -> memref<1x128xi32, #tpu.memory_space<vmem>>
      %dma_start3A_367 = tpu.memref_squeeze %dma_start3A_366 : memref<1x128xi32, #tpu.memory_space<vmem>> -> memref<128xi32, #tpu.memory_space<vmem>>
      %dma_start3A_368 = arith.constant 0 : i32
      %dma_start3A_369 = arith.constant 0 : i32
      %dma_start3A_370 = tpu.memref_slice %arg9[%dma_start3A_368, %dma_start3A_369] : memref<10240x16xf32, #tpu.memory_space<vmem_shared>> -> memref<10240x16xf32, #tpu.memory_space<vmem_shared>>
      tpu.enqueue_indirect_dma source(%arg8 : memref<128x16xf32, #tpu.memory_space<vmem>>) target(%dma_start3A_370 : memref<10240x16xf32, #tpu.memory_space<vmem_shared>>) offsets(%dma_start3A_367 : memref<128xi32, #tpu.memory_space<vmem>>) semaphore(%arg10 : memref<!tpu.dma_semaphore, #tpu.memory_space<semaphore_mem>>) {add = true}
      %mul3A_371 = arith.constant 16 : i32
      %mul3A_372 = arith.muli %scan3A_260, %mul3A_371 : i32
      %add3A_373 = arith.constant 11 : i32
      %add3A_374 = arith.addi %mul3A_372, %add3A_373 : i32
      %dma_start3A_375 = arith.constant 0 : i32
      %dma_start3A_376 = tpu.memref_slice %arg7[%add3A_374, %dma_start3A_375] : memref<80x128xi32, #tpu.memory_space<vmem>> -> memref<1x128xi32, #tpu.memory_space<vmem>>
      %dma_start3A_377 = tpu.memref_squeeze %dma_start3A_376 : memref<1x128xi32, #tpu.memory_space<vmem>> -> memref<128xi32, #tpu.memory_space<vmem>>
      %dma_start3A_378 = arith.constant 0 : i32
      %dma_start3A_379 = arith.constant 0 : i32
      %dma_start3A_380 = tpu.memref_slice %arg9[%dma_start3A_378, %dma_start3A_379] : memref<10240x16xf32, #tpu.memory_space<vmem_shared>> -> memref<10240x16xf32, #tpu.memory_space<vmem_shared>>
      tpu.enqueue_indirect_dma source(%arg8 : memref<128x16xf32, #tpu.memory_space<vmem>>) target(%dma_start3A_380 : memref<10240x16xf32, #tpu.memory_space<vmem_shared>>) offsets(%dma_start3A_377 : memref<128xi32, #tpu.memory_space<vmem>>) semaphore(%arg10 : memref<!tpu.dma_semaphore, #tpu.memory_space<semaphore_mem>>) {add = true}
      %mul3A_381 = arith.constant 16 : i32
      %mul3A_382 = arith.muli %scan3A_260, %mul3A_381 : i32
      %add3A_383 = arith.constant 12 : i32
      %add3A_384 = arith.addi %mul3A_382, %add3A_383 : i32
      %dma_start3A_385 = arith.constant 0 : i32
      %dma_start3A_386 = tpu.memref_slice %arg7[%add3A_384, %dma_start3A_385] : memref<80x128xi32, #tpu.memory_space<vmem>> -> memref<1x128xi32, #tpu.memory_space<vmem>>
      %dma_start3A_387 = tpu.memref_squeeze %dma_start3A_386 : memref<1x128xi32, #tpu.memory_space<vmem>> -> memref<128xi32, #tpu.memory_space<vmem>>
      %dma_start3A_388 = arith.constant 0 : i32
      %dma_start3A_389 = arith.constant 0 : i32
      %dma_start3A_390 = tpu.memref_slice %arg9[%dma_start3A_388, %dma_start3A_389] : memref<10240x16xf32, #tpu.memory_space<vmem_shared>> -> memref<10240x16xf32, #tpu.memory_space<vmem_shared>>
      tpu.enqueue_indirect_dma source(%arg8 : memref<128x16xf32, #tpu.memory_space<vmem>>) target(%dma_start3A_390 : memref<10240x16xf32, #tpu.memory_space<vmem_shared>>) offsets(%dma_start3A_387 : memref<128xi32, #tpu.memory_space<vmem>>) semaphore(%arg10 : memref<!tpu.dma_semaphore, #tpu.memory_space<semaphore_mem>>) {add = true}
      %mul3A_391 = arith.constant 16 : i32
      %mul3A_392 = arith.muli %scan3A_260, %mul3A_391 : i32
      %add3A_393 = arith.constant 13 : i32
      %add3A_394 = arith.addi %mul3A_392, %add3A_393 : i32
      %dma_start3A_395 = arith.constant 0 : i32
      %dma_start3A_396 = tpu.memref_slice %arg7[%add3A_394, %dma_start3A_395] : memref<80x128xi32, #tpu.memory_space<vmem>> -> memref<1x128xi32, #tpu.memory_space<vmem>>
      %dma_start3A_397 = tpu.memref_squeeze %dma_start3A_396 : memref<1x128xi32, #tpu.memory_space<vmem>> -> memref<128xi32, #tpu.memory_space<vmem>>
      %dma_start3A_398 = arith.constant 0 : i32
      %dma_start3A_399 = arith.constant 0 : i32
      %dma_start3A_400 = tpu.memref_slice %arg9[%dma_start3A_398, %dma_start3A_399] : memref<10240x16xf32, #tpu.memory_space<vmem_shared>> -> memref<10240x16xf32, #tpu.memory_space<vmem_shared>>
      tpu.enqueue_indirect_dma source(%arg8 : memref<128x16xf32, #tpu.memory_space<vmem>>) target(%dma_start3A_400 : memref<10240x16xf32, #tpu.memory_space<vmem_shared>>) offsets(%dma_start3A_397 : memref<128xi32, #tpu.memory_space<vmem>>) semaphore(%arg10 : memref<!tpu.dma_semaphore, #tpu.memory_space<semaphore_mem>>) {add = true}
      %mul3A_401 = arith.constant 16 : i32
      %mul3A_402 = arith.muli %scan3A_260, %mul3A_401 : i32
      %add3A_403 = arith.constant 14 : i32
      %add3A_404 = arith.addi %mul3A_402, %add3A_403 : i32
      %dma_start3A_405 = arith.constant 0 : i32
      %dma_start3A_406 = tpu.memref_slice %arg7[%add3A_404, %dma_start3A_405] : memref<80x128xi32, #tpu.memory_space<vmem>> -> memref<1x128xi32, #tpu.memory_space<vmem>>
      %dma_start3A_407 = tpu.memref_squeeze %dma_start3A_406 : memref<1x128xi32, #tpu.memory_space<vmem>> -> memref<128xi32, #tpu.memory_space<vmem>>
      %dma_start3A_408 = arith.constant 0 : i32
      %dma_start3A_409 = arith.constant 0 : i32
      %dma_start3A_410 = tpu.memref_slice %arg9[%dma_start3A_408, %dma_start3A_409] : memref<10240x16xf32, #tpu.memory_space<vmem_shared>> -> memref<10240x16xf32, #tpu.memory_space<vmem_shared>>
      tpu.enqueue_indirect_dma source(%arg8 : memref<128x16xf32, #tpu.memory_space<vmem>>) target(%dma_start3A_410 : memref<10240x16xf32, #tpu.memory_space<vmem_shared>>) offsets(%dma_start3A_407 : memref<128xi32, #tpu.memory_space<vmem>>) semaphore(%arg10 : memref<!tpu.dma_semaphore, #tpu.memory_space<semaphore_mem>>) {add = true}
      %mul3A_411 = arith.constant 16 : i32
      %mul3A_412 = arith.muli %scan3A_260, %mul3A_411 : i32
      %add3A_413 = arith.constant 15 : i32
      %add3A_414 = arith.addi %mul3A_412, %add3A_413 : i32
      %dma_start3A_415 = arith.constant 0 : i32
      %dma_start3A_416 = tpu.memref_slice %arg7[%add3A_414, %dma_start3A_415] : memref<80x128xi32, #tpu.memory_space<vmem>> -> memref<1x128xi32, #tpu.memory_space<vmem>>
      %dma_start3A_417 = tpu.memref_squeeze %dma_start3A_416 : memref<1x128xi32, #tpu.memory_space<vmem>> -> memref<128xi32, #tpu.memory_space<vmem>>
      %dma_start3A_418 = arith.constant 0 : i32
      %dma_start3A_419 = arith.constant 0 : i32
      %dma_start3A_420 = tpu.memref_slice %arg9[%dma_start3A_418, %dma_start3A_419] : memref<10240x16xf32, #tpu.memory_space<vmem_shared>> -> memref<10240x16xf32, #tpu.memory_space<vmem_shared>>
      tpu.enqueue_indirect_dma source(%arg8 : memref<128x16xf32, #tpu.memory_space<vmem>>) target(%dma_start3A_420 : memref<10240x16xf32, #tpu.memory_space<vmem_shared>>) offsets(%dma_start3A_417 : memref<128xi32, #tpu.memory_space<vmem>>) semaphore(%arg10 : memref<!tpu.dma_semaphore, #tpu.memory_space<semaphore_mem>>) {add = true}
      %dma_wait3A_421 = arith.constant 0 : i32
      %dma_wait3A_422 = arith.constant 0 : i32
      %dma_wait3A_423 = tpu.memref_slice %arg7[%dma_wait3A_421, %dma_wait3A_422] : memref<80x128xi32, #tpu.memory_space<vmem>> -> memref<1x128xi32, #tpu.memory_space<vmem>>
      %dma_wait3A_424 = tpu.memref_squeeze %dma_wait3A_423 : memref<1x128xi32, #tpu.memory_space<vmem>> -> memref<128xi32, #tpu.memory_space<vmem>>
      %dma_wait3A_425 = arith.constant 0 : i32
      %dma_wait3A_426 = arith.constant 0 : i32
      %dma_wait3A_427 = tpu.memref_slice %arg9[%dma_wait3A_425, %dma_wait3A_426] : memref<10240x16xf32, #tpu.memory_space<vmem_shared>> -> memref<10240x16xf32, #tpu.memory_space<vmem_shared>>
      tpu.wait_indirect_dma semaphore(%arg10 : memref<!tpu.dma_semaphore, #tpu.memory_space<semaphore_mem>>) src(%arg8 : memref<128x16xf32, #tpu.memory_space<vmem>>) dst(%dma_wait3A_427 : memref<10240x16xf32, #tpu.memory_space<vmem_shared>>)
      %dma_wait3A_428 = arith.constant 0 : i32
      %dma_wait3A_429 = arith.constant 0 : i32
      %dma_wait3A_430 = tpu.memref_slice %arg7[%dma_wait3A_428, %dma_wait3A_429] : memref<80x128xi32, #tpu.memory_space<vmem>> -> memref<1x128xi32, #tpu.memory_space<vmem>>
      %dma_wait3A_431 = tpu.memref_squeeze %dma_wait3A_430 : memref<1x128xi32, #tpu.memory_space<vmem>> -> memref<128xi32, #tpu.memory_space<vmem>>
      %dma_wait3A_432 = arith.constant 0 : i32
      %dma_wait3A_433 = arith.constant 0 : i32
      %dma_wait3A_434 = tpu.memref_slice %arg9[%dma_wait3A_432, %dma_wait3A_433] : memref<10240x16xf32, #tpu.memory_space<vmem_shared>> -> memref<10240x16xf32, #tpu.memory_space<vmem_shared>>
      tpu.wait_indirect_dma semaphore(%arg10 : memref<!tpu.dma_semaphore, #tpu.memory_space<semaphore_mem>>) src(%arg8 : memref<128x16xf32, #tpu.memory_space<vmem>>) dst(%dma_wait3A_434 : memref<10240x16xf32, #tpu.memory_space<vmem_shared>>)
      %dma_wait3A_435 = arith.constant 0 : i32
      %dma_wait3A_436 = arith.constant 0 : i32
      %dma_wait3A_437 = tpu.memref_slice %arg7[%dma_wait3A_435, %dma_wait3A_436] : memref<80x128xi32, #tpu.memory_space<vmem>> -> memref<1x128xi32, #tpu.memory_space<vmem>>
      %dma_wait3A_438 = tpu.memref_squeeze %dma_wait3A_437 : memref<1x128xi32, #tpu.memory_space<vmem>> -> memref<128xi32, #tpu.memory_space<vmem>>
      %dma_wait3A_439 = arith.constant 0 : i32
      %dma_wait3A_440 = arith.constant 0 : i32
      %dma_wait3A_441 = tpu.memref_slice %arg9[%dma_wait3A_439, %dma_wait3A_440] : memref<10240x16xf32, #tpu.memory_space<vmem_shared>> -> memref<10240x16xf32, #tpu.memory_space<vmem_shared>>
      tpu.wait_indirect_dma semaphore(%arg10 : memref<!tpu.dma_semaphore, #tpu.memory_space<semaphore_mem>>) src(%arg8 : memref<128x16xf32, #tpu.memory_space<vmem>>) dst(%dma_wait3A_441 : memref<10240x16xf32, #tpu.memory_space<vmem_shared>>)
      %dma_wait3A_442 = arith.constant 0 : i32
      %dma_wait3A_443 = arith.constant 0 : i32
      %dma_wait3A_444 = tpu.memref_slice %arg7[%dma_wait3A_442, %dma_wait3A_443] : memref<80x128xi32, #tpu.memory_space<vmem>> -> memref<1x128xi32, #tpu.memory_space<vmem>>
      %dma_wait3A_445 = tpu.memref_squeeze %dma_wait3A_444 : memref<1x128xi32, #tpu.memory_space<vmem>> -> memref<128xi32, #tpu.memory_space<vmem>>
      %dma_wait3A_446 = arith.constant 0 : i32
      %dma_wait3A_447 = arith.constant 0 : i32
      %dma_wait3A_448 = tpu.memref_slice %arg9[%dma_wait3A_446, %dma_wait3A_447] : memref<10240x16xf32, #tpu.memory_space<vmem_shared>> -> memref<10240x16xf32, #tpu.memory_space<vmem_shared>>
      tpu.wait_indirect_dma semaphore(%arg10 : memref<!tpu.dma_semaphore, #tpu.memory_space<semaphore_mem>>) src(%arg8 : memref<128x16xf32, #tpu.memory_space<vmem>>) dst(%dma_wait3A_448 : memref<10240x16xf32, #tpu.memory_space<vmem_shared>>)
      %dma_wait3A_449 = arith.constant 0 : i32
      %dma_wait3A_450 = arith.constant 0 : i32
      %dma_wait3A_451 = tpu.memref_slice %arg7[%dma_wait3A_449, %dma_wait3A_450] : memref<80x128xi32, #tpu.memory_space<vmem>> -> memref<1x128xi32, #tpu.memory_space<vmem>>
      %dma_wait3A_452 = tpu.memref_squeeze %dma_wait3A_451 : memref<1x128xi32, #tpu.memory_space<vmem>> -> memref<128xi32, #tpu.memory_space<vmem>>
      %dma_wait3A_453 = arith.constant 0 : i32
      %dma_wait3A_454 = arith.constant 0 : i32
      %dma_wait3A_455 = tpu.memref_slice %arg9[%dma_wait3A_453, %dma_wait3A_454] : memref<10240x16xf32, #tpu.memory_space<vmem_shared>> -> memref<10240x16xf32, #tpu.memory_space<vmem_shared>>
      tpu.wait_indirect_dma semaphore(%arg10 : memref<!tpu.dma_semaphore, #tpu.memory_space<semaphore_mem>>) src(%arg8 : memref<128x16xf32, #tpu.memory_space<vmem>>) dst(%dma_wait3A_455 : memref<10240x16xf32, #tpu.memory_space<vmem_shared>>)
      %dma_wait3A_456 = arith.constant 0 : i32
      %dma_wait3A_457 = arith.constant 0 : i32
      %dma_wait3A_458 = tpu.memref_slice %arg7[%dma_wait3A_456, %dma_wait3A_457] : memref<80x128xi32, #tpu.memory_space<vmem>> -> memref<1x128xi32, #tpu.memory_space<vmem>>
      %dma_wait3A_459 = tpu.memref_squeeze %dma_wait3A_458 : memref<1x128xi32, #tpu.memory_space<vmem>> -> memref<128xi32, #tpu.memory_space<vmem>>
      %dma_wait3A_460 = arith.constant 0 : i32
      %dma_wait3A_461 = arith.constant 0 : i32
      %dma_wait3A_462 = tpu.memref_slice %arg9[%dma_wait3A_460, %dma_wait3A_461] : memref<10240x16xf32, #tpu.memory_space<vmem_shared>> -> memref<10240x16xf32, #tpu.memory_space<vmem_shared>>
      tpu.wait_indirect_dma semaphore(%arg10 : memref<!tpu.dma_semaphore, #tpu.memory_space<semaphore_mem>>) src(%arg8 : memref<128x16xf32, #tpu.memory_space<vmem>>) dst(%dma_wait3A_462 : memref<10240x16xf32, #tpu.memory_space<vmem_shared>>)
      %dma_wait3A_463 = arith.constant 0 : i32
      %dma_wait3A_464 = arith.constant 0 : i32
      %dma_wait3A_465 = tpu.memref_slice %arg7[%dma_wait3A_463, %dma_wait3A_464] : memref<80x128xi32, #tpu.memory_space<vmem>> -> memref<1x128xi32, #tpu.memory_space<vmem>>
      %dma_wait3A_466 = tpu.memref_squeeze %dma_wait3A_465 : memref<1x128xi32, #tpu.memory_space<vmem>> -> memref<128xi32, #tpu.memory_space<vmem>>
      %dma_wait3A_467 = arith.constant 0 : i32
      %dma_wait3A_468 = arith.constant 0 : i32
      %dma_wait3A_469 = tpu.memref_slice %arg9[%dma_wait3A_467, %dma_wait3A_468] : memref<10240x16xf32, #tpu.memory_space<vmem_shared>> -> memref<10240x16xf32, #tpu.memory_space<vmem_shared>>
      tpu.wait_indirect_dma semaphore(%arg10 : memref<!tpu.dma_semaphore, #tpu.memory_space<semaphore_mem>>) src(%arg8 : memref<128x16xf32, #tpu.memory_space<vmem>>) dst(%dma_wait3A_469 : memref<10240x16xf32, #tpu.memory_space<vmem_shared>>)
      %dma_wait3A_470 = arith.constant 0 : i32
      %dma_wait3A_471 = arith.constant 0 : i32
      %dma_wait3A_472 = tpu.memref_slice %arg7[%dma_wait3A_470, %dma_wait3A_471] : memref<80x128xi32, #tpu.memory_space<vmem>> -> memref<1x128xi32, #tpu.memory_space<vmem>>
      %dma_wait3A_473 = tpu.memref_squeeze %dma_wait3A_472 : memref<1x128xi32, #tpu.memory_space<vmem>> -> memref<128xi32, #tpu.memory_space<vmem>>
      %dma_wait3A_474 = arith.constant 0 : i32
      %dma_wait3A_475 = arith.constant 0 : i32
      %dma_wait3A_476 = tpu.memref_slice %arg9[%dma_wait3A_474, %dma_wait3A_475] : memref<10240x16xf32, #tpu.memory_space<vmem_shared>> -> memref<10240x16xf32, #tpu.memory_space<vmem_shared>>
      tpu.wait_indirect_dma semaphore(%arg10 : memref<!tpu.dma_semaphore, #tpu.memory_space<semaphore_mem>>) src(%arg8 : memref<128x16xf32, #tpu.memory_space<vmem>>) dst(%dma_wait3A_476 : memref<10240x16xf32, #tpu.memory_space<vmem_shared>>)
      %dma_wait3A_477 = arith.constant 0 : i32
      %dma_wait3A_478 = arith.constant 0 : i32
      %dma_wait3A_479 = tpu.memref_slice %arg7[%dma_wait3A_477, %dma_wait3A_478] : memref<80x128xi32, #tpu.memory_space<vmem>> -> memref<1x128xi32, #tpu.memory_space<vmem>>
      %dma_wait3A_480 = tpu.memref_squeeze %dma_wait3A_479 : memref<1x128xi32, #tpu.memory_space<vmem>> -> memref<128xi32, #tpu.memory_space<vmem>>
      %dma_wait3A_481 = arith.constant 0 : i32
      %dma_wait3A_482 = arith.constant 0 : i32
      %dma_wait3A_483 = tpu.memref_slice %arg9[%dma_wait3A_481, %dma_wait3A_482] : memref<10240x16xf32, #tpu.memory_space<vmem_shared>> -> memref<10240x16xf32, #tpu.memory_space<vmem_shared>>
      tpu.wait_indirect_dma semaphore(%arg10 : memref<!tpu.dma_semaphore, #tpu.memory_space<semaphore_mem>>) src(%arg8 : memref<128x16xf32, #tpu.memory_space<vmem>>) dst(%dma_wait3A_483 : memref<10240x16xf32, #tpu.memory_space<vmem_shared>>)
      %dma_wait3A_484 = arith.constant 0 : i32
      %dma_wait3A_485 = arith.constant 0 : i32
      %dma_wait3A_486 = tpu.memref_slice %arg7[%dma_wait3A_484, %dma_wait3A_485] : memref<80x128xi32, #tpu.memory_space<vmem>> -> memref<1x128xi32, #tpu.memory_space<vmem>>
      %dma_wait3A_487 = tpu.memref_squeeze %dma_wait3A_486 : memref<1x128xi32, #tpu.memory_space<vmem>> -> memref<128xi32, #tpu.memory_space<vmem>>
      %dma_wait3A_488 = arith.constant 0 : i32
      %dma_wait3A_489 = arith.constant 0 : i32
      %dma_wait3A_490 = tpu.memref_slice %arg9[%dma_wait3A_488, %dma_wait3A_489] : memref<10240x16xf32, #tpu.memory_space<vmem_shared>> -> memref<10240x16xf32, #tpu.memory_space<vmem_shared>>
      tpu.wait_indirect_dma semaphore(%arg10 : memref<!tpu.dma_semaphore, #tpu.memory_space<semaphore_mem>>) src(%arg8 : memref<128x16xf32, #tpu.memory_space<vmem>>) dst(%dma_wait3A_490 : memref<10240x16xf32, #tpu.memory_space<vmem_shared>>)
      %dma_wait3A_491 = arith.constant 0 : i32
      %dma_wait3A_492 = arith.constant 0 : i32
      %dma_wait3A_493 = tpu.memref_slice %arg7[%dma_wait3A_491, %dma_wait3A_492] : memref<80x128xi32, #tpu.memory_space<vmem>> -> memref<1x128xi32, #tpu.memory_space<vmem>>
      %dma_wait3A_494 = tpu.memref_squeeze %dma_wait3A_493 : memref<1x128xi32, #tpu.memory_space<vmem>> -> memref<128xi32, #tpu.memory_space<vmem>>
      %dma_wait3A_495 = arith.constant 0 : i32
      %dma_wait3A_496 = arith.constant 0 : i32
      %dma_wait3A_497 = tpu.memref_slice %arg9[%dma_wait3A_495, %dma_wait3A_496] : memref<10240x16xf32, #tpu.memory_space<vmem_shared>> -> memref<10240x16xf32, #tpu.memory_space<vmem_shared>>
      tpu.wait_indirect_dma semaphore(%arg10 : memref<!tpu.dma_semaphore, #tpu.memory_space<semaphore_mem>>) src(%arg8 : memref<128x16xf32, #tpu.memory_space<vmem>>) dst(%dma_wait3A_497 : memref<10240x16xf32, #tpu.memory_space<vmem_shared>>)
      %dma_wait3A_498 = arith.constant 0 : i32
      %dma_wait3A_499 = arith.constant 0 : i32
      %dma_wait3A_500 = tpu.memref_slice %arg7[%dma_wait3A_498, %dma_wait3A_499] : memref<80x128xi32, #tpu.memory_space<vmem>> -> memref<1x128xi32, #tpu.memory_space<vmem>>
      %dma_wait3A_501 = tpu.memref_squeeze %dma_wait3A_500 : memref<1x128xi32, #tpu.memory_space<vmem>> -> memref<128xi32, #tpu.memory_space<vmem>>
      %dma_wait3A_502 = arith.constant 0 : i32
      %dma_wait3A_503 = arith.constant 0 : i32
      %dma_wait3A_504 = tpu.memref_slice %arg9[%dma_wait3A_502, %dma_wait3A_503] : memref<10240x16xf32, #tpu.memory_space<vmem_shared>> -> memref<10240x16xf32, #tpu.memory_space<vmem_shared>>
      tpu.wait_indirect_dma semaphore(%arg10 : memref<!tpu.dma_semaphore, #tpu.memory_space<semaphore_mem>>) src(%arg8 : memref<128x16xf32, #tpu.memory_space<vmem>>) dst(%dma_wait3A_504 : memref<10240x16xf32, #tpu.memory_space<vmem_shared>>)
      %dma_wait3A_505 = arith.constant 0 : i32
      %dma_wait3A_506 = arith.constant 0 : i32
      %dma_wait3A_507 = tpu.memref_slice %arg7[%dma_wait3A_505, %dma_wait3A_506] : memref<80x128xi32, #tpu.memory_space<vmem>> -> memref<1x128xi32, #tpu.memory_space<vmem>>
      %dma_wait3A_508 = tpu.memref_squeeze %dma_wait3A_507 : memref<1x128xi32, #tpu.memory_space<vmem>> -> memref<128xi32, #tpu.memory_space<vmem>>
      %dma_wait3A_509 = arith.constant 0 : i32
      %dma_wait3A_510 = arith.constant 0 : i32
      %dma_wait3A_511 = tpu.memref_slice %arg9[%dma_wait3A_509, %dma_wait3A_510] : memref<10240x16xf32, #tpu.memory_space<vmem_shared>> -> memref<10240x16xf32, #tpu.memory_space<vmem_shared>>
      tpu.wait_indirect_dma semaphore(%arg10 : memref<!tpu.dma_semaphore, #tpu.memory_space<semaphore_mem>>) src(%arg8 : memref<128x16xf32, #tpu.memory_space<vmem>>) dst(%dma_wait3A_511 : memref<10240x16xf32, #tpu.memory_space<vmem_shared>>)
      %dma_wait3A_512 = arith.constant 0 : i32
      %dma_wait3A_513 = arith.constant 0 : i32
      %dma_wait3A_514 = tpu.memref_slice %arg7[%dma_wait3A_512, %dma_wait3A_513] : memref<80x128xi32, #tpu.memory_space<vmem>> -> memref<1x128xi32, #tpu.memory_space<vmem>>
      %dma_wait3A_515 = tpu.memref_squeeze %dma_wait3A_514 : memref<1x128xi32, #tpu.memory_space<vmem>> -> memref<128xi32, #tpu.memory_space<vmem>>
      %dma_wait3A_516 = arith.constant 0 : i32
      %dma_wait3A_517 = arith.constant 0 : i32
      %dma_wait3A_518 = tpu.memref_slice %arg9[%dma_wait3A_516, %dma_wait3A_517] : memref<10240x16xf32, #tpu.memory_space<vmem_shared>> -> memref<10240x16xf32, #tpu.memory_space<vmem_shared>>
      tpu.wait_indirect_dma semaphore(%arg10 : memref<!tpu.dma_semaphore, #tpu.memory_space<semaphore_mem>>) src(%arg8 : memref<128x16xf32, #tpu.memory_space<vmem>>) dst(%dma_wait3A_518 : memref<10240x16xf32, #tpu.memory_space<vmem_shared>>)
      %dma_wait3A_519 = arith.constant 0 : i32
      %dma_wait3A_520 = arith.constant 0 : i32
      %dma_wait3A_521 = tpu.memref_slice %arg7[%dma_wait3A_519, %dma_wait3A_520] : memref<80x128xi32, #tpu.memory_space<vmem>> -> memref<1x128xi32, #tpu.memory_space<vmem>>
      %dma_wait3A_522 = tpu.memref_squeeze %dma_wait3A_521 : memref<1x128xi32, #tpu.memory_space<vmem>> -> memref<128xi32, #tpu.memory_space<vmem>>
      %dma_wait3A_523 = arith.constant 0 : i32
      %dma_wait3A_524 = arith.constant 0 : i32
      %dma_wait3A_525 = tpu.memref_slice %arg9[%dma_wait3A_523, %dma_wait3A_524] : memref<10240x16xf32, #tpu.memory_space<vmem_shared>> -> memref<10240x16xf32, #tpu.memory_space<vmem_shared>>
      tpu.wait_indirect_dma semaphore(%arg10 : memref<!tpu.dma_semaphore, #tpu.memory_space<semaphore_mem>>) src(%arg8 : memref<128x16xf32, #tpu.memory_space<vmem>>) dst(%dma_wait3A_525 : memref<10240x16xf32, #tpu.memory_space<vmem_shared>>)
      %dma_wait3A_526 = arith.constant 0 : i32
      %dma_wait3A_527 = arith.constant 0 : i32
      %dma_wait3A_528 = tpu.memref_slice %arg7[%dma_wait3A_526, %dma_wait3A_527] : memref<80x128xi32, #tpu.memory_space<vmem>> -> memref<1x128xi32, #tpu.memory_space<vmem>>
      %dma_wait3A_529 = tpu.memref_squeeze %dma_wait3A_528 : memref<1x128xi32, #tpu.memory_space<vmem>> -> memref<128xi32, #tpu.memory_space<vmem>>
      %dma_wait3A_530 = arith.constant 0 : i32
      %dma_wait3A_531 = arith.constant 0 : i32
      %dma_wait3A_532 = tpu.memref_slice %arg9[%dma_wait3A_530, %dma_wait3A_531] : memref<10240x16xf32, #tpu.memory_space<vmem_shared>> -> memref<10240x16xf32, #tpu.memory_space<vmem_shared>>
      tpu.wait_indirect_dma semaphore(%arg10 : memref<!tpu.dma_semaphore, #tpu.memory_space<semaphore_mem>>) src(%arg8 : memref<128x16xf32, #tpu.memory_space<vmem>>) dst(%dma_wait3A_532 : memref<10240x16xf32, #tpu.memory_space<vmem_shared>>)
    }
    %scan3A_120 = arith.constant 4 : i32
    %dma_wait3A = arith.constant 0 : i32
    %dma_wait3A_121 = arith.constant 0 : i32
    %dma_wait3A_122 = tpu.memref_slice %arg7[%dma_wait3A, %dma_wait3A_121] : memref<80x128xi32, #tpu.memory_space<vmem>> -> memref<1x128xi32, #tpu.memory_space<vmem>>
    %dma_wait3A_123 = tpu.memref_squeeze %dma_wait3A_122 : memref<1x128xi32, #tpu.memory_space<vmem>> -> memref<128xi32, #tpu.memory_space<vmem>>
    %dma_wait3A_124 = arith.constant 0 : i32
    %dma_wait3A_125 = arith.constant 0 : i32
    %dma_wait3A_126 = tpu.memref_slice %arg9[%dma_wait3A_124, %dma_wait3A_125] : memref<10240x16xf32, #tpu.memory_space<vmem_shared>> -> memref<10240x16xf32, #tpu.memory_space<vmem_shared>>
    tpu.wait_indirect_dma semaphore(%arg10 : memref<!tpu.dma_semaphore, #tpu.memory_space<semaphore_mem>>) src(%arg8 : memref<128x16xf32, #tpu.memory_space<vmem>>) dst(%dma_wait3A_126 : memref<10240x16xf32, #tpu.memory_space<vmem_shared>>)
    %dma_wait3A_127 = arith.constant 0 : i32
    %dma_wait3A_128 = arith.constant 0 : i32
    %dma_wait3A_129 = tpu.memref_slice %arg7[%dma_wait3A_127, %dma_wait3A_128] : memref<80x128xi32, #tpu.memory_space<vmem>> -> memref<1x128xi32, #tpu.memory_space<vmem>>
    %dma_wait3A_130 = tpu.memref_squeeze %dma_wait3A_129 : memref<1x128xi32, #tpu.memory_space<vmem>> -> memref<128xi32, #tpu.memory_space<vmem>>
    %dma_wait3A_131 = arith.constant 0 : i32
    %dma_wait3A_132 = arith.constant 0 : i32
    %dma_wait3A_133 = tpu.memref_slice %arg9[%dma_wait3A_131, %dma_wait3A_132] : memref<10240x16xf32, #tpu.memory_space<vmem_shared>> -> memref<10240x16xf32, #tpu.memory_space<vmem_shared>>
    tpu.wait_indirect_dma semaphore(%arg10 : memref<!tpu.dma_semaphore, #tpu.memory_space<semaphore_mem>>) src(%arg8 : memref<128x16xf32, #tpu.memory_space<vmem>>) dst(%dma_wait3A_133 : memref<10240x16xf32, #tpu.memory_space<vmem_shared>>)
    %dma_wait3A_134 = arith.constant 0 : i32
    %dma_wait3A_135 = arith.constant 0 : i32
    %dma_wait3A_136 = tpu.memref_slice %arg7[%dma_wait3A_134, %dma_wait3A_135] : memref<80x128xi32, #tpu.memory_space<vmem>> -> memref<1x128xi32, #tpu.memory_space<vmem>>
    %dma_wait3A_137 = tpu.memref_squeeze %dma_wait3A_136 : memref<1x128xi32, #tpu.memory_space<vmem>> -> memref<128xi32, #tpu.memory_space<vmem>>
    %dma_wait3A_138 = arith.constant 0 : i32
    %dma_wait3A_139 = arith.constant 0 : i32
    %dma_wait3A_140 = tpu.memref_slice %arg9[%dma_wait3A_138, %dma_wait3A_139] : memref<10240x16xf32, #tpu.memory_space<vmem_shared>> -> memref<10240x16xf32, #tpu.memory_space<vmem_shared>>
    tpu.wait_indirect_dma semaphore(%arg10 : memref<!tpu.dma_semaphore, #tpu.memory_space<semaphore_mem>>) src(%arg8 : memref<128x16xf32, #tpu.memory_space<vmem>>) dst(%dma_wait3A_140 : memref<10240x16xf32, #tpu.memory_space<vmem_shared>>)
    %dma_wait3A_141 = arith.constant 0 : i32
    %dma_wait3A_142 = arith.constant 0 : i32
    %dma_wait3A_143 = tpu.memref_slice %arg7[%dma_wait3A_141, %dma_wait3A_142] : memref<80x128xi32, #tpu.memory_space<vmem>> -> memref<1x128xi32, #tpu.memory_space<vmem>>
    %dma_wait3A_144 = tpu.memref_squeeze %dma_wait3A_143 : memref<1x128xi32, #tpu.memory_space<vmem>> -> memref<128xi32, #tpu.memory_space<vmem>>
    %dma_wait3A_145 = arith.constant 0 : i32
    %dma_wait3A_146 = arith.constant 0 : i32
    %dma_wait3A_147 = tpu.memref_slice %arg9[%dma_wait3A_145, %dma_wait3A_146] : memref<10240x16xf32, #tpu.memory_space<vmem_shared>> -> memref<10240x16xf32, #tpu.memory_space<vmem_shared>>
    tpu.wait_indirect_dma semaphore(%arg10 : memref<!tpu.dma_semaphore, #tpu.memory_space<semaphore_mem>>) src(%arg8 : memref<128x16xf32, #tpu.memory_space<vmem>>) dst(%dma_wait3A_147 : memref<10240x16xf32, #tpu.memory_space<vmem_shared>>)
    %dma_wait3A_148 = arith.constant 0 : i32
    %dma_wait3A_149 = arith.constant 0 : i32
    %dma_wait3A_150 = tpu.memref_slice %arg7[%dma_wait3A_148, %dma_wait3A_149] : memref<80x128xi32, #tpu.memory_space<vmem>> -> memref<1x128xi32, #tpu.memory_space<vmem>>
    %dma_wait3A_151 = tpu.memref_squeeze %dma_wait3A_150 : memref<1x128xi32, #tpu.memory_space<vmem>> -> memref<128xi32, #tpu.memory_space<vmem>>
    %dma_wait3A_152 = arith.constant 0 : i32
    %dma_wait3A_153 = arith.constant 0 : i32
    %dma_wait3A_154 = tpu.memref_slice %arg9[%dma_wait3A_152, %dma_wait3A_153] : memref<10240x16xf32, #tpu.memory_space<vmem_shared>> -> memref<10240x16xf32, #tpu.memory_space<vmem_shared>>
    tpu.wait_indirect_dma semaphore(%arg10 : memref<!tpu.dma_semaphore, #tpu.memory_space<semaphore_mem>>) src(%arg8 : memref<128x16xf32, #tpu.memory_space<vmem>>) dst(%dma_wait3A_154 : memref<10240x16xf32, #tpu.memory_space<vmem_shared>>)
    %dma_wait3A_155 = arith.constant 0 : i32
    %dma_wait3A_156 = arith.constant 0 : i32
    %dma_wait3A_157 = tpu.memref_slice %arg7[%dma_wait3A_155, %dma_wait3A_156] : memref<80x128xi32, #tpu.memory_space<vmem>> -> memref<1x128xi32, #tpu.memory_space<vmem>>
    %dma_wait3A_158 = tpu.memref_squeeze %dma_wait3A_157 : memref<1x128xi32, #tpu.memory_space<vmem>> -> memref<128xi32, #tpu.memory_space<vmem>>
    %dma_wait3A_159 = arith.constant 0 : i32
    %dma_wait3A_160 = arith.constant 0 : i32
    %dma_wait3A_161 = tpu.memref_slice %arg9[%dma_wait3A_159, %dma_wait3A_160] : memref<10240x16xf32, #tpu.memory_space<vmem_shared>> -> memref<10240x16xf32, #tpu.memory_space<vmem_shared>>
    tpu.wait_indirect_dma semaphore(%arg10 : memref<!tpu.dma_semaphore, #tpu.memory_space<semaphore_mem>>) src(%arg8 : memref<128x16xf32, #tpu.memory_space<vmem>>) dst(%dma_wait3A_161 : memref<10240x16xf32, #tpu.memory_space<vmem_shared>>)
    %dma_wait3A_162 = arith.constant 0 : i32
    %dma_wait3A_163 = arith.constant 0 : i32
    %dma_wait3A_164 = tpu.memref_slice %arg7[%dma_wait3A_162, %dma_wait3A_163] : memref<80x128xi32, #tpu.memory_space<vmem>> -> memref<1x128xi32, #tpu.memory_space<vmem>>
    %dma_wait3A_165 = tpu.memref_squeeze %dma_wait3A_164 : memref<1x128xi32, #tpu.memory_space<vmem>> -> memref<128xi32, #tpu.memory_space<vmem>>
    %dma_wait3A_166 = arith.constant 0 : i32
    %dma_wait3A_167 = arith.constant 0 : i32
    %dma_wait3A_168 = tpu.memref_slice %arg9[%dma_wait3A_166, %dma_wait3A_167] : memref<10240x16xf32, #tpu.memory_space<vmem_shared>> -> memref<10240x16xf32, #tpu.memory_space<vmem_shared>>
    tpu.wait_indirect_dma semaphore(%arg10 : memref<!tpu.dma_semaphore, #tpu.memory_space<semaphore_mem>>) src(%arg8 : memref<128x16xf32, #tpu.memory_space<vmem>>) dst(%dma_wait3A_168 : memref<10240x16xf32, #tpu.memory_space<vmem_shared>>)
    %dma_wait3A_169 = arith.constant 0 : i32
    %dma_wait3A_170 = arith.constant 0 : i32
    %dma_wait3A_171 = tpu.memref_slice %arg7[%dma_wait3A_169, %dma_wait3A_170] : memref<80x128xi32, #tpu.memory_space<vmem>> -> memref<1x128xi32, #tpu.memory_space<vmem>>
    %dma_wait3A_172 = tpu.memref_squeeze %dma_wait3A_171 : memref<1x128xi32, #tpu.memory_space<vmem>> -> memref<128xi32, #tpu.memory_space<vmem>>
    %dma_wait3A_173 = arith.constant 0 : i32
    %dma_wait3A_174 = arith.constant 0 : i32
    %dma_wait3A_175 = tpu.memref_slice %arg9[%dma_wait3A_173, %dma_wait3A_174] : memref<10240x16xf32, #tpu.memory_space<vmem_shared>> -> memref<10240x16xf32, #tpu.memory_space<vmem_shared>>
    tpu.wait_indirect_dma semaphore(%arg10 : memref<!tpu.dma_semaphore, #tpu.memory_space<semaphore_mem>>) src(%arg8 : memref<128x16xf32, #tpu.memory_space<vmem>>) dst(%dma_wait3A_175 : memref<10240x16xf32, #tpu.memory_space<vmem_shared>>)
    %dma_wait3A_176 = arith.constant 0 : i32
    %dma_wait3A_177 = arith.constant 0 : i32
    %dma_wait3A_178 = tpu.memref_slice %arg7[%dma_wait3A_176, %dma_wait3A_177] : memref<80x128xi32, #tpu.memory_space<vmem>> -> memref<1x128xi32, #tpu.memory_space<vmem>>
    %dma_wait3A_179 = tpu.memref_squeeze %dma_wait3A_178 : memref<1x128xi32, #tpu.memory_space<vmem>> -> memref<128xi32, #tpu.memory_space<vmem>>
    %dma_wait3A_180 = arith.constant 0 : i32
    %dma_wait3A_181 = arith.constant 0 : i32
    %dma_wait3A_182 = tpu.memref_slice %arg9[%dma_wait3A_180, %dma_wait3A_181] : memref<10240x16xf32, #tpu.memory_space<vmem_shared>> -> memref<10240x16xf32, #tpu.memory_space<vmem_shared>>
    tpu.wait_indirect_dma semaphore(%arg10 : memref<!tpu.dma_semaphore, #tpu.memory_space<semaphore_mem>>) src(%arg8 : memref<128x16xf32, #tpu.memory_space<vmem>>) dst(%dma_wait3A_182 : memref<10240x16xf32, #tpu.memory_space<vmem_shared>>)
    %dma_wait3A_183 = arith.constant 0 : i32
    %dma_wait3A_184 = arith.constant 0 : i32
    %dma_wait3A_185 = tpu.memref_slice %arg7[%dma_wait3A_183, %dma_wait3A_184] : memref<80x128xi32, #tpu.memory_space<vmem>> -> memref<1x128xi32, #tpu.memory_space<vmem>>
    %dma_wait3A_186 = tpu.memref_squeeze %dma_wait3A_185 : memref<1x128xi32, #tpu.memory_space<vmem>> -> memref<128xi32, #tpu.memory_space<vmem>>
    %dma_wait3A_187 = arith.constant 0 : i32
    %dma_wait3A_188 = arith.constant 0 : i32
    %dma_wait3A_189 = tpu.memref_slice %arg9[%dma_wait3A_187, %dma_wait3A_188] : memref<10240x16xf32, #tpu.memory_space<vmem_shared>> -> memref<10240x16xf32, #tpu.memory_space<vmem_shared>>
    tpu.wait_indirect_dma semaphore(%arg10 : memref<!tpu.dma_semaphore, #tpu.memory_space<semaphore_mem>>) src(%arg8 : memref<128x16xf32, #tpu.memory_space<vmem>>) dst(%dma_wait3A_189 : memref<10240x16xf32, #tpu.memory_space<vmem_shared>>)
    %dma_wait3A_190 = arith.constant 0 : i32
    %dma_wait3A_191 = arith.constant 0 : i32
    %dma_wait3A_192 = tpu.memref_slice %arg7[%dma_wait3A_190, %dma_wait3A_191] : memref<80x128xi32, #tpu.memory_space<vmem>> -> memref<1x128xi32, #tpu.memory_space<vmem>>
    %dma_wait3A_193 = tpu.memref_squeeze %dma_wait3A_192 : memref<1x128xi32, #tpu.memory_space<vmem>> -> memref<128xi32, #tpu.memory_space<vmem>>
    %dma_wait3A_194 = arith.constant 0 : i32
    %dma_wait3A_195 = arith.constant 0 : i32
    %dma_wait3A_196 = tpu.memref_slice %arg9[%dma_wait3A_194, %dma_wait3A_195] : memref<10240x16xf32, #tpu.memory_space<vmem_shared>> -> memref<10240x16xf32, #tpu.memory_space<vmem_shared>>
    tpu.wait_indirect_dma semaphore(%arg10 : memref<!tpu.dma_semaphore, #tpu.memory_space<semaphore_mem>>) src(%arg8 : memref<128x16xf32, #tpu.memory_space<vmem>>) dst(%dma_wait3A_196 : memref<10240x16xf32, #tpu.memory_space<vmem_shared>>)
    %dma_wait3A_197 = arith.constant 0 : i32
    %dma_wait3A_198 = arith.constant 0 : i32
    %dma_wait3A_199 = tpu.memref_slice %arg7[%dma_wait3A_197, %dma_wait3A_198] : memref<80x128xi32, #tpu.memory_space<vmem>> -> memref<1x128xi32, #tpu.memory_space<vmem>>
    %dma_wait3A_200 = tpu.memref_squeeze %dma_wait3A_199 : memref<1x128xi32, #tpu.memory_space<vmem>> -> memref<128xi32, #tpu.memory_space<vmem>>
    %dma_wait3A_201 = arith.constant 0 : i32
    %dma_wait3A_202 = arith.constant 0 : i32
    %dma_wait3A_203 = tpu.memref_slice %arg9[%dma_wait3A_201, %dma_wait3A_202] : memref<10240x16xf32, #tpu.memory_space<vmem_shared>> -> memref<10240x16xf32, #tpu.memory_space<vmem_shared>>
    tpu.wait_indirect_dma semaphore(%arg10 : memref<!tpu.dma_semaphore, #tpu.memory_space<semaphore_mem>>) src(%arg8 : memref<128x16xf32, #tpu.memory_space<vmem>>) dst(%dma_wait3A_203 : memref<10240x16xf32, #tpu.memory_space<vmem_shared>>)
    %dma_wait3A_204 = arith.constant 0 : i32
    %dma_wait3A_205 = arith.constant 0 : i32
    %dma_wait3A_206 = tpu.memref_slice %arg7[%dma_wait3A_204, %dma_wait3A_205] : memref<80x128xi32, #tpu.memory_space<vmem>> -> memref<1x128xi32, #tpu.memory_space<vmem>>
    %dma_wait3A_207 = tpu.memref_squeeze %dma_wait3A_206 : memref<1x128xi32, #tpu.memory_space<vmem>> -> memref<128xi32, #tpu.memory_space<vmem>>
    %dma_wait3A_208 = arith.constant 0 : i32
    %dma_wait3A_209 = arith.constant 0 : i32
    %dma_wait3A_210 = tpu.memref_slice %arg9[%dma_wait3A_208, %dma_wait3A_209] : memref<10240x16xf32, #tpu.memory_space<vmem_shared>> -> memref<10240x16xf32, #tpu.memory_space<vmem_shared>>
    tpu.wait_indirect_dma semaphore(%arg10 : memref<!tpu.dma_semaphore, #tpu.memory_space<semaphore_mem>>) src(%arg8 : memref<128x16xf32, #tpu.memory_space<vmem>>) dst(%dma_wait3A_210 : memref<10240x16xf32, #tpu.memory_space<vmem_shared>>)
    %dma_wait3A_211 = arith.constant 0 : i32
    %dma_wait3A_212 = arith.constant 0 : i32
    %dma_wait3A_213 = tpu.memref_slice %arg7[%dma_wait3A_211, %dma_wait3A_212] : memref<80x128xi32, #tpu.memory_space<vmem>> -> memref<1x128xi32, #tpu.memory_space<vmem>>
    %dma_wait3A_214 = tpu.memref_squeeze %dma_wait3A_213 : memref<1x128xi32, #tpu.memory_space<vmem>> -> memref<128xi32, #tpu.memory_space<vmem>>
    %dma_wait3A_215 = arith.constant 0 : i32
    %dma_wait3A_216 = arith.constant 0 : i32
    %dma_wait3A_217 = tpu.memref_slice %arg9[%dma_wait3A_215, %dma_wait3A_216] : memref<10240x16xf32, #tpu.memory_space<vmem_shared>> -> memref<10240x16xf32, #tpu.memory_space<vmem_shared>>
    tpu.wait_indirect_dma semaphore(%arg10 : memref<!tpu.dma_semaphore, #tpu.memory_space<semaphore_mem>>) src(%arg8 : memref<128x16xf32, #tpu.memory_space<vmem>>) dst(%dma_wait3A_217 : memref<10240x16xf32, #tpu.memory_space<vmem_shared>>)
    %dma_wait3A_218 = arith.constant 0 : i32
    %dma_wait3A_219 = arith.constant 0 : i32
    %dma_wait3A_220 = tpu.memref_slice %arg7[%dma_wait3A_218, %dma_wait3A_219] : memref<80x128xi32, #tpu.memory_space<vmem>> -> memref<1x128xi32, #tpu.memory_space<vmem>>
    %dma_wait3A_221 = tpu.memref_squeeze %dma_wait3A_220 : memref<1x128xi32, #tpu.memory_space<vmem>> -> memref<128xi32, #tpu.memory_space<vmem>>
    %dma_wait3A_222 = arith.constant 0 : i32
    %dma_wait3A_223 = arith.constant 0 : i32
    %dma_wait3A_224 = tpu.memref_slice %arg9[%dma_wait3A_222, %dma_wait3A_223] : memref<10240x16xf32, #tpu.memory_space<vmem_shared>> -> memref<10240x16xf32, #tpu.memory_space<vmem_shared>>
    tpu.wait_indirect_dma semaphore(%arg10 : memref<!tpu.dma_semaphore, #tpu.memory_space<semaphore_mem>>) src(%arg8 : memref<128x16xf32, #tpu.memory_space<vmem>>) dst(%dma_wait3A_224 : memref<10240x16xf32, #tpu.memory_space<vmem_shared>>)
    %dma_wait3A_225 = arith.constant 0 : i32
    %dma_wait3A_226 = arith.constant 0 : i32
    %dma_wait3A_227 = tpu.memref_slice %arg7[%dma_wait3A_225, %dma_wait3A_226] : memref<80x128xi32, #tpu.memory_space<vmem>> -> memref<1x128xi32, #tpu.memory_space<vmem>>
    %dma_wait3A_228 = tpu.memref_squeeze %dma_wait3A_227 : memref<1x128xi32, #tpu.memory_space<vmem>> -> memref<128xi32, #tpu.memory_space<vmem>>
    %dma_wait3A_229 = arith.constant 0 : i32
    %dma_wait3A_230 = arith.constant 0 : i32
    %dma_wait3A_231 = tpu.memref_slice %arg9[%dma_wait3A_229, %dma_wait3A_230] : memref<10240x16xf32, #tpu.memory_space<vmem_shared>> -> memref<10240x16xf32, #tpu.memory_space<vmem_shared>>
    tpu.wait_indirect_dma semaphore(%arg10 : memref<!tpu.dma_semaphore, #tpu.memory_space<semaphore_mem>>) src(%arg8 : memref<128x16xf32, #tpu.memory_space<vmem>>) dst(%dma_wait3A_231 : memref<10240x16xf32, #tpu.memory_space<vmem_shared>>)
    %barrier3A_232 = arith.constant 0 : index
    tpu.barrier barrier_id(%barrier3A_232)
    %eq3A = arith.constant 0 : i32
    %eq3A_233 = arith.cmpi eq, %arg0, %eq3A : i32
    %lt3A = arith.constant 15 : i32
    %lt3A_234 = arith.cmpi slt, %arg1, %lt3A : i32
    %and3A = arith.andi %eq3A_233, %lt3A_234 : i1
    %convert_element_type3A = arith.extui %and3A : i1 to i32
    %cond3A = arith.constant 0 : i32
    %cond3A_235 = arith.cmpi ne, %convert_element_type3A, %cond3A : i32
    scf.if %cond3A_235 {
      %mul3A_260 = arith.constant 640 : i32
      %mul3A_261 = arith.muli %arg1, %mul3A_260 : i32
      "tpu.region"() ({
        %run_scoped3A = tpu.sem_alloc : memref<!tpu.dma_semaphore, #tpu.memory_space<semaphore_mem>>
        %dma_start3A_262 = arith.constant 0 : i32
        %dma_start3A_263 = tpu.memref_slice %arg5[%mul3A_261, %dma_start3A_262] : memref<10000x16xf32, #tpu.memory_space<hbm>> -> memref<640x16xf32, #tpu.memory_space<hbm>>
        %dma_start3A_264 = arith.constant 0 : i32
        %dma_start3A_265 = tpu.memref_slice %arg9[%mul3A_261, %dma_start3A_264] : memref<10240x16xf32, #tpu.memory_space<vmem_shared>> -> memref<640x16xf32, #tpu.memory_space<vmem_shared>>
        tpu.enqueue_dma source(%dma_start3A_265 : memref<640x16xf32, #tpu.memory_space<vmem_shared>>) target(%dma_start3A_263 : memref<640x16xf32, #tpu.memory_space<hbm>>) target_semaphore(%run_scoped3A : memref<!tpu.dma_semaphore, #tpu.memory_space<semaphore_mem>>)
        %dma_wait3A_266 = arith.constant 0 : i32
        %dma_wait3A_267 = tpu.memref_slice %arg5[%mul3A_261, %dma_wait3A_266] : memref<10000x16xf32, #tpu.memory_space<hbm>> -> memref<640x16xf32, #tpu.memory_space<hbm>>
        %dma_wait3A_268 = arith.constant 0 : i32
        %dma_wait3A_269 = tpu.memref_slice %arg9[%mul3A_261, %dma_wait3A_268] : memref<10240x16xf32, #tpu.memory_space<vmem_shared>> -> memref<640x16xf32, #tpu.memory_space<vmem_shared>>
        tpu.wait_dma2 semaphore(%run_scoped3A : memref<!tpu.dma_semaphore, #tpu.memory_space<semaphore_mem>>) src(%dma_wait3A_269 : memref<640x16xf32, #tpu.memory_space<vmem_shared>>) dst(%dma_wait3A_267 : memref<640x16xf32, #tpu.memory_space<hbm>>)
        tpu.yield
      }) : () -> ()
    } else {
    }
    %eq3A_236 = arith.constant 0 : i32
    %eq3A_237 = arith.cmpi eq, %arg0, %eq3A_236 : i32
    %eq3A_238 = arith.constant 15 : i32
    %eq3A_239 = arith.cmpi eq, %arg1, %eq3A_238 : i32
    %and3A_240 = arith.andi %eq3A_237, %eq3A_239 : i1
    %convert_element_type3A_241 = arith.extui %and3A_240 : i1 to i32
    %cond3A_242 = arith.constant 0 : i32
    %cond3A_243 = arith.cmpi ne, %convert_element_type3A_241, %cond3A_242 : i32
    scf.if %cond3A_243 {
      "tpu.region"() ({
        %run_scoped3A = tpu.sem_alloc : memref<!tpu.dma_semaphore, #tpu.memory_space<semaphore_mem>>
        %dma_start3A_260 = arith.constant 9600 : i32
        %dma_start3A_261 = arith.constant 0 : i32
        %dma_start3A_262 = tpu.memref_slice %arg5[%dma_start3A_260, %dma_start3A_261] : memref<10000x16xf32, #tpu.memory_space<hbm>> -> memref<400x16xf32, #tpu.memory_space<hbm>>
        %dma_start3A_263 = arith.constant 9600 : i32
        %dma_start3A_264 = arith.constant 0 : i32
        %dma_start3A_265 = tpu.memref_slice %arg9[%dma_start3A_263, %dma_start3A_264] : memref<10240x16xf32, #tpu.memory_space<vmem_shared>> -> memref<400x16xf32, #tpu.memory_space<vmem_shared>>
        tpu.enqueue_dma source(%dma_start3A_265 : memref<400x16xf32, #tpu.memory_space<vmem_shared>>) target(%dma_start3A_262 : memref<400x16xf32, #tpu.memory_space<hbm>>) target_semaphore(%run_scoped3A : memref<!tpu.dma_semaphore, #tpu.memory_space<semaphore_mem>>)
        %dma_wait3A_266 = arith.constant 9600 : i32
        %dma_wait3A_267 = arith.constant 0 : i32
        %dma_wait3A_268 = tpu.memref_slice %arg5[%dma_wait3A_266, %dma_wait3A_267] : memref<10000x16xf32, #tpu.memory_space<hbm>> -> memref<400x16xf32, #tpu.memory_space<hbm>>
        %dma_wait3A_269 = arith.constant 9600 : i32
        %dma_wait3A_270 = arith.constant 0 : i32
        %dma_wait3A_271 = tpu.memref_slice %arg9[%dma_wait3A_269, %dma_wait3A_270] : memref<10240x16xf32, #tpu.memory_space<vmem_shared>> -> memref<400x16xf32, #tpu.memory_space<vmem_shared>>
        tpu.wait_dma2 semaphore(%run_scoped3A : memref<!tpu.dma_semaphore, #tpu.memory_space<semaphore_mem>>) src(%dma_wait3A_271 : memref<400x16xf32, #tpu.memory_space<vmem_shared>>) dst(%dma_wait3A_268 : memref<400x16xf32, #tpu.memory_space<hbm>>)
        tpu.yield
      }) : () -> ()
    } else {
    }
    %eq3A_244 = arith.constant 1 : i32
    %eq3A_245 = arith.cmpi eq, %arg0, %eq3A_244 : i32
    %lt3A_246 = arith.constant 15 : i32
    %lt3A_247 = arith.cmpi slt, %arg1, %lt3A_246 : i32
    %and3A_248 = arith.andi %eq3A_245, %lt3A_247 : i1
    %convert_element_type3A_249 = arith.extui %and3A_248 : i1 to i32
    %cond3A_250 = arith.constant 0 : i32
    %cond3A_251 = arith.cmpi ne, %convert_element_type3A_249, %cond3A_250 : i32
    scf.if %cond3A_251 {
      %mul3A_260 = arith.constant 640 : i32
      %mul3A_261 = arith.muli %arg1, %mul3A_260 : i32
      "tpu.region"() ({
        %run_scoped3A = tpu.sem_alloc : memref<!tpu.dma_semaphore, #tpu.memory_space<semaphore_mem>>
        %dma_start3A_262 = arith.constant 0 : i32
        %dma_start3A_263 = tpu.memref_slice %arg6[%mul3A_261, %dma_start3A_262] : memref<10000x16xf32, #tpu.memory_space<hbm>> -> memref<640x16xf32, #tpu.memory_space<hbm>>
        %dma_start3A_264 = arith.constant 0 : i32
        %dma_start3A_265 = tpu.memref_slice %arg9[%mul3A_261, %dma_start3A_264] : memref<10240x16xf32, #tpu.memory_space<vmem_shared>> -> memref<640x16xf32, #tpu.memory_space<vmem_shared>>
        tpu.enqueue_dma source(%dma_start3A_265 : memref<640x16xf32, #tpu.memory_space<vmem_shared>>) target(%dma_start3A_263 : memref<640x16xf32, #tpu.memory_space<hbm>>) target_semaphore(%run_scoped3A : memref<!tpu.dma_semaphore, #tpu.memory_space<semaphore_mem>>)
        %dma_wait3A_266 = arith.constant 0 : i32
        %dma_wait3A_267 = tpu.memref_slice %arg6[%mul3A_261, %dma_wait3A_266] : memref<10000x16xf32, #tpu.memory_space<hbm>> -> memref<640x16xf32, #tpu.memory_space<hbm>>
        %dma_wait3A_268 = arith.constant 0 : i32
        %dma_wait3A_269 = tpu.memref_slice %arg9[%mul3A_261, %dma_wait3A_268] : memref<10240x16xf32, #tpu.memory_space<vmem_shared>> -> memref<640x16xf32, #tpu.memory_space<vmem_shared>>
        tpu.wait_dma2 semaphore(%run_scoped3A : memref<!tpu.dma_semaphore, #tpu.memory_space<semaphore_mem>>) src(%dma_wait3A_269 : memref<640x16xf32, #tpu.memory_space<vmem_shared>>) dst(%dma_wait3A_267 : memref<640x16xf32, #tpu.memory_space<hbm>>)
        tpu.yield
      }) : () -> ()
    } else {
    }
    %eq3A_252 = arith.constant 1 : i32
    %eq3A_253 = arith.cmpi eq, %arg0, %eq3A_252 : i32
    %eq3A_254 = arith.constant 15 : i32
    %eq3A_255 = arith.cmpi eq, %arg1, %eq3A_254 : i32
    %and3A_256 = arith.andi %eq3A_253, %eq3A_255 : i1
    %convert_element_type3A_257 = arith.extui %and3A_256 : i1 to i32
    %cond3A_258 = arith.constant 0 : i32
    %cond3A_259 = arith.cmpi ne, %convert_element_type3A_257, %cond3A_258 : i32
    scf.if %cond3A_259 {
      "tpu.region"() ({
        %run_scoped3A = tpu.sem_alloc : memref<!tpu.dma_semaphore, #tpu.memory_space<semaphore_mem>>
        %dma_start3A_260 = arith.constant 9600 : i32
        %dma_start3A_261 = arith.constant 0 : i32
        %dma_start3A_262 = tpu.memref_slice %arg6[%dma_start3A_260, %dma_start3A_261] : memref<10000x16xf32, #tpu.memory_space<hbm>> -> memref<400x16xf32, #tpu.memory_space<hbm>>
        %dma_start3A_263 = arith.constant 9600 : i32
        %dma_start3A_264 = arith.constant 0 : i32
        %dma_start3A_265 = tpu.memref_slice %arg9[%dma_start3A_263, %dma_start3A_264] : memref<10240x16xf32, #tpu.memory_space<vmem_shared>> -> memref<400x16xf32, #tpu.memory_space<vmem_shared>>
        tpu.enqueue_dma source(%dma_start3A_265 : memref<400x16xf32, #tpu.memory_space<vmem_shared>>) target(%dma_start3A_262 : memref<400x16xf32, #tpu.memory_space<hbm>>) target_semaphore(%run_scoped3A : memref<!tpu.dma_semaphore, #tpu.memory_space<semaphore_mem>>)
        %dma_wait3A_266 = arith.constant 9600 : i32
        %dma_wait3A_267 = arith.constant 0 : i32
        %dma_wait3A_268 = tpu.memref_slice %arg6[%dma_wait3A_266, %dma_wait3A_267] : memref<10000x16xf32, #tpu.memory_space<hbm>> -> memref<400x16xf32, #tpu.memory_space<hbm>>
        %dma_wait3A_269 = arith.constant 9600 : i32
        %dma_wait3A_270 = arith.constant 0 : i32
        %dma_wait3A_271 = tpu.memref_slice %arg9[%dma_wait3A_269, %dma_wait3A_270] : memref<10240x16xf32, #tpu.memory_space<vmem_shared>> -> memref<400x16xf32, #tpu.memory_space<vmem_shared>>
        tpu.wait_dma2 semaphore(%run_scoped3A : memref<!tpu.dma_semaphore, #tpu.memory_space<semaphore_mem>>) src(%dma_wait3A_271 : memref<400x16xf32, #tpu.memory_space<vmem_shared>>) dst(%dma_wait3A_268 : memref<400x16xf32, #tpu.memory_space<hbm>>)
        tpu.yield
      }) : () -> ()
    } else {
    }
    return
  }
}

#map = affine_map<(d0, d1) -> (0, 0)>
module attributes {stable_mosaic.version = 14 : i64} {
  func.func @body(%arg0: i32, %arg1: i32, %arg2: memref<10000x40xf32, #tpu.memory_space<hbm>>, %arg3: memref<5120x64xi32, #tpu.memory_space<hbm>>, %arg4: memref<5120x64xi32, #tpu.memory_space<hbm>>, %arg5: memref<640x40xf32, #tpu.memory_space<hbm>>, %arg6: memref<10000x40xf32, #tpu.memory_space<hbm>>, %arg7: memref<10000x40xf32, #tpu.memory_space<hbm>>, %arg8: memref<20x64xi32, #tpu.memory_space<vmem>>, %arg9: memref<20x64xi32, #tpu.memory_space<vmem>>, %arg10: memref<20x64xi32, #tpu.memory_space<vmem>>, %arg11: memref<20x64xi32, #tpu.memory_space<vmem>>, %arg12: memref<64x40xf32, #tpu.memory_space<vmem>>, %arg13: memref<64x40xf32, #tpu.memory_space<vmem>>, %arg14: memref<64x40xf32, #tpu.memory_space<vmem>>, %arg15: memref<64x40xf32, #tpu.memory_space<vmem>>, %arg16: memref<10240x40xf32, #tpu.memory_space<vmem_shared>>, %arg17: memref<!tpu.dma_semaphore, #tpu.memory_space<semaphore_mem>>, %arg18: memref<!tpu.dma_semaphore, #tpu.memory_space<semaphore_mem>>, %arg19: memref<!tpu.dma_semaphore, #tpu.memory_space<semaphore_mem>>, %arg20: memref<!tpu.dma_semaphore, #tpu.memory_space<semaphore_mem>>, %arg21: memref<!tpu.dma_semaphore, #tpu.memory_space<semaphore_mem>>, %arg22: memref<!tpu.dma_semaphore, #tpu.memory_space<semaphore_mem>>, %arg23: memref<!tpu.dma_semaphore, #tpu.memory_space<semaphore_mem>>, %arg24: memref<!tpu.dma_semaphore, #tpu.memory_space<semaphore_mem>>, %arg25: memref<!tpu.dma_semaphore, #tpu.memory_space<semaphore_mem>>, %arg26: memref<!tpu.dma_semaphore, #tpu.memory_space<semaphore_mem>>) attributes {dimension_semantics = [#tpu.dimension_semantics<core_parallel>, #tpu.dimension_semantics<subcore_parallel>], iteration_bounds = array<i64: 2, 16>, scalar_prefetch = 0 : i64, scratch_operands = 19 : i64, tpu.core_type = #tpu.core_type<sc_vector_subcore>, window_params = [{transform_indices = #map}, {transform_indices = #map}, {transform_indices = #map}, {transform_indices = #map}, {transform_indices = #map}, {transform_indices = #map}]} {
    %mul3A = arith.constant 16 : i32
    %mul3A_0 = arith.muli %arg0, %mul3A : i32
    %add3A = arith.addi %mul3A_0, %arg1 : i32
    %mul3A_1 = arith.constant 640 : i32
    %mul3A_2 = arith.muli %arg1, %mul3A_1 : i32
    "tpu.region"() ({
      %run_scoped3A = tpu.sem_alloc : memref<!tpu.dma_semaphore, #tpu.memory_space<semaphore_mem>>
      %dma_start3A_98 = arith.constant 0 : i32
      %dma_start3A_99 = tpu.memref_slice %arg16[%mul3A_2, %dma_start3A_98] : memref<10240x40xf32, #tpu.memory_space<vmem_shared>> -> memref<640x40xf32, #tpu.memory_space<vmem_shared>>
      tpu.enqueue_dma source(%arg5 : memref<640x40xf32, #tpu.memory_space<hbm>>) target(%dma_start3A_99 : memref<640x40xf32, #tpu.memory_space<vmem_shared>>) target_semaphore(%run_scoped3A : memref<!tpu.dma_semaphore, #tpu.memory_space<semaphore_mem>>)
      %dma_wait3A_100 = arith.constant 0 : i32
      %dma_wait3A_101 = tpu.memref_slice %arg16[%mul3A_2, %dma_wait3A_100] : memref<10240x40xf32, #tpu.memory_space<vmem_shared>> -> memref<640x40xf32, #tpu.memory_space<vmem_shared>>
      tpu.wait_dma2 semaphore(%run_scoped3A : memref<!tpu.dma_semaphore, #tpu.memory_space<semaphore_mem>>) src(%arg5 : memref<640x40xf32, #tpu.memory_space<hbm>>) dst(%dma_wait3A_101 : memref<640x40xf32, #tpu.memory_space<vmem_shared>>)
      tpu.yield
    }) : () -> ()
    %barrier3A = arith.constant 0 : index
    tpu.barrier barrier_id(%barrier3A)
    %mul3A_3 = arith.constant 160 : i32
    %mul3A_4 = arith.muli %add3A, %mul3A_3 : i32
    %add3A_5 = arith.constant 0 : i32
    %add3A_6 = arith.addi %mul3A_4, %add3A_5 : i32
    %dma_start3A = arith.constant 0 : i32
    %dma_start3A_7 = tpu.memref_slice %arg3[%add3A_6, %dma_start3A] : memref<5120x64xi32, #tpu.memory_space<hbm>> -> memref<20x64xi32, #tpu.memory_space<hbm>>
    %dma_start3A_8 = arith.constant 0 : i32
    %dma_start3A_9 = tpu.memref_slice %arg3[%add3A_6, %dma_start3A_8] : memref<5120x64xi32, #tpu.memory_space<hbm>> -> memref<20x64xi32, #tpu.memory_space<hbm>>
    tpu.enqueue_dma source(%dma_start3A_9 : memref<20x64xi32, #tpu.memory_space<hbm>>) target(%arg8 : memref<20x64xi32, #tpu.memory_space<vmem>>) target_semaphore(%arg25 : memref<!tpu.dma_semaphore, #tpu.memory_space<semaphore_mem>>)
    %dma_start3A_10 = arith.constant 0 : i32
    %dma_start3A_11 = tpu.memref_slice %arg4[%add3A_6, %dma_start3A_10] : memref<5120x64xi32, #tpu.memory_space<hbm>> -> memref<20x64xi32, #tpu.memory_space<hbm>>
    %dma_start3A_12 = arith.constant 0 : i32
    %dma_start3A_13 = tpu.memref_slice %arg4[%add3A_6, %dma_start3A_12] : memref<5120x64xi32, #tpu.memory_space<hbm>> -> memref<20x64xi32, #tpu.memory_space<hbm>>
    tpu.enqueue_dma source(%dma_start3A_13 : memref<20x64xi32, #tpu.memory_space<hbm>>) target(%arg10 : memref<20x64xi32, #tpu.memory_space<vmem>>) target_semaphore(%arg25 : memref<!tpu.dma_semaphore, #tpu.memory_space<semaphore_mem>>)
    %mul3A_14 = arith.constant 160 : i32
    %mul3A_15 = arith.muli %add3A, %mul3A_14 : i32
    %add3A_16 = arith.constant 20 : i32
    %add3A_17 = arith.addi %mul3A_15, %add3A_16 : i32
    %dma_start3A_18 = arith.constant 0 : i32
    %dma_start3A_19 = tpu.memref_slice %arg3[%add3A_17, %dma_start3A_18] : memref<5120x64xi32, #tpu.memory_space<hbm>> -> memref<20x64xi32, #tpu.memory_space<hbm>>
    %dma_start3A_20 = arith.constant 0 : i32
    %dma_start3A_21 = tpu.memref_slice %arg3[%add3A_17, %dma_start3A_20] : memref<5120x64xi32, #tpu.memory_space<hbm>> -> memref<20x64xi32, #tpu.memory_space<hbm>>
    tpu.enqueue_dma source(%dma_start3A_21 : memref<20x64xi32, #tpu.memory_space<hbm>>) target(%arg9 : memref<20x64xi32, #tpu.memory_space<vmem>>) target_semaphore(%arg26 : memref<!tpu.dma_semaphore, #tpu.memory_space<semaphore_mem>>)
    %dma_start3A_22 = arith.constant 0 : i32
    %dma_start3A_23 = tpu.memref_slice %arg4[%add3A_17, %dma_start3A_22] : memref<5120x64xi32, #tpu.memory_space<hbm>> -> memref<20x64xi32, #tpu.memory_space<hbm>>
    %dma_start3A_24 = arith.constant 0 : i32
    %dma_start3A_25 = tpu.memref_slice %arg4[%add3A_17, %dma_start3A_24] : memref<5120x64xi32, #tpu.memory_space<hbm>> -> memref<20x64xi32, #tpu.memory_space<hbm>>
    tpu.enqueue_dma source(%dma_start3A_25 : memref<20x64xi32, #tpu.memory_space<hbm>>) target(%arg11 : memref<20x64xi32, #tpu.memory_space<vmem>>) target_semaphore(%arg26 : memref<!tpu.dma_semaphore, #tpu.memory_space<semaphore_mem>>)
    %dma_wait3A = arith.constant 0 : i32
    %dma_wait3A_26 = arith.constant 0 : i32
    %dma_wait3A_27 = tpu.memref_slice %arg3[%dma_wait3A, %dma_wait3A_26] : memref<5120x64xi32, #tpu.memory_space<hbm>> -> memref<20x64xi32, #tpu.memory_space<hbm>>
    %dma_wait3A_28 = arith.constant 0 : i32
    %dma_wait3A_29 = arith.constant 0 : i32
    %dma_wait3A_30 = tpu.memref_slice %arg3[%dma_wait3A_28, %dma_wait3A_29] : memref<5120x64xi32, #tpu.memory_space<hbm>> -> memref<20x64xi32, #tpu.memory_space<hbm>>
    tpu.wait_dma2 semaphore(%arg25 : memref<!tpu.dma_semaphore, #tpu.memory_space<semaphore_mem>>) src(%dma_wait3A_30 : memref<20x64xi32, #tpu.memory_space<hbm>>) dst(%arg8 : memref<20x64xi32, #tpu.memory_space<vmem>>)
    %dma_wait3A_31 = arith.constant 0 : i32
    %dma_wait3A_32 = arith.constant 0 : i32
    %dma_wait3A_33 = tpu.memref_slice %arg4[%dma_wait3A_31, %dma_wait3A_32] : memref<5120x64xi32, #tpu.memory_space<hbm>> -> memref<20x64xi32, #tpu.memory_space<hbm>>
    %dma_wait3A_34 = arith.constant 0 : i32
    %dma_wait3A_35 = arith.constant 0 : i32
    %dma_wait3A_36 = tpu.memref_slice %arg4[%dma_wait3A_34, %dma_wait3A_35] : memref<5120x64xi32, #tpu.memory_space<hbm>> -> memref<20x64xi32, #tpu.memory_space<hbm>>
    tpu.wait_dma2 semaphore(%arg25 : memref<!tpu.dma_semaphore, #tpu.memory_space<semaphore_mem>>) src(%dma_wait3A_36 : memref<20x64xi32, #tpu.memory_space<hbm>>) dst(%arg10 : memref<20x64xi32, #tpu.memory_space<vmem>>)
    %dma_start3A_37 = arith.constant 0 : i32
    %dma_start3A_38 = arith.constant 0 : i32
    %dma_start3A_39 = tpu.memref_slice %arg8[%dma_start3A_37, %dma_start3A_38] : memref<20x64xi32, #tpu.memory_space<vmem>> -> memref<1x64xi32, #tpu.memory_space<vmem>>
    %dma_start3A_40 = tpu.memref_squeeze %dma_start3A_39 : memref<1x64xi32, #tpu.memory_space<vmem>> -> memref<64xi32, #tpu.memory_space<vmem>>
    %dma_start3A_41 = arith.constant 0 : i32
    %dma_start3A_42 = arith.constant 0 : i32
    %dma_start3A_43 = tpu.memref_slice %arg2[%dma_start3A_41, %dma_start3A_42] : memref<10000x40xf32, #tpu.memory_space<hbm>> -> memref<10000x40xf32, #tpu.memory_space<hbm>>
    tpu.enqueue_indirect_dma source(%dma_start3A_43 : memref<10000x40xf32, #tpu.memory_space<hbm>>) target(%arg12 : memref<64x40xf32, #tpu.memory_space<vmem>>) offsets(%dma_start3A_40 : memref<64xi32, #tpu.memory_space<vmem>>) semaphore(%arg17 : memref<!tpu.dma_semaphore, #tpu.memory_space<semaphore_mem>>)
    %dma_start3A_44 = arith.constant 1 : i32
    %dma_start3A_45 = arith.constant 0 : i32
    %dma_start3A_46 = tpu.memref_slice %arg8[%dma_start3A_44, %dma_start3A_45] : memref<20x64xi32, #tpu.memory_space<vmem>> -> memref<1x64xi32, #tpu.memory_space<vmem>>
    %dma_start3A_47 = tpu.memref_squeeze %dma_start3A_46 : memref<1x64xi32, #tpu.memory_space<vmem>> -> memref<64xi32, #tpu.memory_space<vmem>>
    %dma_start3A_48 = arith.constant 0 : i32
    %dma_start3A_49 = arith.constant 0 : i32
    %dma_start3A_50 = tpu.memref_slice %arg2[%dma_start3A_48, %dma_start3A_49] : memref<10000x40xf32, #tpu.memory_space<hbm>> -> memref<10000x40xf32, #tpu.memory_space<hbm>>
    tpu.enqueue_indirect_dma source(%dma_start3A_50 : memref<10000x40xf32, #tpu.memory_space<hbm>>) target(%arg13 : memref<64x40xf32, #tpu.memory_space<vmem>>) offsets(%dma_start3A_47 : memref<64xi32, #tpu.memory_space<vmem>>) semaphore(%arg18 : memref<!tpu.dma_semaphore, #tpu.memory_space<semaphore_mem>>)
    %dma_start3A_51 = arith.constant 2 : i32
    %dma_start3A_52 = arith.constant 0 : i32
    %dma_start3A_53 = tpu.memref_slice %arg8[%dma_start3A_51, %dma_start3A_52] : memref<20x64xi32, #tpu.memory_space<vmem>> -> memref<1x64xi32, #tpu.memory_space<vmem>>
    %dma_start3A_54 = tpu.memref_squeeze %dma_start3A_53 : memref<1x64xi32, #tpu.memory_space<vmem>> -> memref<64xi32, #tpu.memory_space<vmem>>
    %dma_start3A_55 = arith.constant 0 : i32
    %dma_start3A_56 = arith.constant 0 : i32
    %dma_start3A_57 = tpu.memref_slice %arg2[%dma_start3A_55, %dma_start3A_56] : memref<10000x40xf32, #tpu.memory_space<hbm>> -> memref<10000x40xf32, #tpu.memory_space<hbm>>
    tpu.enqueue_indirect_dma source(%dma_start3A_57 : memref<10000x40xf32, #tpu.memory_space<hbm>>) target(%arg14 : memref<64x40xf32, #tpu.memory_space<vmem>>) offsets(%dma_start3A_54 : memref<64xi32, #tpu.memory_space<vmem>>) semaphore(%arg19 : memref<!tpu.dma_semaphore, #tpu.memory_space<semaphore_mem>>)
    %dma_start3A_58 = arith.constant 3 : i32
    %dma_start3A_59 = arith.constant 0 : i32
    %dma_start3A_60 = tpu.memref_slice %arg8[%dma_start3A_58, %dma_start3A_59] : memref<20x64xi32, #tpu.memory_space<vmem>> -> memref<1x64xi32, #tpu.memory_space<vmem>>
    %dma_start3A_61 = tpu.memref_squeeze %dma_start3A_60 : memref<1x64xi32, #tpu.memory_space<vmem>> -> memref<64xi32, #tpu.memory_space<vmem>>
    %dma_start3A_62 = arith.constant 0 : i32
    %dma_start3A_63 = arith.constant 0 : i32
    %dma_start3A_64 = tpu.memref_slice %arg2[%dma_start3A_62, %dma_start3A_63] : memref<10000x40xf32, #tpu.memory_space<hbm>> -> memref<10000x40xf32, #tpu.memory_space<hbm>>
    tpu.enqueue_indirect_dma source(%dma_start3A_64 : memref<10000x40xf32, #tpu.memory_space<hbm>>) target(%arg15 : memref<64x40xf32, #tpu.memory_space<vmem>>) offsets(%dma_start3A_61 : memref<64xi32, #tpu.memory_space<vmem>>) semaphore(%arg20 : memref<!tpu.dma_semaphore, #tpu.memory_space<semaphore_mem>>)
    %scan3A = arith.constant 0 : i32
    %scan3A_65 = arith.constant 0 : i32
    %scan3A_66 = arith.constant 4 : i32
    %scan3A_67 = arith.addi %scan3A_65, %scan3A_66 : i32
    %scan3A_68 = arith.constant 1 : i32
    scf.for %scan3A_98 = %scan3A_65 to %scan3A_67 step %scan3A_68  : i32 {
      %mul3A_99 = arith.constant 2 : i32
      %mul3A_100 = arith.muli %mul3A_99, %scan3A_98 : i32
      %add3A_101 = arith.constant 0 : i32
      %add3A_102 = arith.addi %mul3A_100, %add3A_101 : i32
      %scan3A_103 = arith.constant 0 : i32
      %scan3A_104 = arith.constant 0 : i32
      %scan3A_105 = arith.constant 5 : i32
      %scan3A_106 = arith.addi %scan3A_104, %scan3A_105 : i32
      %scan3A_107 = arith.constant 1 : i32
      scf.for %scan3A_160 = %scan3A_104 to %scan3A_106 step %scan3A_107  : i32 {
        %dma_wait3A_161 = arith.constant 0 : i32
        %dma_wait3A_162 = arith.constant 0 : i32
        %dma_wait3A_163 = tpu.memref_slice %arg8[%dma_wait3A_161, %dma_wait3A_162] : memref<20x64xi32, #tpu.memory_space<vmem>> -> memref<1x64xi32, #tpu.memory_space<vmem>>
        %dma_wait3A_164 = tpu.memref_squeeze %dma_wait3A_163 : memref<1x64xi32, #tpu.memory_space<vmem>> -> memref<64xi32, #tpu.memory_space<vmem>>
        %dma_wait3A_165 = arith.constant 0 : i32
        %dma_wait3A_166 = arith.constant 0 : i32
        %dma_wait3A_167 = tpu.memref_slice %arg2[%dma_wait3A_165, %dma_wait3A_166] : memref<10000x40xf32, #tpu.memory_space<hbm>> -> memref<10000x40xf32, #tpu.memory_space<hbm>>
        tpu.wait_indirect_dma semaphore(%arg17 : memref<!tpu.dma_semaphore, #tpu.memory_space<semaphore_mem>>) src(%dma_wait3A_167 : memref<10000x40xf32, #tpu.memory_space<hbm>>) dst(%arg12 : memref<64x40xf32, #tpu.memory_space<vmem>>)
        %mul3A_168 = arith.constant 4 : i32
        %mul3A_169 = arith.muli %scan3A_160, %mul3A_168 : i32
        %add3A_170 = arith.constant 0 : i32
        %add3A_171 = arith.addi %mul3A_169, %add3A_170 : i32
        %dma_start3A_172 = arith.constant 0 : i32
        %dma_start3A_173 = tpu.memref_slice %arg10[%add3A_171, %dma_start3A_172] : memref<20x64xi32, #tpu.memory_space<vmem>> -> memref<1x64xi32, #tpu.memory_space<vmem>>
        %dma_start3A_174 = tpu.memref_squeeze %dma_start3A_173 : memref<1x64xi32, #tpu.memory_space<vmem>> -> memref<64xi32, #tpu.memory_space<vmem>>
        %dma_start3A_175 = arith.constant 0 : i32
        %dma_start3A_176 = arith.constant 0 : i32
        %dma_start3A_177 = tpu.memref_slice %arg16[%dma_start3A_175, %dma_start3A_176] : memref<10240x40xf32, #tpu.memory_space<vmem_shared>> -> memref<10240x40xf32, #tpu.memory_space<vmem_shared>>
        tpu.enqueue_indirect_dma source(%arg12 : memref<64x40xf32, #tpu.memory_space<vmem>>) target(%dma_start3A_177 : memref<10240x40xf32, #tpu.memory_space<vmem_shared>>) offsets(%dma_start3A_174 : memref<64xi32, #tpu.memory_space<vmem>>) semaphore(%arg21 : memref<!tpu.dma_semaphore, #tpu.memory_space<semaphore_mem>>) {add = true}
        %dma_wait3A_178 = arith.constant 0 : i32
        %dma_wait3A_179 = arith.constant 0 : i32
        %dma_wait3A_180 = tpu.memref_slice %arg8[%dma_wait3A_178, %dma_wait3A_179] : memref<20x64xi32, #tpu.memory_space<vmem>> -> memref<1x64xi32, #tpu.memory_space<vmem>>
        %dma_wait3A_181 = tpu.memref_squeeze %dma_wait3A_180 : memref<1x64xi32, #tpu.memory_space<vmem>> -> memref<64xi32, #tpu.memory_space<vmem>>
        %dma_wait3A_182 = arith.constant 0 : i32
        %dma_wait3A_183 = arith.constant 0 : i32
        %dma_wait3A_184 = tpu.memref_slice %arg2[%dma_wait3A_182, %dma_wait3A_183] : memref<10000x40xf32, #tpu.memory_space<hbm>> -> memref<10000x40xf32, #tpu.memory_space<hbm>>
        tpu.wait_indirect_dma semaphore(%arg18 : memref<!tpu.dma_semaphore, #tpu.memory_space<semaphore_mem>>) src(%dma_wait3A_184 : memref<10000x40xf32, #tpu.memory_space<hbm>>) dst(%arg13 : memref<64x40xf32, #tpu.memory_space<vmem>>)
        %mul3A_185 = arith.constant 4 : i32
        %mul3A_186 = arith.muli %scan3A_160, %mul3A_185 : i32
        %add3A_187 = arith.constant 1 : i32
        %add3A_188 = arith.addi %mul3A_186, %add3A_187 : i32
        %dma_start3A_189 = arith.constant 0 : i32
        %dma_start3A_190 = tpu.memref_slice %arg10[%add3A_188, %dma_start3A_189] : memref<20x64xi32, #tpu.memory_space<vmem>> -> memref<1x64xi32, #tpu.memory_space<vmem>>
        %dma_start3A_191 = tpu.memref_squeeze %dma_start3A_190 : memref<1x64xi32, #tpu.memory_space<vmem>> -> memref<64xi32, #tpu.memory_space<vmem>>
        %dma_start3A_192 = arith.constant 0 : i32
        %dma_start3A_193 = arith.constant 0 : i32
        %dma_start3A_194 = tpu.memref_slice %arg16[%dma_start3A_192, %dma_start3A_193] : memref<10240x40xf32, #tpu.memory_space<vmem_shared>> -> memref<10240x40xf32, #tpu.memory_space<vmem_shared>>
        tpu.enqueue_indirect_dma source(%arg13 : memref<64x40xf32, #tpu.memory_space<vmem>>) target(%dma_start3A_194 : memref<10240x40xf32, #tpu.memory_space<vmem_shared>>) offsets(%dma_start3A_191 : memref<64xi32, #tpu.memory_space<vmem>>) semaphore(%arg22 : memref<!tpu.dma_semaphore, #tpu.memory_space<semaphore_mem>>) {add = true}
        %dma_wait3A_195 = arith.constant 0 : i32
        %dma_wait3A_196 = arith.constant 0 : i32
        %dma_wait3A_197 = tpu.memref_slice %arg8[%dma_wait3A_195, %dma_wait3A_196] : memref<20x64xi32, #tpu.memory_space<vmem>> -> memref<1x64xi32, #tpu.memory_space<vmem>>
        %dma_wait3A_198 = tpu.memref_squeeze %dma_wait3A_197 : memref<1x64xi32, #tpu.memory_space<vmem>> -> memref<64xi32, #tpu.memory_space<vmem>>
        %dma_wait3A_199 = arith.constant 0 : i32
        %dma_wait3A_200 = arith.constant 0 : i32
        %dma_wait3A_201 = tpu.memref_slice %arg2[%dma_wait3A_199, %dma_wait3A_200] : memref<10000x40xf32, #tpu.memory_space<hbm>> -> memref<10000x40xf32, #tpu.memory_space<hbm>>
        tpu.wait_indirect_dma semaphore(%arg19 : memref<!tpu.dma_semaphore, #tpu.memory_space<semaphore_mem>>) src(%dma_wait3A_201 : memref<10000x40xf32, #tpu.memory_space<hbm>>) dst(%arg14 : memref<64x40xf32, #tpu.memory_space<vmem>>)
        %mul3A_202 = arith.constant 4 : i32
        %mul3A_203 = arith.muli %scan3A_160, %mul3A_202 : i32
        %add3A_204 = arith.constant 2 : i32
        %add3A_205 = arith.addi %mul3A_203, %add3A_204 : i32
        %dma_start3A_206 = arith.constant 0 : i32
        %dma_start3A_207 = tpu.memref_slice %arg10[%add3A_205, %dma_start3A_206] : memref<20x64xi32, #tpu.memory_space<vmem>> -> memref<1x64xi32, #tpu.memory_space<vmem>>
        %dma_start3A_208 = tpu.memref_squeeze %dma_start3A_207 : memref<1x64xi32, #tpu.memory_space<vmem>> -> memref<64xi32, #tpu.memory_space<vmem>>
        %dma_start3A_209 = arith.constant 0 : i32
        %dma_start3A_210 = arith.constant 0 : i32
        %dma_start3A_211 = tpu.memref_slice %arg16[%dma_start3A_209, %dma_start3A_210] : memref<10240x40xf32, #tpu.memory_space<vmem_shared>> -> memref<10240x40xf32, #tpu.memory_space<vmem_shared>>
        tpu.enqueue_indirect_dma source(%arg14 : memref<64x40xf32, #tpu.memory_space<vmem>>) target(%dma_start3A_211 : memref<10240x40xf32, #tpu.memory_space<vmem_shared>>) offsets(%dma_start3A_208 : memref<64xi32, #tpu.memory_space<vmem>>) semaphore(%arg23 : memref<!tpu.dma_semaphore, #tpu.memory_space<semaphore_mem>>) {add = true}
        %dma_wait3A_212 = arith.constant 0 : i32
        %dma_wait3A_213 = arith.constant 0 : i32
        %dma_wait3A_214 = tpu.memref_slice %arg8[%dma_wait3A_212, %dma_wait3A_213] : memref<20x64xi32, #tpu.memory_space<vmem>> -> memref<1x64xi32, #tpu.memory_space<vmem>>
        %dma_wait3A_215 = tpu.memref_squeeze %dma_wait3A_214 : memref<1x64xi32, #tpu.memory_space<vmem>> -> memref<64xi32, #tpu.memory_space<vmem>>
        %dma_wait3A_216 = arith.constant 0 : i32
        %dma_wait3A_217 = arith.constant 0 : i32
        %dma_wait3A_218 = tpu.memref_slice %arg2[%dma_wait3A_216, %dma_wait3A_217] : memref<10000x40xf32, #tpu.memory_space<hbm>> -> memref<10000x40xf32, #tpu.memory_space<hbm>>
        tpu.wait_indirect_dma semaphore(%arg20 : memref<!tpu.dma_semaphore, #tpu.memory_space<semaphore_mem>>) src(%dma_wait3A_218 : memref<10000x40xf32, #tpu.memory_space<hbm>>) dst(%arg15 : memref<64x40xf32, #tpu.memory_space<vmem>>)
        %mul3A_219 = arith.constant 4 : i32
        %mul3A_220 = arith.muli %scan3A_160, %mul3A_219 : i32
        %add3A_221 = arith.constant 3 : i32
        %add3A_222 = arith.addi %mul3A_220, %add3A_221 : i32
        %dma_start3A_223 = arith.constant 0 : i32
        %dma_start3A_224 = tpu.memref_slice %arg10[%add3A_222, %dma_start3A_223] : memref<20x64xi32, #tpu.memory_space<vmem>> -> memref<1x64xi32, #tpu.memory_space<vmem>>
        %dma_start3A_225 = tpu.memref_squeeze %dma_start3A_224 : memref<1x64xi32, #tpu.memory_space<vmem>> -> memref<64xi32, #tpu.memory_space<vmem>>
        %dma_start3A_226 = arith.constant 0 : i32
        %dma_start3A_227 = arith.constant 0 : i32
        %dma_start3A_228 = tpu.memref_slice %arg16[%dma_start3A_226, %dma_start3A_227] : memref<10240x40xf32, #tpu.memory_space<vmem_shared>> -> memref<10240x40xf32, #tpu.memory_space<vmem_shared>>
        tpu.enqueue_indirect_dma source(%arg15 : memref<64x40xf32, #tpu.memory_space<vmem>>) target(%dma_start3A_228 : memref<10240x40xf32, #tpu.memory_space<vmem_shared>>) offsets(%dma_start3A_225 : memref<64xi32, #tpu.memory_space<vmem>>) semaphore(%arg24 : memref<!tpu.dma_semaphore, #tpu.memory_space<semaphore_mem>>) {add = true}
        %add3A_229 = arith.constant 1 : i32
        %add3A_230 = arith.addi %scan3A_160, %add3A_229 : i32
        %mul3A_231 = arith.constant 4 : i32
        %mul3A_232 = arith.muli %add3A_230, %mul3A_231 : i32
        %add3A_233 = arith.constant 0 : i32
        %add3A_234 = arith.addi %mul3A_232, %add3A_233 : i32
        %lt3A_235 = arith.constant 20 : i32
        %lt3A_236 = arith.cmpi slt, %add3A_234, %lt3A_235 : i32
        %convert_element_type3A_237 = arith.extui %lt3A_236 : i1 to i32
        %cond3A_238 = arith.constant 0 : i32
        %cond3A_239 = arith.cmpi ne, %convert_element_type3A_237, %cond3A_238 : i32
        scf.if %cond3A_239 {
          %dma_wait3A_273 = arith.constant 0 : i32
          %dma_wait3A_274 = arith.constant 0 : i32
          %dma_wait3A_275 = tpu.memref_slice %arg10[%dma_wait3A_273, %dma_wait3A_274] : memref<20x64xi32, #tpu.memory_space<vmem>> -> memref<1x64xi32, #tpu.memory_space<vmem>>
          %dma_wait3A_276 = tpu.memref_squeeze %dma_wait3A_275 : memref<1x64xi32, #tpu.memory_space<vmem>> -> memref<64xi32, #tpu.memory_space<vmem>>
          %dma_wait3A_277 = arith.constant 0 : i32
          %dma_wait3A_278 = arith.constant 0 : i32
          %dma_wait3A_279 = tpu.memref_slice %arg16[%dma_wait3A_277, %dma_wait3A_278] : memref<10240x40xf32, #tpu.memory_space<vmem_shared>> -> memref<10240x40xf32, #tpu.memory_space<vmem_shared>>
          tpu.wait_indirect_dma semaphore(%arg21 : memref<!tpu.dma_semaphore, #tpu.memory_space<semaphore_mem>>) src(%arg12 : memref<64x40xf32, #tpu.memory_space<vmem>>) dst(%dma_wait3A_279 : memref<10240x40xf32, #tpu.memory_space<vmem_shared>>)
          %dma_start3A_280 = arith.constant 0 : i32
          %dma_start3A_281 = tpu.memref_slice %arg8[%add3A_234, %dma_start3A_280] : memref<20x64xi32, #tpu.memory_space<vmem>> -> memref<1x64xi32, #tpu.memory_space<vmem>>
          %dma_start3A_282 = tpu.memref_squeeze %dma_start3A_281 : memref<1x64xi32, #tpu.memory_space<vmem>> -> memref<64xi32, #tpu.memory_space<vmem>>
          %dma_start3A_283 = arith.constant 0 : i32
          %dma_start3A_284 = arith.constant 0 : i32
          %dma_start3A_285 = tpu.memref_slice %arg2[%dma_start3A_283, %dma_start3A_284] : memref<10000x40xf32, #tpu.memory_space<hbm>> -> memref<10000x40xf32, #tpu.memory_space<hbm>>
          tpu.enqueue_indirect_dma source(%dma_start3A_285 : memref<10000x40xf32, #tpu.memory_space<hbm>>) target(%arg12 : memref<64x40xf32, #tpu.memory_space<vmem>>) offsets(%dma_start3A_282 : memref<64xi32, #tpu.memory_space<vmem>>) semaphore(%arg17 : memref<!tpu.dma_semaphore, #tpu.memory_space<semaphore_mem>>)
        } else {
        }
        %add3A_240 = arith.constant 1 : i32
        %add3A_241 = arith.addi %scan3A_160, %add3A_240 : i32
        %mul3A_242 = arith.constant 4 : i32
        %mul3A_243 = arith.muli %add3A_241, %mul3A_242 : i32
        %add3A_244 = arith.constant 1 : i32
        %add3A_245 = arith.addi %mul3A_243, %add3A_244 : i32
        %lt3A_246 = arith.constant 20 : i32
        %lt3A_247 = arith.cmpi slt, %add3A_245, %lt3A_246 : i32
        %convert_element_type3A_248 = arith.extui %lt3A_247 : i1 to i32
        %cond3A_249 = arith.constant 0 : i32
        %cond3A_250 = arith.cmpi ne, %convert_element_type3A_248, %cond3A_249 : i32
        scf.if %cond3A_250 {
          %dma_wait3A_273 = arith.constant 0 : i32
          %dma_wait3A_274 = arith.constant 0 : i32
          %dma_wait3A_275 = tpu.memref_slice %arg10[%dma_wait3A_273, %dma_wait3A_274] : memref<20x64xi32, #tpu.memory_space<vmem>> -> memref<1x64xi32, #tpu.memory_space<vmem>>
          %dma_wait3A_276 = tpu.memref_squeeze %dma_wait3A_275 : memref<1x64xi32, #tpu.memory_space<vmem>> -> memref<64xi32, #tpu.memory_space<vmem>>
          %dma_wait3A_277 = arith.constant 0 : i32
          %dma_wait3A_278 = arith.constant 0 : i32
          %dma_wait3A_279 = tpu.memref_slice %arg16[%dma_wait3A_277, %dma_wait3A_278] : memref<10240x40xf32, #tpu.memory_space<vmem_shared>> -> memref<10240x40xf32, #tpu.memory_space<vmem_shared>>
          tpu.wait_indirect_dma semaphore(%arg22 : memref<!tpu.dma_semaphore, #tpu.memory_space<semaphore_mem>>) src(%arg13 : memref<64x40xf32, #tpu.memory_space<vmem>>) dst(%dma_wait3A_279 : memref<10240x40xf32, #tpu.memory_space<vmem_shared>>)
          %dma_start3A_280 = arith.constant 0 : i32
          %dma_start3A_281 = tpu.memref_slice %arg8[%add3A_245, %dma_start3A_280] : memref<20x64xi32, #tpu.memory_space<vmem>> -> memref<1x64xi32, #tpu.memory_space<vmem>>
          %dma_start3A_282 = tpu.memref_squeeze %dma_start3A_281 : memref<1x64xi32, #tpu.memory_space<vmem>> -> memref<64xi32, #tpu.memory_space<vmem>>
          %dma_start3A_283 = arith.constant 0 : i32
          %dma_start3A_284 = arith.constant 0 : i32
          %dma_start3A_285 = tpu.memref_slice %arg2[%dma_start3A_283, %dma_start3A_284] : memref<10000x40xf32, #tpu.memory_space<hbm>> -> memref<10000x40xf32, #tpu.memory_space<hbm>>
          tpu.enqueue_indirect_dma source(%dma_start3A_285 : memref<10000x40xf32, #tpu.memory_space<hbm>>) target(%arg13 : memref<64x40xf32, #tpu.memory_space<vmem>>) offsets(%dma_start3A_282 : memref<64xi32, #tpu.memory_space<vmem>>) semaphore(%arg18 : memref<!tpu.dma_semaphore, #tpu.memory_space<semaphore_mem>>)
        } else {
        }
        %add3A_251 = arith.constant 1 : i32
        %add3A_252 = arith.addi %scan3A_160, %add3A_251 : i32
        %mul3A_253 = arith.constant 4 : i32
        %mul3A_254 = arith.muli %add3A_252, %mul3A_253 : i32
        %add3A_255 = arith.constant 2 : i32
        %add3A_256 = arith.addi %mul3A_254, %add3A_255 : i32
        %lt3A_257 = arith.constant 20 : i32
        %lt3A_258 = arith.cmpi slt, %add3A_256, %lt3A_257 : i32
        %convert_element_type3A_259 = arith.extui %lt3A_258 : i1 to i32
        %cond3A_260 = arith.constant 0 : i32
        %cond3A_261 = arith.cmpi ne, %convert_element_type3A_259, %cond3A_260 : i32
        scf.if %cond3A_261 {
          %dma_wait3A_273 = arith.constant 0 : i32
          %dma_wait3A_274 = arith.constant 0 : i32
          %dma_wait3A_275 = tpu.memref_slice %arg10[%dma_wait3A_273, %dma_wait3A_274] : memref<20x64xi32, #tpu.memory_space<vmem>> -> memref<1x64xi32, #tpu.memory_space<vmem>>
          %dma_wait3A_276 = tpu.memref_squeeze %dma_wait3A_275 : memref<1x64xi32, #tpu.memory_space<vmem>> -> memref<64xi32, #tpu.memory_space<vmem>>
          %dma_wait3A_277 = arith.constant 0 : i32
          %dma_wait3A_278 = arith.constant 0 : i32
          %dma_wait3A_279 = tpu.memref_slice %arg16[%dma_wait3A_277, %dma_wait3A_278] : memref<10240x40xf32, #tpu.memory_space<vmem_shared>> -> memref<10240x40xf32, #tpu.memory_space<vmem_shared>>
          tpu.wait_indirect_dma semaphore(%arg23 : memref<!tpu.dma_semaphore, #tpu.memory_space<semaphore_mem>>) src(%arg14 : memref<64x40xf32, #tpu.memory_space<vmem>>) dst(%dma_wait3A_279 : memref<10240x40xf32, #tpu.memory_space<vmem_shared>>)
          %dma_start3A_280 = arith.constant 0 : i32
          %dma_start3A_281 = tpu.memref_slice %arg8[%add3A_256, %dma_start3A_280] : memref<20x64xi32, #tpu.memory_space<vmem>> -> memref<1x64xi32, #tpu.memory_space<vmem>>
          %dma_start3A_282 = tpu.memref_squeeze %dma_start3A_281 : memref<1x64xi32, #tpu.memory_space<vmem>> -> memref<64xi32, #tpu.memory_space<vmem>>
          %dma_start3A_283 = arith.constant 0 : i32
          %dma_start3A_284 = arith.constant 0 : i32
          %dma_start3A_285 = tpu.memref_slice %arg2[%dma_start3A_283, %dma_start3A_284] : memref<10000x40xf32, #tpu.memory_space<hbm>> -> memref<10000x40xf32, #tpu.memory_space<hbm>>
          tpu.enqueue_indirect_dma source(%dma_start3A_285 : memref<10000x40xf32, #tpu.memory_space<hbm>>) target(%arg14 : memref<64x40xf32, #tpu.memory_space<vmem>>) offsets(%dma_start3A_282 : memref<64xi32, #tpu.memory_space<vmem>>) semaphore(%arg19 : memref<!tpu.dma_semaphore, #tpu.memory_space<semaphore_mem>>)
        } else {
        }
        %add3A_262 = arith.constant 1 : i32
        %add3A_263 = arith.addi %scan3A_160, %add3A_262 : i32
        %mul3A_264 = arith.constant 4 : i32
        %mul3A_265 = arith.muli %add3A_263, %mul3A_264 : i32
        %add3A_266 = arith.constant 3 : i32
        %add3A_267 = arith.addi %mul3A_265, %add3A_266 : i32
        %lt3A_268 = arith.constant 20 : i32
        %lt3A_269 = arith.cmpi slt, %add3A_267, %lt3A_268 : i32
        %convert_element_type3A_270 = arith.extui %lt3A_269 : i1 to i32
        %cond3A_271 = arith.constant 0 : i32
        %cond3A_272 = arith.cmpi ne, %convert_element_type3A_270, %cond3A_271 : i32
        scf.if %cond3A_272 {
          %dma_wait3A_273 = arith.constant 0 : i32
          %dma_wait3A_274 = arith.constant 0 : i32
          %dma_wait3A_275 = tpu.memref_slice %arg10[%dma_wait3A_273, %dma_wait3A_274] : memref<20x64xi32, #tpu.memory_space<vmem>> -> memref<1x64xi32, #tpu.memory_space<vmem>>
          %dma_wait3A_276 = tpu.memref_squeeze %dma_wait3A_275 : memref<1x64xi32, #tpu.memory_space<vmem>> -> memref<64xi32, #tpu.memory_space<vmem>>
          %dma_wait3A_277 = arith.constant 0 : i32
          %dma_wait3A_278 = arith.constant 0 : i32
          %dma_wait3A_279 = tpu.memref_slice %arg16[%dma_wait3A_277, %dma_wait3A_278] : memref<10240x40xf32, #tpu.memory_space<vmem_shared>> -> memref<10240x40xf32, #tpu.memory_space<vmem_shared>>
          tpu.wait_indirect_dma semaphore(%arg24 : memref<!tpu.dma_semaphore, #tpu.memory_space<semaphore_mem>>) src(%arg15 : memref<64x40xf32, #tpu.memory_space<vmem>>) dst(%dma_wait3A_279 : memref<10240x40xf32, #tpu.memory_space<vmem_shared>>)
          %dma_start3A_280 = arith.constant 0 : i32
          %dma_start3A_281 = tpu.memref_slice %arg8[%add3A_267, %dma_start3A_280] : memref<20x64xi32, #tpu.memory_space<vmem>> -> memref<1x64xi32, #tpu.memory_space<vmem>>
          %dma_start3A_282 = tpu.memref_squeeze %dma_start3A_281 : memref<1x64xi32, #tpu.memory_space<vmem>> -> memref<64xi32, #tpu.memory_space<vmem>>
          %dma_start3A_283 = arith.constant 0 : i32
          %dma_start3A_284 = arith.constant 0 : i32
          %dma_start3A_285 = tpu.memref_slice %arg2[%dma_start3A_283, %dma_start3A_284] : memref<10000x40xf32, #tpu.memory_space<hbm>> -> memref<10000x40xf32, #tpu.memory_space<hbm>>
          tpu.enqueue_indirect_dma source(%dma_start3A_285 : memref<10000x40xf32, #tpu.memory_space<hbm>>) target(%arg15 : memref<64x40xf32, #tpu.memory_space<vmem>>) offsets(%dma_start3A_282 : memref<64xi32, #tpu.memory_space<vmem>>) semaphore(%arg20 : memref<!tpu.dma_semaphore, #tpu.memory_space<semaphore_mem>>)
        } else {
        }
      }
      %scan3A_108 = arith.constant 5 : i32
      %add3A_109 = arith.constant 1 : i32
      %add3A_110 = arith.addi %add3A_102, %add3A_109 : i32
      %lt3A_111 = arith.constant 8 : i32
      %lt3A_112 = arith.cmpi slt, %add3A_110, %lt3A_111 : i32
      %convert_element_type3A_113 = arith.extui %lt3A_112 : i1 to i32
      %cond3A_114 = arith.constant 0 : i32
      %cond3A_115 = arith.cmpi ne, %convert_element_type3A_113, %cond3A_114 : i32
      scf.if %cond3A_115 {
        %dma_wait3A_160 = arith.constant 0 : i32
        %dma_wait3A_161 = arith.constant 0 : i32
        %dma_wait3A_162 = tpu.memref_slice %arg3[%dma_wait3A_160, %dma_wait3A_161] : memref<5120x64xi32, #tpu.memory_space<hbm>> -> memref<20x64xi32, #tpu.memory_space<hbm>>
        %dma_wait3A_163 = arith.constant 0 : i32
        %dma_wait3A_164 = arith.constant 0 : i32
        %dma_wait3A_165 = tpu.memref_slice %arg3[%dma_wait3A_163, %dma_wait3A_164] : memref<5120x64xi32, #tpu.memory_space<hbm>> -> memref<20x64xi32, #tpu.memory_space<hbm>>
        tpu.wait_dma2 semaphore(%arg26 : memref<!tpu.dma_semaphore, #tpu.memory_space<semaphore_mem>>) src(%dma_wait3A_165 : memref<20x64xi32, #tpu.memory_space<hbm>>) dst(%arg9 : memref<20x64xi32, #tpu.memory_space<vmem>>)
        %dma_wait3A_166 = arith.constant 0 : i32
        %dma_wait3A_167 = arith.constant 0 : i32
        %dma_wait3A_168 = tpu.memref_slice %arg4[%dma_wait3A_166, %dma_wait3A_167] : memref<5120x64xi32, #tpu.memory_space<hbm>> -> memref<20x64xi32, #tpu.memory_space<hbm>>
        %dma_wait3A_169 = arith.constant 0 : i32
        %dma_wait3A_170 = arith.constant 0 : i32
        %dma_wait3A_171 = tpu.memref_slice %arg4[%dma_wait3A_169, %dma_wait3A_170] : memref<5120x64xi32, #tpu.memory_space<hbm>> -> memref<20x64xi32, #tpu.memory_space<hbm>>
        tpu.wait_dma2 semaphore(%arg26 : memref<!tpu.dma_semaphore, #tpu.memory_space<semaphore_mem>>) src(%dma_wait3A_171 : memref<20x64xi32, #tpu.memory_space<hbm>>) dst(%arg11 : memref<20x64xi32, #tpu.memory_space<vmem>>)
        %dma_wait3A_172 = arith.constant 0 : i32
        %dma_wait3A_173 = arith.constant 0 : i32
        %dma_wait3A_174 = tpu.memref_slice %arg10[%dma_wait3A_172, %dma_wait3A_173] : memref<20x64xi32, #tpu.memory_space<vmem>> -> memref<1x64xi32, #tpu.memory_space<vmem>>
        %dma_wait3A_175 = tpu.memref_squeeze %dma_wait3A_174 : memref<1x64xi32, #tpu.memory_space<vmem>> -> memref<64xi32, #tpu.memory_space<vmem>>
        %dma_wait3A_176 = arith.constant 0 : i32
        %dma_wait3A_177 = arith.constant 0 : i32
        %dma_wait3A_178 = tpu.memref_slice %arg16[%dma_wait3A_176, %dma_wait3A_177] : memref<10240x40xf32, #tpu.memory_space<vmem_shared>> -> memref<10240x40xf32, #tpu.memory_space<vmem_shared>>
        tpu.wait_indirect_dma semaphore(%arg21 : memref<!tpu.dma_semaphore, #tpu.memory_space<semaphore_mem>>) src(%arg12 : memref<64x40xf32, #tpu.memory_space<vmem>>) dst(%dma_wait3A_178 : memref<10240x40xf32, #tpu.memory_space<vmem_shared>>)
        %dma_start3A_179 = arith.constant 0 : i32
        %dma_start3A_180 = arith.constant 0 : i32
        %dma_start3A_181 = tpu.memref_slice %arg9[%dma_start3A_179, %dma_start3A_180] : memref<20x64xi32, #tpu.memory_space<vmem>> -> memref<1x64xi32, #tpu.memory_space<vmem>>
        %dma_start3A_182 = tpu.memref_squeeze %dma_start3A_181 : memref<1x64xi32, #tpu.memory_space<vmem>> -> memref<64xi32, #tpu.memory_space<vmem>>
        %dma_start3A_183 = arith.constant 0 : i32
        %dma_start3A_184 = arith.constant 0 : i32
        %dma_start3A_185 = tpu.memref_slice %arg2[%dma_start3A_183, %dma_start3A_184] : memref<10000x40xf32, #tpu.memory_space<hbm>> -> memref<10000x40xf32, #tpu.memory_space<hbm>>
        tpu.enqueue_indirect_dma source(%dma_start3A_185 : memref<10000x40xf32, #tpu.memory_space<hbm>>) target(%arg12 : memref<64x40xf32, #tpu.memory_space<vmem>>) offsets(%dma_start3A_182 : memref<64xi32, #tpu.memory_space<vmem>>) semaphore(%arg17 : memref<!tpu.dma_semaphore, #tpu.memory_space<semaphore_mem>>)
        %dma_wait3A_186 = arith.constant 0 : i32
        %dma_wait3A_187 = arith.constant 0 : i32
        %dma_wait3A_188 = tpu.memref_slice %arg10[%dma_wait3A_186, %dma_wait3A_187] : memref<20x64xi32, #tpu.memory_space<vmem>> -> memref<1x64xi32, #tpu.memory_space<vmem>>
        %dma_wait3A_189 = tpu.memref_squeeze %dma_wait3A_188 : memref<1x64xi32, #tpu.memory_space<vmem>> -> memref<64xi32, #tpu.memory_space<vmem>>
        %dma_wait3A_190 = arith.constant 0 : i32
        %dma_wait3A_191 = arith.constant 0 : i32
        %dma_wait3A_192 = tpu.memref_slice %arg16[%dma_wait3A_190, %dma_wait3A_191] : memref<10240x40xf32, #tpu.memory_space<vmem_shared>> -> memref<10240x40xf32, #tpu.memory_space<vmem_shared>>
        tpu.wait_indirect_dma semaphore(%arg22 : memref<!tpu.dma_semaphore, #tpu.memory_space<semaphore_mem>>) src(%arg13 : memref<64x40xf32, #tpu.memory_space<vmem>>) dst(%dma_wait3A_192 : memref<10240x40xf32, #tpu.memory_space<vmem_shared>>)
        %dma_start3A_193 = arith.constant 1 : i32
        %dma_start3A_194 = arith.constant 0 : i32
        %dma_start3A_195 = tpu.memref_slice %arg9[%dma_start3A_193, %dma_start3A_194] : memref<20x64xi32, #tpu.memory_space<vmem>> -> memref<1x64xi32, #tpu.memory_space<vmem>>
        %dma_start3A_196 = tpu.memref_squeeze %dma_start3A_195 : memref<1x64xi32, #tpu.memory_space<vmem>> -> memref<64xi32, #tpu.memory_space<vmem>>
        %dma_start3A_197 = arith.constant 0 : i32
        %dma_start3A_198 = arith.constant 0 : i32
        %dma_start3A_199 = tpu.memref_slice %arg2[%dma_start3A_197, %dma_start3A_198] : memref<10000x40xf32, #tpu.memory_space<hbm>> -> memref<10000x40xf32, #tpu.memory_space<hbm>>
        tpu.enqueue_indirect_dma source(%dma_start3A_199 : memref<10000x40xf32, #tpu.memory_space<hbm>>) target(%arg13 : memref<64x40xf32, #tpu.memory_space<vmem>>) offsets(%dma_start3A_196 : memref<64xi32, #tpu.memory_space<vmem>>) semaphore(%arg18 : memref<!tpu.dma_semaphore, #tpu.memory_space<semaphore_mem>>)
        %dma_wait3A_200 = arith.constant 0 : i32
        %dma_wait3A_201 = arith.constant 0 : i32
        %dma_wait3A_202 = tpu.memref_slice %arg10[%dma_wait3A_200, %dma_wait3A_201] : memref<20x64xi32, #tpu.memory_space<vmem>> -> memref<1x64xi32, #tpu.memory_space<vmem>>
        %dma_wait3A_203 = tpu.memref_squeeze %dma_wait3A_202 : memref<1x64xi32, #tpu.memory_space<vmem>> -> memref<64xi32, #tpu.memory_space<vmem>>
        %dma_wait3A_204 = arith.constant 0 : i32
        %dma_wait3A_205 = arith.constant 0 : i32
        %dma_wait3A_206 = tpu.memref_slice %arg16[%dma_wait3A_204, %dma_wait3A_205] : memref<10240x40xf32, #tpu.memory_space<vmem_shared>> -> memref<10240x40xf32, #tpu.memory_space<vmem_shared>>
        tpu.wait_indirect_dma semaphore(%arg23 : memref<!tpu.dma_semaphore, #tpu.memory_space<semaphore_mem>>) src(%arg14 : memref<64x40xf32, #tpu.memory_space<vmem>>) dst(%dma_wait3A_206 : memref<10240x40xf32, #tpu.memory_space<vmem_shared>>)
        %dma_start3A_207 = arith.constant 2 : i32
        %dma_start3A_208 = arith.constant 0 : i32
        %dma_start3A_209 = tpu.memref_slice %arg9[%dma_start3A_207, %dma_start3A_208] : memref<20x64xi32, #tpu.memory_space<vmem>> -> memref<1x64xi32, #tpu.memory_space<vmem>>
        %dma_start3A_210 = tpu.memref_squeeze %dma_start3A_209 : memref<1x64xi32, #tpu.memory_space<vmem>> -> memref<64xi32, #tpu.memory_space<vmem>>
        %dma_start3A_211 = arith.constant 0 : i32
        %dma_start3A_212 = arith.constant 0 : i32
        %dma_start3A_213 = tpu.memref_slice %arg2[%dma_start3A_211, %dma_start3A_212] : memref<10000x40xf32, #tpu.memory_space<hbm>> -> memref<10000x40xf32, #tpu.memory_space<hbm>>
        tpu.enqueue_indirect_dma source(%dma_start3A_213 : memref<10000x40xf32, #tpu.memory_space<hbm>>) target(%arg14 : memref<64x40xf32, #tpu.memory_space<vmem>>) offsets(%dma_start3A_210 : memref<64xi32, #tpu.memory_space<vmem>>) semaphore(%arg19 : memref<!tpu.dma_semaphore, #tpu.memory_space<semaphore_mem>>)
        %dma_wait3A_214 = arith.constant 0 : i32
        %dma_wait3A_215 = arith.constant 0 : i32
        %dma_wait3A_216 = tpu.memref_slice %arg10[%dma_wait3A_214, %dma_wait3A_215] : memref<20x64xi32, #tpu.memory_space<vmem>> -> memref<1x64xi32, #tpu.memory_space<vmem>>
        %dma_wait3A_217 = tpu.memref_squeeze %dma_wait3A_216 : memref<1x64xi32, #tpu.memory_space<vmem>> -> memref<64xi32, #tpu.memory_space<vmem>>
        %dma_wait3A_218 = arith.constant 0 : i32
        %dma_wait3A_219 = arith.constant 0 : i32
        %dma_wait3A_220 = tpu.memref_slice %arg16[%dma_wait3A_218, %dma_wait3A_219] : memref<10240x40xf32, #tpu.memory_space<vmem_shared>> -> memref<10240x40xf32, #tpu.memory_space<vmem_shared>>
        tpu.wait_indirect_dma semaphore(%arg24 : memref<!tpu.dma_semaphore, #tpu.memory_space<semaphore_mem>>) src(%arg15 : memref<64x40xf32, #tpu.memory_space<vmem>>) dst(%dma_wait3A_220 : memref<10240x40xf32, #tpu.memory_space<vmem_shared>>)
        %dma_start3A_221 = arith.constant 3 : i32
        %dma_start3A_222 = arith.constant 0 : i32
        %dma_start3A_223 = tpu.memref_slice %arg9[%dma_start3A_221, %dma_start3A_222] : memref<20x64xi32, #tpu.memory_space<vmem>> -> memref<1x64xi32, #tpu.memory_space<vmem>>
        %dma_start3A_224 = tpu.memref_squeeze %dma_start3A_223 : memref<1x64xi32, #tpu.memory_space<vmem>> -> memref<64xi32, #tpu.memory_space<vmem>>
        %dma_start3A_225 = arith.constant 0 : i32
        %dma_start3A_226 = arith.constant 0 : i32
        %dma_start3A_227 = tpu.memref_slice %arg2[%dma_start3A_225, %dma_start3A_226] : memref<10000x40xf32, #tpu.memory_space<hbm>> -> memref<10000x40xf32, #tpu.memory_space<hbm>>
        tpu.enqueue_indirect_dma source(%dma_start3A_227 : memref<10000x40xf32, #tpu.memory_space<hbm>>) target(%arg15 : memref<64x40xf32, #tpu.memory_space<vmem>>) offsets(%dma_start3A_224 : memref<64xi32, #tpu.memory_space<vmem>>) semaphore(%arg20 : memref<!tpu.dma_semaphore, #tpu.memory_space<semaphore_mem>>)
      } else {
      }
      %add3A_116 = arith.constant 1 : i32
      %add3A_117 = arith.addi %add3A_102, %add3A_116 : i32
      %ge3A = arith.constant 8 : i32
      %ge3A_118 = arith.cmpi sge, %add3A_117, %ge3A : i32
      %convert_element_type3A_119 = arith.extui %ge3A_118 : i1 to i32
      %cond3A_120 = arith.constant 0 : i32
      %cond3A_121 = arith.cmpi ne, %convert_element_type3A_119, %cond3A_120 : i32
      scf.if %cond3A_121 {
        %dma_wait3A_160 = arith.constant 0 : i32
        %dma_wait3A_161 = arith.constant 0 : i32
        %dma_wait3A_162 = tpu.memref_slice %arg10[%dma_wait3A_160, %dma_wait3A_161] : memref<20x64xi32, #tpu.memory_space<vmem>> -> memref<1x64xi32, #tpu.memory_space<vmem>>
        %dma_wait3A_163 = tpu.memref_squeeze %dma_wait3A_162 : memref<1x64xi32, #tpu.memory_space<vmem>> -> memref<64xi32, #tpu.memory_space<vmem>>
        %dma_wait3A_164 = arith.constant 0 : i32
        %dma_wait3A_165 = arith.constant 0 : i32
        %dma_wait3A_166 = tpu.memref_slice %arg16[%dma_wait3A_164, %dma_wait3A_165] : memref<10240x40xf32, #tpu.memory_space<vmem_shared>> -> memref<10240x40xf32, #tpu.memory_space<vmem_shared>>
        tpu.wait_indirect_dma semaphore(%arg21 : memref<!tpu.dma_semaphore, #tpu.memory_space<semaphore_mem>>) src(%arg12 : memref<64x40xf32, #tpu.memory_space<vmem>>) dst(%dma_wait3A_166 : memref<10240x40xf32, #tpu.memory_space<vmem_shared>>)
        %dma_wait3A_167 = arith.constant 0 : i32
        %dma_wait3A_168 = arith.constant 0 : i32
        %dma_wait3A_169 = tpu.memref_slice %arg10[%dma_wait3A_167, %dma_wait3A_168] : memref<20x64xi32, #tpu.memory_space<vmem>> -> memref<1x64xi32, #tpu.memory_space<vmem>>
        %dma_wait3A_170 = tpu.memref_squeeze %dma_wait3A_169 : memref<1x64xi32, #tpu.memory_space<vmem>> -> memref<64xi32, #tpu.memory_space<vmem>>
        %dma_wait3A_171 = arith.constant 0 : i32
        %dma_wait3A_172 = arith.constant 0 : i32
        %dma_wait3A_173 = tpu.memref_slice %arg16[%dma_wait3A_171, %dma_wait3A_172] : memref<10240x40xf32, #tpu.memory_space<vmem_shared>> -> memref<10240x40xf32, #tpu.memory_space<vmem_shared>>
        tpu.wait_indirect_dma semaphore(%arg22 : memref<!tpu.dma_semaphore, #tpu.memory_space<semaphore_mem>>) src(%arg13 : memref<64x40xf32, #tpu.memory_space<vmem>>) dst(%dma_wait3A_173 : memref<10240x40xf32, #tpu.memory_space<vmem_shared>>)
        %dma_wait3A_174 = arith.constant 0 : i32
        %dma_wait3A_175 = arith.constant 0 : i32
        %dma_wait3A_176 = tpu.memref_slice %arg10[%dma_wait3A_174, %dma_wait3A_175] : memref<20x64xi32, #tpu.memory_space<vmem>> -> memref<1x64xi32, #tpu.memory_space<vmem>>
        %dma_wait3A_177 = tpu.memref_squeeze %dma_wait3A_176 : memref<1x64xi32, #tpu.memory_space<vmem>> -> memref<64xi32, #tpu.memory_space<vmem>>
        %dma_wait3A_178 = arith.constant 0 : i32
        %dma_wait3A_179 = arith.constant 0 : i32
        %dma_wait3A_180 = tpu.memref_slice %arg16[%dma_wait3A_178, %dma_wait3A_179] : memref<10240x40xf32, #tpu.memory_space<vmem_shared>> -> memref<10240x40xf32, #tpu.memory_space<vmem_shared>>
        tpu.wait_indirect_dma semaphore(%arg23 : memref<!tpu.dma_semaphore, #tpu.memory_space<semaphore_mem>>) src(%arg14 : memref<64x40xf32, #tpu.memory_space<vmem>>) dst(%dma_wait3A_180 : memref<10240x40xf32, #tpu.memory_space<vmem_shared>>)
        %dma_wait3A_181 = arith.constant 0 : i32
        %dma_wait3A_182 = arith.constant 0 : i32
        %dma_wait3A_183 = tpu.memref_slice %arg10[%dma_wait3A_181, %dma_wait3A_182] : memref<20x64xi32, #tpu.memory_space<vmem>> -> memref<1x64xi32, #tpu.memory_space<vmem>>
        %dma_wait3A_184 = tpu.memref_squeeze %dma_wait3A_183 : memref<1x64xi32, #tpu.memory_space<vmem>> -> memref<64xi32, #tpu.memory_space<vmem>>
        %dma_wait3A_185 = arith.constant 0 : i32
        %dma_wait3A_186 = arith.constant 0 : i32
        %dma_wait3A_187 = tpu.memref_slice %arg16[%dma_wait3A_185, %dma_wait3A_186] : memref<10240x40xf32, #tpu.memory_space<vmem_shared>> -> memref<10240x40xf32, #tpu.memory_space<vmem_shared>>
        tpu.wait_indirect_dma semaphore(%arg24 : memref<!tpu.dma_semaphore, #tpu.memory_space<semaphore_mem>>) src(%arg15 : memref<64x40xf32, #tpu.memory_space<vmem>>) dst(%dma_wait3A_187 : memref<10240x40xf32, #tpu.memory_space<vmem_shared>>)
      } else {
      }
      %add3A_122 = arith.constant 2 : i32
      %add3A_123 = arith.addi %add3A_102, %add3A_122 : i32
      %lt3A_124 = arith.constant 8 : i32
      %lt3A_125 = arith.cmpi slt, %add3A_123, %lt3A_124 : i32
      %convert_element_type3A_126 = arith.extui %lt3A_125 : i1 to i32
      %cond3A_127 = arith.constant 0 : i32
      %cond3A_128 = arith.cmpi ne, %convert_element_type3A_126, %cond3A_127 : i32
      scf.if %cond3A_128 {
        %add3A_160 = arith.constant 2 : i32
        %add3A_161 = arith.addi %add3A_102, %add3A_160 : i32
        %mul3A_162 = arith.constant 160 : i32
        %mul3A_163 = arith.muli %add3A, %mul3A_162 : i32
        %mul3A_164 = arith.constant 20 : i32
        %mul3A_165 = arith.muli %add3A_161, %mul3A_164 : i32
        %add3A_166 = arith.addi %mul3A_163, %mul3A_165 : i32
        %dma_start3A_167 = arith.constant 0 : i32
        %dma_start3A_168 = tpu.memref_slice %arg3[%add3A_166, %dma_start3A_167] : memref<5120x64xi32, #tpu.memory_space<hbm>> -> memref<20x64xi32, #tpu.memory_space<hbm>>
        %dma_start3A_169 = arith.constant 0 : i32
        %dma_start3A_170 = tpu.memref_slice %arg3[%add3A_166, %dma_start3A_169] : memref<5120x64xi32, #tpu.memory_space<hbm>> -> memref<20x64xi32, #tpu.memory_space<hbm>>
        tpu.enqueue_dma source(%dma_start3A_170 : memref<20x64xi32, #tpu.memory_space<hbm>>) target(%arg8 : memref<20x64xi32, #tpu.memory_space<vmem>>) target_semaphore(%arg25 : memref<!tpu.dma_semaphore, #tpu.memory_space<semaphore_mem>>)
        %dma_start3A_171 = arith.constant 0 : i32
        %dma_start3A_172 = tpu.memref_slice %arg4[%add3A_166, %dma_start3A_171] : memref<5120x64xi32, #tpu.memory_space<hbm>> -> memref<20x64xi32, #tpu.memory_space<hbm>>
        %dma_start3A_173 = arith.constant 0 : i32
        %dma_start3A_174 = tpu.memref_slice %arg4[%add3A_166, %dma_start3A_173] : memref<5120x64xi32, #tpu.memory_space<hbm>> -> memref<20x64xi32, #tpu.memory_space<hbm>>
        tpu.enqueue_dma source(%dma_start3A_174 : memref<20x64xi32, #tpu.memory_space<hbm>>) target(%arg10 : memref<20x64xi32, #tpu.memory_space<vmem>>) target_semaphore(%arg25 : memref<!tpu.dma_semaphore, #tpu.memory_space<semaphore_mem>>)
      } else {
      }
      %mul3A_129 = arith.constant 2 : i32
      %mul3A_130 = arith.muli %mul3A_129, %scan3A_98 : i32
      %add3A_131 = arith.constant 1 : i32
      %add3A_132 = arith.addi %mul3A_130, %add3A_131 : i32
      %scan3A_133 = arith.constant 0 : i32
      %scan3A_134 = arith.constant 0 : i32
      %scan3A_135 = arith.constant 5 : i32
      %scan3A_136 = arith.addi %scan3A_134, %scan3A_135 : i32
      %scan3A_137 = arith.constant 1 : i32
      scf.for %scan3A_160 = %scan3A_134 to %scan3A_136 step %scan3A_137  : i32 {
        %dma_wait3A_161 = arith.constant 0 : i32
        %dma_wait3A_162 = arith.constant 0 : i32
        %dma_wait3A_163 = tpu.memref_slice %arg8[%dma_wait3A_161, %dma_wait3A_162] : memref<20x64xi32, #tpu.memory_space<vmem>> -> memref<1x64xi32, #tpu.memory_space<vmem>>
        %dma_wait3A_164 = tpu.memref_squeeze %dma_wait3A_163 : memref<1x64xi32, #tpu.memory_space<vmem>> -> memref<64xi32, #tpu.memory_space<vmem>>
        %dma_wait3A_165 = arith.constant 0 : i32
        %dma_wait3A_166 = arith.constant 0 : i32
        %dma_wait3A_167 = tpu.memref_slice %arg2[%dma_wait3A_165, %dma_wait3A_166] : memref<10000x40xf32, #tpu.memory_space<hbm>> -> memref<10000x40xf32, #tpu.memory_space<hbm>>
        tpu.wait_indirect_dma semaphore(%arg17 : memref<!tpu.dma_semaphore, #tpu.memory_space<semaphore_mem>>) src(%dma_wait3A_167 : memref<10000x40xf32, #tpu.memory_space<hbm>>) dst(%arg12 : memref<64x40xf32, #tpu.memory_space<vmem>>)
        %mul3A_168 = arith.constant 4 : i32
        %mul3A_169 = arith.muli %scan3A_160, %mul3A_168 : i32
        %add3A_170 = arith.constant 0 : i32
        %add3A_171 = arith.addi %mul3A_169, %add3A_170 : i32
        %dma_start3A_172 = arith.constant 0 : i32
        %dma_start3A_173 = tpu.memref_slice %arg11[%add3A_171, %dma_start3A_172] : memref<20x64xi32, #tpu.memory_space<vmem>> -> memref<1x64xi32, #tpu.memory_space<vmem>>
        %dma_start3A_174 = tpu.memref_squeeze %dma_start3A_173 : memref<1x64xi32, #tpu.memory_space<vmem>> -> memref<64xi32, #tpu.memory_space<vmem>>
        %dma_start3A_175 = arith.constant 0 : i32
        %dma_start3A_176 = arith.constant 0 : i32
        %dma_start3A_177 = tpu.memref_slice %arg16[%dma_start3A_175, %dma_start3A_176] : memref<10240x40xf32, #tpu.memory_space<vmem_shared>> -> memref<10240x40xf32, #tpu.memory_space<vmem_shared>>
        tpu.enqueue_indirect_dma source(%arg12 : memref<64x40xf32, #tpu.memory_space<vmem>>) target(%dma_start3A_177 : memref<10240x40xf32, #tpu.memory_space<vmem_shared>>) offsets(%dma_start3A_174 : memref<64xi32, #tpu.memory_space<vmem>>) semaphore(%arg21 : memref<!tpu.dma_semaphore, #tpu.memory_space<semaphore_mem>>) {add = true}
        %dma_wait3A_178 = arith.constant 0 : i32
        %dma_wait3A_179 = arith.constant 0 : i32
        %dma_wait3A_180 = tpu.memref_slice %arg8[%dma_wait3A_178, %dma_wait3A_179] : memref<20x64xi32, #tpu.memory_space<vmem>> -> memref<1x64xi32, #tpu.memory_space<vmem>>
        %dma_wait3A_181 = tpu.memref_squeeze %dma_wait3A_180 : memref<1x64xi32, #tpu.memory_space<vmem>> -> memref<64xi32, #tpu.memory_space<vmem>>
        %dma_wait3A_182 = arith.constant 0 : i32
        %dma_wait3A_183 = arith.constant 0 : i32
        %dma_wait3A_184 = tpu.memref_slice %arg2[%dma_wait3A_182, %dma_wait3A_183] : memref<10000x40xf32, #tpu.memory_space<hbm>> -> memref<10000x40xf32, #tpu.memory_space<hbm>>
        tpu.wait_indirect_dma semaphore(%arg18 : memref<!tpu.dma_semaphore, #tpu.memory_space<semaphore_mem>>) src(%dma_wait3A_184 : memref<10000x40xf32, #tpu.memory_space<hbm>>) dst(%arg13 : memref<64x40xf32, #tpu.memory_space<vmem>>)
        %mul3A_185 = arith.constant 4 : i32
        %mul3A_186 = arith.muli %scan3A_160, %mul3A_185 : i32
        %add3A_187 = arith.constant 1 : i32
        %add3A_188 = arith.addi %mul3A_186, %add3A_187 : i32
        %dma_start3A_189 = arith.constant 0 : i32
        %dma_start3A_190 = tpu.memref_slice %arg11[%add3A_188, %dma_start3A_189] : memref<20x64xi32, #tpu.memory_space<vmem>> -> memref<1x64xi32, #tpu.memory_space<vmem>>
        %dma_start3A_191 = tpu.memref_squeeze %dma_start3A_190 : memref<1x64xi32, #tpu.memory_space<vmem>> -> memref<64xi32, #tpu.memory_space<vmem>>
        %dma_start3A_192 = arith.constant 0 : i32
        %dma_start3A_193 = arith.constant 0 : i32
        %dma_start3A_194 = tpu.memref_slice %arg16[%dma_start3A_192, %dma_start3A_193] : memref<10240x40xf32, #tpu.memory_space<vmem_shared>> -> memref<10240x40xf32, #tpu.memory_space<vmem_shared>>
        tpu.enqueue_indirect_dma source(%arg13 : memref<64x40xf32, #tpu.memory_space<vmem>>) target(%dma_start3A_194 : memref<10240x40xf32, #tpu.memory_space<vmem_shared>>) offsets(%dma_start3A_191 : memref<64xi32, #tpu.memory_space<vmem>>) semaphore(%arg22 : memref<!tpu.dma_semaphore, #tpu.memory_space<semaphore_mem>>) {add = true}
        %dma_wait3A_195 = arith.constant 0 : i32
        %dma_wait3A_196 = arith.constant 0 : i32
        %dma_wait3A_197 = tpu.memref_slice %arg8[%dma_wait3A_195, %dma_wait3A_196] : memref<20x64xi32, #tpu.memory_space<vmem>> -> memref<1x64xi32, #tpu.memory_space<vmem>>
        %dma_wait3A_198 = tpu.memref_squeeze %dma_wait3A_197 : memref<1x64xi32, #tpu.memory_space<vmem>> -> memref<64xi32, #tpu.memory_space<vmem>>
        %dma_wait3A_199 = arith.constant 0 : i32
        %dma_wait3A_200 = arith.constant 0 : i32
        %dma_wait3A_201 = tpu.memref_slice %arg2[%dma_wait3A_199, %dma_wait3A_200] : memref<10000x40xf32, #tpu.memory_space<hbm>> -> memref<10000x40xf32, #tpu.memory_space<hbm>>
        tpu.wait_indirect_dma semaphore(%arg19 : memref<!tpu.dma_semaphore, #tpu.memory_space<semaphore_mem>>) src(%dma_wait3A_201 : memref<10000x40xf32, #tpu.memory_space<hbm>>) dst(%arg14 : memref<64x40xf32, #tpu.memory_space<vmem>>)
        %mul3A_202 = arith.constant 4 : i32
        %mul3A_203 = arith.muli %scan3A_160, %mul3A_202 : i32
        %add3A_204 = arith.constant 2 : i32
        %add3A_205 = arith.addi %mul3A_203, %add3A_204 : i32
        %dma_start3A_206 = arith.constant 0 : i32
        %dma_start3A_207 = tpu.memref_slice %arg11[%add3A_205, %dma_start3A_206] : memref<20x64xi32, #tpu.memory_space<vmem>> -> memref<1x64xi32, #tpu.memory_space<vmem>>
        %dma_start3A_208 = tpu.memref_squeeze %dma_start3A_207 : memref<1x64xi32, #tpu.memory_space<vmem>> -> memref<64xi32, #tpu.memory_space<vmem>>
        %dma_start3A_209 = arith.constant 0 : i32
        %dma_start3A_210 = arith.constant 0 : i32
        %dma_start3A_211 = tpu.memref_slice %arg16[%dma_start3A_209, %dma_start3A_210] : memref<10240x40xf32, #tpu.memory_space<vmem_shared>> -> memref<10240x40xf32, #tpu.memory_space<vmem_shared>>
        tpu.enqueue_indirect_dma source(%arg14 : memref<64x40xf32, #tpu.memory_space<vmem>>) target(%dma_start3A_211 : memref<10240x40xf32, #tpu.memory_space<vmem_shared>>) offsets(%dma_start3A_208 : memref<64xi32, #tpu.memory_space<vmem>>) semaphore(%arg23 : memref<!tpu.dma_semaphore, #tpu.memory_space<semaphore_mem>>) {add = true}
        %dma_wait3A_212 = arith.constant 0 : i32
        %dma_wait3A_213 = arith.constant 0 : i32
        %dma_wait3A_214 = tpu.memref_slice %arg8[%dma_wait3A_212, %dma_wait3A_213] : memref<20x64xi32, #tpu.memory_space<vmem>> -> memref<1x64xi32, #tpu.memory_space<vmem>>
        %dma_wait3A_215 = tpu.memref_squeeze %dma_wait3A_214 : memref<1x64xi32, #tpu.memory_space<vmem>> -> memref<64xi32, #tpu.memory_space<vmem>>
        %dma_wait3A_216 = arith.constant 0 : i32
        %dma_wait3A_217 = arith.constant 0 : i32
        %dma_wait3A_218 = tpu.memref_slice %arg2[%dma_wait3A_216, %dma_wait3A_217] : memref<10000x40xf32, #tpu.memory_space<hbm>> -> memref<10000x40xf32, #tpu.memory_space<hbm>>
        tpu.wait_indirect_dma semaphore(%arg20 : memref<!tpu.dma_semaphore, #tpu.memory_space<semaphore_mem>>) src(%dma_wait3A_218 : memref<10000x40xf32, #tpu.memory_space<hbm>>) dst(%arg15 : memref<64x40xf32, #tpu.memory_space<vmem>>)
        %mul3A_219 = arith.constant 4 : i32
        %mul3A_220 = arith.muli %scan3A_160, %mul3A_219 : i32
        %add3A_221 = arith.constant 3 : i32
        %add3A_222 = arith.addi %mul3A_220, %add3A_221 : i32
        %dma_start3A_223 = arith.constant 0 : i32
        %dma_start3A_224 = tpu.memref_slice %arg11[%add3A_222, %dma_start3A_223] : memref<20x64xi32, #tpu.memory_space<vmem>> -> memref<1x64xi32, #tpu.memory_space<vmem>>
        %dma_start3A_225 = tpu.memref_squeeze %dma_start3A_224 : memref<1x64xi32, #tpu.memory_space<vmem>> -> memref<64xi32, #tpu.memory_space<vmem>>
        %dma_start3A_226 = arith.constant 0 : i32
        %dma_start3A_227 = arith.constant 0 : i32
        %dma_start3A_228 = tpu.memref_slice %arg16[%dma_start3A_226, %dma_start3A_227] : memref<10240x40xf32, #tpu.memory_space<vmem_shared>> -> memref<10240x40xf32, #tpu.memory_space<vmem_shared>>
        tpu.enqueue_indirect_dma source(%arg15 : memref<64x40xf32, #tpu.memory_space<vmem>>) target(%dma_start3A_228 : memref<10240x40xf32, #tpu.memory_space<vmem_shared>>) offsets(%dma_start3A_225 : memref<64xi32, #tpu.memory_space<vmem>>) semaphore(%arg24 : memref<!tpu.dma_semaphore, #tpu.memory_space<semaphore_mem>>) {add = true}
        %add3A_229 = arith.constant 1 : i32
        %add3A_230 = arith.addi %scan3A_160, %add3A_229 : i32
        %mul3A_231 = arith.constant 4 : i32
        %mul3A_232 = arith.muli %add3A_230, %mul3A_231 : i32
        %add3A_233 = arith.constant 0 : i32
        %add3A_234 = arith.addi %mul3A_232, %add3A_233 : i32
        %lt3A_235 = arith.constant 20 : i32
        %lt3A_236 = arith.cmpi slt, %add3A_234, %lt3A_235 : i32
        %convert_element_type3A_237 = arith.extui %lt3A_236 : i1 to i32
        %cond3A_238 = arith.constant 0 : i32
        %cond3A_239 = arith.cmpi ne, %convert_element_type3A_237, %cond3A_238 : i32
        scf.if %cond3A_239 {
          %dma_wait3A_273 = arith.constant 0 : i32
          %dma_wait3A_274 = arith.constant 0 : i32
          %dma_wait3A_275 = tpu.memref_slice %arg10[%dma_wait3A_273, %dma_wait3A_274] : memref<20x64xi32, #tpu.memory_space<vmem>> -> memref<1x64xi32, #tpu.memory_space<vmem>>
          %dma_wait3A_276 = tpu.memref_squeeze %dma_wait3A_275 : memref<1x64xi32, #tpu.memory_space<vmem>> -> memref<64xi32, #tpu.memory_space<vmem>>
          %dma_wait3A_277 = arith.constant 0 : i32
          %dma_wait3A_278 = arith.constant 0 : i32
          %dma_wait3A_279 = tpu.memref_slice %arg16[%dma_wait3A_277, %dma_wait3A_278] : memref<10240x40xf32, #tpu.memory_space<vmem_shared>> -> memref<10240x40xf32, #tpu.memory_space<vmem_shared>>
          tpu.wait_indirect_dma semaphore(%arg21 : memref<!tpu.dma_semaphore, #tpu.memory_space<semaphore_mem>>) src(%arg12 : memref<64x40xf32, #tpu.memory_space<vmem>>) dst(%dma_wait3A_279 : memref<10240x40xf32, #tpu.memory_space<vmem_shared>>)
          %dma_start3A_280 = arith.constant 0 : i32
          %dma_start3A_281 = tpu.memref_slice %arg9[%add3A_234, %dma_start3A_280] : memref<20x64xi32, #tpu.memory_space<vmem>> -> memref<1x64xi32, #tpu.memory_space<vmem>>
          %dma_start3A_282 = tpu.memref_squeeze %dma_start3A_281 : memref<1x64xi32, #tpu.memory_space<vmem>> -> memref<64xi32, #tpu.memory_space<vmem>>
          %dma_start3A_283 = arith.constant 0 : i32
          %dma_start3A_284 = arith.constant 0 : i32
          %dma_start3A_285 = tpu.memref_slice %arg2[%dma_start3A_283, %dma_start3A_284] : memref<10000x40xf32, #tpu.memory_space<hbm>> -> memref<10000x40xf32, #tpu.memory_space<hbm>>
          tpu.enqueue_indirect_dma source(%dma_start3A_285 : memref<10000x40xf32, #tpu.memory_space<hbm>>) target(%arg12 : memref<64x40xf32, #tpu.memory_space<vmem>>) offsets(%dma_start3A_282 : memref<64xi32, #tpu.memory_space<vmem>>) semaphore(%arg17 : memref<!tpu.dma_semaphore, #tpu.memory_space<semaphore_mem>>)
        } else {
        }
        %add3A_240 = arith.constant 1 : i32
        %add3A_241 = arith.addi %scan3A_160, %add3A_240 : i32
        %mul3A_242 = arith.constant 4 : i32
        %mul3A_243 = arith.muli %add3A_241, %mul3A_242 : i32
        %add3A_244 = arith.constant 1 : i32
        %add3A_245 = arith.addi %mul3A_243, %add3A_244 : i32
        %lt3A_246 = arith.constant 20 : i32
        %lt3A_247 = arith.cmpi slt, %add3A_245, %lt3A_246 : i32
        %convert_element_type3A_248 = arith.extui %lt3A_247 : i1 to i32
        %cond3A_249 = arith.constant 0 : i32
        %cond3A_250 = arith.cmpi ne, %convert_element_type3A_248, %cond3A_249 : i32
        scf.if %cond3A_250 {
          %dma_wait3A_273 = arith.constant 0 : i32
          %dma_wait3A_274 = arith.constant 0 : i32
          %dma_wait3A_275 = tpu.memref_slice %arg10[%dma_wait3A_273, %dma_wait3A_274] : memref<20x64xi32, #tpu.memory_space<vmem>> -> memref<1x64xi32, #tpu.memory_space<vmem>>
          %dma_wait3A_276 = tpu.memref_squeeze %dma_wait3A_275 : memref<1x64xi32, #tpu.memory_space<vmem>> -> memref<64xi32, #tpu.memory_space<vmem>>
          %dma_wait3A_277 = arith.constant 0 : i32
          %dma_wait3A_278 = arith.constant 0 : i32
          %dma_wait3A_279 = tpu.memref_slice %arg16[%dma_wait3A_277, %dma_wait3A_278] : memref<10240x40xf32, #tpu.memory_space<vmem_shared>> -> memref<10240x40xf32, #tpu.memory_space<vmem_shared>>
          tpu.wait_indirect_dma semaphore(%arg22 : memref<!tpu.dma_semaphore, #tpu.memory_space<semaphore_mem>>) src(%arg13 : memref<64x40xf32, #tpu.memory_space<vmem>>) dst(%dma_wait3A_279 : memref<10240x40xf32, #tpu.memory_space<vmem_shared>>)
          %dma_start3A_280 = arith.constant 0 : i32
          %dma_start3A_281 = tpu.memref_slice %arg9[%add3A_245, %dma_start3A_280] : memref<20x64xi32, #tpu.memory_space<vmem>> -> memref<1x64xi32, #tpu.memory_space<vmem>>
          %dma_start3A_282 = tpu.memref_squeeze %dma_start3A_281 : memref<1x64xi32, #tpu.memory_space<vmem>> -> memref<64xi32, #tpu.memory_space<vmem>>
          %dma_start3A_283 = arith.constant 0 : i32
          %dma_start3A_284 = arith.constant 0 : i32
          %dma_start3A_285 = tpu.memref_slice %arg2[%dma_start3A_283, %dma_start3A_284] : memref<10000x40xf32, #tpu.memory_space<hbm>> -> memref<10000x40xf32, #tpu.memory_space<hbm>>
          tpu.enqueue_indirect_dma source(%dma_start3A_285 : memref<10000x40xf32, #tpu.memory_space<hbm>>) target(%arg13 : memref<64x40xf32, #tpu.memory_space<vmem>>) offsets(%dma_start3A_282 : memref<64xi32, #tpu.memory_space<vmem>>) semaphore(%arg18 : memref<!tpu.dma_semaphore, #tpu.memory_space<semaphore_mem>>)
        } else {
        }
        %add3A_251 = arith.constant 1 : i32
        %add3A_252 = arith.addi %scan3A_160, %add3A_251 : i32
        %mul3A_253 = arith.constant 4 : i32
        %mul3A_254 = arith.muli %add3A_252, %mul3A_253 : i32
        %add3A_255 = arith.constant 2 : i32
        %add3A_256 = arith.addi %mul3A_254, %add3A_255 : i32
        %lt3A_257 = arith.constant 20 : i32
        %lt3A_258 = arith.cmpi slt, %add3A_256, %lt3A_257 : i32
        %convert_element_type3A_259 = arith.extui %lt3A_258 : i1 to i32
        %cond3A_260 = arith.constant 0 : i32
        %cond3A_261 = arith.cmpi ne, %convert_element_type3A_259, %cond3A_260 : i32
        scf.if %cond3A_261 {
          %dma_wait3A_273 = arith.constant 0 : i32
          %dma_wait3A_274 = arith.constant 0 : i32
          %dma_wait3A_275 = tpu.memref_slice %arg10[%dma_wait3A_273, %dma_wait3A_274] : memref<20x64xi32, #tpu.memory_space<vmem>> -> memref<1x64xi32, #tpu.memory_space<vmem>>
          %dma_wait3A_276 = tpu.memref_squeeze %dma_wait3A_275 : memref<1x64xi32, #tpu.memory_space<vmem>> -> memref<64xi32, #tpu.memory_space<vmem>>
          %dma_wait3A_277 = arith.constant 0 : i32
          %dma_wait3A_278 = arith.constant 0 : i32
          %dma_wait3A_279 = tpu.memref_slice %arg16[%dma_wait3A_277, %dma_wait3A_278] : memref<10240x40xf32, #tpu.memory_space<vmem_shared>> -> memref<10240x40xf32, #tpu.memory_space<vmem_shared>>
          tpu.wait_indirect_dma semaphore(%arg23 : memref<!tpu.dma_semaphore, #tpu.memory_space<semaphore_mem>>) src(%arg14 : memref<64x40xf32, #tpu.memory_space<vmem>>) dst(%dma_wait3A_279 : memref<10240x40xf32, #tpu.memory_space<vmem_shared>>)
          %dma_start3A_280 = arith.constant 0 : i32
          %dma_start3A_281 = tpu.memref_slice %arg9[%add3A_256, %dma_start3A_280] : memref<20x64xi32, #tpu.memory_space<vmem>> -> memref<1x64xi32, #tpu.memory_space<vmem>>
          %dma_start3A_282 = tpu.memref_squeeze %dma_start3A_281 : memref<1x64xi32, #tpu.memory_space<vmem>> -> memref<64xi32, #tpu.memory_space<vmem>>
          %dma_start3A_283 = arith.constant 0 : i32
          %dma_start3A_284 = arith.constant 0 : i32
          %dma_start3A_285 = tpu.memref_slice %arg2[%dma_start3A_283, %dma_start3A_284] : memref<10000x40xf32, #tpu.memory_space<hbm>> -> memref<10000x40xf32, #tpu.memory_space<hbm>>
          tpu.enqueue_indirect_dma source(%dma_start3A_285 : memref<10000x40xf32, #tpu.memory_space<hbm>>) target(%arg14 : memref<64x40xf32, #tpu.memory_space<vmem>>) offsets(%dma_start3A_282 : memref<64xi32, #tpu.memory_space<vmem>>) semaphore(%arg19 : memref<!tpu.dma_semaphore, #tpu.memory_space<semaphore_mem>>)
        } else {
        }
        %add3A_262 = arith.constant 1 : i32
        %add3A_263 = arith.addi %scan3A_160, %add3A_262 : i32
        %mul3A_264 = arith.constant 4 : i32
        %mul3A_265 = arith.muli %add3A_263, %mul3A_264 : i32
        %add3A_266 = arith.constant 3 : i32
        %add3A_267 = arith.addi %mul3A_265, %add3A_266 : i32
        %lt3A_268 = arith.constant 20 : i32
        %lt3A_269 = arith.cmpi slt, %add3A_267, %lt3A_268 : i32
        %convert_element_type3A_270 = arith.extui %lt3A_269 : i1 to i32
        %cond3A_271 = arith.constant 0 : i32
        %cond3A_272 = arith.cmpi ne, %convert_element_type3A_270, %cond3A_271 : i32
        scf.if %cond3A_272 {
          %dma_wait3A_273 = arith.constant 0 : i32
          %dma_wait3A_274 = arith.constant 0 : i32
          %dma_wait3A_275 = tpu.memref_slice %arg10[%dma_wait3A_273, %dma_wait3A_274] : memref<20x64xi32, #tpu.memory_space<vmem>> -> memref<1x64xi32, #tpu.memory_space<vmem>>
          %dma_wait3A_276 = tpu.memref_squeeze %dma_wait3A_275 : memref<1x64xi32, #tpu.memory_space<vmem>> -> memref<64xi32, #tpu.memory_space<vmem>>
          %dma_wait3A_277 = arith.constant 0 : i32
          %dma_wait3A_278 = arith.constant 0 : i32
          %dma_wait3A_279 = tpu.memref_slice %arg16[%dma_wait3A_277, %dma_wait3A_278] : memref<10240x40xf32, #tpu.memory_space<vmem_shared>> -> memref<10240x40xf32, #tpu.memory_space<vmem_shared>>
          tpu.wait_indirect_dma semaphore(%arg24 : memref<!tpu.dma_semaphore, #tpu.memory_space<semaphore_mem>>) src(%arg15 : memref<64x40xf32, #tpu.memory_space<vmem>>) dst(%dma_wait3A_279 : memref<10240x40xf32, #tpu.memory_space<vmem_shared>>)
          %dma_start3A_280 = arith.constant 0 : i32
          %dma_start3A_281 = tpu.memref_slice %arg9[%add3A_267, %dma_start3A_280] : memref<20x64xi32, #tpu.memory_space<vmem>> -> memref<1x64xi32, #tpu.memory_space<vmem>>
          %dma_start3A_282 = tpu.memref_squeeze %dma_start3A_281 : memref<1x64xi32, #tpu.memory_space<vmem>> -> memref<64xi32, #tpu.memory_space<vmem>>
          %dma_start3A_283 = arith.constant 0 : i32
          %dma_start3A_284 = arith.constant 0 : i32
          %dma_start3A_285 = tpu.memref_slice %arg2[%dma_start3A_283, %dma_start3A_284] : memref<10000x40xf32, #tpu.memory_space<hbm>> -> memref<10000x40xf32, #tpu.memory_space<hbm>>
          tpu.enqueue_indirect_dma source(%dma_start3A_285 : memref<10000x40xf32, #tpu.memory_space<hbm>>) target(%arg15 : memref<64x40xf32, #tpu.memory_space<vmem>>) offsets(%dma_start3A_282 : memref<64xi32, #tpu.memory_space<vmem>>) semaphore(%arg20 : memref<!tpu.dma_semaphore, #tpu.memory_space<semaphore_mem>>)
        } else {
        }
      }
      %scan3A_138 = arith.constant 5 : i32
      %add3A_139 = arith.constant 1 : i32
      %add3A_140 = arith.addi %add3A_132, %add3A_139 : i32
      %lt3A_141 = arith.constant 8 : i32
      %lt3A_142 = arith.cmpi slt, %add3A_140, %lt3A_141 : i32
      %convert_element_type3A_143 = arith.extui %lt3A_142 : i1 to i32
      %cond3A_144 = arith.constant 0 : i32
      %cond3A_145 = arith.cmpi ne, %convert_element_type3A_143, %cond3A_144 : i32
      scf.if %cond3A_145 {
        %dma_wait3A_160 = arith.constant 0 : i32
        %dma_wait3A_161 = arith.constant 0 : i32
        %dma_wait3A_162 = tpu.memref_slice %arg3[%dma_wait3A_160, %dma_wait3A_161] : memref<5120x64xi32, #tpu.memory_space<hbm>> -> memref<20x64xi32, #tpu.memory_space<hbm>>
        %dma_wait3A_163 = arith.constant 0 : i32
        %dma_wait3A_164 = arith.constant 0 : i32
        %dma_wait3A_165 = tpu.memref_slice %arg3[%dma_wait3A_163, %dma_wait3A_164] : memref<5120x64xi32, #tpu.memory_space<hbm>> -> memref<20x64xi32, #tpu.memory_space<hbm>>
        tpu.wait_dma2 semaphore(%arg25 : memref<!tpu.dma_semaphore, #tpu.memory_space<semaphore_mem>>) src(%dma_wait3A_165 : memref<20x64xi32, #tpu.memory_space<hbm>>) dst(%arg8 : memref<20x64xi32, #tpu.memory_space<vmem>>)
        %dma_wait3A_166 = arith.constant 0 : i32
        %dma_wait3A_167 = arith.constant 0 : i32
        %dma_wait3A_168 = tpu.memref_slice %arg4[%dma_wait3A_166, %dma_wait3A_167] : memref<5120x64xi32, #tpu.memory_space<hbm>> -> memref<20x64xi32, #tpu.memory_space<hbm>>
        %dma_wait3A_169 = arith.constant 0 : i32
        %dma_wait3A_170 = arith.constant 0 : i32
        %dma_wait3A_171 = tpu.memref_slice %arg4[%dma_wait3A_169, %dma_wait3A_170] : memref<5120x64xi32, #tpu.memory_space<hbm>> -> memref<20x64xi32, #tpu.memory_space<hbm>>
        tpu.wait_dma2 semaphore(%arg25 : memref<!tpu.dma_semaphore, #tpu.memory_space<semaphore_mem>>) src(%dma_wait3A_171 : memref<20x64xi32, #tpu.memory_space<hbm>>) dst(%arg10 : memref<20x64xi32, #tpu.memory_space<vmem>>)
        %dma_wait3A_172 = arith.constant 0 : i32
        %dma_wait3A_173 = arith.constant 0 : i32
        %dma_wait3A_174 = tpu.memref_slice %arg10[%dma_wait3A_172, %dma_wait3A_173] : memref<20x64xi32, #tpu.memory_space<vmem>> -> memref<1x64xi32, #tpu.memory_space<vmem>>
        %dma_wait3A_175 = tpu.memref_squeeze %dma_wait3A_174 : memref<1x64xi32, #tpu.memory_space<vmem>> -> memref<64xi32, #tpu.memory_space<vmem>>
        %dma_wait3A_176 = arith.constant 0 : i32
        %dma_wait3A_177 = arith.constant 0 : i32
        %dma_wait3A_178 = tpu.memref_slice %arg16[%dma_wait3A_176, %dma_wait3A_177] : memref<10240x40xf32, #tpu.memory_space<vmem_shared>> -> memref<10240x40xf32, #tpu.memory_space<vmem_shared>>
        tpu.wait_indirect_dma semaphore(%arg21 : memref<!tpu.dma_semaphore, #tpu.memory_space<semaphore_mem>>) src(%arg12 : memref<64x40xf32, #tpu.memory_space<vmem>>) dst(%dma_wait3A_178 : memref<10240x40xf32, #tpu.memory_space<vmem_shared>>)
        %dma_start3A_179 = arith.constant 0 : i32
        %dma_start3A_180 = arith.constant 0 : i32
        %dma_start3A_181 = tpu.memref_slice %arg8[%dma_start3A_179, %dma_start3A_180] : memref<20x64xi32, #tpu.memory_space<vmem>> -> memref<1x64xi32, #tpu.memory_space<vmem>>
        %dma_start3A_182 = tpu.memref_squeeze %dma_start3A_181 : memref<1x64xi32, #tpu.memory_space<vmem>> -> memref<64xi32, #tpu.memory_space<vmem>>
        %dma_start3A_183 = arith.constant 0 : i32
        %dma_start3A_184 = arith.constant 0 : i32
        %dma_start3A_185 = tpu.memref_slice %arg2[%dma_start3A_183, %dma_start3A_184] : memref<10000x40xf32, #tpu.memory_space<hbm>> -> memref<10000x40xf32, #tpu.memory_space<hbm>>
        tpu.enqueue_indirect_dma source(%dma_start3A_185 : memref<10000x40xf32, #tpu.memory_space<hbm>>) target(%arg12 : memref<64x40xf32, #tpu.memory_space<vmem>>) offsets(%dma_start3A_182 : memref<64xi32, #tpu.memory_space<vmem>>) semaphore(%arg17 : memref<!tpu.dma_semaphore, #tpu.memory_space<semaphore_mem>>)
        %dma_wait3A_186 = arith.constant 0 : i32
        %dma_wait3A_187 = arith.constant 0 : i32
        %dma_wait3A_188 = tpu.memref_slice %arg10[%dma_wait3A_186, %dma_wait3A_187] : memref<20x64xi32, #tpu.memory_space<vmem>> -> memref<1x64xi32, #tpu.memory_space<vmem>>
        %dma_wait3A_189 = tpu.memref_squeeze %dma_wait3A_188 : memref<1x64xi32, #tpu.memory_space<vmem>> -> memref<64xi32, #tpu.memory_space<vmem>>
        %dma_wait3A_190 = arith.constant 0 : i32
        %dma_wait3A_191 = arith.constant 0 : i32
        %dma_wait3A_192 = tpu.memref_slice %arg16[%dma_wait3A_190, %dma_wait3A_191] : memref<10240x40xf32, #tpu.memory_space<vmem_shared>> -> memref<10240x40xf32, #tpu.memory_space<vmem_shared>>
        tpu.wait_indirect_dma semaphore(%arg22 : memref<!tpu.dma_semaphore, #tpu.memory_space<semaphore_mem>>) src(%arg13 : memref<64x40xf32, #tpu.memory_space<vmem>>) dst(%dma_wait3A_192 : memref<10240x40xf32, #tpu.memory_space<vmem_shared>>)
        %dma_start3A_193 = arith.constant 1 : i32
        %dma_start3A_194 = arith.constant 0 : i32
        %dma_start3A_195 = tpu.memref_slice %arg8[%dma_start3A_193, %dma_start3A_194] : memref<20x64xi32, #tpu.memory_space<vmem>> -> memref<1x64xi32, #tpu.memory_space<vmem>>
        %dma_start3A_196 = tpu.memref_squeeze %dma_start3A_195 : memref<1x64xi32, #tpu.memory_space<vmem>> -> memref<64xi32, #tpu.memory_space<vmem>>
        %dma_start3A_197 = arith.constant 0 : i32
        %dma_start3A_198 = arith.constant 0 : i32
        %dma_start3A_199 = tpu.memref_slice %arg2[%dma_start3A_197, %dma_start3A_198] : memref<10000x40xf32, #tpu.memory_space<hbm>> -> memref<10000x40xf32, #tpu.memory_space<hbm>>
        tpu.enqueue_indirect_dma source(%dma_start3A_199 : memref<10000x40xf32, #tpu.memory_space<hbm>>) target(%arg13 : memref<64x40xf32, #tpu.memory_space<vmem>>) offsets(%dma_start3A_196 : memref<64xi32, #tpu.memory_space<vmem>>) semaphore(%arg18 : memref<!tpu.dma_semaphore, #tpu.memory_space<semaphore_mem>>)
        %dma_wait3A_200 = arith.constant 0 : i32
        %dma_wait3A_201 = arith.constant 0 : i32
        %dma_wait3A_202 = tpu.memref_slice %arg10[%dma_wait3A_200, %dma_wait3A_201] : memref<20x64xi32, #tpu.memory_space<vmem>> -> memref<1x64xi32, #tpu.memory_space<vmem>>
        %dma_wait3A_203 = tpu.memref_squeeze %dma_wait3A_202 : memref<1x64xi32, #tpu.memory_space<vmem>> -> memref<64xi32, #tpu.memory_space<vmem>>
        %dma_wait3A_204 = arith.constant 0 : i32
        %dma_wait3A_205 = arith.constant 0 : i32
        %dma_wait3A_206 = tpu.memref_slice %arg16[%dma_wait3A_204, %dma_wait3A_205] : memref<10240x40xf32, #tpu.memory_space<vmem_shared>> -> memref<10240x40xf32, #tpu.memory_space<vmem_shared>>
        tpu.wait_indirect_dma semaphore(%arg23 : memref<!tpu.dma_semaphore, #tpu.memory_space<semaphore_mem>>) src(%arg14 : memref<64x40xf32, #tpu.memory_space<vmem>>) dst(%dma_wait3A_206 : memref<10240x40xf32, #tpu.memory_space<vmem_shared>>)
        %dma_start3A_207 = arith.constant 2 : i32
        %dma_start3A_208 = arith.constant 0 : i32
        %dma_start3A_209 = tpu.memref_slice %arg8[%dma_start3A_207, %dma_start3A_208] : memref<20x64xi32, #tpu.memory_space<vmem>> -> memref<1x64xi32, #tpu.memory_space<vmem>>
        %dma_start3A_210 = tpu.memref_squeeze %dma_start3A_209 : memref<1x64xi32, #tpu.memory_space<vmem>> -> memref<64xi32, #tpu.memory_space<vmem>>
        %dma_start3A_211 = arith.constant 0 : i32
        %dma_start3A_212 = arith.constant 0 : i32
        %dma_start3A_213 = tpu.memref_slice %arg2[%dma_start3A_211, %dma_start3A_212] : memref<10000x40xf32, #tpu.memory_space<hbm>> -> memref<10000x40xf32, #tpu.memory_space<hbm>>
        tpu.enqueue_indirect_dma source(%dma_start3A_213 : memref<10000x40xf32, #tpu.memory_space<hbm>>) target(%arg14 : memref<64x40xf32, #tpu.memory_space<vmem>>) offsets(%dma_start3A_210 : memref<64xi32, #tpu.memory_space<vmem>>) semaphore(%arg19 : memref<!tpu.dma_semaphore, #tpu.memory_space<semaphore_mem>>)
        %dma_wait3A_214 = arith.constant 0 : i32
        %dma_wait3A_215 = arith.constant 0 : i32
        %dma_wait3A_216 = tpu.memref_slice %arg10[%dma_wait3A_214, %dma_wait3A_215] : memref<20x64xi32, #tpu.memory_space<vmem>> -> memref<1x64xi32, #tpu.memory_space<vmem>>
        %dma_wait3A_217 = tpu.memref_squeeze %dma_wait3A_216 : memref<1x64xi32, #tpu.memory_space<vmem>> -> memref<64xi32, #tpu.memory_space<vmem>>
        %dma_wait3A_218 = arith.constant 0 : i32
        %dma_wait3A_219 = arith.constant 0 : i32
        %dma_wait3A_220 = tpu.memref_slice %arg16[%dma_wait3A_218, %dma_wait3A_219] : memref<10240x40xf32, #tpu.memory_space<vmem_shared>> -> memref<10240x40xf32, #tpu.memory_space<vmem_shared>>
        tpu.wait_indirect_dma semaphore(%arg24 : memref<!tpu.dma_semaphore, #tpu.memory_space<semaphore_mem>>) src(%arg15 : memref<64x40xf32, #tpu.memory_space<vmem>>) dst(%dma_wait3A_220 : memref<10240x40xf32, #tpu.memory_space<vmem_shared>>)
        %dma_start3A_221 = arith.constant 3 : i32
        %dma_start3A_222 = arith.constant 0 : i32
        %dma_start3A_223 = tpu.memref_slice %arg8[%dma_start3A_221, %dma_start3A_222] : memref<20x64xi32, #tpu.memory_space<vmem>> -> memref<1x64xi32, #tpu.memory_space<vmem>>
        %dma_start3A_224 = tpu.memref_squeeze %dma_start3A_223 : memref<1x64xi32, #tpu.memory_space<vmem>> -> memref<64xi32, #tpu.memory_space<vmem>>
        %dma_start3A_225 = arith.constant 0 : i32
        %dma_start3A_226 = arith.constant 0 : i32
        %dma_start3A_227 = tpu.memref_slice %arg2[%dma_start3A_225, %dma_start3A_226] : memref<10000x40xf32, #tpu.memory_space<hbm>> -> memref<10000x40xf32, #tpu.memory_space<hbm>>
        tpu.enqueue_indirect_dma source(%dma_start3A_227 : memref<10000x40xf32, #tpu.memory_space<hbm>>) target(%arg15 : memref<64x40xf32, #tpu.memory_space<vmem>>) offsets(%dma_start3A_224 : memref<64xi32, #tpu.memory_space<vmem>>) semaphore(%arg20 : memref<!tpu.dma_semaphore, #tpu.memory_space<semaphore_mem>>)
      } else {
      }
      %add3A_146 = arith.constant 1 : i32
      %add3A_147 = arith.addi %add3A_132, %add3A_146 : i32
      %ge3A_148 = arith.constant 8 : i32
      %ge3A_149 = arith.cmpi sge, %add3A_147, %ge3A_148 : i32
      %convert_element_type3A_150 = arith.extui %ge3A_149 : i1 to i32
      %cond3A_151 = arith.constant 0 : i32
      %cond3A_152 = arith.cmpi ne, %convert_element_type3A_150, %cond3A_151 : i32
      scf.if %cond3A_152 {
        %dma_wait3A_160 = arith.constant 0 : i32
        %dma_wait3A_161 = arith.constant 0 : i32
        %dma_wait3A_162 = tpu.memref_slice %arg10[%dma_wait3A_160, %dma_wait3A_161] : memref<20x64xi32, #tpu.memory_space<vmem>> -> memref<1x64xi32, #tpu.memory_space<vmem>>
        %dma_wait3A_163 = tpu.memref_squeeze %dma_wait3A_162 : memref<1x64xi32, #tpu.memory_space<vmem>> -> memref<64xi32, #tpu.memory_space<vmem>>
        %dma_wait3A_164 = arith.constant 0 : i32
        %dma_wait3A_165 = arith.constant 0 : i32
        %dma_wait3A_166 = tpu.memref_slice %arg16[%dma_wait3A_164, %dma_wait3A_165] : memref<10240x40xf32, #tpu.memory_space<vmem_shared>> -> memref<10240x40xf32, #tpu.memory_space<vmem_shared>>
        tpu.wait_indirect_dma semaphore(%arg21 : memref<!tpu.dma_semaphore, #tpu.memory_space<semaphore_mem>>) src(%arg12 : memref<64x40xf32, #tpu.memory_space<vmem>>) dst(%dma_wait3A_166 : memref<10240x40xf32, #tpu.memory_space<vmem_shared>>)
        %dma_wait3A_167 = arith.constant 0 : i32
        %dma_wait3A_168 = arith.constant 0 : i32
        %dma_wait3A_169 = tpu.memref_slice %arg10[%dma_wait3A_167, %dma_wait3A_168] : memref<20x64xi32, #tpu.memory_space<vmem>> -> memref<1x64xi32, #tpu.memory_space<vmem>>
        %dma_wait3A_170 = tpu.memref_squeeze %dma_wait3A_169 : memref<1x64xi32, #tpu.memory_space<vmem>> -> memref<64xi32, #tpu.memory_space<vmem>>
        %dma_wait3A_171 = arith.constant 0 : i32
        %dma_wait3A_172 = arith.constant 0 : i32
        %dma_wait3A_173 = tpu.memref_slice %arg16[%dma_wait3A_171, %dma_wait3A_172] : memref<10240x40xf32, #tpu.memory_space<vmem_shared>> -> memref<10240x40xf32, #tpu.memory_space<vmem_shared>>
        tpu.wait_indirect_dma semaphore(%arg22 : memref<!tpu.dma_semaphore, #tpu.memory_space<semaphore_mem>>) src(%arg13 : memref<64x40xf32, #tpu.memory_space<vmem>>) dst(%dma_wait3A_173 : memref<10240x40xf32, #tpu.memory_space<vmem_shared>>)
        %dma_wait3A_174 = arith.constant 0 : i32
        %dma_wait3A_175 = arith.constant 0 : i32
        %dma_wait3A_176 = tpu.memref_slice %arg10[%dma_wait3A_174, %dma_wait3A_175] : memref<20x64xi32, #tpu.memory_space<vmem>> -> memref<1x64xi32, #tpu.memory_space<vmem>>
        %dma_wait3A_177 = tpu.memref_squeeze %dma_wait3A_176 : memref<1x64xi32, #tpu.memory_space<vmem>> -> memref<64xi32, #tpu.memory_space<vmem>>
        %dma_wait3A_178 = arith.constant 0 : i32
        %dma_wait3A_179 = arith.constant 0 : i32
        %dma_wait3A_180 = tpu.memref_slice %arg16[%dma_wait3A_178, %dma_wait3A_179] : memref<10240x40xf32, #tpu.memory_space<vmem_shared>> -> memref<10240x40xf32, #tpu.memory_space<vmem_shared>>
        tpu.wait_indirect_dma semaphore(%arg23 : memref<!tpu.dma_semaphore, #tpu.memory_space<semaphore_mem>>) src(%arg14 : memref<64x40xf32, #tpu.memory_space<vmem>>) dst(%dma_wait3A_180 : memref<10240x40xf32, #tpu.memory_space<vmem_shared>>)
        %dma_wait3A_181 = arith.constant 0 : i32
        %dma_wait3A_182 = arith.constant 0 : i32
        %dma_wait3A_183 = tpu.memref_slice %arg10[%dma_wait3A_181, %dma_wait3A_182] : memref<20x64xi32, #tpu.memory_space<vmem>> -> memref<1x64xi32, #tpu.memory_space<vmem>>
        %dma_wait3A_184 = tpu.memref_squeeze %dma_wait3A_183 : memref<1x64xi32, #tpu.memory_space<vmem>> -> memref<64xi32, #tpu.memory_space<vmem>>
        %dma_wait3A_185 = arith.constant 0 : i32
        %dma_wait3A_186 = arith.constant 0 : i32
        %dma_wait3A_187 = tpu.memref_slice %arg16[%dma_wait3A_185, %dma_wait3A_186] : memref<10240x40xf32, #tpu.memory_space<vmem_shared>> -> memref<10240x40xf32, #tpu.memory_space<vmem_shared>>
        tpu.wait_indirect_dma semaphore(%arg24 : memref<!tpu.dma_semaphore, #tpu.memory_space<semaphore_mem>>) src(%arg15 : memref<64x40xf32, #tpu.memory_space<vmem>>) dst(%dma_wait3A_187 : memref<10240x40xf32, #tpu.memory_space<vmem_shared>>)
      } else {
      }
      %add3A_153 = arith.constant 2 : i32
      %add3A_154 = arith.addi %add3A_132, %add3A_153 : i32
      %lt3A_155 = arith.constant 8 : i32
      %lt3A_156 = arith.cmpi slt, %add3A_154, %lt3A_155 : i32
      %convert_element_type3A_157 = arith.extui %lt3A_156 : i1 to i32
      %cond3A_158 = arith.constant 0 : i32
      %cond3A_159 = arith.cmpi ne, %convert_element_type3A_157, %cond3A_158 : i32
      scf.if %cond3A_159 {
        %add3A_160 = arith.constant 2 : i32
        %add3A_161 = arith.addi %add3A_132, %add3A_160 : i32
        %mul3A_162 = arith.constant 160 : i32
        %mul3A_163 = arith.muli %add3A, %mul3A_162 : i32
        %mul3A_164 = arith.constant 20 : i32
        %mul3A_165 = arith.muli %add3A_161, %mul3A_164 : i32
        %add3A_166 = arith.addi %mul3A_163, %mul3A_165 : i32
        %dma_start3A_167 = arith.constant 0 : i32
        %dma_start3A_168 = tpu.memref_slice %arg3[%add3A_166, %dma_start3A_167] : memref<5120x64xi32, #tpu.memory_space<hbm>> -> memref<20x64xi32, #tpu.memory_space<hbm>>
        %dma_start3A_169 = arith.constant 0 : i32
        %dma_start3A_170 = tpu.memref_slice %arg3[%add3A_166, %dma_start3A_169] : memref<5120x64xi32, #tpu.memory_space<hbm>> -> memref<20x64xi32, #tpu.memory_space<hbm>>
        tpu.enqueue_dma source(%dma_start3A_170 : memref<20x64xi32, #tpu.memory_space<hbm>>) target(%arg9 : memref<20x64xi32, #tpu.memory_space<vmem>>) target_semaphore(%arg26 : memref<!tpu.dma_semaphore, #tpu.memory_space<semaphore_mem>>)
        %dma_start3A_171 = arith.constant 0 : i32
        %dma_start3A_172 = tpu.memref_slice %arg4[%add3A_166, %dma_start3A_171] : memref<5120x64xi32, #tpu.memory_space<hbm>> -> memref<20x64xi32, #tpu.memory_space<hbm>>
        %dma_start3A_173 = arith.constant 0 : i32
        %dma_start3A_174 = tpu.memref_slice %arg4[%add3A_166, %dma_start3A_173] : memref<5120x64xi32, #tpu.memory_space<hbm>> -> memref<20x64xi32, #tpu.memory_space<hbm>>
        tpu.enqueue_dma source(%dma_start3A_174 : memref<20x64xi32, #tpu.memory_space<hbm>>) target(%arg11 : memref<20x64xi32, #tpu.memory_space<vmem>>) target_semaphore(%arg26 : memref<!tpu.dma_semaphore, #tpu.memory_space<semaphore_mem>>)
      } else {
      }
    }
    %scan3A_69 = arith.constant 4 : i32
    %barrier3A_70 = arith.constant 0 : index
    tpu.barrier barrier_id(%barrier3A_70)
    %eq3A = arith.constant 0 : i32
    %eq3A_71 = arith.cmpi eq, %arg0, %eq3A : i32
    %lt3A = arith.constant 15 : i32
    %lt3A_72 = arith.cmpi slt, %arg1, %lt3A : i32
    %and3A = arith.andi %eq3A_71, %lt3A_72 : i1
    %convert_element_type3A = arith.extui %and3A : i1 to i32
    %cond3A = arith.constant 0 : i32
    %cond3A_73 = arith.cmpi ne, %convert_element_type3A, %cond3A : i32
    scf.if %cond3A_73 {
      %mul3A_98 = arith.constant 640 : i32
      %mul3A_99 = arith.muli %arg1, %mul3A_98 : i32
      "tpu.region"() ({
        %run_scoped3A = tpu.sem_alloc : memref<!tpu.dma_semaphore, #tpu.memory_space<semaphore_mem>>
        %dma_start3A_100 = arith.constant 0 : i32
        %dma_start3A_101 = tpu.memref_slice %arg6[%mul3A_99, %dma_start3A_100] : memref<10000x40xf32, #tpu.memory_space<hbm>> -> memref<640x40xf32, #tpu.memory_space<hbm>>
        %dma_start3A_102 = arith.constant 0 : i32
        %dma_start3A_103 = tpu.memref_slice %arg16[%mul3A_99, %dma_start3A_102] : memref<10240x40xf32, #tpu.memory_space<vmem_shared>> -> memref<640x40xf32, #tpu.memory_space<vmem_shared>>
        tpu.enqueue_dma source(%dma_start3A_103 : memref<640x40xf32, #tpu.memory_space<vmem_shared>>) target(%dma_start3A_101 : memref<640x40xf32, #tpu.memory_space<hbm>>) target_semaphore(%run_scoped3A : memref<!tpu.dma_semaphore, #tpu.memory_space<semaphore_mem>>)
        %dma_wait3A_104 = arith.constant 0 : i32
        %dma_wait3A_105 = tpu.memref_slice %arg6[%mul3A_99, %dma_wait3A_104] : memref<10000x40xf32, #tpu.memory_space<hbm>> -> memref<640x40xf32, #tpu.memory_space<hbm>>
        %dma_wait3A_106 = arith.constant 0 : i32
        %dma_wait3A_107 = tpu.memref_slice %arg16[%mul3A_99, %dma_wait3A_106] : memref<10240x40xf32, #tpu.memory_space<vmem_shared>> -> memref<640x40xf32, #tpu.memory_space<vmem_shared>>
        tpu.wait_dma2 semaphore(%run_scoped3A : memref<!tpu.dma_semaphore, #tpu.memory_space<semaphore_mem>>) src(%dma_wait3A_107 : memref<640x40xf32, #tpu.memory_space<vmem_shared>>) dst(%dma_wait3A_105 : memref<640x40xf32, #tpu.memory_space<hbm>>)
        tpu.yield
      }) : () -> ()
    } else {
    }
    %eq3A_74 = arith.constant 0 : i32
    %eq3A_75 = arith.cmpi eq, %arg0, %eq3A_74 : i32
    %eq3A_76 = arith.constant 15 : i32
    %eq3A_77 = arith.cmpi eq, %arg1, %eq3A_76 : i32
    %and3A_78 = arith.andi %eq3A_75, %eq3A_77 : i1
    %convert_element_type3A_79 = arith.extui %and3A_78 : i1 to i32
    %cond3A_80 = arith.constant 0 : i32
    %cond3A_81 = arith.cmpi ne, %convert_element_type3A_79, %cond3A_80 : i32
    scf.if %cond3A_81 {
      "tpu.region"() ({
        %run_scoped3A = tpu.sem_alloc : memref<!tpu.dma_semaphore, #tpu.memory_space<semaphore_mem>>
        %dma_start3A_98 = arith.constant 9600 : i32
        %dma_start3A_99 = arith.constant 0 : i32
        %dma_start3A_100 = tpu.memref_slice %arg6[%dma_start3A_98, %dma_start3A_99] : memref<10000x40xf32, #tpu.memory_space<hbm>> -> memref<400x40xf32, #tpu.memory_space<hbm>>
        %dma_start3A_101 = arith.constant 9600 : i32
        %dma_start3A_102 = arith.constant 0 : i32
        %dma_start3A_103 = tpu.memref_slice %arg16[%dma_start3A_101, %dma_start3A_102] : memref<10240x40xf32, #tpu.memory_space<vmem_shared>> -> memref<400x40xf32, #tpu.memory_space<vmem_shared>>
        tpu.enqueue_dma source(%dma_start3A_103 : memref<400x40xf32, #tpu.memory_space<vmem_shared>>) target(%dma_start3A_100 : memref<400x40xf32, #tpu.memory_space<hbm>>) target_semaphore(%run_scoped3A : memref<!tpu.dma_semaphore, #tpu.memory_space<semaphore_mem>>)
        %dma_wait3A_104 = arith.constant 9600 : i32
        %dma_wait3A_105 = arith.constant 0 : i32
        %dma_wait3A_106 = tpu.memref_slice %arg6[%dma_wait3A_104, %dma_wait3A_105] : memref<10000x40xf32, #tpu.memory_space<hbm>> -> memref<400x40xf32, #tpu.memory_space<hbm>>
        %dma_wait3A_107 = arith.constant 9600 : i32
        %dma_wait3A_108 = arith.constant 0 : i32
        %dma_wait3A_109 = tpu.memref_slice %arg16[%dma_wait3A_107, %dma_wait3A_108] : memref<10240x40xf32, #tpu.memory_space<vmem_shared>> -> memref<400x40xf32, #tpu.memory_space<vmem_shared>>
        tpu.wait_dma2 semaphore(%run_scoped3A : memref<!tpu.dma_semaphore, #tpu.memory_space<semaphore_mem>>) src(%dma_wait3A_109 : memref<400x40xf32, #tpu.memory_space<vmem_shared>>) dst(%dma_wait3A_106 : memref<400x40xf32, #tpu.memory_space<hbm>>)
        tpu.yield
      }) : () -> ()
    } else {
    }
    %eq3A_82 = arith.constant 1 : i32
    %eq3A_83 = arith.cmpi eq, %arg0, %eq3A_82 : i32
    %lt3A_84 = arith.constant 15 : i32
    %lt3A_85 = arith.cmpi slt, %arg1, %lt3A_84 : i32
    %and3A_86 = arith.andi %eq3A_83, %lt3A_85 : i1
    %convert_element_type3A_87 = arith.extui %and3A_86 : i1 to i32
    %cond3A_88 = arith.constant 0 : i32
    %cond3A_89 = arith.cmpi ne, %convert_element_type3A_87, %cond3A_88 : i32
    scf.if %cond3A_89 {
      %mul3A_98 = arith.constant 640 : i32
      %mul3A_99 = arith.muli %arg1, %mul3A_98 : i32
      "tpu.region"() ({
        %run_scoped3A = tpu.sem_alloc : memref<!tpu.dma_semaphore, #tpu.memory_space<semaphore_mem>>
        %dma_start3A_100 = arith.constant 0 : i32
        %dma_start3A_101 = tpu.memref_slice %arg7[%mul3A_99, %dma_start3A_100] : memref<10000x40xf32, #tpu.memory_space<hbm>> -> memref<640x40xf32, #tpu.memory_space<hbm>>
        %dma_start3A_102 = arith.constant 0 : i32
        %dma_start3A_103 = tpu.memref_slice %arg16[%mul3A_99, %dma_start3A_102] : memref<10240x40xf32, #tpu.memory_space<vmem_shared>> -> memref<640x40xf32, #tpu.memory_space<vmem_shared>>
        tpu.enqueue_dma source(%dma_start3A_103 : memref<640x40xf32, #tpu.memory_space<vmem_shared>>) target(%dma_start3A_101 : memref<640x40xf32, #tpu.memory_space<hbm>>) target_semaphore(%run_scoped3A : memref<!tpu.dma_semaphore, #tpu.memory_space<semaphore_mem>>)
        %dma_wait3A_104 = arith.constant 0 : i32
        %dma_wait3A_105 = tpu.memref_slice %arg7[%mul3A_99, %dma_wait3A_104] : memref<10000x40xf32, #tpu.memory_space<hbm>> -> memref<640x40xf32, #tpu.memory_space<hbm>>
        %dma_wait3A_106 = arith.constant 0 : i32
        %dma_wait3A_107 = tpu.memref_slice %arg16[%mul3A_99, %dma_wait3A_106] : memref<10240x40xf32, #tpu.memory_space<vmem_shared>> -> memref<640x40xf32, #tpu.memory_space<vmem_shared>>
        tpu.wait_dma2 semaphore(%run_scoped3A : memref<!tpu.dma_semaphore, #tpu.memory_space<semaphore_mem>>) src(%dma_wait3A_107 : memref<640x40xf32, #tpu.memory_space<vmem_shared>>) dst(%dma_wait3A_105 : memref<640x40xf32, #tpu.memory_space<hbm>>)
        tpu.yield
      }) : () -> ()
    } else {
    }
    %eq3A_90 = arith.constant 1 : i32
    %eq3A_91 = arith.cmpi eq, %arg0, %eq3A_90 : i32
    %eq3A_92 = arith.constant 15 : i32
    %eq3A_93 = arith.cmpi eq, %arg1, %eq3A_92 : i32
    %and3A_94 = arith.andi %eq3A_91, %eq3A_93 : i1
    %convert_element_type3A_95 = arith.extui %and3A_94 : i1 to i32
    %cond3A_96 = arith.constant 0 : i32
    %cond3A_97 = arith.cmpi ne, %convert_element_type3A_95, %cond3A_96 : i32
    scf.if %cond3A_97 {
      "tpu.region"() ({
        %run_scoped3A = tpu.sem_alloc : memref<!tpu.dma_semaphore, #tpu.memory_space<semaphore_mem>>
        %dma_start3A_98 = arith.constant 9600 : i32
        %dma_start3A_99 = arith.constant 0 : i32
        %dma_start3A_100 = tpu.memref_slice %arg7[%dma_start3A_98, %dma_start3A_99] : memref<10000x40xf32, #tpu.memory_space<hbm>> -> memref<400x40xf32, #tpu.memory_space<hbm>>
        %dma_start3A_101 = arith.constant 9600 : i32
        %dma_start3A_102 = arith.constant 0 : i32
        %dma_start3A_103 = tpu.memref_slice %arg16[%dma_start3A_101, %dma_start3A_102] : memref<10240x40xf32, #tpu.memory_space<vmem_shared>> -> memref<400x40xf32, #tpu.memory_space<vmem_shared>>
        tpu.enqueue_dma source(%dma_start3A_103 : memref<400x40xf32, #tpu.memory_space<vmem_shared>>) target(%dma_start3A_100 : memref<400x40xf32, #tpu.memory_space<hbm>>) target_semaphore(%run_scoped3A : memref<!tpu.dma_semaphore, #tpu.memory_space<semaphore_mem>>)
        %dma_wait3A_104 = arith.constant 9600 : i32
        %dma_wait3A_105 = arith.constant 0 : i32
        %dma_wait3A_106 = tpu.memref_slice %arg7[%dma_wait3A_104, %dma_wait3A_105] : memref<10000x40xf32, #tpu.memory_space<hbm>> -> memref<400x40xf32, #tpu.memory_space<hbm>>
        %dma_wait3A_107 = arith.constant 9600 : i32
        %dma_wait3A_108 = arith.constant 0 : i32
        %dma_wait3A_109 = tpu.memref_slice %arg16[%dma_wait3A_107, %dma_wait3A_108] : memref<10240x40xf32, #tpu.memory_space<vmem_shared>> -> memref<400x40xf32, #tpu.memory_space<vmem_shared>>
        tpu.wait_dma2 semaphore(%run_scoped3A : memref<!tpu.dma_semaphore, #tpu.memory_space<semaphore_mem>>) src(%dma_wait3A_109 : memref<400x40xf32, #tpu.memory_space<vmem_shared>>) dst(%dma_wait3A_106 : memref<400x40xf32, #tpu.memory_space<hbm>>)
        tpu.yield
      }) : () -> ()
    } else {
    }
    return
  }
}

#map = affine_map<(d0, d1) -> (0, 0)>
module attributes {stable_mosaic.version = 14 : i64} {
  func.func @body(%arg0: i32, %arg1: i32, %arg2: memref<10000x128xf32, #tpu.memory_space<hbm>>, %arg3: memref<5120x64xi32, #tpu.memory_space<hbm>>, %arg4: memref<5120x64xi32, #tpu.memory_space<hbm>>, %arg5: memref<640x128xf32, #tpu.memory_space<hbm>>, %arg6: memref<10000x128xf32, #tpu.memory_space<hbm>>, %arg7: memref<10000x128xf32, #tpu.memory_space<hbm>>, %arg8: memref<20x64xi32, #tpu.memory_space<vmem>>, %arg9: memref<20x64xi32, #tpu.memory_space<vmem>>, %arg10: memref<20x64xi32, #tpu.memory_space<vmem>>, %arg11: memref<20x64xi32, #tpu.memory_space<vmem>>, %arg12: memref<64x128xf32, #tpu.memory_space<vmem>>, %arg13: memref<64x128xf32, #tpu.memory_space<vmem>>, %arg14: memref<64x128xf32, #tpu.memory_space<vmem>>, %arg15: memref<64x128xf32, #tpu.memory_space<vmem>>, %arg16: memref<10240x128xf32, #tpu.memory_space<vmem_shared>>, %arg17: memref<!tpu.dma_semaphore, #tpu.memory_space<semaphore_mem>>, %arg18: memref<!tpu.dma_semaphore, #tpu.memory_space<semaphore_mem>>, %arg19: memref<!tpu.dma_semaphore, #tpu.memory_space<semaphore_mem>>, %arg20: memref<!tpu.dma_semaphore, #tpu.memory_space<semaphore_mem>>, %arg21: memref<!tpu.dma_semaphore, #tpu.memory_space<semaphore_mem>>, %arg22: memref<!tpu.dma_semaphore, #tpu.memory_space<semaphore_mem>>, %arg23: memref<!tpu.dma_semaphore, #tpu.memory_space<semaphore_mem>>, %arg24: memref<!tpu.dma_semaphore, #tpu.memory_space<semaphore_mem>>, %arg25: memref<!tpu.dma_semaphore, #tpu.memory_space<semaphore_mem>>, %arg26: memref<!tpu.dma_semaphore, #tpu.memory_space<semaphore_mem>>) attributes {dimension_semantics = [#tpu.dimension_semantics<core_parallel>, #tpu.dimension_semantics<subcore_parallel>], iteration_bounds = array<i64: 2, 16>, scalar_prefetch = 0 : i64, scratch_operands = 19 : i64, tpu.core_type = #tpu.core_type<sc_vector_subcore>, window_params = [{transform_indices = #map}, {transform_indices = #map}, {transform_indices = #map}, {transform_indices = #map}, {transform_indices = #map}, {transform_indices = #map}]} {
    %mul3A = arith.constant 16 : i32
    %mul3A_0 = arith.muli %arg0, %mul3A : i32
    %add3A = arith.addi %mul3A_0, %arg1 : i32
    %mul3A_1 = arith.constant 640 : i32
    %mul3A_2 = arith.muli %arg1, %mul3A_1 : i32
    "tpu.region"() ({
      %run_scoped3A = tpu.sem_alloc : memref<!tpu.dma_semaphore, #tpu.memory_space<semaphore_mem>>
      %dma_start3A_98 = arith.constant 0 : i32
      %dma_start3A_99 = tpu.memref_slice %arg16[%mul3A_2, %dma_start3A_98] : memref<10240x128xf32, #tpu.memory_space<vmem_shared>> -> memref<640x128xf32, #tpu.memory_space<vmem_shared>>
      tpu.enqueue_dma source(%arg5 : memref<640x128xf32, #tpu.memory_space<hbm>>) target(%dma_start3A_99 : memref<640x128xf32, #tpu.memory_space<vmem_shared>>) target_semaphore(%run_scoped3A : memref<!tpu.dma_semaphore, #tpu.memory_space<semaphore_mem>>)
      %dma_wait3A_100 = arith.constant 0 : i32
      %dma_wait3A_101 = tpu.memref_slice %arg16[%mul3A_2, %dma_wait3A_100] : memref<10240x128xf32, #tpu.memory_space<vmem_shared>> -> memref<640x128xf32, #tpu.memory_space<vmem_shared>>
      tpu.wait_dma2 semaphore(%run_scoped3A : memref<!tpu.dma_semaphore, #tpu.memory_space<semaphore_mem>>) src(%arg5 : memref<640x128xf32, #tpu.memory_space<hbm>>) dst(%dma_wait3A_101 : memref<640x128xf32, #tpu.memory_space<vmem_shared>>)
      tpu.yield
    }) : () -> ()
    %barrier3A = arith.constant 0 : index
    tpu.barrier barrier_id(%barrier3A)
    %mul3A_3 = arith.constant 160 : i32
    %mul3A_4 = arith.muli %add3A, %mul3A_3 : i32
    %add3A_5 = arith.constant 0 : i32
    %add3A_6 = arith.addi %mul3A_4, %add3A_5 : i32
    %dma_start3A = arith.constant 0 : i32
    %dma_start3A_7 = tpu.memref_slice %arg3[%add3A_6, %dma_start3A] : memref<5120x64xi32, #tpu.memory_space<hbm>> -> memref<20x64xi32, #tpu.memory_space<hbm>>
    %dma_start3A_8 = arith.constant 0 : i32
    %dma_start3A_9 = tpu.memref_slice %arg3[%add3A_6, %dma_start3A_8] : memref<5120x64xi32, #tpu.memory_space<hbm>> -> memref<20x64xi32, #tpu.memory_space<hbm>>
    tpu.enqueue_dma source(%dma_start3A_9 : memref<20x64xi32, #tpu.memory_space<hbm>>) target(%arg8 : memref<20x64xi32, #tpu.memory_space<vmem>>) target_semaphore(%arg25 : memref<!tpu.dma_semaphore, #tpu.memory_space<semaphore_mem>>)
    %dma_start3A_10 = arith.constant 0 : i32
    %dma_start3A_11 = tpu.memref_slice %arg4[%add3A_6, %dma_start3A_10] : memref<5120x64xi32, #tpu.memory_space<hbm>> -> memref<20x64xi32, #tpu.memory_space<hbm>>
    %dma_start3A_12 = arith.constant 0 : i32
    %dma_start3A_13 = tpu.memref_slice %arg4[%add3A_6, %dma_start3A_12] : memref<5120x64xi32, #tpu.memory_space<hbm>> -> memref<20x64xi32, #tpu.memory_space<hbm>>
    tpu.enqueue_dma source(%dma_start3A_13 : memref<20x64xi32, #tpu.memory_space<hbm>>) target(%arg10 : memref<20x64xi32, #tpu.memory_space<vmem>>) target_semaphore(%arg25 : memref<!tpu.dma_semaphore, #tpu.memory_space<semaphore_mem>>)
    %mul3A_14 = arith.constant 160 : i32
    %mul3A_15 = arith.muli %add3A, %mul3A_14 : i32
    %add3A_16 = arith.constant 20 : i32
    %add3A_17 = arith.addi %mul3A_15, %add3A_16 : i32
    %dma_start3A_18 = arith.constant 0 : i32
    %dma_start3A_19 = tpu.memref_slice %arg3[%add3A_17, %dma_start3A_18] : memref<5120x64xi32, #tpu.memory_space<hbm>> -> memref<20x64xi32, #tpu.memory_space<hbm>>
    %dma_start3A_20 = arith.constant 0 : i32
    %dma_start3A_21 = tpu.memref_slice %arg3[%add3A_17, %dma_start3A_20] : memref<5120x64xi32, #tpu.memory_space<hbm>> -> memref<20x64xi32, #tpu.memory_space<hbm>>
    tpu.enqueue_dma source(%dma_start3A_21 : memref<20x64xi32, #tpu.memory_space<hbm>>) target(%arg9 : memref<20x64xi32, #tpu.memory_space<vmem>>) target_semaphore(%arg26 : memref<!tpu.dma_semaphore, #tpu.memory_space<semaphore_mem>>)
    %dma_start3A_22 = arith.constant 0 : i32
    %dma_start3A_23 = tpu.memref_slice %arg4[%add3A_17, %dma_start3A_22] : memref<5120x64xi32, #tpu.memory_space<hbm>> -> memref<20x64xi32, #tpu.memory_space<hbm>>
    %dma_start3A_24 = arith.constant 0 : i32
    %dma_start3A_25 = tpu.memref_slice %arg4[%add3A_17, %dma_start3A_24] : memref<5120x64xi32, #tpu.memory_space<hbm>> -> memref<20x64xi32, #tpu.memory_space<hbm>>
    tpu.enqueue_dma source(%dma_start3A_25 : memref<20x64xi32, #tpu.memory_space<hbm>>) target(%arg11 : memref<20x64xi32, #tpu.memory_space<vmem>>) target_semaphore(%arg26 : memref<!tpu.dma_semaphore, #tpu.memory_space<semaphore_mem>>)
    %dma_wait3A = arith.constant 0 : i32
    %dma_wait3A_26 = arith.constant 0 : i32
    %dma_wait3A_27 = tpu.memref_slice %arg3[%dma_wait3A, %dma_wait3A_26] : memref<5120x64xi32, #tpu.memory_space<hbm>> -> memref<20x64xi32, #tpu.memory_space<hbm>>
    %dma_wait3A_28 = arith.constant 0 : i32
    %dma_wait3A_29 = arith.constant 0 : i32
    %dma_wait3A_30 = tpu.memref_slice %arg3[%dma_wait3A_28, %dma_wait3A_29] : memref<5120x64xi32, #tpu.memory_space<hbm>> -> memref<20x64xi32, #tpu.memory_space<hbm>>
    tpu.wait_dma2 semaphore(%arg25 : memref<!tpu.dma_semaphore, #tpu.memory_space<semaphore_mem>>) src(%dma_wait3A_30 : memref<20x64xi32, #tpu.memory_space<hbm>>) dst(%arg8 : memref<20x64xi32, #tpu.memory_space<vmem>>)
    %dma_wait3A_31 = arith.constant 0 : i32
    %dma_wait3A_32 = arith.constant 0 : i32
    %dma_wait3A_33 = tpu.memref_slice %arg4[%dma_wait3A_31, %dma_wait3A_32] : memref<5120x64xi32, #tpu.memory_space<hbm>> -> memref<20x64xi32, #tpu.memory_space<hbm>>
    %dma_wait3A_34 = arith.constant 0 : i32
    %dma_wait3A_35 = arith.constant 0 : i32
    %dma_wait3A_36 = tpu.memref_slice %arg4[%dma_wait3A_34, %dma_wait3A_35] : memref<5120x64xi32, #tpu.memory_space<hbm>> -> memref<20x64xi32, #tpu.memory_space<hbm>>
    tpu.wait_dma2 semaphore(%arg25 : memref<!tpu.dma_semaphore, #tpu.memory_space<semaphore_mem>>) src(%dma_wait3A_36 : memref<20x64xi32, #tpu.memory_space<hbm>>) dst(%arg10 : memref<20x64xi32, #tpu.memory_space<vmem>>)
    %dma_start3A_37 = arith.constant 0 : i32
    %dma_start3A_38 = arith.constant 0 : i32
    %dma_start3A_39 = tpu.memref_slice %arg8[%dma_start3A_37, %dma_start3A_38] : memref<20x64xi32, #tpu.memory_space<vmem>> -> memref<1x64xi32, #tpu.memory_space<vmem>>
    %dma_start3A_40 = tpu.memref_squeeze %dma_start3A_39 : memref<1x64xi32, #tpu.memory_space<vmem>> -> memref<64xi32, #tpu.memory_space<vmem>>
    %dma_start3A_41 = arith.constant 0 : i32
    %dma_start3A_42 = arith.constant 0 : i32
    %dma_start3A_43 = tpu.memref_slice %arg2[%dma_start3A_41, %dma_start3A_42] : memref<10000x128xf32, #tpu.memory_space<hbm>> -> memref<10000x128xf32, #tpu.memory_space<hbm>>
    tpu.enqueue_indirect_dma source(%dma_start3A_43 : memref<10000x128xf32, #tpu.memory_space<hbm>>) target(%arg12 : memref<64x128xf32, #tpu.memory_space<vmem>>) offsets(%dma_start3A_40 : memref<64xi32, #tpu.memory_space<vmem>>) semaphore(%arg17 : memref<!tpu.dma_semaphore, #tpu.memory_space<semaphore_mem>>)
    %dma_start3A_44 = arith.constant 1 : i32
    %dma_start3A_45 = arith.constant 0 : i32
    %dma_start3A_46 = tpu.memref_slice %arg8[%dma_start3A_44, %dma_start3A_45] : memref<20x64xi32, #tpu.memory_space<vmem>> -> memref<1x64xi32, #tpu.memory_space<vmem>>
    %dma_start3A_47 = tpu.memref_squeeze %dma_start3A_46 : memref<1x64xi32, #tpu.memory_space<vmem>> -> memref<64xi32, #tpu.memory_space<vmem>>
    %dma_start3A_48 = arith.constant 0 : i32
    %dma_start3A_49 = arith.constant 0 : i32
    %dma_start3A_50 = tpu.memref_slice %arg2[%dma_start3A_48, %dma_start3A_49] : memref<10000x128xf32, #tpu.memory_space<hbm>> -> memref<10000x128xf32, #tpu.memory_space<hbm>>
    tpu.enqueue_indirect_dma source(%dma_start3A_50 : memref<10000x128xf32, #tpu.memory_space<hbm>>) target(%arg13 : memref<64x128xf32, #tpu.memory_space<vmem>>) offsets(%dma_start3A_47 : memref<64xi32, #tpu.memory_space<vmem>>) semaphore(%arg18 : memref<!tpu.dma_semaphore, #tpu.memory_space<semaphore_mem>>)
    %dma_start3A_51 = arith.constant 2 : i32
    %dma_start3A_52 = arith.constant 0 : i32
    %dma_start3A_53 = tpu.memref_slice %arg8[%dma_start3A_51, %dma_start3A_52] : memref<20x64xi32, #tpu.memory_space<vmem>> -> memref<1x64xi32, #tpu.memory_space<vmem>>
    %dma_start3A_54 = tpu.memref_squeeze %dma_start3A_53 : memref<1x64xi32, #tpu.memory_space<vmem>> -> memref<64xi32, #tpu.memory_space<vmem>>
    %dma_start3A_55 = arith.constant 0 : i32
    %dma_start3A_56 = arith.constant 0 : i32
    %dma_start3A_57 = tpu.memref_slice %arg2[%dma_start3A_55, %dma_start3A_56] : memref<10000x128xf32, #tpu.memory_space<hbm>> -> memref<10000x128xf32, #tpu.memory_space<hbm>>
    tpu.enqueue_indirect_dma source(%dma_start3A_57 : memref<10000x128xf32, #tpu.memory_space<hbm>>) target(%arg14 : memref<64x128xf32, #tpu.memory_space<vmem>>) offsets(%dma_start3A_54 : memref<64xi32, #tpu.memory_space<vmem>>) semaphore(%arg19 : memref<!tpu.dma_semaphore, #tpu.memory_space<semaphore_mem>>)
    %dma_start3A_58 = arith.constant 3 : i32
    %dma_start3A_59 = arith.constant 0 : i32
    %dma_start3A_60 = tpu.memref_slice %arg8[%dma_start3A_58, %dma_start3A_59] : memref<20x64xi32, #tpu.memory_space<vmem>> -> memref<1x64xi32, #tpu.memory_space<vmem>>
    %dma_start3A_61 = tpu.memref_squeeze %dma_start3A_60 : memref<1x64xi32, #tpu.memory_space<vmem>> -> memref<64xi32, #tpu.memory_space<vmem>>
    %dma_start3A_62 = arith.constant 0 : i32
    %dma_start3A_63 = arith.constant 0 : i32
    %dma_start3A_64 = tpu.memref_slice %arg2[%dma_start3A_62, %dma_start3A_63] : memref<10000x128xf32, #tpu.memory_space<hbm>> -> memref<10000x128xf32, #tpu.memory_space<hbm>>
    tpu.enqueue_indirect_dma source(%dma_start3A_64 : memref<10000x128xf32, #tpu.memory_space<hbm>>) target(%arg15 : memref<64x128xf32, #tpu.memory_space<vmem>>) offsets(%dma_start3A_61 : memref<64xi32, #tpu.memory_space<vmem>>) semaphore(%arg20 : memref<!tpu.dma_semaphore, #tpu.memory_space<semaphore_mem>>)
    %scan3A = arith.constant 0 : i32
    %scan3A_65 = arith.constant 0 : i32
    %scan3A_66 = arith.constant 4 : i32
    %scan3A_67 = arith.addi %scan3A_65, %scan3A_66 : i32
    %scan3A_68 = arith.constant 1 : i32
    scf.for %scan3A_98 = %scan3A_65 to %scan3A_67 step %scan3A_68  : i32 {
      %mul3A_99 = arith.constant 2 : i32
      %mul3A_100 = arith.muli %mul3A_99, %scan3A_98 : i32
      %add3A_101 = arith.constant 0 : i32
      %add3A_102 = arith.addi %mul3A_100, %add3A_101 : i32
      %scan3A_103 = arith.constant 0 : i32
      %scan3A_104 = arith.constant 0 : i32
      %scan3A_105 = arith.constant 5 : i32
      %scan3A_106 = arith.addi %scan3A_104, %scan3A_105 : i32
      %scan3A_107 = arith.constant 1 : i32
      scf.for %scan3A_160 = %scan3A_104 to %scan3A_106 step %scan3A_107  : i32 {
        %dma_wait3A_161 = arith.constant 0 : i32
        %dma_wait3A_162 = arith.constant 0 : i32
        %dma_wait3A_163 = tpu.memref_slice %arg8[%dma_wait3A_161, %dma_wait3A_162] : memref<20x64xi32, #tpu.memory_space<vmem>> -> memref<1x64xi32, #tpu.memory_space<vmem>>
        %dma_wait3A_164 = tpu.memref_squeeze %dma_wait3A_163 : memref<1x64xi32, #tpu.memory_space<vmem>> -> memref<64xi32, #tpu.memory_space<vmem>>
        %dma_wait3A_165 = arith.constant 0 : i32
        %dma_wait3A_166 = arith.constant 0 : i32
        %dma_wait3A_167 = tpu.memref_slice %arg2[%dma_wait3A_165, %dma_wait3A_166] : memref<10000x128xf32, #tpu.memory_space<hbm>> -> memref<10000x128xf32, #tpu.memory_space<hbm>>
        tpu.wait_indirect_dma semaphore(%arg17 : memref<!tpu.dma_semaphore, #tpu.memory_space<semaphore_mem>>) src(%dma_wait3A_167 : memref<10000x128xf32, #tpu.memory_space<hbm>>) dst(%arg12 : memref<64x128xf32, #tpu.memory_space<vmem>>)
        %mul3A_168 = arith.constant 4 : i32
        %mul3A_169 = arith.muli %scan3A_160, %mul3A_168 : i32
        %add3A_170 = arith.constant 0 : i32
        %add3A_171 = arith.addi %mul3A_169, %add3A_170 : i32
        %dma_start3A_172 = arith.constant 0 : i32
        %dma_start3A_173 = tpu.memref_slice %arg10[%add3A_171, %dma_start3A_172] : memref<20x64xi32, #tpu.memory_space<vmem>> -> memref<1x64xi32, #tpu.memory_space<vmem>>
        %dma_start3A_174 = tpu.memref_squeeze %dma_start3A_173 : memref<1x64xi32, #tpu.memory_space<vmem>> -> memref<64xi32, #tpu.memory_space<vmem>>
        %dma_start3A_175 = arith.constant 0 : i32
        %dma_start3A_176 = arith.constant 0 : i32
        %dma_start3A_177 = tpu.memref_slice %arg16[%dma_start3A_175, %dma_start3A_176] : memref<10240x128xf32, #tpu.memory_space<vmem_shared>> -> memref<10240x128xf32, #tpu.memory_space<vmem_shared>>
        tpu.enqueue_indirect_dma source(%arg12 : memref<64x128xf32, #tpu.memory_space<vmem>>) target(%dma_start3A_177 : memref<10240x128xf32, #tpu.memory_space<vmem_shared>>) offsets(%dma_start3A_174 : memref<64xi32, #tpu.memory_space<vmem>>) semaphore(%arg21 : memref<!tpu.dma_semaphore, #tpu.memory_space<semaphore_mem>>) {add = true}
        %dma_wait3A_178 = arith.constant 0 : i32
        %dma_wait3A_179 = arith.constant 0 : i32
        %dma_wait3A_180 = tpu.memref_slice %arg8[%dma_wait3A_178, %dma_wait3A_179] : memref<20x64xi32, #tpu.memory_space<vmem>> -> memref<1x64xi32, #tpu.memory_space<vmem>>
        %dma_wait3A_181 = tpu.memref_squeeze %dma_wait3A_180 : memref<1x64xi32, #tpu.memory_space<vmem>> -> memref<64xi32, #tpu.memory_space<vmem>>
        %dma_wait3A_182 = arith.constant 0 : i32
        %dma_wait3A_183 = arith.constant 0 : i32
        %dma_wait3A_184 = tpu.memref_slice %arg2[%dma_wait3A_182, %dma_wait3A_183] : memref<10000x128xf32, #tpu.memory_space<hbm>> -> memref<10000x128xf32, #tpu.memory_space<hbm>>
        tpu.wait_indirect_dma semaphore(%arg18 : memref<!tpu.dma_semaphore, #tpu.memory_space<semaphore_mem>>) src(%dma_wait3A_184 : memref<10000x128xf32, #tpu.memory_space<hbm>>) dst(%arg13 : memref<64x128xf32, #tpu.memory_space<vmem>>)
        %mul3A_185 = arith.constant 4 : i32
        %mul3A_186 = arith.muli %scan3A_160, %mul3A_185 : i32
        %add3A_187 = arith.constant 1 : i32
        %add3A_188 = arith.addi %mul3A_186, %add3A_187 : i32
        %dma_start3A_189 = arith.constant 0 : i32
        %dma_start3A_190 = tpu.memref_slice %arg10[%add3A_188, %dma_start3A_189] : memref<20x64xi32, #tpu.memory_space<vmem>> -> memref<1x64xi32, #tpu.memory_space<vmem>>
        %dma_start3A_191 = tpu.memref_squeeze %dma_start3A_190 : memref<1x64xi32, #tpu.memory_space<vmem>> -> memref<64xi32, #tpu.memory_space<vmem>>
        %dma_start3A_192 = arith.constant 0 : i32
        %dma_start3A_193 = arith.constant 0 : i32
        %dma_start3A_194 = tpu.memref_slice %arg16[%dma_start3A_192, %dma_start3A_193] : memref<10240x128xf32, #tpu.memory_space<vmem_shared>> -> memref<10240x128xf32, #tpu.memory_space<vmem_shared>>
        tpu.enqueue_indirect_dma source(%arg13 : memref<64x128xf32, #tpu.memory_space<vmem>>) target(%dma_start3A_194 : memref<10240x128xf32, #tpu.memory_space<vmem_shared>>) offsets(%dma_start3A_191 : memref<64xi32, #tpu.memory_space<vmem>>) semaphore(%arg22 : memref<!tpu.dma_semaphore, #tpu.memory_space<semaphore_mem>>) {add = true}
        %dma_wait3A_195 = arith.constant 0 : i32
        %dma_wait3A_196 = arith.constant 0 : i32
        %dma_wait3A_197 = tpu.memref_slice %arg8[%dma_wait3A_195, %dma_wait3A_196] : memref<20x64xi32, #tpu.memory_space<vmem>> -> memref<1x64xi32, #tpu.memory_space<vmem>>
        %dma_wait3A_198 = tpu.memref_squeeze %dma_wait3A_197 : memref<1x64xi32, #tpu.memory_space<vmem>> -> memref<64xi32, #tpu.memory_space<vmem>>
        %dma_wait3A_199 = arith.constant 0 : i32
        %dma_wait3A_200 = arith.constant 0 : i32
        %dma_wait3A_201 = tpu.memref_slice %arg2[%dma_wait3A_199, %dma_wait3A_200] : memref<10000x128xf32, #tpu.memory_space<hbm>> -> memref<10000x128xf32, #tpu.memory_space<hbm>>
        tpu.wait_indirect_dma semaphore(%arg19 : memref<!tpu.dma_semaphore, #tpu.memory_space<semaphore_mem>>) src(%dma_wait3A_201 : memref<10000x128xf32, #tpu.memory_space<hbm>>) dst(%arg14 : memref<64x128xf32, #tpu.memory_space<vmem>>)
        %mul3A_202 = arith.constant 4 : i32
        %mul3A_203 = arith.muli %scan3A_160, %mul3A_202 : i32
        %add3A_204 = arith.constant 2 : i32
        %add3A_205 = arith.addi %mul3A_203, %add3A_204 : i32
        %dma_start3A_206 = arith.constant 0 : i32
        %dma_start3A_207 = tpu.memref_slice %arg10[%add3A_205, %dma_start3A_206] : memref<20x64xi32, #tpu.memory_space<vmem>> -> memref<1x64xi32, #tpu.memory_space<vmem>>
        %dma_start3A_208 = tpu.memref_squeeze %dma_start3A_207 : memref<1x64xi32, #tpu.memory_space<vmem>> -> memref<64xi32, #tpu.memory_space<vmem>>
        %dma_start3A_209 = arith.constant 0 : i32
        %dma_start3A_210 = arith.constant 0 : i32
        %dma_start3A_211 = tpu.memref_slice %arg16[%dma_start3A_209, %dma_start3A_210] : memref<10240x128xf32, #tpu.memory_space<vmem_shared>> -> memref<10240x128xf32, #tpu.memory_space<vmem_shared>>
        tpu.enqueue_indirect_dma source(%arg14 : memref<64x128xf32, #tpu.memory_space<vmem>>) target(%dma_start3A_211 : memref<10240x128xf32, #tpu.memory_space<vmem_shared>>) offsets(%dma_start3A_208 : memref<64xi32, #tpu.memory_space<vmem>>) semaphore(%arg23 : memref<!tpu.dma_semaphore, #tpu.memory_space<semaphore_mem>>) {add = true}
        %dma_wait3A_212 = arith.constant 0 : i32
        %dma_wait3A_213 = arith.constant 0 : i32
        %dma_wait3A_214 = tpu.memref_slice %arg8[%dma_wait3A_212, %dma_wait3A_213] : memref<20x64xi32, #tpu.memory_space<vmem>> -> memref<1x64xi32, #tpu.memory_space<vmem>>
        %dma_wait3A_215 = tpu.memref_squeeze %dma_wait3A_214 : memref<1x64xi32, #tpu.memory_space<vmem>> -> memref<64xi32, #tpu.memory_space<vmem>>
        %dma_wait3A_216 = arith.constant 0 : i32
        %dma_wait3A_217 = arith.constant 0 : i32
        %dma_wait3A_218 = tpu.memref_slice %arg2[%dma_wait3A_216, %dma_wait3A_217] : memref<10000x128xf32, #tpu.memory_space<hbm>> -> memref<10000x128xf32, #tpu.memory_space<hbm>>
        tpu.wait_indirect_dma semaphore(%arg20 : memref<!tpu.dma_semaphore, #tpu.memory_space<semaphore_mem>>) src(%dma_wait3A_218 : memref<10000x128xf32, #tpu.memory_space<hbm>>) dst(%arg15 : memref<64x128xf32, #tpu.memory_space<vmem>>)
        %mul3A_219 = arith.constant 4 : i32
        %mul3A_220 = arith.muli %scan3A_160, %mul3A_219 : i32
        %add3A_221 = arith.constant 3 : i32
        %add3A_222 = arith.addi %mul3A_220, %add3A_221 : i32
        %dma_start3A_223 = arith.constant 0 : i32
        %dma_start3A_224 = tpu.memref_slice %arg10[%add3A_222, %dma_start3A_223] : memref<20x64xi32, #tpu.memory_space<vmem>> -> memref<1x64xi32, #tpu.memory_space<vmem>>
        %dma_start3A_225 = tpu.memref_squeeze %dma_start3A_224 : memref<1x64xi32, #tpu.memory_space<vmem>> -> memref<64xi32, #tpu.memory_space<vmem>>
        %dma_start3A_226 = arith.constant 0 : i32
        %dma_start3A_227 = arith.constant 0 : i32
        %dma_start3A_228 = tpu.memref_slice %arg16[%dma_start3A_226, %dma_start3A_227] : memref<10240x128xf32, #tpu.memory_space<vmem_shared>> -> memref<10240x128xf32, #tpu.memory_space<vmem_shared>>
        tpu.enqueue_indirect_dma source(%arg15 : memref<64x128xf32, #tpu.memory_space<vmem>>) target(%dma_start3A_228 : memref<10240x128xf32, #tpu.memory_space<vmem_shared>>) offsets(%dma_start3A_225 : memref<64xi32, #tpu.memory_space<vmem>>) semaphore(%arg24 : memref<!tpu.dma_semaphore, #tpu.memory_space<semaphore_mem>>) {add = true}
        %add3A_229 = arith.constant 1 : i32
        %add3A_230 = arith.addi %scan3A_160, %add3A_229 : i32
        %mul3A_231 = arith.constant 4 : i32
        %mul3A_232 = arith.muli %add3A_230, %mul3A_231 : i32
        %add3A_233 = arith.constant 0 : i32
        %add3A_234 = arith.addi %mul3A_232, %add3A_233 : i32
        %lt3A_235 = arith.constant 20 : i32
        %lt3A_236 = arith.cmpi slt, %add3A_234, %lt3A_235 : i32
        %convert_element_type3A_237 = arith.extui %lt3A_236 : i1 to i32
        %cond3A_238 = arith.constant 0 : i32
        %cond3A_239 = arith.cmpi ne, %convert_element_type3A_237, %cond3A_238 : i32
        scf.if %cond3A_239 {
          %dma_wait3A_273 = arith.constant 0 : i32
          %dma_wait3A_274 = arith.constant 0 : i32
          %dma_wait3A_275 = tpu.memref_slice %arg10[%dma_wait3A_273, %dma_wait3A_274] : memref<20x64xi32, #tpu.memory_space<vmem>> -> memref<1x64xi32, #tpu.memory_space<vmem>>
          %dma_wait3A_276 = tpu.memref_squeeze %dma_wait3A_275 : memref<1x64xi32, #tpu.memory_space<vmem>> -> memref<64xi32, #tpu.memory_space<vmem>>
          %dma_wait3A_277 = arith.constant 0 : i32
          %dma_wait3A_278 = arith.constant 0 : i32
          %dma_wait3A_279 = tpu.memref_slice %arg16[%dma_wait3A_277, %dma_wait3A_278] : memref<10240x128xf32, #tpu.memory_space<vmem_shared>> -> memref<10240x128xf32, #tpu.memory_space<vmem_shared>>
          tpu.wait_indirect_dma semaphore(%arg21 : memref<!tpu.dma_semaphore, #tpu.memory_space<semaphore_mem>>) src(%arg12 : memref<64x128xf32, #tpu.memory_space<vmem>>) dst(%dma_wait3A_279 : memref<10240x128xf32, #tpu.memory_space<vmem_shared>>)
          %dma_start3A_280 = arith.constant 0 : i32
          %dma_start3A_281 = tpu.memref_slice %arg8[%add3A_234, %dma_start3A_280] : memref<20x64xi32, #tpu.memory_space<vmem>> -> memref<1x64xi32, #tpu.memory_space<vmem>>
          %dma_start3A_282 = tpu.memref_squeeze %dma_start3A_281 : memref<1x64xi32, #tpu.memory_space<vmem>> -> memref<64xi32, #tpu.memory_space<vmem>>
          %dma_start3A_283 = arith.constant 0 : i32
          %dma_start3A_284 = arith.constant 0 : i32
          %dma_start3A_285 = tpu.memref_slice %arg2[%dma_start3A_283, %dma_start3A_284] : memref<10000x128xf32, #tpu.memory_space<hbm>> -> memref<10000x128xf32, #tpu.memory_space<hbm>>
          tpu.enqueue_indirect_dma source(%dma_start3A_285 : memref<10000x128xf32, #tpu.memory_space<hbm>>) target(%arg12 : memref<64x128xf32, #tpu.memory_space<vmem>>) offsets(%dma_start3A_282 : memref<64xi32, #tpu.memory_space<vmem>>) semaphore(%arg17 : memref<!tpu.dma_semaphore, #tpu.memory_space<semaphore_mem>>)
        } else {
        }
        %add3A_240 = arith.constant 1 : i32
        %add3A_241 = arith.addi %scan3A_160, %add3A_240 : i32
        %mul3A_242 = arith.constant 4 : i32
        %mul3A_243 = arith.muli %add3A_241, %mul3A_242 : i32
        %add3A_244 = arith.constant 1 : i32
        %add3A_245 = arith.addi %mul3A_243, %add3A_244 : i32
        %lt3A_246 = arith.constant 20 : i32
        %lt3A_247 = arith.cmpi slt, %add3A_245, %lt3A_246 : i32
        %convert_element_type3A_248 = arith.extui %lt3A_247 : i1 to i32
        %cond3A_249 = arith.constant 0 : i32
        %cond3A_250 = arith.cmpi ne, %convert_element_type3A_248, %cond3A_249 : i32
        scf.if %cond3A_250 {
          %dma_wait3A_273 = arith.constant 0 : i32
          %dma_wait3A_274 = arith.constant 0 : i32
          %dma_wait3A_275 = tpu.memref_slice %arg10[%dma_wait3A_273, %dma_wait3A_274] : memref<20x64xi32, #tpu.memory_space<vmem>> -> memref<1x64xi32, #tpu.memory_space<vmem>>
          %dma_wait3A_276 = tpu.memref_squeeze %dma_wait3A_275 : memref<1x64xi32, #tpu.memory_space<vmem>> -> memref<64xi32, #tpu.memory_space<vmem>>
          %dma_wait3A_277 = arith.constant 0 : i32
          %dma_wait3A_278 = arith.constant 0 : i32
          %dma_wait3A_279 = tpu.memref_slice %arg16[%dma_wait3A_277, %dma_wait3A_278] : memref<10240x128xf32, #tpu.memory_space<vmem_shared>> -> memref<10240x128xf32, #tpu.memory_space<vmem_shared>>
          tpu.wait_indirect_dma semaphore(%arg22 : memref<!tpu.dma_semaphore, #tpu.memory_space<semaphore_mem>>) src(%arg13 : memref<64x128xf32, #tpu.memory_space<vmem>>) dst(%dma_wait3A_279 : memref<10240x128xf32, #tpu.memory_space<vmem_shared>>)
          %dma_start3A_280 = arith.constant 0 : i32
          %dma_start3A_281 = tpu.memref_slice %arg8[%add3A_245, %dma_start3A_280] : memref<20x64xi32, #tpu.memory_space<vmem>> -> memref<1x64xi32, #tpu.memory_space<vmem>>
          %dma_start3A_282 = tpu.memref_squeeze %dma_start3A_281 : memref<1x64xi32, #tpu.memory_space<vmem>> -> memref<64xi32, #tpu.memory_space<vmem>>
          %dma_start3A_283 = arith.constant 0 : i32
          %dma_start3A_284 = arith.constant 0 : i32
          %dma_start3A_285 = tpu.memref_slice %arg2[%dma_start3A_283, %dma_start3A_284] : memref<10000x128xf32, #tpu.memory_space<hbm>> -> memref<10000x128xf32, #tpu.memory_space<hbm>>
          tpu.enqueue_indirect_dma source(%dma_start3A_285 : memref<10000x128xf32, #tpu.memory_space<hbm>>) target(%arg13 : memref<64x128xf32, #tpu.memory_space<vmem>>) offsets(%dma_start3A_282 : memref<64xi32, #tpu.memory_space<vmem>>) semaphore(%arg18 : memref<!tpu.dma_semaphore, #tpu.memory_space<semaphore_mem>>)
        } else {
        }
        %add3A_251 = arith.constant 1 : i32
        %add3A_252 = arith.addi %scan3A_160, %add3A_251 : i32
        %mul3A_253 = arith.constant 4 : i32
        %mul3A_254 = arith.muli %add3A_252, %mul3A_253 : i32
        %add3A_255 = arith.constant 2 : i32
        %add3A_256 = arith.addi %mul3A_254, %add3A_255 : i32
        %lt3A_257 = arith.constant 20 : i32
        %lt3A_258 = arith.cmpi slt, %add3A_256, %lt3A_257 : i32
        %convert_element_type3A_259 = arith.extui %lt3A_258 : i1 to i32
        %cond3A_260 = arith.constant 0 : i32
        %cond3A_261 = arith.cmpi ne, %convert_element_type3A_259, %cond3A_260 : i32
        scf.if %cond3A_261 {
          %dma_wait3A_273 = arith.constant 0 : i32
          %dma_wait3A_274 = arith.constant 0 : i32
          %dma_wait3A_275 = tpu.memref_slice %arg10[%dma_wait3A_273, %dma_wait3A_274] : memref<20x64xi32, #tpu.memory_space<vmem>> -> memref<1x64xi32, #tpu.memory_space<vmem>>
          %dma_wait3A_276 = tpu.memref_squeeze %dma_wait3A_275 : memref<1x64xi32, #tpu.memory_space<vmem>> -> memref<64xi32, #tpu.memory_space<vmem>>
          %dma_wait3A_277 = arith.constant 0 : i32
          %dma_wait3A_278 = arith.constant 0 : i32
          %dma_wait3A_279 = tpu.memref_slice %arg16[%dma_wait3A_277, %dma_wait3A_278] : memref<10240x128xf32, #tpu.memory_space<vmem_shared>> -> memref<10240x128xf32, #tpu.memory_space<vmem_shared>>
          tpu.wait_indirect_dma semaphore(%arg23 : memref<!tpu.dma_semaphore, #tpu.memory_space<semaphore_mem>>) src(%arg14 : memref<64x128xf32, #tpu.memory_space<vmem>>) dst(%dma_wait3A_279 : memref<10240x128xf32, #tpu.memory_space<vmem_shared>>)
          %dma_start3A_280 = arith.constant 0 : i32
          %dma_start3A_281 = tpu.memref_slice %arg8[%add3A_256, %dma_start3A_280] : memref<20x64xi32, #tpu.memory_space<vmem>> -> memref<1x64xi32, #tpu.memory_space<vmem>>
          %dma_start3A_282 = tpu.memref_squeeze %dma_start3A_281 : memref<1x64xi32, #tpu.memory_space<vmem>> -> memref<64xi32, #tpu.memory_space<vmem>>
          %dma_start3A_283 = arith.constant 0 : i32
          %dma_start3A_284 = arith.constant 0 : i32
          %dma_start3A_285 = tpu.memref_slice %arg2[%dma_start3A_283, %dma_start3A_284] : memref<10000x128xf32, #tpu.memory_space<hbm>> -> memref<10000x128xf32, #tpu.memory_space<hbm>>
          tpu.enqueue_indirect_dma source(%dma_start3A_285 : memref<10000x128xf32, #tpu.memory_space<hbm>>) target(%arg14 : memref<64x128xf32, #tpu.memory_space<vmem>>) offsets(%dma_start3A_282 : memref<64xi32, #tpu.memory_space<vmem>>) semaphore(%arg19 : memref<!tpu.dma_semaphore, #tpu.memory_space<semaphore_mem>>)
        } else {
        }
        %add3A_262 = arith.constant 1 : i32
        %add3A_263 = arith.addi %scan3A_160, %add3A_262 : i32
        %mul3A_264 = arith.constant 4 : i32
        %mul3A_265 = arith.muli %add3A_263, %mul3A_264 : i32
        %add3A_266 = arith.constant 3 : i32
        %add3A_267 = arith.addi %mul3A_265, %add3A_266 : i32
        %lt3A_268 = arith.constant 20 : i32
        %lt3A_269 = arith.cmpi slt, %add3A_267, %lt3A_268 : i32
        %convert_element_type3A_270 = arith.extui %lt3A_269 : i1 to i32
        %cond3A_271 = arith.constant 0 : i32
        %cond3A_272 = arith.cmpi ne, %convert_element_type3A_270, %cond3A_271 : i32
        scf.if %cond3A_272 {
          %dma_wait3A_273 = arith.constant 0 : i32
          %dma_wait3A_274 = arith.constant 0 : i32
          %dma_wait3A_275 = tpu.memref_slice %arg10[%dma_wait3A_273, %dma_wait3A_274] : memref<20x64xi32, #tpu.memory_space<vmem>> -> memref<1x64xi32, #tpu.memory_space<vmem>>
          %dma_wait3A_276 = tpu.memref_squeeze %dma_wait3A_275 : memref<1x64xi32, #tpu.memory_space<vmem>> -> memref<64xi32, #tpu.memory_space<vmem>>
          %dma_wait3A_277 = arith.constant 0 : i32
          %dma_wait3A_278 = arith.constant 0 : i32
          %dma_wait3A_279 = tpu.memref_slice %arg16[%dma_wait3A_277, %dma_wait3A_278] : memref<10240x128xf32, #tpu.memory_space<vmem_shared>> -> memref<10240x128xf32, #tpu.memory_space<vmem_shared>>
          tpu.wait_indirect_dma semaphore(%arg24 : memref<!tpu.dma_semaphore, #tpu.memory_space<semaphore_mem>>) src(%arg15 : memref<64x128xf32, #tpu.memory_space<vmem>>) dst(%dma_wait3A_279 : memref<10240x128xf32, #tpu.memory_space<vmem_shared>>)
          %dma_start3A_280 = arith.constant 0 : i32
          %dma_start3A_281 = tpu.memref_slice %arg8[%add3A_267, %dma_start3A_280] : memref<20x64xi32, #tpu.memory_space<vmem>> -> memref<1x64xi32, #tpu.memory_space<vmem>>
          %dma_start3A_282 = tpu.memref_squeeze %dma_start3A_281 : memref<1x64xi32, #tpu.memory_space<vmem>> -> memref<64xi32, #tpu.memory_space<vmem>>
          %dma_start3A_283 = arith.constant 0 : i32
          %dma_start3A_284 = arith.constant 0 : i32
          %dma_start3A_285 = tpu.memref_slice %arg2[%dma_start3A_283, %dma_start3A_284] : memref<10000x128xf32, #tpu.memory_space<hbm>> -> memref<10000x128xf32, #tpu.memory_space<hbm>>
          tpu.enqueue_indirect_dma source(%dma_start3A_285 : memref<10000x128xf32, #tpu.memory_space<hbm>>) target(%arg15 : memref<64x128xf32, #tpu.memory_space<vmem>>) offsets(%dma_start3A_282 : memref<64xi32, #tpu.memory_space<vmem>>) semaphore(%arg20 : memref<!tpu.dma_semaphore, #tpu.memory_space<semaphore_mem>>)
        } else {
        }
      }
      %scan3A_108 = arith.constant 5 : i32
      %add3A_109 = arith.constant 1 : i32
      %add3A_110 = arith.addi %add3A_102, %add3A_109 : i32
      %lt3A_111 = arith.constant 8 : i32
      %lt3A_112 = arith.cmpi slt, %add3A_110, %lt3A_111 : i32
      %convert_element_type3A_113 = arith.extui %lt3A_112 : i1 to i32
      %cond3A_114 = arith.constant 0 : i32
      %cond3A_115 = arith.cmpi ne, %convert_element_type3A_113, %cond3A_114 : i32
      scf.if %cond3A_115 {
        %dma_wait3A_160 = arith.constant 0 : i32
        %dma_wait3A_161 = arith.constant 0 : i32
        %dma_wait3A_162 = tpu.memref_slice %arg3[%dma_wait3A_160, %dma_wait3A_161] : memref<5120x64xi32, #tpu.memory_space<hbm>> -> memref<20x64xi32, #tpu.memory_space<hbm>>
        %dma_wait3A_163 = arith.constant 0 : i32
        %dma_wait3A_164 = arith.constant 0 : i32
        %dma_wait3A_165 = tpu.memref_slice %arg3[%dma_wait3A_163, %dma_wait3A_164] : memref<5120x64xi32, #tpu.memory_space<hbm>> -> memref<20x64xi32, #tpu.memory_space<hbm>>
        tpu.wait_dma2 semaphore(%arg26 : memref<!tpu.dma_semaphore, #tpu.memory_space<semaphore_mem>>) src(%dma_wait3A_165 : memref<20x64xi32, #tpu.memory_space<hbm>>) dst(%arg9 : memref<20x64xi32, #tpu.memory_space<vmem>>)
        %dma_wait3A_166 = arith.constant 0 : i32
        %dma_wait3A_167 = arith.constant 0 : i32
        %dma_wait3A_168 = tpu.memref_slice %arg4[%dma_wait3A_166, %dma_wait3A_167] : memref<5120x64xi32, #tpu.memory_space<hbm>> -> memref<20x64xi32, #tpu.memory_space<hbm>>
        %dma_wait3A_169 = arith.constant 0 : i32
        %dma_wait3A_170 = arith.constant 0 : i32
        %dma_wait3A_171 = tpu.memref_slice %arg4[%dma_wait3A_169, %dma_wait3A_170] : memref<5120x64xi32, #tpu.memory_space<hbm>> -> memref<20x64xi32, #tpu.memory_space<hbm>>
        tpu.wait_dma2 semaphore(%arg26 : memref<!tpu.dma_semaphore, #tpu.memory_space<semaphore_mem>>) src(%dma_wait3A_171 : memref<20x64xi32, #tpu.memory_space<hbm>>) dst(%arg11 : memref<20x64xi32, #tpu.memory_space<vmem>>)
        %dma_wait3A_172 = arith.constant 0 : i32
        %dma_wait3A_173 = arith.constant 0 : i32
        %dma_wait3A_174 = tpu.memref_slice %arg10[%dma_wait3A_172, %dma_wait3A_173] : memref<20x64xi32, #tpu.memory_space<vmem>> -> memref<1x64xi32, #tpu.memory_space<vmem>>
        %dma_wait3A_175 = tpu.memref_squeeze %dma_wait3A_174 : memref<1x64xi32, #tpu.memory_space<vmem>> -> memref<64xi32, #tpu.memory_space<vmem>>
        %dma_wait3A_176 = arith.constant 0 : i32
        %dma_wait3A_177 = arith.constant 0 : i32
        %dma_wait3A_178 = tpu.memref_slice %arg16[%dma_wait3A_176, %dma_wait3A_177] : memref<10240x128xf32, #tpu.memory_space<vmem_shared>> -> memref<10240x128xf32, #tpu.memory_space<vmem_shared>>
        tpu.wait_indirect_dma semaphore(%arg21 : memref<!tpu.dma_semaphore, #tpu.memory_space<semaphore_mem>>) src(%arg12 : memref<64x128xf32, #tpu.memory_space<vmem>>) dst(%dma_wait3A_178 : memref<10240x128xf32, #tpu.memory_space<vmem_shared>>)
        %dma_start3A_179 = arith.constant 0 : i32
        %dma_start3A_180 = arith.constant 0 : i32
        %dma_start3A_181 = tpu.memref_slice %arg9[%dma_start3A_179, %dma_start3A_180] : memref<20x64xi32, #tpu.memory_space<vmem>> -> memref<1x64xi32, #tpu.memory_space<vmem>>
        %dma_start3A_182 = tpu.memref_squeeze %dma_start3A_181 : memref<1x64xi32, #tpu.memory_space<vmem>> -> memref<64xi32, #tpu.memory_space<vmem>>
        %dma_start3A_183 = arith.constant 0 : i32
        %dma_start3A_184 = arith.constant 0 : i32
        %dma_start3A_185 = tpu.memref_slice %arg2[%dma_start3A_183, %dma_start3A_184] : memref<10000x128xf32, #tpu.memory_space<hbm>> -> memref<10000x128xf32, #tpu.memory_space<hbm>>
        tpu.enqueue_indirect_dma source(%dma_start3A_185 : memref<10000x128xf32, #tpu.memory_space<hbm>>) target(%arg12 : memref<64x128xf32, #tpu.memory_space<vmem>>) offsets(%dma_start3A_182 : memref<64xi32, #tpu.memory_space<vmem>>) semaphore(%arg17 : memref<!tpu.dma_semaphore, #tpu.memory_space<semaphore_mem>>)
        %dma_wait3A_186 = arith.constant 0 : i32
        %dma_wait3A_187 = arith.constant 0 : i32
        %dma_wait3A_188 = tpu.memref_slice %arg10[%dma_wait3A_186, %dma_wait3A_187] : memref<20x64xi32, #tpu.memory_space<vmem>> -> memref<1x64xi32, #tpu.memory_space<vmem>>
        %dma_wait3A_189 = tpu.memref_squeeze %dma_wait3A_188 : memref<1x64xi32, #tpu.memory_space<vmem>> -> memref<64xi32, #tpu.memory_space<vmem>>
        %dma_wait3A_190 = arith.constant 0 : i32
        %dma_wait3A_191 = arith.constant 0 : i32
        %dma_wait3A_192 = tpu.memref_slice %arg16[%dma_wait3A_190, %dma_wait3A_191] : memref<10240x128xf32, #tpu.memory_space<vmem_shared>> -> memref<10240x128xf32, #tpu.memory_space<vmem_shared>>
        tpu.wait_indirect_dma semaphore(%arg22 : memref<!tpu.dma_semaphore, #tpu.memory_space<semaphore_mem>>) src(%arg13 : memref<64x128xf32, #tpu.memory_space<vmem>>) dst(%dma_wait3A_192 : memref<10240x128xf32, #tpu.memory_space<vmem_shared>>)
        %dma_start3A_193 = arith.constant 1 : i32
        %dma_start3A_194 = arith.constant 0 : i32
        %dma_start3A_195 = tpu.memref_slice %arg9[%dma_start3A_193, %dma_start3A_194] : memref<20x64xi32, #tpu.memory_space<vmem>> -> memref<1x64xi32, #tpu.memory_space<vmem>>
        %dma_start3A_196 = tpu.memref_squeeze %dma_start3A_195 : memref<1x64xi32, #tpu.memory_space<vmem>> -> memref<64xi32, #tpu.memory_space<vmem>>
        %dma_start3A_197 = arith.constant 0 : i32
        %dma_start3A_198 = arith.constant 0 : i32
        %dma_start3A_199 = tpu.memref_slice %arg2[%dma_start3A_197, %dma_start3A_198] : memref<10000x128xf32, #tpu.memory_space<hbm>> -> memref<10000x128xf32, #tpu.memory_space<hbm>>
        tpu.enqueue_indirect_dma source(%dma_start3A_199 : memref<10000x128xf32, #tpu.memory_space<hbm>>) target(%arg13 : memref<64x128xf32, #tpu.memory_space<vmem>>) offsets(%dma_start3A_196 : memref<64xi32, #tpu.memory_space<vmem>>) semaphore(%arg18 : memref<!tpu.dma_semaphore, #tpu.memory_space<semaphore_mem>>)
        %dma_wait3A_200 = arith.constant 0 : i32
        %dma_wait3A_201 = arith.constant 0 : i32
        %dma_wait3A_202 = tpu.memref_slice %arg10[%dma_wait3A_200, %dma_wait3A_201] : memref<20x64xi32, #tpu.memory_space<vmem>> -> memref<1x64xi32, #tpu.memory_space<vmem>>
        %dma_wait3A_203 = tpu.memref_squeeze %dma_wait3A_202 : memref<1x64xi32, #tpu.memory_space<vmem>> -> memref<64xi32, #tpu.memory_space<vmem>>
        %dma_wait3A_204 = arith.constant 0 : i32
        %dma_wait3A_205 = arith.constant 0 : i32
        %dma_wait3A_206 = tpu.memref_slice %arg16[%dma_wait3A_204, %dma_wait3A_205] : memref<10240x128xf32, #tpu.memory_space<vmem_shared>> -> memref<10240x128xf32, #tpu.memory_space<vmem_shared>>
        tpu.wait_indirect_dma semaphore(%arg23 : memref<!tpu.dma_semaphore, #tpu.memory_space<semaphore_mem>>) src(%arg14 : memref<64x128xf32, #tpu.memory_space<vmem>>) dst(%dma_wait3A_206 : memref<10240x128xf32, #tpu.memory_space<vmem_shared>>)
        %dma_start3A_207 = arith.constant 2 : i32
        %dma_start3A_208 = arith.constant 0 : i32
        %dma_start3A_209 = tpu.memref_slice %arg9[%dma_start3A_207, %dma_start3A_208] : memref<20x64xi32, #tpu.memory_space<vmem>> -> memref<1x64xi32, #tpu.memory_space<vmem>>
        %dma_start3A_210 = tpu.memref_squeeze %dma_start3A_209 : memref<1x64xi32, #tpu.memory_space<vmem>> -> memref<64xi32, #tpu.memory_space<vmem>>
        %dma_start3A_211 = arith.constant 0 : i32
        %dma_start3A_212 = arith.constant 0 : i32
        %dma_start3A_213 = tpu.memref_slice %arg2[%dma_start3A_211, %dma_start3A_212] : memref<10000x128xf32, #tpu.memory_space<hbm>> -> memref<10000x128xf32, #tpu.memory_space<hbm>>
        tpu.enqueue_indirect_dma source(%dma_start3A_213 : memref<10000x128xf32, #tpu.memory_space<hbm>>) target(%arg14 : memref<64x128xf32, #tpu.memory_space<vmem>>) offsets(%dma_start3A_210 : memref<64xi32, #tpu.memory_space<vmem>>) semaphore(%arg19 : memref<!tpu.dma_semaphore, #tpu.memory_space<semaphore_mem>>)
        %dma_wait3A_214 = arith.constant 0 : i32
        %dma_wait3A_215 = arith.constant 0 : i32
        %dma_wait3A_216 = tpu.memref_slice %arg10[%dma_wait3A_214, %dma_wait3A_215] : memref<20x64xi32, #tpu.memory_space<vmem>> -> memref<1x64xi32, #tpu.memory_space<vmem>>
        %dma_wait3A_217 = tpu.memref_squeeze %dma_wait3A_216 : memref<1x64xi32, #tpu.memory_space<vmem>> -> memref<64xi32, #tpu.memory_space<vmem>>
        %dma_wait3A_218 = arith.constant 0 : i32
        %dma_wait3A_219 = arith.constant 0 : i32
        %dma_wait3A_220 = tpu.memref_slice %arg16[%dma_wait3A_218, %dma_wait3A_219] : memref<10240x128xf32, #tpu.memory_space<vmem_shared>> -> memref<10240x128xf32, #tpu.memory_space<vmem_shared>>
        tpu.wait_indirect_dma semaphore(%arg24 : memref<!tpu.dma_semaphore, #tpu.memory_space<semaphore_mem>>) src(%arg15 : memref<64x128xf32, #tpu.memory_space<vmem>>) dst(%dma_wait3A_220 : memref<10240x128xf32, #tpu.memory_space<vmem_shared>>)
        %dma_start3A_221 = arith.constant 3 : i32
        %dma_start3A_222 = arith.constant 0 : i32
        %dma_start3A_223 = tpu.memref_slice %arg9[%dma_start3A_221, %dma_start3A_222] : memref<20x64xi32, #tpu.memory_space<vmem>> -> memref<1x64xi32, #tpu.memory_space<vmem>>
        %dma_start3A_224 = tpu.memref_squeeze %dma_start3A_223 : memref<1x64xi32, #tpu.memory_space<vmem>> -> memref<64xi32, #tpu.memory_space<vmem>>
        %dma_start3A_225 = arith.constant 0 : i32
        %dma_start3A_226 = arith.constant 0 : i32
        %dma_start3A_227 = tpu.memref_slice %arg2[%dma_start3A_225, %dma_start3A_226] : memref<10000x128xf32, #tpu.memory_space<hbm>> -> memref<10000x128xf32, #tpu.memory_space<hbm>>
        tpu.enqueue_indirect_dma source(%dma_start3A_227 : memref<10000x128xf32, #tpu.memory_space<hbm>>) target(%arg15 : memref<64x128xf32, #tpu.memory_space<vmem>>) offsets(%dma_start3A_224 : memref<64xi32, #tpu.memory_space<vmem>>) semaphore(%arg20 : memref<!tpu.dma_semaphore, #tpu.memory_space<semaphore_mem>>)
      } else {
      }
      %add3A_116 = arith.constant 1 : i32
      %add3A_117 = arith.addi %add3A_102, %add3A_116 : i32
      %ge3A = arith.constant 8 : i32
      %ge3A_118 = arith.cmpi sge, %add3A_117, %ge3A : i32
      %convert_element_type3A_119 = arith.extui %ge3A_118 : i1 to i32
      %cond3A_120 = arith.constant 0 : i32
      %cond3A_121 = arith.cmpi ne, %convert_element_type3A_119, %cond3A_120 : i32
      scf.if %cond3A_121 {
        %dma_wait3A_160 = arith.constant 0 : i32
        %dma_wait3A_161 = arith.constant 0 : i32
        %dma_wait3A_162 = tpu.memref_slice %arg10[%dma_wait3A_160, %dma_wait3A_161] : memref<20x64xi32, #tpu.memory_space<vmem>> -> memref<1x64xi32, #tpu.memory_space<vmem>>
        %dma_wait3A_163 = tpu.memref_squeeze %dma_wait3A_162 : memref<1x64xi32, #tpu.memory_space<vmem>> -> memref<64xi32, #tpu.memory_space<vmem>>
        %dma_wait3A_164 = arith.constant 0 : i32
        %dma_wait3A_165 = arith.constant 0 : i32
        %dma_wait3A_166 = tpu.memref_slice %arg16[%dma_wait3A_164, %dma_wait3A_165] : memref<10240x128xf32, #tpu.memory_space<vmem_shared>> -> memref<10240x128xf32, #tpu.memory_space<vmem_shared>>
        tpu.wait_indirect_dma semaphore(%arg21 : memref<!tpu.dma_semaphore, #tpu.memory_space<semaphore_mem>>) src(%arg12 : memref<64x128xf32, #tpu.memory_space<vmem>>) dst(%dma_wait3A_166 : memref<10240x128xf32, #tpu.memory_space<vmem_shared>>)
        %dma_wait3A_167 = arith.constant 0 : i32
        %dma_wait3A_168 = arith.constant 0 : i32
        %dma_wait3A_169 = tpu.memref_slice %arg10[%dma_wait3A_167, %dma_wait3A_168] : memref<20x64xi32, #tpu.memory_space<vmem>> -> memref<1x64xi32, #tpu.memory_space<vmem>>
        %dma_wait3A_170 = tpu.memref_squeeze %dma_wait3A_169 : memref<1x64xi32, #tpu.memory_space<vmem>> -> memref<64xi32, #tpu.memory_space<vmem>>
        %dma_wait3A_171 = arith.constant 0 : i32
        %dma_wait3A_172 = arith.constant 0 : i32
        %dma_wait3A_173 = tpu.memref_slice %arg16[%dma_wait3A_171, %dma_wait3A_172] : memref<10240x128xf32, #tpu.memory_space<vmem_shared>> -> memref<10240x128xf32, #tpu.memory_space<vmem_shared>>
        tpu.wait_indirect_dma semaphore(%arg22 : memref<!tpu.dma_semaphore, #tpu.memory_space<semaphore_mem>>) src(%arg13 : memref<64x128xf32, #tpu.memory_space<vmem>>) dst(%dma_wait3A_173 : memref<10240x128xf32, #tpu.memory_space<vmem_shared>>)
        %dma_wait3A_174 = arith.constant 0 : i32
        %dma_wait3A_175 = arith.constant 0 : i32
        %dma_wait3A_176 = tpu.memref_slice %arg10[%dma_wait3A_174, %dma_wait3A_175] : memref<20x64xi32, #tpu.memory_space<vmem>> -> memref<1x64xi32, #tpu.memory_space<vmem>>
        %dma_wait3A_177 = tpu.memref_squeeze %dma_wait3A_176 : memref<1x64xi32, #tpu.memory_space<vmem>> -> memref<64xi32, #tpu.memory_space<vmem>>
        %dma_wait3A_178 = arith.constant 0 : i32
        %dma_wait3A_179 = arith.constant 0 : i32
        %dma_wait3A_180 = tpu.memref_slice %arg16[%dma_wait3A_178, %dma_wait3A_179] : memref<10240x128xf32, #tpu.memory_space<vmem_shared>> -> memref<10240x128xf32, #tpu.memory_space<vmem_shared>>
        tpu.wait_indirect_dma semaphore(%arg23 : memref<!tpu.dma_semaphore, #tpu.memory_space<semaphore_mem>>) src(%arg14 : memref<64x128xf32, #tpu.memory_space<vmem>>) dst(%dma_wait3A_180 : memref<10240x128xf32, #tpu.memory_space<vmem_shared>>)
        %dma_wait3A_181 = arith.constant 0 : i32
        %dma_wait3A_182 = arith.constant 0 : i32
        %dma_wait3A_183 = tpu.memref_slice %arg10[%dma_wait3A_181, %dma_wait3A_182] : memref<20x64xi32, #tpu.memory_space<vmem>> -> memref<1x64xi32, #tpu.memory_space<vmem>>
        %dma_wait3A_184 = tpu.memref_squeeze %dma_wait3A_183 : memref<1x64xi32, #tpu.memory_space<vmem>> -> memref<64xi32, #tpu.memory_space<vmem>>
        %dma_wait3A_185 = arith.constant 0 : i32
        %dma_wait3A_186 = arith.constant 0 : i32
        %dma_wait3A_187 = tpu.memref_slice %arg16[%dma_wait3A_185, %dma_wait3A_186] : memref<10240x128xf32, #tpu.memory_space<vmem_shared>> -> memref<10240x128xf32, #tpu.memory_space<vmem_shared>>
        tpu.wait_indirect_dma semaphore(%arg24 : memref<!tpu.dma_semaphore, #tpu.memory_space<semaphore_mem>>) src(%arg15 : memref<64x128xf32, #tpu.memory_space<vmem>>) dst(%dma_wait3A_187 : memref<10240x128xf32, #tpu.memory_space<vmem_shared>>)
      } else {
      }
      %add3A_122 = arith.constant 2 : i32
      %add3A_123 = arith.addi %add3A_102, %add3A_122 : i32
      %lt3A_124 = arith.constant 8 : i32
      %lt3A_125 = arith.cmpi slt, %add3A_123, %lt3A_124 : i32
      %convert_element_type3A_126 = arith.extui %lt3A_125 : i1 to i32
      %cond3A_127 = arith.constant 0 : i32
      %cond3A_128 = arith.cmpi ne, %convert_element_type3A_126, %cond3A_127 : i32
      scf.if %cond3A_128 {
        %add3A_160 = arith.constant 2 : i32
        %add3A_161 = arith.addi %add3A_102, %add3A_160 : i32
        %mul3A_162 = arith.constant 160 : i32
        %mul3A_163 = arith.muli %add3A, %mul3A_162 : i32
        %mul3A_164 = arith.constant 20 : i32
        %mul3A_165 = arith.muli %add3A_161, %mul3A_164 : i32
        %add3A_166 = arith.addi %mul3A_163, %mul3A_165 : i32
        %dma_start3A_167 = arith.constant 0 : i32
        %dma_start3A_168 = tpu.memref_slice %arg3[%add3A_166, %dma_start3A_167] : memref<5120x64xi32, #tpu.memory_space<hbm>> -> memref<20x64xi32, #tpu.memory_space<hbm>>
        %dma_start3A_169 = arith.constant 0 : i32
        %dma_start3A_170 = tpu.memref_slice %arg3[%add3A_166, %dma_start3A_169] : memref<5120x64xi32, #tpu.memory_space<hbm>> -> memref<20x64xi32, #tpu.memory_space<hbm>>
        tpu.enqueue_dma source(%dma_start3A_170 : memref<20x64xi32, #tpu.memory_space<hbm>>) target(%arg8 : memref<20x64xi32, #tpu.memory_space<vmem>>) target_semaphore(%arg25 : memref<!tpu.dma_semaphore, #tpu.memory_space<semaphore_mem>>)
        %dma_start3A_171 = arith.constant 0 : i32
        %dma_start3A_172 = tpu.memref_slice %arg4[%add3A_166, %dma_start3A_171] : memref<5120x64xi32, #tpu.memory_space<hbm>> -> memref<20x64xi32, #tpu.memory_space<hbm>>
        %dma_start3A_173 = arith.constant 0 : i32
        %dma_start3A_174 = tpu.memref_slice %arg4[%add3A_166, %dma_start3A_173] : memref<5120x64xi32, #tpu.memory_space<hbm>> -> memref<20x64xi32, #tpu.memory_space<hbm>>
        tpu.enqueue_dma source(%dma_start3A_174 : memref<20x64xi32, #tpu.memory_space<hbm>>) target(%arg10 : memref<20x64xi32, #tpu.memory_space<vmem>>) target_semaphore(%arg25 : memref<!tpu.dma_semaphore, #tpu.memory_space<semaphore_mem>>)
      } else {
      }
      %mul3A_129 = arith.constant 2 : i32
      %mul3A_130 = arith.muli %mul3A_129, %scan3A_98 : i32
      %add3A_131 = arith.constant 1 : i32
      %add3A_132 = arith.addi %mul3A_130, %add3A_131 : i32
      %scan3A_133 = arith.constant 0 : i32
      %scan3A_134 = arith.constant 0 : i32
      %scan3A_135 = arith.constant 5 : i32
      %scan3A_136 = arith.addi %scan3A_134, %scan3A_135 : i32
      %scan3A_137 = arith.constant 1 : i32
      scf.for %scan3A_160 = %scan3A_134 to %scan3A_136 step %scan3A_137  : i32 {
        %dma_wait3A_161 = arith.constant 0 : i32
        %dma_wait3A_162 = arith.constant 0 : i32
        %dma_wait3A_163 = tpu.memref_slice %arg8[%dma_wait3A_161, %dma_wait3A_162] : memref<20x64xi32, #tpu.memory_space<vmem>> -> memref<1x64xi32, #tpu.memory_space<vmem>>
        %dma_wait3A_164 = tpu.memref_squeeze %dma_wait3A_163 : memref<1x64xi32, #tpu.memory_space<vmem>> -> memref<64xi32, #tpu.memory_space<vmem>>
        %dma_wait3A_165 = arith.constant 0 : i32
        %dma_wait3A_166 = arith.constant 0 : i32
        %dma_wait3A_167 = tpu.memref_slice %arg2[%dma_wait3A_165, %dma_wait3A_166] : memref<10000x128xf32, #tpu.memory_space<hbm>> -> memref<10000x128xf32, #tpu.memory_space<hbm>>
        tpu.wait_indirect_dma semaphore(%arg17 : memref<!tpu.dma_semaphore, #tpu.memory_space<semaphore_mem>>) src(%dma_wait3A_167 : memref<10000x128xf32, #tpu.memory_space<hbm>>) dst(%arg12 : memref<64x128xf32, #tpu.memory_space<vmem>>)
        %mul3A_168 = arith.constant 4 : i32
        %mul3A_169 = arith.muli %scan3A_160, %mul3A_168 : i32
        %add3A_170 = arith.constant 0 : i32
        %add3A_171 = arith.addi %mul3A_169, %add3A_170 : i32
        %dma_start3A_172 = arith.constant 0 : i32
        %dma_start3A_173 = tpu.memref_slice %arg11[%add3A_171, %dma_start3A_172] : memref<20x64xi32, #tpu.memory_space<vmem>> -> memref<1x64xi32, #tpu.memory_space<vmem>>
        %dma_start3A_174 = tpu.memref_squeeze %dma_start3A_173 : memref<1x64xi32, #tpu.memory_space<vmem>> -> memref<64xi32, #tpu.memory_space<vmem>>
        %dma_start3A_175 = arith.constant 0 : i32
        %dma_start3A_176 = arith.constant 0 : i32
        %dma_start3A_177 = tpu.memref_slice %arg16[%dma_start3A_175, %dma_start3A_176] : memref<10240x128xf32, #tpu.memory_space<vmem_shared>> -> memref<10240x128xf32, #tpu.memory_space<vmem_shared>>
        tpu.enqueue_indirect_dma source(%arg12 : memref<64x128xf32, #tpu.memory_space<vmem>>) target(%dma_start3A_177 : memref<10240x128xf32, #tpu.memory_space<vmem_shared>>) offsets(%dma_start3A_174 : memref<64xi32, #tpu.memory_space<vmem>>) semaphore(%arg21 : memref<!tpu.dma_semaphore, #tpu.memory_space<semaphore_mem>>) {add = true}
        %dma_wait3A_178 = arith.constant 0 : i32
        %dma_wait3A_179 = arith.constant 0 : i32
        %dma_wait3A_180 = tpu.memref_slice %arg8[%dma_wait3A_178, %dma_wait3A_179] : memref<20x64xi32, #tpu.memory_space<vmem>> -> memref<1x64xi32, #tpu.memory_space<vmem>>
        %dma_wait3A_181 = tpu.memref_squeeze %dma_wait3A_180 : memref<1x64xi32, #tpu.memory_space<vmem>> -> memref<64xi32, #tpu.memory_space<vmem>>
        %dma_wait3A_182 = arith.constant 0 : i32
        %dma_wait3A_183 = arith.constant 0 : i32
        %dma_wait3A_184 = tpu.memref_slice %arg2[%dma_wait3A_182, %dma_wait3A_183] : memref<10000x128xf32, #tpu.memory_space<hbm>> -> memref<10000x128xf32, #tpu.memory_space<hbm>>
        tpu.wait_indirect_dma semaphore(%arg18 : memref<!tpu.dma_semaphore, #tpu.memory_space<semaphore_mem>>) src(%dma_wait3A_184 : memref<10000x128xf32, #tpu.memory_space<hbm>>) dst(%arg13 : memref<64x128xf32, #tpu.memory_space<vmem>>)
        %mul3A_185 = arith.constant 4 : i32
        %mul3A_186 = arith.muli %scan3A_160, %mul3A_185 : i32
        %add3A_187 = arith.constant 1 : i32
        %add3A_188 = arith.addi %mul3A_186, %add3A_187 : i32
        %dma_start3A_189 = arith.constant 0 : i32
        %dma_start3A_190 = tpu.memref_slice %arg11[%add3A_188, %dma_start3A_189] : memref<20x64xi32, #tpu.memory_space<vmem>> -> memref<1x64xi32, #tpu.memory_space<vmem>>
        %dma_start3A_191 = tpu.memref_squeeze %dma_start3A_190 : memref<1x64xi32, #tpu.memory_space<vmem>> -> memref<64xi32, #tpu.memory_space<vmem>>
        %dma_start3A_192 = arith.constant 0 : i32
        %dma_start3A_193 = arith.constant 0 : i32
        %dma_start3A_194 = tpu.memref_slice %arg16[%dma_start3A_192, %dma_start3A_193] : memref<10240x128xf32, #tpu.memory_space<vmem_shared>> -> memref<10240x128xf32, #tpu.memory_space<vmem_shared>>
        tpu.enqueue_indirect_dma source(%arg13 : memref<64x128xf32, #tpu.memory_space<vmem>>) target(%dma_start3A_194 : memref<10240x128xf32, #tpu.memory_space<vmem_shared>>) offsets(%dma_start3A_191 : memref<64xi32, #tpu.memory_space<vmem>>) semaphore(%arg22 : memref<!tpu.dma_semaphore, #tpu.memory_space<semaphore_mem>>) {add = true}
        %dma_wait3A_195 = arith.constant 0 : i32
        %dma_wait3A_196 = arith.constant 0 : i32
        %dma_wait3A_197 = tpu.memref_slice %arg8[%dma_wait3A_195, %dma_wait3A_196] : memref<20x64xi32, #tpu.memory_space<vmem>> -> memref<1x64xi32, #tpu.memory_space<vmem>>
        %dma_wait3A_198 = tpu.memref_squeeze %dma_wait3A_197 : memref<1x64xi32, #tpu.memory_space<vmem>> -> memref<64xi32, #tpu.memory_space<vmem>>
        %dma_wait3A_199 = arith.constant 0 : i32
        %dma_wait3A_200 = arith.constant 0 : i32
        %dma_wait3A_201 = tpu.memref_slice %arg2[%dma_wait3A_199, %dma_wait3A_200] : memref<10000x128xf32, #tpu.memory_space<hbm>> -> memref<10000x128xf32, #tpu.memory_space<hbm>>
        tpu.wait_indirect_dma semaphore(%arg19 : memref<!tpu.dma_semaphore, #tpu.memory_space<semaphore_mem>>) src(%dma_wait3A_201 : memref<10000x128xf32, #tpu.memory_space<hbm>>) dst(%arg14 : memref<64x128xf32, #tpu.memory_space<vmem>>)
        %mul3A_202 = arith.constant 4 : i32
        %mul3A_203 = arith.muli %scan3A_160, %mul3A_202 : i32
        %add3A_204 = arith.constant 2 : i32
        %add3A_205 = arith.addi %mul3A_203, %add3A_204 : i32
        %dma_start3A_206 = arith.constant 0 : i32
        %dma_start3A_207 = tpu.memref_slice %arg11[%add3A_205, %dma_start3A_206] : memref<20x64xi32, #tpu.memory_space<vmem>> -> memref<1x64xi32, #tpu.memory_space<vmem>>
        %dma_start3A_208 = tpu.memref_squeeze %dma_start3A_207 : memref<1x64xi32, #tpu.memory_space<vmem>> -> memref<64xi32, #tpu.memory_space<vmem>>
        %dma_start3A_209 = arith.constant 0 : i32
        %dma_start3A_210 = arith.constant 0 : i32
        %dma_start3A_211 = tpu.memref_slice %arg16[%dma_start3A_209, %dma_start3A_210] : memref<10240x128xf32, #tpu.memory_space<vmem_shared>> -> memref<10240x128xf32, #tpu.memory_space<vmem_shared>>
        tpu.enqueue_indirect_dma source(%arg14 : memref<64x128xf32, #tpu.memory_space<vmem>>) target(%dma_start3A_211 : memref<10240x128xf32, #tpu.memory_space<vmem_shared>>) offsets(%dma_start3A_208 : memref<64xi32, #tpu.memory_space<vmem>>) semaphore(%arg23 : memref<!tpu.dma_semaphore, #tpu.memory_space<semaphore_mem>>) {add = true}
        %dma_wait3A_212 = arith.constant 0 : i32
        %dma_wait3A_213 = arith.constant 0 : i32
        %dma_wait3A_214 = tpu.memref_slice %arg8[%dma_wait3A_212, %dma_wait3A_213] : memref<20x64xi32, #tpu.memory_space<vmem>> -> memref<1x64xi32, #tpu.memory_space<vmem>>
        %dma_wait3A_215 = tpu.memref_squeeze %dma_wait3A_214 : memref<1x64xi32, #tpu.memory_space<vmem>> -> memref<64xi32, #tpu.memory_space<vmem>>
        %dma_wait3A_216 = arith.constant 0 : i32
        %dma_wait3A_217 = arith.constant 0 : i32
        %dma_wait3A_218 = tpu.memref_slice %arg2[%dma_wait3A_216, %dma_wait3A_217] : memref<10000x128xf32, #tpu.memory_space<hbm>> -> memref<10000x128xf32, #tpu.memory_space<hbm>>
        tpu.wait_indirect_dma semaphore(%arg20 : memref<!tpu.dma_semaphore, #tpu.memory_space<semaphore_mem>>) src(%dma_wait3A_218 : memref<10000x128xf32, #tpu.memory_space<hbm>>) dst(%arg15 : memref<64x128xf32, #tpu.memory_space<vmem>>)
        %mul3A_219 = arith.constant 4 : i32
        %mul3A_220 = arith.muli %scan3A_160, %mul3A_219 : i32
        %add3A_221 = arith.constant 3 : i32
        %add3A_222 = arith.addi %mul3A_220, %add3A_221 : i32
        %dma_start3A_223 = arith.constant 0 : i32
        %dma_start3A_224 = tpu.memref_slice %arg11[%add3A_222, %dma_start3A_223] : memref<20x64xi32, #tpu.memory_space<vmem>> -> memref<1x64xi32, #tpu.memory_space<vmem>>
        %dma_start3A_225 = tpu.memref_squeeze %dma_start3A_224 : memref<1x64xi32, #tpu.memory_space<vmem>> -> memref<64xi32, #tpu.memory_space<vmem>>
        %dma_start3A_226 = arith.constant 0 : i32
        %dma_start3A_227 = arith.constant 0 : i32
        %dma_start3A_228 = tpu.memref_slice %arg16[%dma_start3A_226, %dma_start3A_227] : memref<10240x128xf32, #tpu.memory_space<vmem_shared>> -> memref<10240x128xf32, #tpu.memory_space<vmem_shared>>
        tpu.enqueue_indirect_dma source(%arg15 : memref<64x128xf32, #tpu.memory_space<vmem>>) target(%dma_start3A_228 : memref<10240x128xf32, #tpu.memory_space<vmem_shared>>) offsets(%dma_start3A_225 : memref<64xi32, #tpu.memory_space<vmem>>) semaphore(%arg24 : memref<!tpu.dma_semaphore, #tpu.memory_space<semaphore_mem>>) {add = true}
        %add3A_229 = arith.constant 1 : i32
        %add3A_230 = arith.addi %scan3A_160, %add3A_229 : i32
        %mul3A_231 = arith.constant 4 : i32
        %mul3A_232 = arith.muli %add3A_230, %mul3A_231 : i32
        %add3A_233 = arith.constant 0 : i32
        %add3A_234 = arith.addi %mul3A_232, %add3A_233 : i32
        %lt3A_235 = arith.constant 20 : i32
        %lt3A_236 = arith.cmpi slt, %add3A_234, %lt3A_235 : i32
        %convert_element_type3A_237 = arith.extui %lt3A_236 : i1 to i32
        %cond3A_238 = arith.constant 0 : i32
        %cond3A_239 = arith.cmpi ne, %convert_element_type3A_237, %cond3A_238 : i32
        scf.if %cond3A_239 {
          %dma_wait3A_273 = arith.constant 0 : i32
          %dma_wait3A_274 = arith.constant 0 : i32
          %dma_wait3A_275 = tpu.memref_slice %arg10[%dma_wait3A_273, %dma_wait3A_274] : memref<20x64xi32, #tpu.memory_space<vmem>> -> memref<1x64xi32, #tpu.memory_space<vmem>>
          %dma_wait3A_276 = tpu.memref_squeeze %dma_wait3A_275 : memref<1x64xi32, #tpu.memory_space<vmem>> -> memref<64xi32, #tpu.memory_space<vmem>>
          %dma_wait3A_277 = arith.constant 0 : i32
          %dma_wait3A_278 = arith.constant 0 : i32
          %dma_wait3A_279 = tpu.memref_slice %arg16[%dma_wait3A_277, %dma_wait3A_278] : memref<10240x128xf32, #tpu.memory_space<vmem_shared>> -> memref<10240x128xf32, #tpu.memory_space<vmem_shared>>
          tpu.wait_indirect_dma semaphore(%arg21 : memref<!tpu.dma_semaphore, #tpu.memory_space<semaphore_mem>>) src(%arg12 : memref<64x128xf32, #tpu.memory_space<vmem>>) dst(%dma_wait3A_279 : memref<10240x128xf32, #tpu.memory_space<vmem_shared>>)
          %dma_start3A_280 = arith.constant 0 : i32
          %dma_start3A_281 = tpu.memref_slice %arg9[%add3A_234, %dma_start3A_280] : memref<20x64xi32, #tpu.memory_space<vmem>> -> memref<1x64xi32, #tpu.memory_space<vmem>>
          %dma_start3A_282 = tpu.memref_squeeze %dma_start3A_281 : memref<1x64xi32, #tpu.memory_space<vmem>> -> memref<64xi32, #tpu.memory_space<vmem>>
          %dma_start3A_283 = arith.constant 0 : i32
          %dma_start3A_284 = arith.constant 0 : i32
          %dma_start3A_285 = tpu.memref_slice %arg2[%dma_start3A_283, %dma_start3A_284] : memref<10000x128xf32, #tpu.memory_space<hbm>> -> memref<10000x128xf32, #tpu.memory_space<hbm>>
          tpu.enqueue_indirect_dma source(%dma_start3A_285 : memref<10000x128xf32, #tpu.memory_space<hbm>>) target(%arg12 : memref<64x128xf32, #tpu.memory_space<vmem>>) offsets(%dma_start3A_282 : memref<64xi32, #tpu.memory_space<vmem>>) semaphore(%arg17 : memref<!tpu.dma_semaphore, #tpu.memory_space<semaphore_mem>>)
        } else {
        }
        %add3A_240 = arith.constant 1 : i32
        %add3A_241 = arith.addi %scan3A_160, %add3A_240 : i32
        %mul3A_242 = arith.constant 4 : i32
        %mul3A_243 = arith.muli %add3A_241, %mul3A_242 : i32
        %add3A_244 = arith.constant 1 : i32
        %add3A_245 = arith.addi %mul3A_243, %add3A_244 : i32
        %lt3A_246 = arith.constant 20 : i32
        %lt3A_247 = arith.cmpi slt, %add3A_245, %lt3A_246 : i32
        %convert_element_type3A_248 = arith.extui %lt3A_247 : i1 to i32
        %cond3A_249 = arith.constant 0 : i32
        %cond3A_250 = arith.cmpi ne, %convert_element_type3A_248, %cond3A_249 : i32
        scf.if %cond3A_250 {
          %dma_wait3A_273 = arith.constant 0 : i32
          %dma_wait3A_274 = arith.constant 0 : i32
          %dma_wait3A_275 = tpu.memref_slice %arg10[%dma_wait3A_273, %dma_wait3A_274] : memref<20x64xi32, #tpu.memory_space<vmem>> -> memref<1x64xi32, #tpu.memory_space<vmem>>
          %dma_wait3A_276 = tpu.memref_squeeze %dma_wait3A_275 : memref<1x64xi32, #tpu.memory_space<vmem>> -> memref<64xi32, #tpu.memory_space<vmem>>
          %dma_wait3A_277 = arith.constant 0 : i32
          %dma_wait3A_278 = arith.constant 0 : i32
          %dma_wait3A_279 = tpu.memref_slice %arg16[%dma_wait3A_277, %dma_wait3A_278] : memref<10240x128xf32, #tpu.memory_space<vmem_shared>> -> memref<10240x128xf32, #tpu.memory_space<vmem_shared>>
          tpu.wait_indirect_dma semaphore(%arg22 : memref<!tpu.dma_semaphore, #tpu.memory_space<semaphore_mem>>) src(%arg13 : memref<64x128xf32, #tpu.memory_space<vmem>>) dst(%dma_wait3A_279 : memref<10240x128xf32, #tpu.memory_space<vmem_shared>>)
          %dma_start3A_280 = arith.constant 0 : i32
          %dma_start3A_281 = tpu.memref_slice %arg9[%add3A_245, %dma_start3A_280] : memref<20x64xi32, #tpu.memory_space<vmem>> -> memref<1x64xi32, #tpu.memory_space<vmem>>
          %dma_start3A_282 = tpu.memref_squeeze %dma_start3A_281 : memref<1x64xi32, #tpu.memory_space<vmem>> -> memref<64xi32, #tpu.memory_space<vmem>>
          %dma_start3A_283 = arith.constant 0 : i32
          %dma_start3A_284 = arith.constant 0 : i32
          %dma_start3A_285 = tpu.memref_slice %arg2[%dma_start3A_283, %dma_start3A_284] : memref<10000x128xf32, #tpu.memory_space<hbm>> -> memref<10000x128xf32, #tpu.memory_space<hbm>>
          tpu.enqueue_indirect_dma source(%dma_start3A_285 : memref<10000x128xf32, #tpu.memory_space<hbm>>) target(%arg13 : memref<64x128xf32, #tpu.memory_space<vmem>>) offsets(%dma_start3A_282 : memref<64xi32, #tpu.memory_space<vmem>>) semaphore(%arg18 : memref<!tpu.dma_semaphore, #tpu.memory_space<semaphore_mem>>)
        } else {
        }
        %add3A_251 = arith.constant 1 : i32
        %add3A_252 = arith.addi %scan3A_160, %add3A_251 : i32
        %mul3A_253 = arith.constant 4 : i32
        %mul3A_254 = arith.muli %add3A_252, %mul3A_253 : i32
        %add3A_255 = arith.constant 2 : i32
        %add3A_256 = arith.addi %mul3A_254, %add3A_255 : i32
        %lt3A_257 = arith.constant 20 : i32
        %lt3A_258 = arith.cmpi slt, %add3A_256, %lt3A_257 : i32
        %convert_element_type3A_259 = arith.extui %lt3A_258 : i1 to i32
        %cond3A_260 = arith.constant 0 : i32
        %cond3A_261 = arith.cmpi ne, %convert_element_type3A_259, %cond3A_260 : i32
        scf.if %cond3A_261 {
          %dma_wait3A_273 = arith.constant 0 : i32
          %dma_wait3A_274 = arith.constant 0 : i32
          %dma_wait3A_275 = tpu.memref_slice %arg10[%dma_wait3A_273, %dma_wait3A_274] : memref<20x64xi32, #tpu.memory_space<vmem>> -> memref<1x64xi32, #tpu.memory_space<vmem>>
          %dma_wait3A_276 = tpu.memref_squeeze %dma_wait3A_275 : memref<1x64xi32, #tpu.memory_space<vmem>> -> memref<64xi32, #tpu.memory_space<vmem>>
          %dma_wait3A_277 = arith.constant 0 : i32
          %dma_wait3A_278 = arith.constant 0 : i32
          %dma_wait3A_279 = tpu.memref_slice %arg16[%dma_wait3A_277, %dma_wait3A_278] : memref<10240x128xf32, #tpu.memory_space<vmem_shared>> -> memref<10240x128xf32, #tpu.memory_space<vmem_shared>>
          tpu.wait_indirect_dma semaphore(%arg23 : memref<!tpu.dma_semaphore, #tpu.memory_space<semaphore_mem>>) src(%arg14 : memref<64x128xf32, #tpu.memory_space<vmem>>) dst(%dma_wait3A_279 : memref<10240x128xf32, #tpu.memory_space<vmem_shared>>)
          %dma_start3A_280 = arith.constant 0 : i32
          %dma_start3A_281 = tpu.memref_slice %arg9[%add3A_256, %dma_start3A_280] : memref<20x64xi32, #tpu.memory_space<vmem>> -> memref<1x64xi32, #tpu.memory_space<vmem>>
          %dma_start3A_282 = tpu.memref_squeeze %dma_start3A_281 : memref<1x64xi32, #tpu.memory_space<vmem>> -> memref<64xi32, #tpu.memory_space<vmem>>
          %dma_start3A_283 = arith.constant 0 : i32
          %dma_start3A_284 = arith.constant 0 : i32
          %dma_start3A_285 = tpu.memref_slice %arg2[%dma_start3A_283, %dma_start3A_284] : memref<10000x128xf32, #tpu.memory_space<hbm>> -> memref<10000x128xf32, #tpu.memory_space<hbm>>
          tpu.enqueue_indirect_dma source(%dma_start3A_285 : memref<10000x128xf32, #tpu.memory_space<hbm>>) target(%arg14 : memref<64x128xf32, #tpu.memory_space<vmem>>) offsets(%dma_start3A_282 : memref<64xi32, #tpu.memory_space<vmem>>) semaphore(%arg19 : memref<!tpu.dma_semaphore, #tpu.memory_space<semaphore_mem>>)
        } else {
        }
        %add3A_262 = arith.constant 1 : i32
        %add3A_263 = arith.addi %scan3A_160, %add3A_262 : i32
        %mul3A_264 = arith.constant 4 : i32
        %mul3A_265 = arith.muli %add3A_263, %mul3A_264 : i32
        %add3A_266 = arith.constant 3 : i32
        %add3A_267 = arith.addi %mul3A_265, %add3A_266 : i32
        %lt3A_268 = arith.constant 20 : i32
        %lt3A_269 = arith.cmpi slt, %add3A_267, %lt3A_268 : i32
        %convert_element_type3A_270 = arith.extui %lt3A_269 : i1 to i32
        %cond3A_271 = arith.constant 0 : i32
        %cond3A_272 = arith.cmpi ne, %convert_element_type3A_270, %cond3A_271 : i32
        scf.if %cond3A_272 {
          %dma_wait3A_273 = arith.constant 0 : i32
          %dma_wait3A_274 = arith.constant 0 : i32
          %dma_wait3A_275 = tpu.memref_slice %arg10[%dma_wait3A_273, %dma_wait3A_274] : memref<20x64xi32, #tpu.memory_space<vmem>> -> memref<1x64xi32, #tpu.memory_space<vmem>>
          %dma_wait3A_276 = tpu.memref_squeeze %dma_wait3A_275 : memref<1x64xi32, #tpu.memory_space<vmem>> -> memref<64xi32, #tpu.memory_space<vmem>>
          %dma_wait3A_277 = arith.constant 0 : i32
          %dma_wait3A_278 = arith.constant 0 : i32
          %dma_wait3A_279 = tpu.memref_slice %arg16[%dma_wait3A_277, %dma_wait3A_278] : memref<10240x128xf32, #tpu.memory_space<vmem_shared>> -> memref<10240x128xf32, #tpu.memory_space<vmem_shared>>
          tpu.wait_indirect_dma semaphore(%arg24 : memref<!tpu.dma_semaphore, #tpu.memory_space<semaphore_mem>>) src(%arg15 : memref<64x128xf32, #tpu.memory_space<vmem>>) dst(%dma_wait3A_279 : memref<10240x128xf32, #tpu.memory_space<vmem_shared>>)
          %dma_start3A_280 = arith.constant 0 : i32
          %dma_start3A_281 = tpu.memref_slice %arg9[%add3A_267, %dma_start3A_280] : memref<20x64xi32, #tpu.memory_space<vmem>> -> memref<1x64xi32, #tpu.memory_space<vmem>>
          %dma_start3A_282 = tpu.memref_squeeze %dma_start3A_281 : memref<1x64xi32, #tpu.memory_space<vmem>> -> memref<64xi32, #tpu.memory_space<vmem>>
          %dma_start3A_283 = arith.constant 0 : i32
          %dma_start3A_284 = arith.constant 0 : i32
          %dma_start3A_285 = tpu.memref_slice %arg2[%dma_start3A_283, %dma_start3A_284] : memref<10000x128xf32, #tpu.memory_space<hbm>> -> memref<10000x128xf32, #tpu.memory_space<hbm>>
          tpu.enqueue_indirect_dma source(%dma_start3A_285 : memref<10000x128xf32, #tpu.memory_space<hbm>>) target(%arg15 : memref<64x128xf32, #tpu.memory_space<vmem>>) offsets(%dma_start3A_282 : memref<64xi32, #tpu.memory_space<vmem>>) semaphore(%arg20 : memref<!tpu.dma_semaphore, #tpu.memory_space<semaphore_mem>>)
        } else {
        }
      }
      %scan3A_138 = arith.constant 5 : i32
      %add3A_139 = arith.constant 1 : i32
      %add3A_140 = arith.addi %add3A_132, %add3A_139 : i32
      %lt3A_141 = arith.constant 8 : i32
      %lt3A_142 = arith.cmpi slt, %add3A_140, %lt3A_141 : i32
      %convert_element_type3A_143 = arith.extui %lt3A_142 : i1 to i32
      %cond3A_144 = arith.constant 0 : i32
      %cond3A_145 = arith.cmpi ne, %convert_element_type3A_143, %cond3A_144 : i32
      scf.if %cond3A_145 {
        %dma_wait3A_160 = arith.constant 0 : i32
        %dma_wait3A_161 = arith.constant 0 : i32
        %dma_wait3A_162 = tpu.memref_slice %arg3[%dma_wait3A_160, %dma_wait3A_161] : memref<5120x64xi32, #tpu.memory_space<hbm>> -> memref<20x64xi32, #tpu.memory_space<hbm>>
        %dma_wait3A_163 = arith.constant 0 : i32
        %dma_wait3A_164 = arith.constant 0 : i32
        %dma_wait3A_165 = tpu.memref_slice %arg3[%dma_wait3A_163, %dma_wait3A_164] : memref<5120x64xi32, #tpu.memory_space<hbm>> -> memref<20x64xi32, #tpu.memory_space<hbm>>
        tpu.wait_dma2 semaphore(%arg25 : memref<!tpu.dma_semaphore, #tpu.memory_space<semaphore_mem>>) src(%dma_wait3A_165 : memref<20x64xi32, #tpu.memory_space<hbm>>) dst(%arg8 : memref<20x64xi32, #tpu.memory_space<vmem>>)
        %dma_wait3A_166 = arith.constant 0 : i32
        %dma_wait3A_167 = arith.constant 0 : i32
        %dma_wait3A_168 = tpu.memref_slice %arg4[%dma_wait3A_166, %dma_wait3A_167] : memref<5120x64xi32, #tpu.memory_space<hbm>> -> memref<20x64xi32, #tpu.memory_space<hbm>>
        %dma_wait3A_169 = arith.constant 0 : i32
        %dma_wait3A_170 = arith.constant 0 : i32
        %dma_wait3A_171 = tpu.memref_slice %arg4[%dma_wait3A_169, %dma_wait3A_170] : memref<5120x64xi32, #tpu.memory_space<hbm>> -> memref<20x64xi32, #tpu.memory_space<hbm>>
        tpu.wait_dma2 semaphore(%arg25 : memref<!tpu.dma_semaphore, #tpu.memory_space<semaphore_mem>>) src(%dma_wait3A_171 : memref<20x64xi32, #tpu.memory_space<hbm>>) dst(%arg10 : memref<20x64xi32, #tpu.memory_space<vmem>>)
        %dma_wait3A_172 = arith.constant 0 : i32
        %dma_wait3A_173 = arith.constant 0 : i32
        %dma_wait3A_174 = tpu.memref_slice %arg10[%dma_wait3A_172, %dma_wait3A_173] : memref<20x64xi32, #tpu.memory_space<vmem>> -> memref<1x64xi32, #tpu.memory_space<vmem>>
        %dma_wait3A_175 = tpu.memref_squeeze %dma_wait3A_174 : memref<1x64xi32, #tpu.memory_space<vmem>> -> memref<64xi32, #tpu.memory_space<vmem>>
        %dma_wait3A_176 = arith.constant 0 : i32
        %dma_wait3A_177 = arith.constant 0 : i32
        %dma_wait3A_178 = tpu.memref_slice %arg16[%dma_wait3A_176, %dma_wait3A_177] : memref<10240x128xf32, #tpu.memory_space<vmem_shared>> -> memref<10240x128xf32, #tpu.memory_space<vmem_shared>>
        tpu.wait_indirect_dma semaphore(%arg21 : memref<!tpu.dma_semaphore, #tpu.memory_space<semaphore_mem>>) src(%arg12 : memref<64x128xf32, #tpu.memory_space<vmem>>) dst(%dma_wait3A_178 : memref<10240x128xf32, #tpu.memory_space<vmem_shared>>)
        %dma_start3A_179 = arith.constant 0 : i32
        %dma_start3A_180 = arith.constant 0 : i32
        %dma_start3A_181 = tpu.memref_slice %arg8[%dma_start3A_179, %dma_start3A_180] : memref<20x64xi32, #tpu.memory_space<vmem>> -> memref<1x64xi32, #tpu.memory_space<vmem>>
        %dma_start3A_182 = tpu.memref_squeeze %dma_start3A_181 : memref<1x64xi32, #tpu.memory_space<vmem>> -> memref<64xi32, #tpu.memory_space<vmem>>
        %dma_start3A_183 = arith.constant 0 : i32
        %dma_start3A_184 = arith.constant 0 : i32
        %dma_start3A_185 = tpu.memref_slice %arg2[%dma_start3A_183, %dma_start3A_184] : memref<10000x128xf32, #tpu.memory_space<hbm>> -> memref<10000x128xf32, #tpu.memory_space<hbm>>
        tpu.enqueue_indirect_dma source(%dma_start3A_185 : memref<10000x128xf32, #tpu.memory_space<hbm>>) target(%arg12 : memref<64x128xf32, #tpu.memory_space<vmem>>) offsets(%dma_start3A_182 : memref<64xi32, #tpu.memory_space<vmem>>) semaphore(%arg17 : memref<!tpu.dma_semaphore, #tpu.memory_space<semaphore_mem>>)
        %dma_wait3A_186 = arith.constant 0 : i32
        %dma_wait3A_187 = arith.constant 0 : i32
        %dma_wait3A_188 = tpu.memref_slice %arg10[%dma_wait3A_186, %dma_wait3A_187] : memref<20x64xi32, #tpu.memory_space<vmem>> -> memref<1x64xi32, #tpu.memory_space<vmem>>
        %dma_wait3A_189 = tpu.memref_squeeze %dma_wait3A_188 : memref<1x64xi32, #tpu.memory_space<vmem>> -> memref<64xi32, #tpu.memory_space<vmem>>
        %dma_wait3A_190 = arith.constant 0 : i32
        %dma_wait3A_191 = arith.constant 0 : i32
        %dma_wait3A_192 = tpu.memref_slice %arg16[%dma_wait3A_190, %dma_wait3A_191] : memref<10240x128xf32, #tpu.memory_space<vmem_shared>> -> memref<10240x128xf32, #tpu.memory_space<vmem_shared>>
        tpu.wait_indirect_dma semaphore(%arg22 : memref<!tpu.dma_semaphore, #tpu.memory_space<semaphore_mem>>) src(%arg13 : memref<64x128xf32, #tpu.memory_space<vmem>>) dst(%dma_wait3A_192 : memref<10240x128xf32, #tpu.memory_space<vmem_shared>>)
        %dma_start3A_193 = arith.constant 1 : i32
        %dma_start3A_194 = arith.constant 0 : i32
        %dma_start3A_195 = tpu.memref_slice %arg8[%dma_start3A_193, %dma_start3A_194] : memref<20x64xi32, #tpu.memory_space<vmem>> -> memref<1x64xi32, #tpu.memory_space<vmem>>
        %dma_start3A_196 = tpu.memref_squeeze %dma_start3A_195 : memref<1x64xi32, #tpu.memory_space<vmem>> -> memref<64xi32, #tpu.memory_space<vmem>>
        %dma_start3A_197 = arith.constant 0 : i32
        %dma_start3A_198 = arith.constant 0 : i32
        %dma_start3A_199 = tpu.memref_slice %arg2[%dma_start3A_197, %dma_start3A_198] : memref<10000x128xf32, #tpu.memory_space<hbm>> -> memref<10000x128xf32, #tpu.memory_space<hbm>>
        tpu.enqueue_indirect_dma source(%dma_start3A_199 : memref<10000x128xf32, #tpu.memory_space<hbm>>) target(%arg13 : memref<64x128xf32, #tpu.memory_space<vmem>>) offsets(%dma_start3A_196 : memref<64xi32, #tpu.memory_space<vmem>>) semaphore(%arg18 : memref<!tpu.dma_semaphore, #tpu.memory_space<semaphore_mem>>)
        %dma_wait3A_200 = arith.constant 0 : i32
        %dma_wait3A_201 = arith.constant 0 : i32
        %dma_wait3A_202 = tpu.memref_slice %arg10[%dma_wait3A_200, %dma_wait3A_201] : memref<20x64xi32, #tpu.memory_space<vmem>> -> memref<1x64xi32, #tpu.memory_space<vmem>>
        %dma_wait3A_203 = tpu.memref_squeeze %dma_wait3A_202 : memref<1x64xi32, #tpu.memory_space<vmem>> -> memref<64xi32, #tpu.memory_space<vmem>>
        %dma_wait3A_204 = arith.constant 0 : i32
        %dma_wait3A_205 = arith.constant 0 : i32
        %dma_wait3A_206 = tpu.memref_slice %arg16[%dma_wait3A_204, %dma_wait3A_205] : memref<10240x128xf32, #tpu.memory_space<vmem_shared>> -> memref<10240x128xf32, #tpu.memory_space<vmem_shared>>
        tpu.wait_indirect_dma semaphore(%arg23 : memref<!tpu.dma_semaphore, #tpu.memory_space<semaphore_mem>>) src(%arg14 : memref<64x128xf32, #tpu.memory_space<vmem>>) dst(%dma_wait3A_206 : memref<10240x128xf32, #tpu.memory_space<vmem_shared>>)
        %dma_start3A_207 = arith.constant 2 : i32
        %dma_start3A_208 = arith.constant 0 : i32
        %dma_start3A_209 = tpu.memref_slice %arg8[%dma_start3A_207, %dma_start3A_208] : memref<20x64xi32, #tpu.memory_space<vmem>> -> memref<1x64xi32, #tpu.memory_space<vmem>>
        %dma_start3A_210 = tpu.memref_squeeze %dma_start3A_209 : memref<1x64xi32, #tpu.memory_space<vmem>> -> memref<64xi32, #tpu.memory_space<vmem>>
        %dma_start3A_211 = arith.constant 0 : i32
        %dma_start3A_212 = arith.constant 0 : i32
        %dma_start3A_213 = tpu.memref_slice %arg2[%dma_start3A_211, %dma_start3A_212] : memref<10000x128xf32, #tpu.memory_space<hbm>> -> memref<10000x128xf32, #tpu.memory_space<hbm>>
        tpu.enqueue_indirect_dma source(%dma_start3A_213 : memref<10000x128xf32, #tpu.memory_space<hbm>>) target(%arg14 : memref<64x128xf32, #tpu.memory_space<vmem>>) offsets(%dma_start3A_210 : memref<64xi32, #tpu.memory_space<vmem>>) semaphore(%arg19 : memref<!tpu.dma_semaphore, #tpu.memory_space<semaphore_mem>>)
        %dma_wait3A_214 = arith.constant 0 : i32
        %dma_wait3A_215 = arith.constant 0 : i32
        %dma_wait3A_216 = tpu.memref_slice %arg10[%dma_wait3A_214, %dma_wait3A_215] : memref<20x64xi32, #tpu.memory_space<vmem>> -> memref<1x64xi32, #tpu.memory_space<vmem>>
        %dma_wait3A_217 = tpu.memref_squeeze %dma_wait3A_216 : memref<1x64xi32, #tpu.memory_space<vmem>> -> memref<64xi32, #tpu.memory_space<vmem>>
        %dma_wait3A_218 = arith.constant 0 : i32
        %dma_wait3A_219 = arith.constant 0 : i32
        %dma_wait3A_220 = tpu.memref_slice %arg16[%dma_wait3A_218, %dma_wait3A_219] : memref<10240x128xf32, #tpu.memory_space<vmem_shared>> -> memref<10240x128xf32, #tpu.memory_space<vmem_shared>>
        tpu.wait_indirect_dma semaphore(%arg24 : memref<!tpu.dma_semaphore, #tpu.memory_space<semaphore_mem>>) src(%arg15 : memref<64x128xf32, #tpu.memory_space<vmem>>) dst(%dma_wait3A_220 : memref<10240x128xf32, #tpu.memory_space<vmem_shared>>)
        %dma_start3A_221 = arith.constant 3 : i32
        %dma_start3A_222 = arith.constant 0 : i32
        %dma_start3A_223 = tpu.memref_slice %arg8[%dma_start3A_221, %dma_start3A_222] : memref<20x64xi32, #tpu.memory_space<vmem>> -> memref<1x64xi32, #tpu.memory_space<vmem>>
        %dma_start3A_224 = tpu.memref_squeeze %dma_start3A_223 : memref<1x64xi32, #tpu.memory_space<vmem>> -> memref<64xi32, #tpu.memory_space<vmem>>
        %dma_start3A_225 = arith.constant 0 : i32
        %dma_start3A_226 = arith.constant 0 : i32
        %dma_start3A_227 = tpu.memref_slice %arg2[%dma_start3A_225, %dma_start3A_226] : memref<10000x128xf32, #tpu.memory_space<hbm>> -> memref<10000x128xf32, #tpu.memory_space<hbm>>
        tpu.enqueue_indirect_dma source(%dma_start3A_227 : memref<10000x128xf32, #tpu.memory_space<hbm>>) target(%arg15 : memref<64x128xf32, #tpu.memory_space<vmem>>) offsets(%dma_start3A_224 : memref<64xi32, #tpu.memory_space<vmem>>) semaphore(%arg20 : memref<!tpu.dma_semaphore, #tpu.memory_space<semaphore_mem>>)
      } else {
      }
      %add3A_146 = arith.constant 1 : i32
      %add3A_147 = arith.addi %add3A_132, %add3A_146 : i32
      %ge3A_148 = arith.constant 8 : i32
      %ge3A_149 = arith.cmpi sge, %add3A_147, %ge3A_148 : i32
      %convert_element_type3A_150 = arith.extui %ge3A_149 : i1 to i32
      %cond3A_151 = arith.constant 0 : i32
      %cond3A_152 = arith.cmpi ne, %convert_element_type3A_150, %cond3A_151 : i32
      scf.if %cond3A_152 {
        %dma_wait3A_160 = arith.constant 0 : i32
        %dma_wait3A_161 = arith.constant 0 : i32
        %dma_wait3A_162 = tpu.memref_slice %arg10[%dma_wait3A_160, %dma_wait3A_161] : memref<20x64xi32, #tpu.memory_space<vmem>> -> memref<1x64xi32, #tpu.memory_space<vmem>>
        %dma_wait3A_163 = tpu.memref_squeeze %dma_wait3A_162 : memref<1x64xi32, #tpu.memory_space<vmem>> -> memref<64xi32, #tpu.memory_space<vmem>>
        %dma_wait3A_164 = arith.constant 0 : i32
        %dma_wait3A_165 = arith.constant 0 : i32
        %dma_wait3A_166 = tpu.memref_slice %arg16[%dma_wait3A_164, %dma_wait3A_165] : memref<10240x128xf32, #tpu.memory_space<vmem_shared>> -> memref<10240x128xf32, #tpu.memory_space<vmem_shared>>
        tpu.wait_indirect_dma semaphore(%arg21 : memref<!tpu.dma_semaphore, #tpu.memory_space<semaphore_mem>>) src(%arg12 : memref<64x128xf32, #tpu.memory_space<vmem>>) dst(%dma_wait3A_166 : memref<10240x128xf32, #tpu.memory_space<vmem_shared>>)
        %dma_wait3A_167 = arith.constant 0 : i32
        %dma_wait3A_168 = arith.constant 0 : i32
        %dma_wait3A_169 = tpu.memref_slice %arg10[%dma_wait3A_167, %dma_wait3A_168] : memref<20x64xi32, #tpu.memory_space<vmem>> -> memref<1x64xi32, #tpu.memory_space<vmem>>
        %dma_wait3A_170 = tpu.memref_squeeze %dma_wait3A_169 : memref<1x64xi32, #tpu.memory_space<vmem>> -> memref<64xi32, #tpu.memory_space<vmem>>
        %dma_wait3A_171 = arith.constant 0 : i32
        %dma_wait3A_172 = arith.constant 0 : i32
        %dma_wait3A_173 = tpu.memref_slice %arg16[%dma_wait3A_171, %dma_wait3A_172] : memref<10240x128xf32, #tpu.memory_space<vmem_shared>> -> memref<10240x128xf32, #tpu.memory_space<vmem_shared>>
        tpu.wait_indirect_dma semaphore(%arg22 : memref<!tpu.dma_semaphore, #tpu.memory_space<semaphore_mem>>) src(%arg13 : memref<64x128xf32, #tpu.memory_space<vmem>>) dst(%dma_wait3A_173 : memref<10240x128xf32, #tpu.memory_space<vmem_shared>>)
        %dma_wait3A_174 = arith.constant 0 : i32
        %dma_wait3A_175 = arith.constant 0 : i32
        %dma_wait3A_176 = tpu.memref_slice %arg10[%dma_wait3A_174, %dma_wait3A_175] : memref<20x64xi32, #tpu.memory_space<vmem>> -> memref<1x64xi32, #tpu.memory_space<vmem>>
        %dma_wait3A_177 = tpu.memref_squeeze %dma_wait3A_176 : memref<1x64xi32, #tpu.memory_space<vmem>> -> memref<64xi32, #tpu.memory_space<vmem>>
        %dma_wait3A_178 = arith.constant 0 : i32
        %dma_wait3A_179 = arith.constant 0 : i32
        %dma_wait3A_180 = tpu.memref_slice %arg16[%dma_wait3A_178, %dma_wait3A_179] : memref<10240x128xf32, #tpu.memory_space<vmem_shared>> -> memref<10240x128xf32, #tpu.memory_space<vmem_shared>>
        tpu.wait_indirect_dma semaphore(%arg23 : memref<!tpu.dma_semaphore, #tpu.memory_space<semaphore_mem>>) src(%arg14 : memref<64x128xf32, #tpu.memory_space<vmem>>) dst(%dma_wait3A_180 : memref<10240x128xf32, #tpu.memory_space<vmem_shared>>)
        %dma_wait3A_181 = arith.constant 0 : i32
        %dma_wait3A_182 = arith.constant 0 : i32
        %dma_wait3A_183 = tpu.memref_slice %arg10[%dma_wait3A_181, %dma_wait3A_182] : memref<20x64xi32, #tpu.memory_space<vmem>> -> memref<1x64xi32, #tpu.memory_space<vmem>>
        %dma_wait3A_184 = tpu.memref_squeeze %dma_wait3A_183 : memref<1x64xi32, #tpu.memory_space<vmem>> -> memref<64xi32, #tpu.memory_space<vmem>>
        %dma_wait3A_185 = arith.constant 0 : i32
        %dma_wait3A_186 = arith.constant 0 : i32
        %dma_wait3A_187 = tpu.memref_slice %arg16[%dma_wait3A_185, %dma_wait3A_186] : memref<10240x128xf32, #tpu.memory_space<vmem_shared>> -> memref<10240x128xf32, #tpu.memory_space<vmem_shared>>
        tpu.wait_indirect_dma semaphore(%arg24 : memref<!tpu.dma_semaphore, #tpu.memory_space<semaphore_mem>>) src(%arg15 : memref<64x128xf32, #tpu.memory_space<vmem>>) dst(%dma_wait3A_187 : memref<10240x128xf32, #tpu.memory_space<vmem_shared>>)
      } else {
      }
      %add3A_153 = arith.constant 2 : i32
      %add3A_154 = arith.addi %add3A_132, %add3A_153 : i32
      %lt3A_155 = arith.constant 8 : i32
      %lt3A_156 = arith.cmpi slt, %add3A_154, %lt3A_155 : i32
      %convert_element_type3A_157 = arith.extui %lt3A_156 : i1 to i32
      %cond3A_158 = arith.constant 0 : i32
      %cond3A_159 = arith.cmpi ne, %convert_element_type3A_157, %cond3A_158 : i32
      scf.if %cond3A_159 {
        %add3A_160 = arith.constant 2 : i32
        %add3A_161 = arith.addi %add3A_132, %add3A_160 : i32
        %mul3A_162 = arith.constant 160 : i32
        %mul3A_163 = arith.muli %add3A, %mul3A_162 : i32
        %mul3A_164 = arith.constant 20 : i32
        %mul3A_165 = arith.muli %add3A_161, %mul3A_164 : i32
        %add3A_166 = arith.addi %mul3A_163, %mul3A_165 : i32
        %dma_start3A_167 = arith.constant 0 : i32
        %dma_start3A_168 = tpu.memref_slice %arg3[%add3A_166, %dma_start3A_167] : memref<5120x64xi32, #tpu.memory_space<hbm>> -> memref<20x64xi32, #tpu.memory_space<hbm>>
        %dma_start3A_169 = arith.constant 0 : i32
        %dma_start3A_170 = tpu.memref_slice %arg3[%add3A_166, %dma_start3A_169] : memref<5120x64xi32, #tpu.memory_space<hbm>> -> memref<20x64xi32, #tpu.memory_space<hbm>>
        tpu.enqueue_dma source(%dma_start3A_170 : memref<20x64xi32, #tpu.memory_space<hbm>>) target(%arg9 : memref<20x64xi32, #tpu.memory_space<vmem>>) target_semaphore(%arg26 : memref<!tpu.dma_semaphore, #tpu.memory_space<semaphore_mem>>)
        %dma_start3A_171 = arith.constant 0 : i32
        %dma_start3A_172 = tpu.memref_slice %arg4[%add3A_166, %dma_start3A_171] : memref<5120x64xi32, #tpu.memory_space<hbm>> -> memref<20x64xi32, #tpu.memory_space<hbm>>
        %dma_start3A_173 = arith.constant 0 : i32
        %dma_start3A_174 = tpu.memref_slice %arg4[%add3A_166, %dma_start3A_173] : memref<5120x64xi32, #tpu.memory_space<hbm>> -> memref<20x64xi32, #tpu.memory_space<hbm>>
        tpu.enqueue_dma source(%dma_start3A_174 : memref<20x64xi32, #tpu.memory_space<hbm>>) target(%arg11 : memref<20x64xi32, #tpu.memory_space<vmem>>) target_semaphore(%arg26 : memref<!tpu.dma_semaphore, #tpu.memory_space<semaphore_mem>>)
      } else {
      }
    }
    %scan3A_69 = arith.constant 4 : i32
    %barrier3A_70 = arith.constant 0 : index
    tpu.barrier barrier_id(%barrier3A_70)
    %eq3A = arith.constant 0 : i32
    %eq3A_71 = arith.cmpi eq, %arg0, %eq3A : i32
    %lt3A = arith.constant 15 : i32
    %lt3A_72 = arith.cmpi slt, %arg1, %lt3A : i32
    %and3A = arith.andi %eq3A_71, %lt3A_72 : i1
    %convert_element_type3A = arith.extui %and3A : i1 to i32
    %cond3A = arith.constant 0 : i32
    %cond3A_73 = arith.cmpi ne, %convert_element_type3A, %cond3A : i32
    scf.if %cond3A_73 {
      %mul3A_98 = arith.constant 640 : i32
      %mul3A_99 = arith.muli %arg1, %mul3A_98 : i32
      "tpu.region"() ({
        %run_scoped3A = tpu.sem_alloc : memref<!tpu.dma_semaphore, #tpu.memory_space<semaphore_mem>>
        %dma_start3A_100 = arith.constant 0 : i32
        %dma_start3A_101 = tpu.memref_slice %arg6[%mul3A_99, %dma_start3A_100] : memref<10000x128xf32, #tpu.memory_space<hbm>> -> memref<640x128xf32, #tpu.memory_space<hbm>>
        %dma_start3A_102 = arith.constant 0 : i32
        %dma_start3A_103 = tpu.memref_slice %arg16[%mul3A_99, %dma_start3A_102] : memref<10240x128xf32, #tpu.memory_space<vmem_shared>> -> memref<640x128xf32, #tpu.memory_space<vmem_shared>>
        tpu.enqueue_dma source(%dma_start3A_103 : memref<640x128xf32, #tpu.memory_space<vmem_shared>>) target(%dma_start3A_101 : memref<640x128xf32, #tpu.memory_space<hbm>>) target_semaphore(%run_scoped3A : memref<!tpu.dma_semaphore, #tpu.memory_space<semaphore_mem>>)
        %dma_wait3A_104 = arith.constant 0 : i32
        %dma_wait3A_105 = tpu.memref_slice %arg6[%mul3A_99, %dma_wait3A_104] : memref<10000x128xf32, #tpu.memory_space<hbm>> -> memref<640x128xf32, #tpu.memory_space<hbm>>
        %dma_wait3A_106 = arith.constant 0 : i32
        %dma_wait3A_107 = tpu.memref_slice %arg16[%mul3A_99, %dma_wait3A_106] : memref<10240x128xf32, #tpu.memory_space<vmem_shared>> -> memref<640x128xf32, #tpu.memory_space<vmem_shared>>
        tpu.wait_dma2 semaphore(%run_scoped3A : memref<!tpu.dma_semaphore, #tpu.memory_space<semaphore_mem>>) src(%dma_wait3A_107 : memref<640x128xf32, #tpu.memory_space<vmem_shared>>) dst(%dma_wait3A_105 : memref<640x128xf32, #tpu.memory_space<hbm>>)
        tpu.yield
      }) : () -> ()
    } else {
    }
    %eq3A_74 = arith.constant 0 : i32
    %eq3A_75 = arith.cmpi eq, %arg0, %eq3A_74 : i32
    %eq3A_76 = arith.constant 15 : i32
    %eq3A_77 = arith.cmpi eq, %arg1, %eq3A_76 : i32
    %and3A_78 = arith.andi %eq3A_75, %eq3A_77 : i1
    %convert_element_type3A_79 = arith.extui %and3A_78 : i1 to i32
    %cond3A_80 = arith.constant 0 : i32
    %cond3A_81 = arith.cmpi ne, %convert_element_type3A_79, %cond3A_80 : i32
    scf.if %cond3A_81 {
      "tpu.region"() ({
        %run_scoped3A = tpu.sem_alloc : memref<!tpu.dma_semaphore, #tpu.memory_space<semaphore_mem>>
        %dma_start3A_98 = arith.constant 9600 : i32
        %dma_start3A_99 = arith.constant 0 : i32
        %dma_start3A_100 = tpu.memref_slice %arg6[%dma_start3A_98, %dma_start3A_99] : memref<10000x128xf32, #tpu.memory_space<hbm>> -> memref<400x128xf32, #tpu.memory_space<hbm>>
        %dma_start3A_101 = arith.constant 9600 : i32
        %dma_start3A_102 = arith.constant 0 : i32
        %dma_start3A_103 = tpu.memref_slice %arg16[%dma_start3A_101, %dma_start3A_102] : memref<10240x128xf32, #tpu.memory_space<vmem_shared>> -> memref<400x128xf32, #tpu.memory_space<vmem_shared>>
        tpu.enqueue_dma source(%dma_start3A_103 : memref<400x128xf32, #tpu.memory_space<vmem_shared>>) target(%dma_start3A_100 : memref<400x128xf32, #tpu.memory_space<hbm>>) target_semaphore(%run_scoped3A : memref<!tpu.dma_semaphore, #tpu.memory_space<semaphore_mem>>)
        %dma_wait3A_104 = arith.constant 9600 : i32
        %dma_wait3A_105 = arith.constant 0 : i32
        %dma_wait3A_106 = tpu.memref_slice %arg6[%dma_wait3A_104, %dma_wait3A_105] : memref<10000x128xf32, #tpu.memory_space<hbm>> -> memref<400x128xf32, #tpu.memory_space<hbm>>
        %dma_wait3A_107 = arith.constant 9600 : i32
        %dma_wait3A_108 = arith.constant 0 : i32
        %dma_wait3A_109 = tpu.memref_slice %arg16[%dma_wait3A_107, %dma_wait3A_108] : memref<10240x128xf32, #tpu.memory_space<vmem_shared>> -> memref<400x128xf32, #tpu.memory_space<vmem_shared>>
        tpu.wait_dma2 semaphore(%run_scoped3A : memref<!tpu.dma_semaphore, #tpu.memory_space<semaphore_mem>>) src(%dma_wait3A_109 : memref<400x128xf32, #tpu.memory_space<vmem_shared>>) dst(%dma_wait3A_106 : memref<400x128xf32, #tpu.memory_space<hbm>>)
        tpu.yield
      }) : () -> ()
    } else {
    }
    %eq3A_82 = arith.constant 1 : i32
    %eq3A_83 = arith.cmpi eq, %arg0, %eq3A_82 : i32
    %lt3A_84 = arith.constant 15 : i32
    %lt3A_85 = arith.cmpi slt, %arg1, %lt3A_84 : i32
    %and3A_86 = arith.andi %eq3A_83, %lt3A_85 : i1
    %convert_element_type3A_87 = arith.extui %and3A_86 : i1 to i32
    %cond3A_88 = arith.constant 0 : i32
    %cond3A_89 = arith.cmpi ne, %convert_element_type3A_87, %cond3A_88 : i32
    scf.if %cond3A_89 {
      %mul3A_98 = arith.constant 640 : i32
      %mul3A_99 = arith.muli %arg1, %mul3A_98 : i32
      "tpu.region"() ({
        %run_scoped3A = tpu.sem_alloc : memref<!tpu.dma_semaphore, #tpu.memory_space<semaphore_mem>>
        %dma_start3A_100 = arith.constant 0 : i32
        %dma_start3A_101 = tpu.memref_slice %arg7[%mul3A_99, %dma_start3A_100] : memref<10000x128xf32, #tpu.memory_space<hbm>> -> memref<640x128xf32, #tpu.memory_space<hbm>>
        %dma_start3A_102 = arith.constant 0 : i32
        %dma_start3A_103 = tpu.memref_slice %arg16[%mul3A_99, %dma_start3A_102] : memref<10240x128xf32, #tpu.memory_space<vmem_shared>> -> memref<640x128xf32, #tpu.memory_space<vmem_shared>>
        tpu.enqueue_dma source(%dma_start3A_103 : memref<640x128xf32, #tpu.memory_space<vmem_shared>>) target(%dma_start3A_101 : memref<640x128xf32, #tpu.memory_space<hbm>>) target_semaphore(%run_scoped3A : memref<!tpu.dma_semaphore, #tpu.memory_space<semaphore_mem>>)
        %dma_wait3A_104 = arith.constant 0 : i32
        %dma_wait3A_105 = tpu.memref_slice %arg7[%mul3A_99, %dma_wait3A_104] : memref<10000x128xf32, #tpu.memory_space<hbm>> -> memref<640x128xf32, #tpu.memory_space<hbm>>
        %dma_wait3A_106 = arith.constant 0 : i32
        %dma_wait3A_107 = tpu.memref_slice %arg16[%mul3A_99, %dma_wait3A_106] : memref<10240x128xf32, #tpu.memory_space<vmem_shared>> -> memref<640x128xf32, #tpu.memory_space<vmem_shared>>
        tpu.wait_dma2 semaphore(%run_scoped3A : memref<!tpu.dma_semaphore, #tpu.memory_space<semaphore_mem>>) src(%dma_wait3A_107 : memref<640x128xf32, #tpu.memory_space<vmem_shared>>) dst(%dma_wait3A_105 : memref<640x128xf32, #tpu.memory_space<hbm>>)
        tpu.yield
      }) : () -> ()
    } else {
    }
    %eq3A_90 = arith.constant 1 : i32
    %eq3A_91 = arith.cmpi eq, %arg0, %eq3A_90 : i32
    %eq3A_92 = arith.constant 15 : i32
    %eq3A_93 = arith.cmpi eq, %arg1, %eq3A_92 : i32
    %and3A_94 = arith.andi %eq3A_91, %eq3A_93 : i1
    %convert_element_type3A_95 = arith.extui %and3A_94 : i1 to i32
    %cond3A_96 = arith.constant 0 : i32
    %cond3A_97 = arith.cmpi ne, %convert_element_type3A_95, %cond3A_96 : i32
    scf.if %cond3A_97 {
      "tpu.region"() ({
        %run_scoped3A = tpu.sem_alloc : memref<!tpu.dma_semaphore, #tpu.memory_space<semaphore_mem>>
        %dma_start3A_98 = arith.constant 9600 : i32
        %dma_start3A_99 = arith.constant 0 : i32
        %dma_start3A_100 = tpu.memref_slice %arg7[%dma_start3A_98, %dma_start3A_99] : memref<10000x128xf32, #tpu.memory_space<hbm>> -> memref<400x128xf32, #tpu.memory_space<hbm>>
        %dma_start3A_101 = arith.constant 9600 : i32
        %dma_start3A_102 = arith.constant 0 : i32
        %dma_start3A_103 = tpu.memref_slice %arg16[%dma_start3A_101, %dma_start3A_102] : memref<10240x128xf32, #tpu.memory_space<vmem_shared>> -> memref<400x128xf32, #tpu.memory_space<vmem_shared>>
        tpu.enqueue_dma source(%dma_start3A_103 : memref<400x128xf32, #tpu.memory_space<vmem_shared>>) target(%dma_start3A_100 : memref<400x128xf32, #tpu.memory_space<hbm>>) target_semaphore(%run_scoped3A : memref<!tpu.dma_semaphore, #tpu.memory_space<semaphore_mem>>)
        %dma_wait3A_104 = arith.constant 9600 : i32
        %dma_wait3A_105 = arith.constant 0 : i32
        %dma_wait3A_106 = tpu.memref_slice %arg7[%dma_wait3A_104, %dma_wait3A_105] : memref<10000x128xf32, #tpu.memory_space<hbm>> -> memref<400x128xf32, #tpu.memory_space<hbm>>
        %dma_wait3A_107 = arith.constant 9600 : i32
        %dma_wait3A_108 = arith.constant 0 : i32
        %dma_wait3A_109 = tpu.memref_slice %arg16[%dma_wait3A_107, %dma_wait3A_108] : memref<10240x128xf32, #tpu.memory_space<vmem_shared>> -> memref<400x128xf32, #tpu.memory_space<vmem_shared>>
        tpu.wait_dma2 semaphore(%run_scoped3A : memref<!tpu.dma_semaphore, #tpu.memory_space<semaphore_mem>>) src(%dma_wait3A_109 : memref<400x128xf32, #tpu.memory_space<vmem_shared>>) dst(%dma_wait3A_106 : memref<400x128xf32, #tpu.memory_space<hbm>>)
        tpu.yield
      }) : () -> ()
    } else {
    }
    return
  }
}

module attributes {stable_mosaic.version = 14 : i64} {
  func.func @_selfproj_body(%arg0: i32, %arg1: memref<2000x128xf32, #tpu.memory_space<vmem>>, %arg2: memref<128x128xf32, #tpu.memory_space<vmem>>, %arg3: memref<1x128xf32, #tpu.memory_space<vmem>>, %arg4: memref<2000x128xf32, #tpu.memory_space<vmem>>) attributes {dimension_semantics = [#tpu.dimension_semantics<arbitrary>], iteration_bounds = array<i64: 5>, scalar_prefetch = 0 : i64, scratch_operands = 0 : i64, tpu.core_type = #tpu.core_type<tc>, window_params = [{transform_indices = @transform_0, window_bounds = array<i64: 2000, 128>}, {pipeline_mode = #tpu.pipeline_mode<synchronous>, transform_indices = @transform_1, window_bounds = array<i64: 128, 128>}, {pipeline_mode = #tpu.pipeline_mode<synchronous>, transform_indices = @transform_2, window_bounds = array<i64: 1, 128>}, {transform_indices = @transform_3, window_bounds = array<i64: 2000, 128>}]} {
    %get3A = arith.constant 0 : index
    %get3A_0 = arith.constant 0 : index
    %get3A_1 = vector.load %arg1[%get3A, %get3A_0] : memref<2000x128xf32, #tpu.memory_space<vmem>>, vector<2000x128xf32>
    %get3A_2 = arith.constant 0 : index
    %get3A_3 = arith.constant 0 : index
    %get3A_4 = vector.load %arg2[%get3A_2, %get3A_3] : memref<128x128xf32, #tpu.memory_space<vmem>>, vector<128x128xf32>
    %dot_general3A = arith.constant dense<0.000000e+00> : vector<2000x128xf32>
    %dot_general3A_5 = tpu.matmul %get3A_1, %get3A_4, %dot_general3A {dimension_numbers = #tpu.dot_dimension_numbers<[1], [1], [0], [0], [0, 0, 1, 0], [], []>, transpose_lhs_hint = false} : vector<2000x128xf32>, vector<128x128xf32>, vector<2000x128xf32> -> vector<2000x128xf32>
    %get3A_6 = arith.constant 0 : index
    %get3A_7 = arith.constant 0 : index
    %get3A_8 = vector.load %arg3[%get3A_6, %get3A_7] : memref<1x128xf32, #tpu.memory_space<vmem>>, vector<1x128xf32>
    %add3A = vector.broadcast %get3A_8 : vector<1x128xf32> to vector<2000x128xf32>
    %add3A_9 = arith.addf %dot_general3A_5, %add3A : vector<2000x128xf32>
    %swap3A = arith.constant 0 : index
    %swap3A_10 = arith.constant 0 : index
    %swap3A_11 = vector.load %arg4[%swap3A, %swap3A_10] : memref<2000x128xf32, #tpu.memory_space<vmem>>, vector<2000x128xf32>
    tpu.vector_store %arg4[%swap3A, %swap3A_10], %add3A_9 {strides = array<i32>} : memref<2000x128xf32, #tpu.memory_space<vmem>>, vector<2000x128xf32>,
    return
  }
  func.func @transform_0(%arg0: i32) -> (i32, i32) {
    %c0_i32 = arith.constant 0 : i32
    %c0_i32_0 = arith.constant 0 : i32
    return %arg0, %c0_i32 : i32, i32
  }
  func.func @transform_1(%arg0: i32) -> (i32, i32) {
    %c0_i32 = arith.constant 0 : i32
    %c0_i32_0 = arith.constant 0 : i32
    %c0_i32_1 = arith.constant 0 : i32
    return %c0_i32, %c0_i32_0 : i32, i32
  }
  func.func @transform_2(%arg0: i32) -> (i32, i32) {
    %c0_i32 = arith.constant 0 : i32
    %c0_i32_0 = arith.constant 0 : i32
    %c0_i32_1 = arith.constant 0 : i32
    return %c0_i32, %c0_i32_0 : i32, i32
  }
  func.func @transform_3(%arg0: i32) -> (i32, i32) {
    %c0_i32 = arith.constant 0 : i32
    %c0_i32_0 = arith.constant 0 : i32
    return %arg0, %c0_i32 : i32, i32
  }
}

module attributes {stable_mosaic.version = 14 : i64} {
  func.func @_dense0_body(%arg0: i32, %arg1: memref<2000x128xf32, #tpu.memory_space<vmem>>, %arg2: memref<2000x128xf32, #tpu.memory_space<vmem>>, %arg3: memref<2000x16xf32, #tpu.memory_space<vmem>>, %arg4: memref<2000x16xf32, #tpu.memory_space<vmem>>, %arg5: memref<2000x128xf32, #tpu.memory_space<vmem>>, %arg6: memref<128x128xf32, #tpu.memory_space<vmem>>, %arg7: memref<40x128xf32, #tpu.memory_space<vmem>>, %arg8: memref<2000x128xf32, #tpu.memory_space<vmem>>, %arg9: memref<2000x40xf32, #tpu.memory_space<vmem>>) attributes {dimension_semantics = [#tpu.dimension_semantics<arbitrary>], iteration_bounds = array<i64: 5>, scalar_prefetch = 0 : i64, scratch_operands = 0 : i64, tpu.core_type = #tpu.core_type<tc>, window_params = [{transform_indices = @transform_0, window_bounds = array<i64: 2000, 128>}, {transform_indices = @transform_1, window_bounds = array<i64: 2000, 128>}, {transform_indices = @transform_2, window_bounds = array<i64: 2000, 16>}, {transform_indices = @transform_3, window_bounds = array<i64: 2000, 16>}, {transform_indices = @transform_4, window_bounds = array<i64: 2000, 128>}, {pipeline_mode = #tpu.pipeline_mode<synchronous>, transform_indices = @transform_5, window_bounds = array<i64: 128, 128>}, {pipeline_mode = #tpu.pipeline_mode<synchronous>, transform_indices = @transform_6, window_bounds = array<i64: 40, 128>}, {transform_indices = @transform_7, window_bounds = array<i64: 2000, 128>}, {transform_indices = @transform_8, window_bounds = array<i64: 2000, 40>}]} {
    %get3A = arith.constant 0 : index
    %get3A_0 = arith.constant 0 : index
    %get3A_1 = vector.load %arg3[%get3A, %get3A_0] : memref<2000x16xf32, #tpu.memory_space<vmem>>, vector<2000x1xf32>
    %get3A_2 = arith.constant 0 : index
    %get3A_3 = arith.constant 0 : index
    %get3A_4 = vector.load %arg4[%get3A_2, %get3A_3] : memref<2000x16xf32, #tpu.memory_space<vmem>>, vector<2000x1xf32>
    %add3A = arith.addf %get3A_1, %get3A_4 : vector<2000x1xf32>
    %max3A = arith.constant 1.000000e+00 : f32
    %max3A_5 = vector.broadcast %max3A : f32 to vector<2000x1xf32>
    %max3A_6 = arith.maximumf %add3A, %max3A_5 : vector<2000x1xf32>
    %get3A_7 = arith.constant 0 : index
    %get3A_8 = arith.constant 0 : index
    %get3A_9 = vector.load %arg1[%get3A_7, %get3A_8] : memref<2000x128xf32, #tpu.memory_space<vmem>>, vector<2000x128xf32>
    %get3A_10 = arith.constant 0 : index
    %get3A_11 = arith.constant 0 : index
    %get3A_12 = vector.load %arg2[%get3A_10, %get3A_11] : memref<2000x128xf32, #tpu.memory_space<vmem>>, vector<2000x128xf32>
    %add3A_13 = arith.addf %get3A_9, %get3A_12 : vector<2000x128xf32>
    %div3A = vector.broadcast %max3A_6 : vector<2000x1xf32> to vector<2000x128xf32>
    %div3A_14 = arith.divf %add3A_13, %div3A : vector<2000x128xf32>
    %get3A_15 = arith.constant 0 : index
    %get3A_16 = arith.constant 0 : index
    %get3A_17 = vector.load %arg6[%get3A_15, %get3A_16] : memref<128x128xf32, #tpu.memory_space<vmem>>, vector<128x128xf32>
    %dot_general3A = arith.constant dense<0.000000e+00> : vector<2000x128xf32>
    %dot_general3A_18 = tpu.matmul %div3A_14, %get3A_17, %dot_general3A {dimension_numbers = #tpu.dot_dimension_numbers<[1], [1], [0], [0], [0, 0, 1, 0], [], []>, transpose_lhs_hint = false} : vector<2000x128xf32>, vector<128x128xf32>, vector<2000x128xf32> -> vector<2000x128xf32>
    %get3A_19 = arith.constant 0 : index
    %get3A_20 = arith.constant 0 : index
    %get3A_21 = vector.load %arg5[%get3A_19, %get3A_20] : memref<2000x128xf32, #tpu.memory_space<vmem>>, vector<2000x128xf32>
    %add3A_22 = arith.addf %dot_general3A_18, %get3A_21 : vector<2000x128xf32>
    %max3A_23 = arith.constant 0.000000e+00 : f32
    %max3A_24 = vector.broadcast %max3A_23 : f32 to vector<2000x128xf32>
    %max3A_25 = arith.maximumf %add3A_22, %max3A_24 : vector<2000x128xf32>
    %swap3A = arith.constant 0 : index
    %swap3A_26 = arith.constant 0 : index
    %swap3A_27 = vector.load %arg8[%swap3A, %swap3A_26] : memref<2000x128xf32, #tpu.memory_space<vmem>>, vector<2000x128xf32>
    tpu.vector_store %arg8[%swap3A, %swap3A_26], %max3A_25 {strides = array<i32>} : memref<2000x128xf32, #tpu.memory_space<vmem>>, vector<2000x128xf32>,
    %get3A_28 = arith.constant 0 : index
    %get3A_29 = arith.constant 0 : index
    %get3A_30 = vector.load %arg7[%get3A_28, %get3A_29] : memref<40x128xf32, #tpu.memory_space<vmem>>, vector<40x128xf32>
    %dot_general3A_31 = arith.constant dense<0.000000e+00> : vector<2000x40xf32>
    %dot_general3A_32 = tpu.matmul %max3A_25, %get3A_30, %dot_general3A_31 {dimension_numbers = #tpu.dot_dimension_numbers<[1], [1], [0], [0], [0, 0, 1, 0], [], []>, transpose_lhs_hint = false} : vector<2000x128xf32>, vector<40x128xf32>, vector<2000x40xf32> -> vector<2000x40xf32>
    %swap3A_33 = arith.constant 0 : index
    %swap3A_34 = arith.constant 0 : index
    %swap3A_35 = vector.load %arg9[%swap3A_33, %swap3A_34] : memref<2000x40xf32, #tpu.memory_space<vmem>>, vector<2000x40xf32>
    tpu.vector_store %arg9[%swap3A_33, %swap3A_34], %dot_general3A_32 {strides = array<i32>} : memref<2000x40xf32, #tpu.memory_space<vmem>>, vector<2000x40xf32>,
    return
  }
  func.func @transform_0(%arg0: i32) -> (i32, i32) {
    %c0_i32 = arith.constant 0 : i32
    %c0_i32_0 = arith.constant 0 : i32
    return %arg0, %c0_i32 : i32, i32
  }
  func.func @transform_1(%arg0: i32) -> (i32, i32) {
    %c0_i32 = arith.constant 0 : i32
    %c0_i32_0 = arith.constant 0 : i32
    return %arg0, %c0_i32 : i32, i32
  }
  func.func @transform_2(%arg0: i32) -> (i32, i32) {
    %c0_i32 = arith.constant 0 : i32
    %c0_i32_0 = arith.constant 0 : i32
    return %arg0, %c0_i32 : i32, i32
  }
  func.func @transform_3(%arg0: i32) -> (i32, i32) {
    %c0_i32 = arith.constant 0 : i32
    %c0_i32_0 = arith.constant 0 : i32
    return %arg0, %c0_i32 : i32, i32
  }
  func.func @transform_4(%arg0: i32) -> (i32, i32) {
    %c0_i32 = arith.constant 0 : i32
    %c0_i32_0 = arith.constant 0 : i32
    return %arg0, %c0_i32 : i32, i32
  }
  func.func @transform_5(%arg0: i32) -> (i32, i32) {
    %c0_i32 = arith.constant 0 : i32
    %c0_i32_0 = arith.constant 0 : i32
    %c0_i32_1 = arith.constant 0 : i32
    return %c0_i32, %c0_i32_0 : i32, i32
  }
  func.func @transform_6(%arg0: i32) -> (i32, i32) {
    %c0_i32 = arith.constant 0 : i32
    %c0_i32_0 = arith.constant 0 : i32
    %c0_i32_1 = arith.constant 0 : i32
    return %c0_i32, %c0_i32_0 : i32, i32
  }
  func.func @transform_7(%arg0: i32) -> (i32, i32) {
    %c0_i32 = arith.constant 0 : i32
    %c0_i32_0 = arith.constant 0 : i32
    return %arg0, %c0_i32 : i32, i32
  }
  func.func @transform_8(%arg0: i32) -> (i32, i32) {
    %c0_i32 = arith.constant 0 : i32
    %c0_i32_0 = arith.constant 0 : i32
    return %arg0, %c0_i32 : i32, i32
  }
}

module attributes {stable_mosaic.version = 14 : i64} {
  func.func @_selfproj_body(%arg0: i32, %arg1: memref<2000x128xf32, #tpu.memory_space<vmem>>, %arg2: memref<40x128xf32, #tpu.memory_space<vmem>>, %arg3: memref<1x40xf32, #tpu.memory_space<vmem>>, %arg4: memref<2000x40xf32, #tpu.memory_space<vmem>>) attributes {dimension_semantics = [#tpu.dimension_semantics<arbitrary>], iteration_bounds = array<i64: 5>, scalar_prefetch = 0 : i64, scratch_operands = 0 : i64, tpu.core_type = #tpu.core_type<tc>, window_params = [{transform_indices = @transform_0, window_bounds = array<i64: 2000, 128>}, {pipeline_mode = #tpu.pipeline_mode<synchronous>, transform_indices = @transform_1, window_bounds = array<i64: 40, 128>}, {pipeline_mode = #tpu.pipeline_mode<synchronous>, transform_indices = @transform_2, window_bounds = array<i64: 1, 40>}, {transform_indices = @transform_3, window_bounds = array<i64: 2000, 40>}]} {
    %get3A = arith.constant 0 : index
    %get3A_0 = arith.constant 0 : index
    %get3A_1 = vector.load %arg1[%get3A, %get3A_0] : memref<2000x128xf32, #tpu.memory_space<vmem>>, vector<2000x128xf32>
    %get3A_2 = arith.constant 0 : index
    %get3A_3 = arith.constant 0 : index
    %get3A_4 = vector.load %arg2[%get3A_2, %get3A_3] : memref<40x128xf32, #tpu.memory_space<vmem>>, vector<40x128xf32>
    %dot_general3A = arith.constant dense<0.000000e+00> : vector<2000x40xf32>
    %dot_general3A_5 = tpu.matmul %get3A_1, %get3A_4, %dot_general3A {dimension_numbers = #tpu.dot_dimension_numbers<[1], [1], [0], [0], [0, 0, 1, 0], [], []>, transpose_lhs_hint = false} : vector<2000x128xf32>, vector<40x128xf32>, vector<2000x40xf32> -> vector<2000x40xf32>
    %get3A_6 = arith.constant 0 : index
    %get3A_7 = arith.constant 0 : index
    %get3A_8 = vector.load %arg3[%get3A_6, %get3A_7] : memref<1x40xf32, #tpu.memory_space<vmem>>, vector<1x40xf32>
    %add3A = vector.broadcast %get3A_8 : vector<1x40xf32> to vector<2000x40xf32>
    %add3A_9 = arith.addf %dot_general3A_5, %add3A : vector<2000x40xf32>
    %swap3A = arith.constant 0 : index
    %swap3A_10 = arith.constant 0 : index
    %swap3A_11 = vector.load %arg4[%swap3A, %swap3A_10] : memref<2000x40xf32, #tpu.memory_space<vmem>>, vector<2000x40xf32>
    tpu.vector_store %arg4[%swap3A, %swap3A_10], %add3A_9 {strides = array<i32>} : memref<2000x40xf32, #tpu.memory_space<vmem>>, vector<2000x40xf32>,
    return
  }
  func.func @transform_0(%arg0: i32) -> (i32, i32) {
    %c0_i32 = arith.constant 0 : i32
    %c0_i32_0 = arith.constant 0 : i32
    return %arg0, %c0_i32 : i32, i32
  }
  func.func @transform_1(%arg0: i32) -> (i32, i32) {
    %c0_i32 = arith.constant 0 : i32
    %c0_i32_0 = arith.constant 0 : i32
    %c0_i32_1 = arith.constant 0 : i32
    return %c0_i32, %c0_i32_0 : i32, i32
  }
  func.func @transform_2(%arg0: i32) -> (i32, i32) {
    %c0_i32 = arith.constant 0 : i32
    %c0_i32_0 = arith.constant 0 : i32
    %c0_i32_1 = arith.constant 0 : i32
    return %c0_i32, %c0_i32_0 : i32, i32
  }
  func.func @transform_3(%arg0: i32) -> (i32, i32) {
    %c0_i32 = arith.constant 0 : i32
    %c0_i32_0 = arith.constant 0 : i32
    return %arg0, %c0_i32 : i32, i32
  }
}

module attributes {stable_mosaic.version = 14 : i64} {
  func.func @_final_body(%arg0: i32, %arg1: memref<2000x40xf32, #tpu.memory_space<vmem>>, %arg2: memref<2000x40xf32, #tpu.memory_space<vmem>>, %arg3: memref<2000x16xf32, #tpu.memory_space<vmem>>, %arg4: memref<2000x16xf32, #tpu.memory_space<vmem>>, %arg5: memref<2000x40xf32, #tpu.memory_space<vmem>>, %arg6: memref<2000x40xf32, #tpu.memory_space<vmem>>) attributes {dimension_semantics = [#tpu.dimension_semantics<arbitrary>], iteration_bounds = array<i64: 5>, scalar_prefetch = 0 : i64, scratch_operands = 0 : i64, tpu.core_type = #tpu.core_type<tc>, window_params = [{transform_indices = @transform_0, window_bounds = array<i64: 2000, 40>}, {transform_indices = @transform_1, window_bounds = array<i64: 2000, 40>}, {transform_indices = @transform_2, window_bounds = array<i64: 2000, 16>}, {transform_indices = @transform_3, window_bounds = array<i64: 2000, 16>}, {transform_indices = @transform_4, window_bounds = array<i64: 2000, 40>}, {transform_indices = @transform_5, window_bounds = array<i64: 2000, 40>}]} {
    %get3A = arith.constant 0 : index
    %get3A_0 = arith.constant 0 : index
    %get3A_1 = vector.load %arg3[%get3A, %get3A_0] : memref<2000x16xf32, #tpu.memory_space<vmem>>, vector<2000x1xf32>
    %get3A_2 = arith.constant 0 : index
    %get3A_3 = arith.constant 0 : index
    %get3A_4 = vector.load %arg4[%get3A_2, %get3A_3] : memref<2000x16xf32, #tpu.memory_space<vmem>>, vector<2000x1xf32>
    %add3A = arith.addf %get3A_1, %get3A_4 : vector<2000x1xf32>
    %max3A = arith.constant 1.000000e+00 : f32
    %max3A_5 = vector.broadcast %max3A : f32 to vector<2000x1xf32>
    %max3A_6 = arith.maximumf %add3A, %max3A_5 : vector<2000x1xf32>
    %get3A_7 = arith.constant 0 : index
    %get3A_8 = arith.constant 0 : index
    %get3A_9 = vector.load %arg1[%get3A_7, %get3A_8] : memref<2000x40xf32, #tpu.memory_space<vmem>>, vector<2000x40xf32>
    %get3A_10 = arith.constant 0 : index
    %get3A_11 = arith.constant 0 : index
    %get3A_12 = vector.load %arg2[%get3A_10, %get3A_11] : memref<2000x40xf32, #tpu.memory_space<vmem>>, vector<2000x40xf32>
    %add3A_13 = arith.addf %get3A_9, %get3A_12 : vector<2000x40xf32>
    %div3A = vector.broadcast %max3A_6 : vector<2000x1xf32> to vector<2000x40xf32>
    %div3A_14 = arith.divf %add3A_13, %div3A : vector<2000x40xf32>
    %get3A_15 = arith.constant 0 : index
    %get3A_16 = arith.constant 0 : index
    %get3A_17 = vector.load %arg5[%get3A_15, %get3A_16] : memref<2000x40xf32, #tpu.memory_space<vmem>>, vector<2000x40xf32>
    %add3A_18 = arith.addf %div3A_14, %get3A_17 : vector<2000x40xf32>
    %max3A_19 = arith.constant 0.000000e+00 : f32
    %max3A_20 = vector.broadcast %max3A_19 : f32 to vector<2000x40xf32>
    %max3A_21 = arith.maximumf %add3A_18, %max3A_20 : vector<2000x40xf32>
    %reduce_max3A = arith.constant dense<0xFF800000> : vector<2000xf32>
    %reduce_max3A_22 = vector.multi_reduction <maximumf>, %max3A_21, %reduce_max3A [1] : vector<2000x40xf32> to vector<2000xf32>
    %broadcast_in_dim3A = vector.shape_cast %reduce_max3A_22 : vector<2000xf32> to vector<2000x1xf32>
    %sub3A = vector.broadcast %broadcast_in_dim3A : vector<2000x1xf32> to vector<2000x40xf32>
    %sub3A_23 = arith.subf %max3A_21, %sub3A : vector<2000x40xf32>
    %exp3A = math.exp %sub3A_23 : vector<2000x40xf32>
    %reduce_sum3A = arith.constant dense<0.000000e+00> : vector<2000xf32>
    %reduce_sum3A_24 = vector.multi_reduction <add>, %exp3A, %reduce_sum3A [1] : vector<2000x40xf32> to vector<2000xf32>
    %broadcast_in_dim3A_25 = vector.shape_cast %reduce_sum3A_24 : vector<2000xf32> to vector<2000x1xf32>
    %log3A = math.log %broadcast_in_dim3A_25 : vector<2000x1xf32>
    %add3A_26 = arith.addf %log3A, %broadcast_in_dim3A : vector<2000x1xf32>
    %sub3A_27 = vector.broadcast %add3A_26 : vector<2000x1xf32> to vector<2000x40xf32>
    %sub3A_28 = arith.subf %max3A_21, %sub3A_27 : vector<2000x40xf32>
    %swap3A = arith.constant 0 : index
    %swap3A_29 = arith.constant 0 : index
    %swap3A_30 = vector.load %arg6[%swap3A, %swap3A_29] : memref<2000x40xf32, #tpu.memory_space<vmem>>, vector<2000x40xf32>
    tpu.vector_store %arg6[%swap3A, %swap3A_29], %sub3A_28 {strides = array<i32>} : memref<2000x40xf32, #tpu.memory_space<vmem>>, vector<2000x40xf32>,
    return
  }
  func.func @transform_0(%arg0: i32) -> (i32, i32) {
    %c0_i32 = arith.constant 0 : i32
    %c0_i32_0 = arith.constant 0 : i32
    return %arg0, %c0_i32 : i32, i32
  }
  func.func @transform_1(%arg0: i32) -> (i32, i32) {
    %c0_i32 = arith.constant 0 : i32
    %c0_i32_0 = arith.constant 0 : i32
    return %arg0, %c0_i32 : i32, i32
  }
  func.func @transform_2(%arg0: i32) -> (i32, i32) {
    %c0_i32 = arith.constant 0 : i32
    %c0_i32_0 = arith.constant 0 : i32
    return %arg0, %c0_i32 : i32, i32
  }
  func.func @transform_3(%arg0: i32) -> (i32, i32) {
    %c0_i32 = arith.constant 0 : i32
    %c0_i32_0 = arith.constant 0 : i32
    return %arg0, %c0_i32 : i32, i32
  }
  func.func @transform_4(%arg0: i32) -> (i32, i32) {
    %c0_i32 = arith.constant 0 : i32
    %c0_i32_0 = arith.constant 0 : i32
    return %arg0, %c0_i32 : i32, i32
  }
  func.func @transform_5(%arg0: i32) -> (i32, i32) {
    %c0_i32 = arith.constant 0 : i32
    %c0_i32_0 = arith.constant 0 : i32
    return %arg0, %c0_i32 : i32, i32
  }
}

</mosaic_0001>

<sc_bundles>
// kernel: kernel.12.cloned.1.call-start
scs
__scs_entry_jumppad:
0x0: {  	(pc) =	sbr.rel $0x88, $3  }
0x1: {  	(tag) =	ssettag $0x0;
	lr =	simm.s32 $0x1  }
0x2: {  	[smem:$0x3F99] =	sst lr;
	_ =	strace $0xD0000000  }
0x3: {  	_ = 	snop  }
0x4: {  	_ = 	snop  }
0x5: {  	_ = 	snop  }
0x6: {  	_ = 	snop  }
0x7: {  	_ = 	snop  }
__scs_overlays_trampoline_lowered:
0x8: {  	[smem:$0x3FA8] =	sst s0  }
0x9: {  	[smem:$0x3FA9] =	sst s1  }
0xa: {  	[smem:$0x3FAA] =	sst s2  }
0xb: {  	[smem:$0x3FAB] =	sst s3  }
0xc: {  	[smem:$0x3FAC] =	sst s4  }
0xd: {  	[smem:$0x3FAD] =	sst s5  }
0xe: {  	[smem:$0x3FAE] =	sst s6  }
0xf: {  	[smem:$0x3FAF] =	sst s7  }
0x10: {  	[smem:$0x3FB0] =	sst s8  }
0x11: {  	[smem:$0x3FB1] =	sst s9;
	s0 =	simm.s32 @!p0 $0x0  }
0x12: {  	s1 =	sld [smem:$0x3F97];
	s0 =	simm.s32 @p0 $0x1  }
0x13: {  	[smem:$0x3FB2] =	sst s0;
	s0 =	simm.s32 @!p1 $0x0  }
0x14: {  	s2 =	sld [smem:$0x3F96];
	s0 =	simm.s32 @p1 $0x1  }
0x15: {  	[smem:$0x3FB3] =	sst s0;
	s0 =	simm.s32 @!p2 $0x0  }
0x16: {  	s3 =	sld [smem:$0x3FDB];
	s0 =	simm.s32 @p2 $0x1  }
0x17: {  	s4 =	simm.s32 $0x1BF5;
	[smem:$0x3FB5] =	sst s0  }
0x18: {  	s0 =	sld [smem:$0x3F98];
	_ =	swait.ge [sflag:s4], $0x0  }
0x19: {  	s7 =	sld [smem:$0x3F99]  }
0x1a: {  	s8 =	sadd.s32 $0xFFFFE003, lr  }
0x1b: {  	s9 =	sadd.s32 $0xFFFFFEF7, lr;
	s5 =	simm.s32 $0xFFFFFFFF;
	p2 =	slt.u32 s8, $0xFFFFF086  }
0x1c: {  	p1 =	slt.u32 s9, $0xF7A;
	s5 =	simm.s32 @!p2 $0x0  }
0x1d: {  	s5 =	simm.s32 @p1 $0x1;
	p0 =	seq.s32 s7, s2  }
0x1e: {  	s7 =	smul.u32 @!p0 $0xF7A, s2;
	p2 =	seq.s32 @!p0 s5, $0x0  }
0x1f: {  	s9 =	smul.u32 $0xF7A, s1;
	s8 =	simm.s32 @!p0 $0x1BF5;
	p2 =	por !p2, p0  }
0x20: {  	[sflag:s8] =	ssyncset.s32 @!p0 $0xFFFFF086;
	s6 =	sadd.s32 @!p0 s3, s7;
	s7 =	simm.s32 @!p0 $0x108  }
0x21: {  	s3 =	sadd.s32 s3, s9;
	s6 =	sadd.s32 @!p0 $0x88, s6;
	s7 =	simm.s32 @p2 $0x1082  }
0x22: {  	[simem:s7], [sflag:s8] =	dma.local @!p0 [hbm:s6], $0xF7A  }
0x23: {  	s9 =	sor.u32 $0xD0000000, s2;
	s6 =	simm.s32 $0x108;
	_ =	swait.ge @!p0 [sflag:s8], $0x0  }
0x24: {  	s3 =	sadd.s32 $0x88, s3;
	s6 =	simm.s32 @!p1 $0x1082;
	[sflag:s4] =	ssyncset.s32 $0xFFFFF086  }
0x25: {  	[simem:s6], [sflag:s4] =	dma.local [hbm:s3], $0xF7A  }
0x26: {  	[smem:$0x3F99] =	sst s1;
	(tag) =	ssettag s2;
	_ =	strace s9  }
0x27: {  	s1 =	sld [smem:$0x3FA9]  }
0x28: {  	s2 =	sld [smem:$0x3FAA]  }
0x29: {  	s4 =	sld [smem:$0x3FAC]  }
0x2a: {  	p0 =	seq.s32 s5, $0x0;
	s5 =	sld [smem:$0x3FAD]  }
0x2b: {  	s6 =	sld [smem:$0x3FAE]  }
0x2c: {  	s7 =	sld [smem:$0x3FAF]  }
0x2d: {  	s3 =	simm.s32 $0x108;
	s8 =	sld [smem:$0x3FB0]  }
0x2e: {  	s3 =	simm.s32 @!p0 $0x1082;
	s9 =	sld [smem:$0x3FB1]  }
0x2f: {  	lr =	sadd.s32 s0, s3;
	s0 =	sld [smem:$0x3FA8]  }
0x30: {  	s3 =	sld [smem:$0x3FAB]  }
0x31: {  	[smem:$0x3FB4] =	sst s10  }
0x32: {  	s10 =	sld [smem:$0x3FB2];
	_ =	sdelay $0x3  }
0x33: {  	p0 =	seq.s32 s10, $0x1;
	s10 =	sld [smem:$0x3FB4];
	_ =	sdelay $0x3  }
0x34: {  	[smem:$0x3FB4] =	sst s10  }
0x35: {  	s10 =	sld [smem:$0x3FB3];
	_ =	sdelay $0x3  }
0x36: {  	p1 =	seq.s32 s10, $0x1;
	s10 =	sld [smem:$0x3FB4];
	_ =	sdelay $0x3  }
0x37: {  	[smem:$0x3FB4] =	sst s10  }
0x38: {  	s10 =	sld [smem:$0x3FB5]  }
0x39: {  	_ = 	snop;
	(pc) =	sbr.ind lr, $3  }
0x3a: {  	_ = 	snop  }
0x3b: {  	_ = 	snop  }
0x3c: {  	p2 =	seq.s32 s10, $0x1;
	s10 =	sld [smem:$0x3FB4]  }
0x3d: {  	_ =	shalt  }
0x3e: {  	_ =	shalt  }
0x3f: {  	_ =	shalt  }
0x40: {  	_ =	shalt  }
0x41: {  	_ =	shalt  }
0x42: {  	_ =	shalt  }
0x43: {  	_ =	shalt  }
0x44: {  	_ =	shalt  }
0x45: {  	_ =	shalt  }
0x46: {  	_ =	shalt  }
0x47: {  	_ =	shalt  }
0x48: {  	_ =	shalt  }
0x49: {  	_ =	shalt  }
0x4a: {  	_ =	shalt  }
0x4b: {  	_ =	shalt  }
0x4c: {  	_ =	shalt  }
0x4d: {  	_ =	shalt  }
0x4e: {  	_ =	shalt  }
0x4f: {  	_ =	shalt  }
0x50: {  	_ =	shalt  }
0x51: {  	_ =	shalt  }
0x52: {  	_ =	shalt  }
0x53: {  	_ =	shalt  }
0x54: {  	_ =	shalt  }
0x55: {  	_ =	shalt  }
0x56: {  	_ =	shalt  }
0x57: {  	_ =	shalt  }
0x58: {  	_ =	shalt  }
0x59: {  	_ =	shalt  }
0x5a: {  	_ =	shalt  }
0x5b: {  	_ =	shalt  }
0x5c: {  	_ =	shalt  }
0x5d: {  	_ =	shalt  }
0x5e: {  	_ =	shalt  }
0x5f: {  	_ =	shalt  }
0x60: {  	_ =	shalt  }
0x61: {  	_ =	shalt  }
0x62: {  	_ =	shalt  }
0x63: {  	_ =	shalt  }
0x64: {  	_ =	shalt  }
0x65: {  	_ =	shalt  }
0x66: {  	_ =	shalt  }
0x67: {  	_ =	shalt  }
0x68: {  	_ =	shalt  }
0x69: {  	_ =	shalt  }
0x6a: {  	_ =	shalt  }
0x6b: {  	_ =	shalt  }
0x6c: {  	_ =	shalt  }
0x6d: {  	_ =	shalt  }
0x6e: {  	_ =	shalt  }
0x6f: {  	_ =	shalt  }
0x70: {  	_ =	shalt  }
0x71: {  	_ =	shalt  }
0x72: {  	_ =	shalt  }
0x73: {  	_ =	shalt  }
0x74: {  	_ =	shalt  }
0x75: {  	_ =	shalt  }
0x76: {  	_ =	shalt  }
0x77: {  	_ =	shalt  }
0x78: {  	_ =	shalt  }
0x79: {  	_ =	shalt  }
0x7a: {  	_ =	shalt  }
0x7b: {  	_ =	shalt  }
0x7c: {  	_ =	shalt  }
0x7d: {  	_ =	shalt  }
0x7e: {  	_ =	shalt  }
0x7f: {  	_ =	shalt  }
0x80: {  	_ =	shalt  }
0x81: {  	_ =	shalt  }
0x82: {  	_ =	shalt  }
0x83: {  	_ =	shalt  }
0x84: {  	_ =	shalt  }
0x85: {  	_ =	shalt  }
0x86: {  	_ =	shalt  }
0x87: {  	_ =	shalt  }
.Lfunc_end0:
.L_simem_size_0:
called_computation.1_lowered:
.L_overlay_start_0:
0x88: {  	s2 =	sld [smem:$0x3FD9]  }
0x89: {  	s3 =	sld [smem:$0x3FFE];
	_ =	sdelay $0x1  }
0x8a: {  	s1 =	srdreg.scid  }
0x8b: {  	s0 =	sand.u32 $0x1, s1  }
0x8c: {  	s17 =	sshll.u32 s0, $0xA;
	s2 =	sadd.s32 s3, s2  }
0x8d: {  	s2 =	sadd.s32 s2, s17  }
0x8e: {  	[smem:$0x3FC0] =	sst s2  }
0x8f: {  	_ = 	snop  }
0x90: {  	s18 =	sld [smem:$0x3FC9];
	(tm) =	ssettm $0x1  }
0x91: {  	s19 =	sld [smem:$0x3FFB];
	_ =	sdelay $0x3  }
0x92: {  	_ =	strace s19  }
0x93: {  	s2 =	sld [smem:$0x3FFC];
	_ =	sdelay $0x3  }
0x94: {  	_ =	strace s2  }
0x95: {  	s2 =	sld [smem:$0x3FFD];
	_ =	sdelay $0x3  }
0x96: {  	_ =	strace s2  }
0x97: {  	_ =	strace $0x8FFFFFFF  }
0x98: {  	s20 =	sld [smem:$0x3FDB];
	_ =	sdelay $0x1  }
0x99: {  	s4 =	simm.s32 $_scs_section_size  }
0x9a: {  	s5 =	simm.s32 $_size__tile_overlayer_lowered;
	s6 =	simm.s32 $_tile_overlayer_lowered  }
0x9b: {  	s7 =	simm.s32 $0x1BFF;
	s21 =	sshll.u32 s6, $0x1;
	s4 =	sadd.s32 s4, s20  }
0x9c: {  	s22 =	simm.s32 $0x0;
	s5 =	sshll.u32 s5, $0x1;
	s6 =	sadd.s32 s21, s4  }
0x9d: {  	[timem:s22], [sflag:s7] =	dma.local [hbm:s6], s5  }
0x9e: {  	_ =	swait.ge [sflag:s7], s5  }
0x9f: {  	s5 =	ssub.s32 $0x0, s5;
	[sflag:s7] =	ssyncset.done $0x0  }
0xa0: {  	[sflag:s7] =	ssyncadd.s32 s5;
	_ =	sdelay $0x1  }
0xa1: {  	s23 =	simm.s32 $0x1B8B  }
0xa2: {  	_ =	swait.ge [sflag:s23], $0x1  }
0xa3: {  	[sflag:s23] =	ssyncset.done $0x0  }
0xa4: {  	[sflag:s23] =	ssyncadd.s32 $0xFFFFFFFF  }
0xa5: {  	s5 =	sld [smem:$0x0]  }
0xa6: {  	s6 =	sand.u32 $0xFFFFFFFE, s1  }
0xa7: {  	p0 =	sne.s32 s1, s6  }
0xa8: {  	s6 =	sshll.u32 @p0 s6, $0xE  }
0xa9: {  	s6 =	sadd.s32 @p0 $0x11B8D, s6;
	s7 =	sshll.u32 @p0 s5, $0x11  }
0xaa: {  	s6 =	sor.u32 @p0 s7, s6  }
0xab: {  	[sflag:s6] =	ssyncadd.remote.s32 @p0 $0x1;
	_ =	sdelay $0x1  }
0xac: {  	s6 =	simm.s32 @p0 $0x1B8D  }
0xad: {  	_ =	swait.eq @p0 [sflag:s6], $0x1  }
0xae: {  	[sflag:s6] =	ssyncadd.s32 @p0 $0xFFFFFFFF  }
0xaf: {  	s7 =	sshll.u32 @!p0 s1, $0xE  }
0xb0: {  	s7 =	sor.u32 @!p0 $0x4000, s7;
	s6 =	simm.s32 @!p0 $0x1B8D  }
0xb1: {  	s5 =	sshll.u32 @!p0 s5, $0x11;
	s7 =	sadd.s32 @!p0 $0x11B8D, s7;
	_ =	swait.eq @!p0 [sflag:s6], $0x1  }
0xb2: {  	s5 =	sor.u32 @!p0 s5, s7;
	[sflag:s6] =	ssyncadd.s32 @!p0 $0xFFFFFFFF  }
0xb3: {  	s25 =	simm.s32 $0x1B8E;
	s24 =	sld [smem:$0x3FFE];
	[sflag:s5] =	ssyncadd.remote.s32 @!p0 $0x1  }
0xb4: {  	s26 =	simm.s32 $execute0_lowered;
	[smem:$0x3FD2] =	sst s25  }
0xb5: {  	s6 =	sshll.u32 s26, $0x1;
	_ =	strace $0x80000049;
	[dreg:$0x1] =	wrdreg $0xFFFFFFFF  }
0xb6: {  	s28 =	simm.s32 $_size_execute0_lowered;
	s4 =	sadd.s32 s4, s6;
	[dreg:$0x0] =	wrdreg $0x0  }
0xb7: {  	s6 =	sshll.u32 s28, $0x1;
	[dreg:$0x2] =	wrdreg s4  }
0xb8: {  	[dreg:$0x3] =	wrdreg s6  }
0xb9: {  	[dreg:$0x4] =	wrdreg $0xC0  }
0xba: {  	_ =	task [dreg:s22], $0x5FFFF  }
0xbb: {  	[dreg:$0x1] =	wrdreg $0xFFFFFFFF  }
0xbc: {  	[dreg:$0x0] =	wrdreg $0x60  }
0xbd: {  	[dreg:$0x2] =	wrdreg s18  }
0xbe: {  	[dreg:$0x3] =	wrdreg s24  }
0xbf: {  	[dreg:$0x4] =	wrdreg $0x94000  }
0xc0: {  	[dreg:$0x5] =	wrdreg $0xA  }
0xc1: {  	_ =	task.clear_ibuf [dreg:s22], $0x6FFFF;
	_ =	strace $0x90000049  }
0xc2: {  	s29 =	simm.s32 $0xA;
	_ =	strace $0x8000004B  }
0xc3: {  	_ =	swait.ge [sflag:s29], $0x1  }
0xc4: {  	[sflag:s29] =	ssyncadd.s32 $0xFFFFFFFF  }
0xc5: {  	_ =	strace $0x9000004B  }
0xc6: {  	_ =	sfence  }
0xc7: {  	s30 =	sld [smem:$0x0];
	_ =	sdelay $0x2  }
0xc8: {  	s31 =	sshll.u32 s1, $0xD;
	s1 =	sshrl.u32 s1, $0x2  }
0xc9: {  	s4 =	sand.u32 $0x4000, s31;
	s1 =	sadd.s32 s1, s30  }
0xca: {  	s0 =	sor.u32 s4, s0;
	s1 =	sshll.u32 s1, $0x11  }
0xcb: {  	s0 =	sor.u32 s1, s0  }
0xcc: {  	s0 =	sadd.s32 $0x8F2B, s0  }
0xcd: {  	[sflag:s0] =	ssyncadd.remote.s32 $0x1  }
0xce: {  	_ =	sfence.sel $0xFFFF  }
0xcf: {  	[dreg:$0x0] =	wrdreg $0xFFFFFFFF;
	(pc) =	sbr.abs _section_cstart, $3  }
0xd0: {  	[dreg:$0x1] =	wrdreg $0xFFFFFFFF  }
0xd1: {  	_ =	task.clear_ibuf [dreg:s22], $0x2FFFF;
	_ =	strace $0x9FFFFFFF  }
0xd2: {  	(tm) =	ssettm $0x7FFFFFFF  }
0xd3: {  	_ =	shalt  }
tec
execute0_lowered:
.L_overlay_start_1:
0x0: {  	(tag) =	ssettag $0x1  }
0x1: {  	s1 =	rddreg [dreg:$0x0]  }
0x2: {  	s0 =	rddreg [dreg:$0x1]  }
0x3: {  	s2 =	rddreg [dreg:$0x2]  }
0x4: {  	s3 =	simm.s32 $0x0;
	s6 =	srdreg.scid;
	s11 =	stileid.u32  }
0x5: {  	s28 =	simm.s32 $0x40;
	s29 =	simm.s32 $0x1400;
	s30 =	simm.s32 $0x3400  }
0x6: {  	s31 =	simm.s32 $0x8;
	[smem:$0x7FF] =	sst s3;
	s4 =	sadd.s32 $0x4000, s0  }
0x7: {  	s5 =	sadd.s32 $0xE000, s0;
	s7 =	sadd.s32 $0x1D800, s0;
	s12 =	sadd.s32 $0x20000, s0  }
0x8: {  	s6 =	sand.u32 $0x1, s6;
	s13 =	sadd.s32 $0x47200, s0;
	s8 =	smul.u32 $0x14000, s11  }
0x9: {  	p4 =	sne.s32 s11, $0xF;
	p0 =	seq.s32 s11, $0xF;
	s21 =	smul.u32 $0xA0, s11  }
0xa: {  	s22 =	sadd.s32 $0x12C000, s2;
	_ =	strace $0x8000004A;
	[dreg:$0x4] =	wrdreg s7  }
0xb: {  	s10 =	sshll.u32 s6, $0x4;
	s14 =	ssub.s32 $0x2, s6;
	[dreg:$0x5] =	wrdreg s12  }
0xc: {  	p1 =	seq.s32 s6, $0x0;
	s20 =	smul.u32 $0xA00, s6;
	[dreg:$0x6] =	wrdreg s13  }
0xd: {  	s26 =	sshrl.u32 s22, $0x3;
	s22 =	simm.s32 $0x0;
	s0 =	sor.u32 s11, s10  }
0xe: {  	s9 =	sshrl.u32 s14, $0x1;
	s10 =	sshll.u32 s11, $0x6;
	s15 =	sadd.s32 s8, s2  }
0xf: {  	p2 =	por !p1, !p4;
	p3 =	por !p1, !p0;
	s8 =	sshrl.u32 s8, $0x3  }
0x10: {  	s11 =	simm.s32 $0xB;
	[dreg:$0x10] =	wrdreg s26;
	s26 =	simm.s32 $0x9  }
0x11: {  	s0 =	smul.u32 $0x500, s0;
	s7 =	ssub.s32 s14, s9;
	[dreg:$0x7] =	wrdreg s15  }
0x12: {  	s16 =	sor.u32 $0x1C0B, s10;
	p1 =	por !p2, !p2;
	p2 =	por !p3, !p3  }
0x13: {  	p3 =	seq.s32 s6, $0x1;
	s23 =	sadd.s32 s12, s8;
	s24 =	sadd.s32 s13, s8  }
0x14: {  	s14 =	simm.s32 $0x7400;
	s6 =	simm.s32 $0x1;
	s15 =	simm.s32 $0x3  }
0x15: {  	s10 =	simm.s32 $0x4;
	s12 =	simm.s32 $0x5;
	[dreg:$0x8] =	wrdreg s16  }
0x16: {  	s9 =	simm.s32 $0x7;
	s13 =	simm.s32 $0xA;
	[dreg:$0xd] =	wrdreg s23  }
0x17: {  	p4 =	por !p4, !p3;
	[dreg:$0xe] =	wrdreg s24;
	s7 =	smax.u32 s7, $0x1  }
0x18: {  	s23 =	simm.s32 $0x500;
	s24 =	simm.s32 $0xF00;
	s17 =	sadd.s32 s4, s0  }
0x19: {  	s18 =	sadd.s32 s5, s0;
	s0 =	sor.u32 $0xA0, s0;
	[dreg:$0xf] =	wrdreg s7  }
0x1a: {  	[dreg:$0x9] =	wrdreg s17;
	s19 =	sadd.s32 s4, s0;
	s0 =	sadd.s32 s5, s0  }
0x1b: {  	s16 =	simm.s32 $0x6;
	[dreg:$0xc] =	wrdreg s0;
	s0 =	sadd.s32 s21, s20  }
.Ltmp0:
0x1c: {  	[dreg:$0xa] =	wrdreg s18;
	s0 =	sshll.u32 s0, $0x3;
	(pc) =	sbr.rel .LBB2_1-.Ltmp0, $4  }
0x1d: {  	p4 =	por !p4, !p4;
	[dreg:$0xb] =	wrdreg s19;
	s25 =	sadd.s32 $0x1E0, s0  }
0x1e: {  	s21 =	simm.s32 $0x1380;
	s0 =	sadd.s32 $0x140, s0;
	s17 =	sadd.s32 s25, s4  }
0x1f: {  	s18 =	sadd.s32 s25, s5;
	s19 =	sadd.s32 s0, s4;
	s20 =	sadd.s32 s0, s5  }
0x20: {  	s0 =	simm.s32 $0x5400;
	s25 =	simm.s32 $0x2;
	s4 =	simm.s32 $0x13C0  }
.LBB2_8:
0x21: {  	s5 =	sadd.s32 $0x25800, s7;
	s7 =	rddreg [dreg:$0x10]  }
0x22: {  	[hbm:s5], [sflag:s8] =	dma.local [spmem:s7], $0x1900  }
0x23: {  	_ =	swait.ge [sflag:s11], $0x1900  }
0x24: {  	[sflag:s11] =	ssyncset.done $0x0  }
0x25: {  	[sflag:s11] =	ssyncadd.s32 $0xFFFFE700  }
.LBB2_9:
0x26: {  	s22 =	sadd.s32 $0x1, s22;
	s5 =	rddreg [dreg:$0xf]  }
0x27: {  	p5 =	sne.s32 s22, s5  }
.Ltmp1:
0x28: {  	_ = 	snop;
	(pc) =	sbr.rel @!p5 .LBB2_10-.Ltmp1, $1  }
0x29: {  	_ =	sdelay $0x3  }
.LBB2_1:
0x2a: {  	[dreg:$0x11] =	wrdreg s22  }
0x2b: {  	s5 =	rddreg [dreg:$0x7]  }
0x2c: {  	s22 =	rddreg [dreg:$0x4]  }
0x2d: {  	s8 =	rddreg [dreg:$0x8];
	s7 =	sshrl.u32 s5, $0x3  }
0x2e: {  	[dreg:$0x12] =	wrdreg s7  }
0x2f: {  	[spmem:s7], [sflag:s8] =	dma.local [hbm:s22], $0x2800  }
0x30: {  	_ =	swait.ge [sflag:s11], $0x2800  }
0x31: {  	[sflag:s11] =	ssyncset.done $0x0  }
0x32: {  	[sflag:s11] =	ssyncadd.s32 $0xFFFFD800  }
0x33: {  	[bflag:$0x0] =	sbarrier.arrive $0xFFFF  }
0x34: {  	s8 =	rddreg [dreg:$0x9]  }
0x35: {  	[tilespmem:s3], [sflag:$0x9] =	stream.linear.gather [hbm4b:s8+s3], $0x500, $0x38;
	[tilespmem:$0x1D400] =	vst v63  }
0x36: {  	s22 =	simm.s32 $0xA00;
	s11 =	rddreg [dreg:$0xa]  }
0x37: {  	[tilespmem:s22], [sflag:$0x9] =	stream.linear.gather [hbm4b:s11+s3], $0x500, $0x38;
	[tilespmem:$0x1D400] =	vst v63  }
0x38: {  	s7 =	rddreg [dreg:$0xb]  }
0x39: {  	[tilespmem:s23], [sflag:$0xA] =	stream.linear.gather [hbm4b:s7+s3], $0x500, $0x38;
	[tilespmem:$0x1D400] =	vst v63  }
0x3a: {  	s8 =	rddreg [dreg:$0xc]  }
0x3b: {  	[tilespmem:s24], [sflag:$0xA] =	stream.linear.gather [hbm4b:s8+s3], $0x500, $0x38;
	[tilespmem:$0x1D400] =	vst v63  }
0x3c: {  	_ =	swait.ge [sflag:s26], $0x500  }
0x3d: {  	[sflag:s26] =	ssyncset.done $0x0  }
0x3e: {  	[sflag:s26] =	ssyncadd.s32 $0xFFFFFB00  }
0x3f: {  	_ =	swait.ge [sflag:s26], $0x500  }
0x40: {  	[sflag:s26] =	ssyncset.done $0x0  }
0x41: {  	[sflag:s26] =	ssyncadd.s32 $0xFFFFFB00  }
0x42: {  	[tilespmem:s29], [sflag:$0x1] =	stream.indirect.gather [hbm4b:s1+s28], $0x80, s3, s28, $0xb8;
	[tilespmem:$0x1D400] =	vst v63  }
0x43: {  	_ = 	snop  }
0x44: {  	[tilespmem:s30], [sflag:$0x2] =	stream.indirect.gather [hbm4b:s1+s28], $0x80, s28, s28, $0xb8;
	[tilespmem:$0x1D400] =	vst v63  }
0x45: {  	s11 =	simm.s32 $0x80  }
0x46: {  	[tilespmem:s0], [sflag:$0x3] =	stream.indirect.gather [hbm4b:s1+s28], $0x80, s11, s28, $0xb8;
	[tilespmem:$0x1D400] =	vst v63  }
0x47: {  	s22 =	simm.s32 $0xC0;
	s7 =	simm.s32 $0x0;
	s8 =	simm.s32 $0x1340  }
0x48: {  	[tilespmem:s14], [sflag:$0x4] =	stream.indirect.gather [hbm4b:s1+s28], $0x80, s22, s28, $0xb8;
	[tilespmem:$0x1D400] =	vst v63  }
.LBB2_2:
0x49: {  	_ =	swait.ge [sflag:s6], $0x2000  }
0x4a: {  	[sflag:s6] =	ssyncset.done $0x0  }
0x4b: {  	s5 =	simm.s32 $0xA00;
	[sflag:s6] =	ssyncadd.s32 $0xFFFFE000  }
0x4c: {  	[spmem:s2] =	stream.indirect.scatter.add.f32 [tilespmem:s29], [sflag:$0x5], $0x80, s5, s28, $0xb8;
	[tilespmem:$0x1D400] =	vst v63  }
0x4d: {  	_ =	swait.ge [sflag:s25], $0x2000  }
0x4e: {  	[sflag:s25] =	ssyncset.done $0x0  }
0x4f: {  	s11 =	simm.s32 $0xA40;
	[sflag:s25] =	ssyncadd.s32 $0xFFFFE000  }
0x50: {  	[spmem:s2] =	stream.indirect.scatter.add.f32 [tilespmem:s30], [sflag:$0x6], $0x80, s11, s28, $0xb8;
	[tilespmem:$0x1D400] =	vst v63  }
0x51: {  	_ =	swait.ge [sflag:s15], $0x2000  }
0x52: {  	[sflag:s15] =	ssyncset.done $0x0  }
0x53: {  	s22 =	simm.s32 $0xA80;
	[sflag:s15] =	ssyncadd.s32 $0xFFFFE000  }
0x54: {  	[spmem:s2] =	stream.indirect.scatter.add.f32 [tilespmem:s0], [sflag:$0x7], $0x80, s22, s28, $0xb8;
	[tilespmem:$0x1D400] =	vst v63  }
0x55: {  	_ =	swait.ge [sflag:s10], $0x2000  }
0x56: {  	[sflag:s10] =	ssyncset.done $0x0  }
0x57: {  	s11 =	simm.s32 $0xAC0;
	[sflag:s10] =	ssyncadd.s32 $0xFFFFE000  }
0x58: {  	[spmem:s2] =	stream.indirect.scatter.add.f32 [tilespmem:s14], [sflag:$0x8], $0x80, s11, s28, $0xb8;
	[tilespmem:$0x1D400] =	vst v63  }
0x59: {  	_ =	swait.ge [sflag:s12], $0x2000  }
0x5a: {  	[sflag:s12] =	ssyncset.done $0x0  }
0x5b: {  	s22 =	simm.s32 $0x100;
	[sflag:s12] =	ssyncadd.s32 $0xFFFFE000  }
0x5c: {  	[tilespmem:s29], [sflag:$0x1] =	stream.indirect.gather [hbm4b:s1+s28], $0x80, s22, s28, $0xb8;
	[tilespmem:$0x1D400] =	vst v63  }
0x5d: {  	_ =	swait.ge [sflag:s16], $0x2000  }
0x5e: {  	[sflag:s16] =	ssyncset.done $0x0  }
0x5f: {  	s11 =	simm.s32 $0x140;
	[sflag:s16] =	ssyncadd.s32 $0xFFFFE000  }
0x60: {  	[tilespmem:s30], [sflag:$0x2] =	stream.indirect.gather [hbm4b:s1+s28], $0x80, s11, s28, $0xb8;
	[tilespmem:$0x1D400] =	vst v63  }
0x61: {  	_ =	swait.ge [sflag:s9], $0x2000  }
0x62: {  	[sflag:s9] =	ssyncset.done $0x0  }
0x63: {  	s22 =	simm.s32 $0x180;
	[sflag:s9] =	ssyncadd.s32 $0xFFFFE000  }
0x64: {  	[tilespmem:s0], [sflag:$0x3] =	stream.indirect.gather [hbm4b:s1+s28], $0x80, s22, s28, $0xb8;
	[tilespmem:$0x1D400] =	vst v63  }
0x65: {  	_ =	swait.ge [sflag:s31], $0x2000  }
0x66: {  	[sflag:s31] =	ssyncset.done $0x0  }
0x67: {  	s11 =	simm.s32 $0x1C0;
	[sflag:s31] =	ssyncadd.s32 $0xFFFFE000  }
0x68: {  	[tilespmem:s14], [sflag:$0x4] =	stream.indirect.gather [hbm4b:s1+s28], $0x80, s11, s28, $0xb8;
	[tilespmem:$0x1D400] =	vst v63  }
0x69: {  	_ =	swait.ge [sflag:s6], $0x2000  }
0x6a: {  	[sflag:s6] =	ssyncset.done $0x0  }
0x6b: {  	s22 =	simm.s32 $0xB00;
	[sflag:s6] =	ssyncadd.s32 $0xFFFFE000  }
0x6c: {  	[spmem:s2] =	stream.indirect.scatter.add.f32 [tilespmem:s29], [sflag:$0x5], $0x80, s22, s28, $0xb8;
	[tilespmem:$0x1D400] =	vst v63  }
0x6d: {  	_ =	swait.ge [sflag:s25], $0x2000  }
0x6e: {  	[sflag:s25] =	ssyncset.done $0x0  }
0x6f: {  	s11 =	simm.s32 $0xB40;
	[sflag:s25] =	ssyncadd.s32 $0xFFFFE000  }
0x70: {  	[spmem:s2] =	stream.indirect.scatter.add.f32 [tilespmem:s30], [sflag:$0x6], $0x80, s11, s28, $0xb8;
	[tilespmem:$0x1D400] =	vst v63  }
0x71: {  	_ =	swait.ge [sflag:s15], $0x2000  }
0x72: {  	[sflag:s15] =	ssyncset.done $0x0  }
0x73: {  	s22 =	simm.s32 $0xB80;
	[sflag:s15] =	ssyncadd.s32 $0xFFFFE000  }
0x74: {  	[spmem:s2] =	stream.indirect.scatter.add.f32 [tilespmem:s0], [sflag:$0x7], $0x80, s22, s28, $0xb8;
	[tilespmem:$0x1D400] =	vst v63  }
0x75: {  	_ =	swait.ge [sflag:s10], $0x2000  }
0x76: {  	[sflag:s10] =	ssyncset.done $0x0  }
0x77: {  	s11 =	simm.s32 $0xBC0;
	[sflag:s10] =	ssyncadd.s32 $0xFFFFE000  }
0x78: {  	[spmem:s2] =	stream.indirect.scatter.add.f32 [tilespmem:s14], [sflag:$0x8], $0x80, s11, s28, $0xb8;
	[tilespmem:$0x1D400] =	vst v63  }
0x79: {  	_ =	swait.ge [sflag:s12], $0x2000  }
0x7a: {  	[sflag:s12] =	ssyncset.done $0x0  }
0x7b: {  	s22 =	simm.s32 $0x200;
	[sflag:s12] =	ssyncadd.s32 $0xFFFFE000  }
0x7c: {  	[tilespmem:s29], [sflag:$0x1] =	stream.indirect.gather [hbm4b:s1+s28], $0x80, s22, s28, $0xb8;
	[tilespmem:$0x1D400] =	vst v63  }
0x7d: {  	_ =	swait.ge [sflag:s16], $0x2000  }
0x7e: {  	[sflag:s16] =	ssyncset.done $0x0  }
0x7f: {  	s11 =	simm.s32 $0x240;
	[sflag:s16] =	ssyncadd.s32 $0xFFFFE000  }
0x80: {  	[tilespmem:s30], [sflag:$0x2] =	stream.indirect.gather [hbm4b:s1+s28], $0x80, s11, s28, $0xb8;
	[tilespmem:$0x1D400] =	vst v63  }
0x81: {  	_ =	swait.ge [sflag:s9], $0x2000  }
0x82: {  	[sflag:s9] =	ssyncset.done $0x0  }
0x83: {  	s22 =	simm.s32 $0x280;
	[sflag:s9] =	ssyncadd.s32 $0xFFFFE000  }
0x84: {  	[tilespmem:s0], [sflag:$0x3] =	stream.indirect.gather [hbm4b:s1+s28], $0x80, s22, s28, $0xb8;
	[tilespmem:$0x1D400] =	vst v63  }
0x85: {  	_ =	swait.ge [sflag:s31], $0x2000  }
0x86: {  	[sflag:s31] =	ssyncset.done $0x0  }
0x87: {  	s11 =	simm.s32 $0x2C0;
	[sflag:s31] =	ssyncadd.s32 $0xFFFFE000  }
0x88: {  	[tilespmem:s14], [sflag:$0x4] =	stream.indirect.gather [hbm4b:s1+s28], $0x80, s11, s28, $0xb8;
	[tilespmem:$0x1D400] =	vst v63  }
0x89: {  	_ =	swait.ge [sflag:s6], $0x2000  }
0x8a: {  	[sflag:s6] =	ssyncset.done $0x0  }
0x8b: {  	s22 =	simm.s32 $0xC00;
	[sflag:s6] =	ssyncadd.s32 $0xFFFFE000  }
0x8c: {  	[spmem:s2] =	stream.indirect.scatter.add.f32 [tilespmem:s29], [sflag:$0x5], $0x80, s22, s28, $0xb8;
	[tilespmem:$0x1D400] =	vst v63  }
0x8d: {  	_ =	swait.ge [sflag:s25], $0x2000  }
0x8e: {  	[sflag:s25] =	ssyncset.done $0x0  }
0x8f: {  	s11 =	simm.s32 $0xC40;
	[sflag:s25] =	ssyncadd.s32 $0xFFFFE000  }
0x90: {  	[spmem:s2] =	stream.indirect.scatter.add.f32 [tilespmem:s30], [sflag:$0x6], $0x80, s11, s28, $0xb8;
	[tilespmem:$0x1D400] =	vst v63  }
0x91: {  	_ =	swait.ge [sflag:s15], $0x2000  }
0x92: {  	[sflag:s15] =	ssyncset.done $0x0  }
0x93: {  	s22 =	simm.s32 $0xC80;
	[sflag:s15] =	ssyncadd.s32 $0xFFFFE000  }
0x94: {  	[spmem:s2] =	stream.indirect.scatter.add.f32 [tilespmem:s0], [sflag:$0x7], $0x80, s22, s28, $0xb8;
	[tilespmem:$0x1D400] =	vst v63  }
0x95: {  	_ =	swait.ge [sflag:s10], $0x2000  }
0x96: {  	[sflag:s10] =	ssyncset.done $0x0  }
0x97: {  	s11 =	simm.s32 $0xCC0;
	[sflag:s10] =	ssyncadd.s32 $0xFFFFE000  }
0x98: {  	[spmem:s2] =	stream.indirect.scatter.add.f32 [tilespmem:s14], [sflag:$0x8], $0x80, s11, s28, $0xb8;
	[tilespmem:$0x1D400] =	vst v63  }
0x99: {  	_ =	swait.ge [sflag:s12], $0x2000  }
0x9a: {  	[sflag:s12] =	ssyncset.done $0x0  }
0x9b: {  	s22 =	simm.s32 $0x300;
	[sflag:s12] =	ssyncadd.s32 $0xFFFFE000  }
0x9c: {  	[tilespmem:s29], [sflag:$0x1] =	stream.indirect.gather [hbm4b:s1+s28], $0x80, s22, s28, $0xb8;
	[tilespmem:$0x1D400] =	vst v63  }
0x9d: {  	_ =	swait.ge [sflag:s16], $0x2000  }
0x9e: {  	[sflag:s16] =	ssyncset.done $0x0  }
0x9f: {  	s11 =	simm.s32 $0x340;
	[sflag:s16] =	ssyncadd.s32 $0xFFFFE000  }
0xa0: {  	[tilespmem:s30], [sflag:$0x2] =	stream.indirect.gather [hbm4b:s1+s28], $0x80, s11, s28, $0xb8;
	[tilespmem:$0x1D400] =	vst v63  }
0xa1: {  	_ =	swait.ge [sflag:s9], $0x2000  }
0xa2: {  	[sflag:s9] =	ssyncset.done $0x0  }
0xa3: {  	s22 =	simm.s32 $0x380;
	[sflag:s9] =	ssyncadd.s32 $0xFFFFE000  }
0xa4: {  	[tilespmem:s0], [sflag:$0x3] =	stream.indirect.gather [hbm4b:s1+s28], $0x80, s22, s28, $0xb8;
	[tilespmem:$0x1D400] =	vst v63  }
0xa5: {  	_ =	swait.ge [sflag:s31], $0x2000  }
0xa6: {  	[sflag:s31] =	ssyncset.done $0x0  }
0xa7: {  	s11 =	simm.s32 $0x3C0;
	[sflag:s31] =	ssyncadd.s32 $0xFFFFE000  }
0xa8: {  	[tilespmem:s14], [sflag:$0x4] =	stream.indirect.gather [hbm4b:s1+s28], $0x80, s11, s28, $0xb8;
	[tilespmem:$0x1D400] =	vst v63  }
0xa9: {  	_ =	swait.ge [sflag:s6], $0x2000  }
0xaa: {  	[sflag:s6] =	ssyncset.done $0x0  }
0xab: {  	s22 =	simm.s32 $0xD00;
	[sflag:s6] =	ssyncadd.s32 $0xFFFFE000  }
0xac: {  	[spmem:s2] =	stream.indirect.scatter.add.f32 [tilespmem:s29], [sflag:$0x5], $0x80, s22, s28, $0xb8;
	[tilespmem:$0x1D400] =	vst v63  }
0xad: {  	_ =	swait.ge [sflag:s25], $0x2000  }
0xae: {  	[sflag:s25] =	ssyncset.done $0x0  }
0xaf: {  	s11 =	simm.s32 $0xD40;
	[sflag:s25] =	ssyncadd.s32 $0xFFFFE000  }
0xb0: {  	[spmem:s2] =	stream.indirect.scatter.add.f32 [tilespmem:s30], [sflag:$0x6], $0x80, s11, s28, $0xb8;
	[tilespmem:$0x1D400] =	vst v63  }
0xb1: {  	_ =	swait.ge [sflag:s15], $0x2000  }
0xb2: {  	[sflag:s15] =	ssyncset.done $0x0  }
0xb3: {  	s22 =	simm.s32 $0xD80;
	[sflag:s15] =	ssyncadd.s32 $0xFFFFE000  }
0xb4: {  	[spmem:s2] =	stream.indirect.scatter.add.f32 [tilespmem:s0], [sflag:$0x7], $0x80, s22, s28, $0xb8;
	[tilespmem:$0x1D400] =	vst v63  }
0xb5: {  	_ =	swait.ge [sflag:s10], $0x2000  }
0xb6: {  	[sflag:s10] =	ssyncset.done $0x0  }
0xb7: {  	s11 =	simm.s32 $0xDC0;
	[sflag:s10] =	ssyncadd.s32 $0xFFFFE000  }
0xb8: {  	[spmem:s2] =	stream.indirect.scatter.add.f32 [tilespmem:s14], [sflag:$0x8], $0x80, s11, s28, $0xb8;
	[tilespmem:$0x1D400] =	vst v63  }
0xb9: {  	_ =	swait.ge [sflag:s12], $0x2000  }
0xba: {  	[sflag:s12] =	ssyncset.done $0x0  }
0xbb: {  	s22 =	simm.s32 $0x400;
	[sflag:s12] =	ssyncadd.s32 $0xFFFFE000  }
0xbc: {  	[tilespmem:s29], [sflag:$0x1] =	stream.indirect.gather [hbm4b:s1+s28], $0x80, s22, s28, $0xb8;
	[tilespmem:$0x1D400] =	vst v63  }
0xbd: {  	_ =	swait.ge [sflag:s16], $0x2000  }
0xbe: {  	[sflag:s16] =	ssyncset.done $0x0  }
0xbf: {  	s11 =	simm.s32 $0x440;
	[sflag:s16] =	ssyncadd.s32 $0xFFFFE000  }
0xc0: {  	[tilespmem:s30], [sflag:$0x2] =	stream.indirect.gather [hbm4b:s1+s28], $0x80, s11, s28, $0xb8;
	[tilespmem:$0x1D400] =	vst v63  }
0xc1: {  	_ =	swait.ge [sflag:s9], $0x2000  }
0xc2: {  	[sflag:s9] =	ssyncset.done $0x0  }
0xc3: {  	s22 =	simm.s32 $0x480;
	[sflag:s9] =	ssyncadd.s32 $0xFFFFE000  }
0xc4: {  	[tilespmem:s0], [sflag:$0x3] =	stream.indirect.gather [hbm4b:s1+s28], $0x80, s22, s28, $0xb8;
	[tilespmem:$0x1D400] =	vst v63  }
0xc5: {  	_ =	swait.ge [sflag:s31], $0x2000  }
0xc6: {  	[sflag:s31] =	ssyncset.done $0x0  }
0xc7: {  	s11 =	simm.s32 $0x4C0;
	[sflag:s31] =	ssyncadd.s32 $0xFFFFE000  }
0xc8: {  	[tilespmem:s14], [sflag:$0x4] =	stream.indirect.gather [hbm4b:s1+s28], $0x80, s11, s28, $0xb8;
	[tilespmem:$0x1D400] =	vst v63  }
0xc9: {  	_ =	swait.ge [sflag:s6], $0x2000  }
0xca: {  	[sflag:s6] =	ssyncset.done $0x0  }
0xcb: {  	s22 =	simm.s32 $0xE00;
	[sflag:s6] =	ssyncadd.s32 $0xFFFFE000  }
0xcc: {  	[spmem:s2] =	stream.indirect.scatter.add.f32 [tilespmem:s29], [sflag:$0x5], $0x80, s22, s28, $0xb8;
	[tilespmem:$0x1D400] =	vst v63  }
0xcd: {  	_ =	swait.ge [sflag:s25], $0x2000  }
0xce: {  	[sflag:s25] =	ssyncset.done $0x0  }
0xcf: {  	s11 =	simm.s32 $0xE40;
	[sflag:s25] =	ssyncadd.s32 $0xFFFFE000  }
0xd0: {  	[spmem:s2] =	stream.indirect.scatter.add.f32 [tilespmem:s30], [sflag:$0x6], $0x80, s11, s28, $0xb8;
	[tilespmem:$0x1D400] =	vst v63  }
0xd1: {  	_ =	swait.ge [sflag:s15], $0x2000  }
0xd2: {  	[sflag:s15] =	ssyncset.done $0x0  }
0xd3: {  	s22 =	simm.s32 $0xE80;
	[sflag:s15] =	ssyncadd.s32 $0xFFFFE000  }
0xd4: {  	[spmem:s2] =	stream.indirect.scatter.add.f32 [tilespmem:s0], [sflag:$0x7], $0x80, s22, s28, $0xb8;
	[tilespmem:$0x1D400] =	vst v63  }
0xd5: {  	_ =	swait.ge [sflag:s10], $0x2000  }
0xd6: {  	[sflag:s10] =	ssyncset.done $0x0  }
0xd7: {  	s11 =	simm.s32 $0xEC0;
	[sflag:s10] =	ssyncadd.s32 $0xFFFFE000  }
0xd8: {  	[spmem:s2] =	stream.indirect.scatter.add.f32 [tilespmem:s14], [sflag:$0x8], $0x80, s11, s28, $0xb8;
	[tilespmem:$0x1D400] =	vst v63  }
0xd9: {  	_ =	swait.ge [sflag:s13], $0x500  }
0xda: {  	[sflag:s13] =	ssyncset.done $0x0  }
0xdb: {  	[sflag:s13] =	ssyncadd.s32 $0xFFFFFB00  }
0xdc: {  	_ =	swait.ge [sflag:s13], $0x500  }
0xdd: {  	[sflag:s13] =	ssyncset.done $0x0  }
0xde: {  	[sflag:s13] =	ssyncadd.s32 $0xFFFFFB00  }
0xdf: {  	_ =	swait.ge [sflag:s12], $0x2000  }
0xe0: {  	[sflag:s12] =	ssyncset.done $0x0  }
0xe1: {  	[sflag:s12] =	ssyncadd.s32 $0xFFFFE000  }
0xe2: {  	[tilespmem:s29], [sflag:$0x1] =	stream.indirect.gather [hbm4b:s1+s28], $0x80, s23, s28, $0xb8;
	[tilespmem:$0x1D400] =	vst v63  }
0xe3: {  	_ =	swait.ge [sflag:s16], $0x2000  }
0xe4: {  	[sflag:s16] =	ssyncset.done $0x0  }
0xe5: {  	s22 =	simm.s32 $0x540;
	[sflag:s16] =	ssyncadd.s32 $0xFFFFE000  }
0xe6: {  	[tilespmem:s30], [sflag:$0x2] =	stream.indirect.gather [hbm4b:s1+s28], $0x80, s22, s28, $0xb8;
	[tilespmem:$0x1D400] =	vst v63  }
0xe7: {  	_ =	swait.ge [sflag:s9], $0x2000  }
0xe8: {  	[sflag:s9] =	ssyncset.done $0x0  }
0xe9: {  	s11 =	simm.s32 $0x580;
	[sflag:s9] =	ssyncadd.s32 $0xFFFFE000  }
0xea: {  	[tilespmem:s0], [sflag:$0x3] =	stream.indirect.gather [hbm4b:s1+s28], $0x80, s11, s28, $0xb8;
	[tilespmem:$0x1D400] =	vst v63  }
0xeb: {  	_ =	swait.ge [sflag:s31], $0x2000  }
0xec: {  	[sflag:s31] =	ssyncset.done $0x0  }
0xed: {  	p5 =	seq.s32 s7, $0x3C0;
	s22 =	simm.s32 $0x5C0;
	[sflag:s31] =	ssyncadd.s32 $0xFFFFE000  }
0xee: {  	[tilespmem:s14], [sflag:$0x4] =	stream.indirect.gather [hbm4b:s1+s28], $0x80, s22, s28, $0xb8;
	[tilespmem:$0x1D400] =	vst v63  }
0xef: {  	s5 =	sadd.s32 @!p5 s7, s19;
	s22 =	simm.s32 @!p5 $0x0  }
0xf0: {  	[tilespmem:s22], [sflag:$0x9] =	stream.linear.gather @!p5 [hbm4b:s5+s22], $0x500, $0x38;
	[tilespmem:$0x1D400] =	vst v63  }
0xf1: {  	s11 =	simm.s32 @!p5 $0xA00;
	s5 =	sadd.s32 @!p5 s7, s20  }
0xf2: {  	[tilespmem:s11], [sflag:$0x9] =	stream.linear.gather @!p5 [hbm4b:s5+s22], $0x500, $0x38;
	[tilespmem:$0x1D400] =	vst v63  }
0xf3: {  	_ =	swait.ge [sflag:s6], $0x2000  }
0xf4: {  	[sflag:s6] =	ssyncset.done $0x0  }
0xf5: {  	[sflag:s6] =	ssyncadd.s32 $0xFFFFE000  }
0xf6: {  	[spmem:s2] =	stream.indirect.scatter.add.f32 [tilespmem:s29], [sflag:$0x5], $0x80, s24, s28, $0xb8;
	[tilespmem:$0x1D400] =	vst v63  }
0xf7: {  	_ =	swait.ge [sflag:s25], $0x2000  }
0xf8: {  	[sflag:s25] =	ssyncset.done $0x0  }
0xf9: {  	s11 =	simm.s32 $0xF40;
	[sflag:s25] =	ssyncadd.s32 $0xFFFFE000  }
0xfa: {  	[spmem:s2] =	stream.indirect.scatter.add.f32 [tilespmem:s30], [sflag:$0x6], $0x80, s11, s28, $0xb8;
	[tilespmem:$0x1D400] =	vst v63  }
0xfb: {  	_ =	swait.ge [sflag:s15], $0x2000  }
0xfc: {  	[sflag:s15] =	ssyncset.done $0x0  }
0xfd: {  	s22 =	simm.s32 $0xF80;
	[sflag:s15] =	ssyncadd.s32 $0xFFFFE000  }
0xfe: {  	[spmem:s2] =	stream.indirect.scatter.add.f32 [tilespmem:s0], [sflag:$0x7], $0x80, s22, s28, $0xb8;
	[tilespmem:$0x1D400] =	vst v63  }
0xff: {  	_ =	swait.ge [sflag:s10], $0x2000  }
0x100: {  	[sflag:s10] =	ssyncset.done $0x0  }
0x101: {  	s11 =	simm.s32 $0xFC0;
	[sflag:s10] =	ssyncadd.s32 $0xFFFFE000  }
0x102: {  	[spmem:s2] =	stream.indirect.scatter.add.f32 [tilespmem:s14], [sflag:$0x8], $0x80, s11, s28, $0xb8;
	[tilespmem:$0x1D400] =	vst v63  }
0x103: {  	_ =	swait.ge [sflag:s12], $0x2000  }
0x104: {  	[sflag:s12] =	ssyncset.done $0x0  }
0x105: {  	s22 =	simm.s32 $0x600;
	[sflag:s12] =	ssyncadd.s32 $0xFFFFE000  }
0x106: {  	[tilespmem:s29], [sflag:$0x1] =	stream.indirect.gather [hbm4b:s1+s28], $0x80, s22, s28, $0xb8;
	[tilespmem:$0x1D400] =	vst v63  }
0x107: {  	_ =	swait.ge [sflag:s16], $0x2000  }
0x108: {  	[sflag:s16] =	ssyncset.done $0x0  }
0x109: {  	s11 =	simm.s32 $0x640;
	[sflag:s16] =	ssyncadd.s32 $0xFFFFE000  }
0x10a: {  	[tilespmem:s30], [sflag:$0x2] =	stream.indirect.gather [hbm4b:s1+s28], $0x80, s11, s28, $0xb8;
	[tilespmem:$0x1D400] =	vst v63  }
0x10b: {  	_ =	swait.ge [sflag:s9], $0x2000  }
0x10c: {  	[sflag:s9] =	ssyncset.done $0x0  }
0x10d: {  	s22 =	simm.s32 $0x680;
	[sflag:s9] =	ssyncadd.s32 $0xFFFFE000  }
0x10e: {  	[tilespmem:s0], [sflag:$0x3] =	stream.indirect.gather [hbm4b:s1+s28], $0x80, s22, s28, $0xb8;
	[tilespmem:$0x1D400] =	vst v63  }
0x10f: {  	_ =	swait.ge [sflag:s31], $0x2000  }
0x110: {  	[sflag:s31] =	ssyncset.done $0x0  }
0x111: {  	s11 =	simm.s32 $0x6C0;
	[sflag:s31] =	ssyncadd.s32 $0xFFFFE000  }
0x112: {  	[tilespmem:s14], [sflag:$0x4] =	stream.indirect.gather [hbm4b:s1+s28], $0x80, s11, s28, $0xb8;
	[tilespmem:$0x1D400] =	vst v63  }
0x113: {  	_ =	swait.ge [sflag:s6], $0x2000  }
0x114: {  	[sflag:s6] =	ssyncset.done $0x0  }
0x115: {  	s22 =	simm.s32 $0x1000;
	[sflag:s6] =	ssyncadd.s32 $0xFFFFE000  }
0x116: {  	[spmem:s2] =	stream.indirect.scatter.add.f32 [tilespmem:s29], [sflag:$0x5], $0x80, s22, s28, $0xb8;
	[tilespmem:$0x1D400] =	vst v63  }
0x117: {  	_ =	swait.ge [sflag:s25], $0x2000  }
0x118: {  	[sflag:s25] =	ssyncset.done $0x0  }
0x119: {  	s11 =	simm.s32 $0x1040;
	[sflag:s25] =	ssyncadd.s32 $0xFFFFE000  }
0x11a: {  	[spmem:s2] =	stream.indirect.scatter.add.f32 [tilespmem:s30], [sflag:$0x6], $0x80, s11, s28, $0xb8;
	[tilespmem:$0x1D400] =	vst v63  }
0x11b: {  	_ =	swait.ge [sflag:s15], $0x2000  }
0x11c: {  	[sflag:s15] =	ssyncset.done $0x0  }
0x11d: {  	s22 =	simm.s32 $0x1080;
	[sflag:s15] =	ssyncadd.s32 $0xFFFFE000  }
0x11e: {  	[spmem:s2] =	stream.indirect.scatter.add.f32 [tilespmem:s0], [sflag:$0x7], $0x80, s22, s28, $0xb8;
	[tilespmem:$0x1D400] =	vst v63  }
0x11f: {  	_ =	swait.ge [sflag:s10], $0x2000  }
0x120: {  	[sflag:s10] =	ssyncset.done $0x0  }
0x121: {  	s11 =	simm.s32 $0x10C0;
	[sflag:s10] =	ssyncadd.s32 $0xFFFFE000  }
0x122: {  	[spmem:s2] =	stream.indirect.scatter.add.f32 [tilespmem:s14], [sflag:$0x8], $0x80, s11, s28, $0xb8;
	[tilespmem:$0x1D400] =	vst v63  }
0x123: {  	_ =	swait.ge [sflag:s12], $0x2000  }
0x124: {  	[sflag:s12] =	ssyncset.done $0x0  }
0x125: {  	s22 =	simm.s32 $0x700;
	[sflag:s12] =	ssyncadd.s32 $0xFFFFE000  }
0x126: {  	[tilespmem:s29], [sflag:$0x1] =	stream.indirect.gather [hbm4b:s1+s28], $0x80, s22, s28, $0xb8;
	[tilespmem:$0x1D400] =	vst v63  }
0x127: {  	_ =	swait.ge [sflag:s16], $0x2000  }
0x128: {  	[sflag:s16] =	ssyncset.done $0x0  }
0x129: {  	s11 =	simm.s32 $0x740;
	[sflag:s16] =	ssyncadd.s32 $0xFFFFE000  }
0x12a: {  	[tilespmem:s30], [sflag:$0x2] =	stream.indirect.gather [hbm4b:s1+s28], $0x80, s11, s28, $0xb8;
	[tilespmem:$0x1D400] =	vst v63  }
0x12b: {  	_ =	swait.ge [sflag:s9], $0x2000  }
0x12c: {  	[sflag:s9] =	ssyncset.done $0x0  }
0x12d: {  	s22 =	simm.s32 $0x780;
	[sflag:s9] =	ssyncadd.s32 $0xFFFFE000  }
0x12e: {  	[tilespmem:s0], [sflag:$0x3] =	stream.indirect.gather [hbm4b:s1+s28], $0x80, s22, s28, $0xb8;
	[tilespmem:$0x1D400] =	vst v63  }
0x12f: {  	_ =	swait.ge [sflag:s31], $0x2000  }
0x130: {  	[sflag:s31] =	ssyncset.done $0x0  }
0x131: {  	s11 =	simm.s32 $0x7C0;
	[sflag:s31] =	ssyncadd.s32 $0xFFFFE000  }
0x132: {  	[tilespmem:s14], [sflag:$0x4] =	stream.indirect.gather [hbm4b:s1+s28], $0x80, s11, s28, $0xb8;
	[tilespmem:$0x1D400] =	vst v63  }
0x133: {  	_ =	swait.ge [sflag:s6], $0x2000  }
0x134: {  	[sflag:s6] =	ssyncset.done $0x0  }
0x135: {  	s22 =	simm.s32 $0x1100;
	[sflag:s6] =	ssyncadd.s32 $0xFFFFE000  }
0x136: {  	[spmem:s2] =	stream.indirect.scatter.add.f32 [tilespmem:s29], [sflag:$0x5], $0x80, s22, s28, $0xb8;
	[tilespmem:$0x1D400] =	vst v63  }
0x137: {  	_ =	swait.ge [sflag:s25], $0x2000  }
0x138: {  	[sflag:s25] =	ssyncset.done $0x0  }
0x139: {  	s11 =	simm.s32 $0x1140;
	[sflag:s25] =	ssyncadd.s32 $0xFFFFE000  }
0x13a: {  	[spmem:s2] =	stream.indirect.scatter.add.f32 [tilespmem:s30], [sflag:$0x6], $0x80, s11, s28, $0xb8;
	[tilespmem:$0x1D400] =	vst v63  }
0x13b: {  	_ =	swait.ge [sflag:s15], $0x2000  }
0x13c: {  	[sflag:s15] =	ssyncset.done $0x0  }
0x13d: {  	s22 =	simm.s32 $0x1180;
	[sflag:s15] =	ssyncadd.s32 $0xFFFFE000  }
0x13e: {  	[spmem:s2] =	stream.indirect.scatter.add.f32 [tilespmem:s0], [sflag:$0x7], $0x80, s22, s28, $0xb8;
	[tilespmem:$0x1D400] =	vst v63  }
0x13f: {  	_ =	swait.ge [sflag:s10], $0x2000  }
0x140: {  	[sflag:s10] =	ssyncset.done $0x0  }
0x141: {  	s11 =	simm.s32 $0x11C0;
	[sflag:s10] =	ssyncadd.s32 $0xFFFFE000  }
0x142: {  	[spmem:s2] =	stream.indirect.scatter.add.f32 [tilespmem:s14], [sflag:$0x8], $0x80, s11, s28, $0xb8;
	[tilespmem:$0x1D400] =	vst v63  }
0x143: {  	_ =	swait.ge [sflag:s12], $0x2000  }
0x144: {  	[sflag:s12] =	ssyncset.done $0x0  }
0x145: {  	s22 =	simm.s32 $0x800;
	[sflag:s12] =	ssyncadd.s32 $0xFFFFE000  }
0x146: {  	[tilespmem:s29], [sflag:$0x1] =	stream.indirect.gather [hbm4b:s1+s28], $0x80, s22, s28, $0xb8;
	[tilespmem:$0x1D400] =	vst v63  }
0x147: {  	_ =	swait.ge [sflag:s16], $0x2000  }
0x148: {  	[sflag:s16] =	ssyncset.done $0x0  }
0x149: {  	s11 =	simm.s32 $0x840;
	[sflag:s16] =	ssyncadd.s32 $0xFFFFE000  }
0x14a: {  	[tilespmem:s30], [sflag:$0x2] =	stream.indirect.gather [hbm4b:s1+s28], $0x80, s11, s28, $0xb8;
	[tilespmem:$0x1D400] =	vst v63  }
0x14b: {  	_ =	swait.ge [sflag:s9], $0x2000  }
0x14c: {  	[sflag:s9] =	ssyncset.done $0x0  }
0x14d: {  	s22 =	simm.s32 $0x880;
	[sflag:s9] =	ssyncadd.s32 $0xFFFFE000  }
0x14e: {  	[tilespmem:s0], [sflag:$0x3] =	stream.indirect.gather [hbm4b:s1+s28], $0x80, s22, s28, $0xb8;
	[tilespmem:$0x1D400] =	vst v63  }
0x14f: {  	_ =	swait.ge [sflag:s31], $0x2000  }
0x150: {  	[sflag:s31] =	ssyncset.done $0x0  }
0x151: {  	s11 =	simm.s32 $0x8C0;
	[sflag:s31] =	ssyncadd.s32 $0xFFFFE000  }
0x152: {  	[tilespmem:s14], [sflag:$0x4] =	stream.indirect.gather [hbm4b:s1+s28], $0x80, s11, s28, $0xb8;
	[tilespmem:$0x1D400] =	vst v63  }
0x153: {  	_ =	swait.ge [sflag:s6], $0x2000  }
0x154: {  	[sflag:s6] =	ssyncset.done $0x0  }
0x155: {  	s22 =	simm.s32 $0x1200;
	[sflag:s6] =	ssyncadd.s32 $0xFFFFE000  }
0x156: {  	[spmem:s2] =	stream.indirect.scatter.add.f32 [tilespmem:s29], [sflag:$0x5], $0x80, s22, s28, $0xb8;
	[tilespmem:$0x1D400] =	vst v63  }
0x157: {  	_ =	swait.ge [sflag:s25], $0x2000  }
0x158: {  	[sflag:s25] =	ssyncset.done $0x0  }
0x159: {  	s11 =	simm.s32 $0x1240;
	[sflag:s25] =	ssyncadd.s32 $0xFFFFE000  }
0x15a: {  	[spmem:s2] =	stream.indirect.scatter.add.f32 [tilespmem:s30], [sflag:$0x6], $0x80, s11, s28, $0xb8;
	[tilespmem:$0x1D400] =	vst v63  }
0x15b: {  	_ =	swait.ge [sflag:s15], $0x2000  }
0x15c: {  	[sflag:s15] =	ssyncset.done $0x0  }
0x15d: {  	s22 =	simm.s32 $0x1280;
	[sflag:s15] =	ssyncadd.s32 $0xFFFFE000  }
0x15e: {  	[spmem:s2] =	stream.indirect.scatter.add.f32 [tilespmem:s0], [sflag:$0x7], $0x80, s22, s28, $0xb8;
	[tilespmem:$0x1D400] =	vst v63  }
0x15f: {  	_ =	swait.ge [sflag:s10], $0x2000  }
0x160: {  	[sflag:s10] =	ssyncset.done $0x0  }
0x161: {  	s11 =	simm.s32 $0x12C0;
	[sflag:s10] =	ssyncadd.s32 $0xFFFFE000  }
0x162: {  	[spmem:s2] =	stream.indirect.scatter.add.f32 [tilespmem:s14], [sflag:$0x8], $0x80, s11, s28, $0xb8;
	[tilespmem:$0x1D400] =	vst v63  }
0x163: {  	_ =	swait.ge [sflag:s12], $0x2000  }
0x164: {  	[sflag:s12] =	ssyncset.done $0x0  }
0x165: {  	s22 =	simm.s32 $0x900;
	[sflag:s12] =	ssyncadd.s32 $0xFFFFE000  }
0x166: {  	[tilespmem:s29], [sflag:$0x1] =	stream.indirect.gather [hbm4b:s1+s28], $0x80, s22, s28, $0xb8;
	[tilespmem:$0x1D400] =	vst v63  }
0x167: {  	_ =	swait.ge [sflag:s16], $0x2000  }
0x168: {  	[sflag:s16] =	ssyncset.done $0x0  }
0x169: {  	s11 =	simm.s32 $0x940;
	[sflag:s16] =	ssyncadd.s32 $0xFFFFE000  }
0x16a: {  	[tilespmem:s30], [sflag:$0x2] =	stream.indirect.gather [hbm4b:s1+s28], $0x80, s11, s28, $0xb8;
	[tilespmem:$0x1D400] =	vst v63  }
0x16b: {  	_ =	swait.ge [sflag:s9], $0x2000  }
0x16c: {  	[sflag:s9] =	ssyncset.done $0x0  }
0x16d: {  	s22 =	simm.s32 $0x980;
	[sflag:s9] =	ssyncadd.s32 $0xFFFFE000  }
0x16e: {  	[tilespmem:s0], [sflag:$0x3] =	stream.indirect.gather [hbm4b:s1+s28], $0x80, s22, s28, $0xb8;
	[tilespmem:$0x1D400] =	vst v63  }
0x16f: {  	_ =	swait.ge [sflag:s31], $0x2000  }
0x170: {  	[sflag:s31] =	ssyncset.done $0x0  }
0x171: {  	s11 =	simm.s32 $0x9C0;
	[sflag:s31] =	ssyncadd.s32 $0xFFFFE000  }
0x172: {  	[tilespmem:s14], [sflag:$0x4] =	stream.indirect.gather [hbm4b:s1+s28], $0x80, s11, s28, $0xb8;
	[tilespmem:$0x1D400] =	vst v63  }
0x173: {  	_ =	swait.ge [sflag:s6], $0x2000  }
0x174: {  	[sflag:s6] =	ssyncset.done $0x0  }
0x175: {  	s22 =	simm.s32 $0x1300;
	[sflag:s6] =	ssyncadd.s32 $0xFFFFE000  }
0x176: {  	[spmem:s2] =	stream.indirect.scatter.add.f32 [tilespmem:s29], [sflag:$0x5], $0x80, s22, s28, $0xb8;
	[tilespmem:$0x1D400] =	vst v63  }
0x177: {  	_ =	swait.ge [sflag:s25], $0x2000  }
0x178: {  	[sflag:s25] =	ssyncset.done $0x0  }
0x179: {  	[sflag:s25] =	ssyncadd.s32 $0xFFFFE000  }
0x17a: {  	[spmem:s2] =	stream.indirect.scatter.add.f32 [tilespmem:s30], [sflag:$0x6], $0x80, s8, s28, $0xb8;
	[tilespmem:$0x1D400] =	vst v63  }
0x17b: {  	_ =	swait.ge [sflag:s15], $0x2000  }
0x17c: {  	[sflag:s15] =	ssyncset.done $0x0  }
0x17d: {  	[sflag:s15] =	ssyncadd.s32 $0xFFFFE000  }
0x17e: {  	[spmem:s2] =	stream.indirect.scatter.add.f32 [tilespmem:s0], [sflag:$0x7], $0x80, s21, s28, $0xb8;
	[tilespmem:$0x1D400] =	vst v63  }
.Ltmp2:
0x17f: {  	_ = 	snop;
	(pc) =	sbr.rel @p5 .LBB2_4-.Ltmp2, $4  }
0x180: {  	_ =	swait.ge [sflag:s10], $0x2000  }
0x181: {  	[sflag:s10] =	ssyncset.done $0x0  }
0x182: {  	[sflag:s10] =	ssyncadd.s32 $0xFFFFE000  }
0x183: {  	[spmem:s2] =	stream.indirect.scatter.add.f32 [tilespmem:s14], [sflag:$0x8], $0x80, s4, s28, $0xb8;
	[tilespmem:$0x1D400] =	vst v63  }
0x184: {  	_ =	swait.ge [sflag:s26], $0x500  }
0x185: {  	[sflag:s26] =	ssyncset.done $0x0  }
0x186: {  	[sflag:s26] =	ssyncadd.s32 $0xFFFFFB00  }
0x187: {  	_ =	swait.ge [sflag:s26], $0x500  }
0x188: {  	[sflag:s26] =	ssyncset.done $0x0  }
0x189: {  	[sflag:s26] =	ssyncadd.s32 $0xFFFFFB00  }
0x18a: {  	_ =	swait.ge [sflag:s12], $0x2000  }
0x18b: {  	[sflag:s12] =	ssyncset.done $0x0  }
0x18c: {  	[sflag:s12] =	ssyncadd.s32 $0xFFFFE000  }
0x18d: {  	[tilespmem:s29], [sflag:$0x1] =	stream.indirect.gather [hbm4b:s1+s28], $0x80, s3, s28, $0xb8;
	[tilespmem:$0x1D400] =	vst v63  }
0x18e: {  	_ =	swait.ge [sflag:s16], $0x2000  }
0x18f: {  	[sflag:s16] =	ssyncset.done $0x0  }
0x190: {  	[sflag:s16] =	ssyncadd.s32 $0xFFFFE000  }
0x191: {  	[tilespmem:s30], [sflag:$0x2] =	stream.indirect.gather [hbm4b:s1+s28], $0x80, s28, s28, $0xb8;
	[tilespmem:$0x1D400] =	vst v63  }
0x192: {  	_ =	swait.ge [sflag:s9], $0x2000  }
0x193: {  	[sflag:s9] =	ssyncset.done $0x0  }
0x194: {  	s5 =	simm.s32 $0x80;
	[sflag:s9] =	ssyncadd.s32 $0xFFFFE000  }
0x195: {  	[tilespmem:s0], [sflag:$0x3] =	stream.indirect.gather [hbm4b:s1+s28], $0x80, s5, s28, $0xb8;
	[tilespmem:$0x1D400] =	vst v63  }
0x196: {  	_ =	swait.ge [sflag:s31], $0x2000  }
0x197: {  	[sflag:s31] =	ssyncset.done $0x0  }
0x198: {  	s22 =	simm.s32 $0xC0;
	[sflag:s31] =	ssyncadd.s32 $0xFFFFE000  }
0x199: {  	[tilespmem:s14], [sflag:$0x4] =	stream.indirect.gather [hbm4b:s1+s28], $0x80, s22, s28, $0xb8;
	[tilespmem:$0x1D400] =	vst v63  }
.Ltmp3:
0x19a: {  	_ = 	snop;
	(pc) =	sbr.rel .LBB2_2-.Ltmp3, $4  }
0x19b: {  	s11 =	sadd.s32 s7, s17  }
0x19c: {  	[tilespmem:s23], [sflag:$0xA] =	stream.linear.gather [hbm4b:s11+s3], $0x500, $0x38;
	[tilespmem:$0x1D400] =	vst v63  }
0x19d: {  	s22 =	sadd.s32 s7, s18;
	s7 =	sadd.s32 $0x140, s7  }
0x19e: {  	[tilespmem:s24], [sflag:$0xA] =	stream.linear.gather [hbm4b:s22+s3], $0x500, $0x38;
	[tilespmem:$0x1D400] =	vst v63  }
.LBB2_4:
0x19f: {  	_ =	swait.ge [sflag:s12], $0x2000  }
0x1a0: {  	[sflag:s12] =	ssyncset.done $0x0  }
0x1a1: {  	[sflag:s12] =	ssyncadd.s32 $0xFFFFE000  }
0x1a2: {  	_ =	swait.ge [sflag:s16], $0x2000  }
0x1a3: {  	[sflag:s16] =	ssyncset.done $0x0  }
0x1a4: {  	[sflag:s16] =	ssyncadd.s32 $0xFFFFE000  }
0x1a5: {  	_ =	swait.ge [sflag:s9], $0x2000  }
0x1a6: {  	[sflag:s9] =	ssyncset.done $0x0  }
0x1a7: {  	[sflag:s9] =	ssyncadd.s32 $0xFFFFE000  }
.Ltmp4:
0x1a8: {  	_ =	swait.ge [sflag:s31], $0x2000;
	(pc) =	sbr.rel @!p1 .LBB2_6-.Ltmp4, $4  }
0x1a9: {  	[sflag:s31] =	ssyncset.done $0x0  }
0x1aa: {  	[sflag:s31] =	ssyncadd.s32 $0xFFFFE000  }
0x1ab: {  	[bflag:$0x0] =	sbarrier.arrive $0xFFFF  }
0x1ac: {  	s11 =	simm.s32 $0xB;
	s8 =	rddreg [dreg:$0x8]  }
0x1ad: {  	s5 =	rddreg [dreg:$0xd]  }
.Ltmp5:
0x1ae: {  	s7 =	rddreg [dreg:$0x12];
	(pc) =	sbr.rel .LBB2_7-.Ltmp5, $4  }
0x1af: {  	[hbm:s5], [sflag:s8] =	dma.local [spmem:s7], $0x2800  }
0x1b0: {  	_ =	swait.ge [sflag:s11], $0x2800  }
0x1b1: {  	[sflag:s11] =	ssyncset.done $0x0  }
0x1b2: {  	p5 =	por $0x0, $0x0;
	s22 =	rddreg [dreg:$0x11];
	[sflag:s11] =	ssyncadd.s32 $0xFFFFD800  }
.LBB2_6:
.Ltmp6:
0x1b3: {  	(pc) =	sbr.rel @p2 .LBB2_8-.Ltmp6, $3  }
0x1b4: {  	_ =	sdelay $0x1  }
0x1b5: {  	s7 =	rddreg [dreg:$0x5]  }
0x1b6: {  	p5 =	por p0, p0;
	s22 =	rddreg [dreg:$0x11]  }
.LBB2_7:
0x1b7: {  	s5 =	rddreg [dreg:$0x7];
	p6 =	por @p4 $0x1, $0x1  }
0x1b8: {  	s7 =	rddreg [dreg:$0xe];
	s5 =	sshrl.u32 @p4 s5, $0x3;
	p6 =	por @!p4 p3, p3  }
0x1b9: {  	[hbm:s7], [sflag:s8] =	dma.local @p4 [spmem:s5], $0x2800  }
0x1ba: {  	p5 =	por !p6, !p5  }
0x1bb: {  	p5 =	por !p5, !p5  }
.Ltmp7:
0x1bc: {  	_ = 	snop;
	(pc) =	sbr.rel @!p5 .LBB2_9-.Ltmp7, $4  }
.Ltmp8:
0x1bd: {  	s5 =	simm.s32 @p4 $0xB;
	(pc) =	sbr.rel @p5 .LBB2_8-.Ltmp8, $4  }
0x1be: {  	_ =	swait.ge @p4 [sflag:s5], $0x2800  }
0x1bf: {  	[sflag:s5] =	ssyncset.done @p4 $0x0  }
0x1c0: {  	s7 =	rddreg [dreg:$0x6];
	[sflag:s5] =	ssyncadd.s32 @p4 $0xFFFFD800  }
0x1c1: {  	_ = 	snop  }
.LBB2_10:
0x1c2: {  	_ =	sfence.sel $0x180000  }
0x1c3: {  	[bflag:$0x0] =	sbarrier.arrive $0xFFFF  }
0x1c4: {  	_ =	strace $0x9000004A  }
0x1c5: {  	s0 =	stileid.u32;
	[bflag:$0x2] =	sbarrier.arrive $0xFFFF  }
0x1c6: {  	p0 =	sne.s32 s0, $0x0;
	s0 =	rddreg [dreg:$0x3]  }
0x1c7: {  	s0 =	sadd.s32 @!p0 $0x100000, s0  }
0x1c8: {  	[sflag:s0] =	ssyncadd.tile.s32 @!p0 $0x1;
	_ =	shalt  }
.Lfunc_end2:
_tile_overlayer_lowered:
.L_overlay_start_2:
0x1c9: {  	(tag) =	ssettag $0x2  }
0x1ca: {  	s0 =	rddreg [dreg:$0x0];
	s2 =	stileid.u32  }
0x1cb: {  	s1 =	rddreg [dreg:$0x1];
	p0 =	sne.s32 s2, $0x0  }
0x1cc: {  	s3 =	rddreg [dreg:$0x2];
	[bflag:$0x3] =	sbarrier.arrive $0xFFFF;
	s2 =	simm.s32 @!p0 $0x1C0B  }
0x1cd: {  	[timem:s3], [sflag:s2] =	dma.local @!p0 [hbm:s0], s1  }
0x1ce: {  	s0 =	simm.s32 @!p0 $0xB  }
0x1cf: {  	_ =	swait.ge @!p0 [sflag:s0], s1  }
0x1d0: {  	s1 =	ssub.s32 @!p0 $0x0, s1;
	[sflag:s0] =	ssyncset.done @!p0 $0x0  }
0x1d1: {  	[sflag:s0] =	ssyncadd.s32 @!p0 s1  }
0x1d2: {  	[bflag:$0x3] =	sbarrier.arrive $0xFFFF  }
0x1d3: {  	_ =	shalt  }

// kernel: kernel.15.cloned.1.call-start
scs
__scs_entry_jumppad:
0x0: {  	(pc) =	sbr.rel $0x88, $3  }
0x1: {  	(tag) =	ssettag $0x0;
	lr =	simm.s32 $0x1  }
0x2: {  	[smem:$0x3F99] =	sst lr;
	_ =	strace $0xD0000000  }
0x3: {  	_ = 	snop  }
0x4: {  	_ = 	snop  }
0x5: {  	_ = 	snop  }
0x6: {  	_ = 	snop  }
0x7: {  	_ = 	snop  }
__scs_overlays_trampoline_lowered:
0x8: {  	[smem:$0x3FA8] =	sst s0  }
0x9: {  	[smem:$0x3FA9] =	sst s1  }
0xa: {  	[smem:$0x3FAA] =	sst s2  }
0xb: {  	[smem:$0x3FAB] =	sst s3  }
0xc: {  	[smem:$0x3FAC] =	sst s4  }
0xd: {  	[smem:$0x3FAD] =	sst s5  }
0xe: {  	[smem:$0x3FAE] =	sst s6  }
0xf: {  	[smem:$0x3FAF] =	sst s7  }
0x10: {  	[smem:$0x3FB0] =	sst s8  }
0x11: {  	[smem:$0x3FB1] =	sst s9;
	s0 =	simm.s32 @!p0 $0x0  }
0x12: {  	s1 =	sld [smem:$0x3F97];
	s0 =	simm.s32 @p0 $0x1  }
0x13: {  	[smem:$0x3FB2] =	sst s0;
	s0 =	simm.s32 @!p1 $0x0  }
0x14: {  	s2 =	sld [smem:$0x3F96];
	s0 =	simm.s32 @p1 $0x1  }
0x15: {  	[smem:$0x3FB3] =	sst s0;
	s0 =	simm.s32 @!p2 $0x0  }
0x16: {  	s3 =	sld [smem:$0x3FDB];
	s0 =	simm.s32 @p2 $0x1  }
0x17: {  	s4 =	simm.s32 $0x1BF5;
	[smem:$0x3FB5] =	sst s0  }
0x18: {  	s0 =	sld [smem:$0x3F98];
	_ =	swait.ge [sflag:s4], $0x0  }
0x19: {  	s7 =	sld [smem:$0x3F99]  }
0x1a: {  	s8 =	sadd.s32 $0xFFFFE003, lr  }
0x1b: {  	s9 =	sadd.s32 $0xFFFFFEF7, lr;
	s5 =	simm.s32 $0xFFFFFFFF;
	p2 =	slt.u32 s8, $0xFFFFF086  }
0x1c: {  	p1 =	slt.u32 s9, $0xF7A;
	s5 =	simm.s32 @!p2 $0x0  }
0x1d: {  	s5 =	simm.s32 @p1 $0x1;
	p0 =	seq.s32 s7, s2  }
0x1e: {  	s7 =	smul.u32 @!p0 $0xF7A, s2;
	p2 =	seq.s32 @!p0 s5, $0x0  }
0x1f: {  	s9 =	smul.u32 $0xF7A, s1;
	s8 =	simm.s32 @!p0 $0x1BF5;
	p2 =	por !p2, p0  }
0x20: {  	[sflag:s8] =	ssyncset.s32 @!p0 $0xFFFFF086;
	s6 =	sadd.s32 @!p0 s3, s7;
	s7 =	simm.s32 @!p0 $0x108  }
0x21: {  	s3 =	sadd.s32 s3, s9;
	s6 =	sadd.s32 @!p0 $0x88, s6;
	s7 =	simm.s32 @p2 $0x1082  }
0x22: {  	[simem:s7], [sflag:s8] =	dma.local @!p0 [hbm:s6], $0xF7A  }
0x23: {  	s9 =	sor.u32 $0xD0000000, s2;
	s6 =	simm.s32 $0x108;
	_ =	swait.ge @!p0 [sflag:s8], $0x0  }
0x24: {  	s3 =	sadd.s32 $0x88, s3;
	s6 =	simm.s32 @!p1 $0x1082;
	[sflag:s4] =	ssyncset.s32 $0xFFFFF086  }
0x25: {  	[simem:s6], [sflag:s4] =	dma.local [hbm:s3], $0xF7A  }
0x26: {  	[smem:$0x3F99] =	sst s1;
	(tag) =	ssettag s2;
	_ =	strace s9  }
0x27: {  	s1 =	sld [smem:$0x3FA9]  }
0x28: {  	s2 =	sld [smem:$0x3FAA]  }
0x29: {  	s4 =	sld [smem:$0x3FAC]  }
0x2a: {  	p0 =	seq.s32 s5, $0x0;
	s5 =	sld [smem:$0x3FAD]  }
0x2b: {  	s6 =	sld [smem:$0x3FAE]  }
0x2c: {  	s7 =	sld [smem:$0x3FAF]  }
0x2d: {  	s3 =	simm.s32 $0x108;
	s8 =	sld [smem:$0x3FB0]  }
0x2e: {  	s3 =	simm.s32 @!p0 $0x1082;
	s9 =	sld [smem:$0x3FB1]  }
0x2f: {  	lr =	sadd.s32 s0, s3;
	s0 =	sld [smem:$0x3FA8]  }
0x30: {  	s3 =	sld [smem:$0x3FAB]  }
0x31: {  	[smem:$0x3FB4] =	sst s10  }
0x32: {  	s10 =	sld [smem:$0x3FB2];
	_ =	sdelay $0x3  }
0x33: {  	p0 =	seq.s32 s10, $0x1;
	s10 =	sld [smem:$0x3FB4];
	_ =	sdelay $0x3  }
0x34: {  	[smem:$0x3FB4] =	sst s10  }
0x35: {  	s10 =	sld [smem:$0x3FB3];
	_ =	sdelay $0x3  }
0x36: {  	p1 =	seq.s32 s10, $0x1;
	s10 =	sld [smem:$0x3FB4];
	_ =	sdelay $0x3  }
0x37: {  	[smem:$0x3FB4] =	sst s10  }
0x38: {  	s10 =	sld [smem:$0x3FB5]  }
0x39: {  	_ = 	snop;
	(pc) =	sbr.ind lr, $3  }
0x3a: {  	_ = 	snop  }
0x3b: {  	_ = 	snop  }
0x3c: {  	p2 =	seq.s32 s10, $0x1;
	s10 =	sld [smem:$0x3FB4]  }
0x3d: {  	_ =	shalt  }
0x3e: {  	_ =	shalt  }
0x3f: {  	_ =	shalt  }
0x40: {  	_ =	shalt  }
0x41: {  	_ =	shalt  }
0x42: {  	_ =	shalt  }
0x43: {  	_ =	shalt  }
0x44: {  	_ =	shalt  }
0x45: {  	_ =	shalt  }
0x46: {  	_ =	shalt  }
0x47: {  	_ =	shalt  }
0x48: {  	_ =	shalt  }
0x49: {  	_ =	shalt  }
0x4a: {  	_ =	shalt  }
0x4b: {  	_ =	shalt  }
0x4c: {  	_ =	shalt  }
0x4d: {  	_ =	shalt  }
0x4e: {  	_ =	shalt  }
0x4f: {  	_ =	shalt  }
0x50: {  	_ =	shalt  }
0x51: {  	_ =	shalt  }
0x52: {  	_ =	shalt  }
0x53: {  	_ =	shalt  }
0x54: {  	_ =	shalt  }
0x55: {  	_ =	shalt  }
0x56: {  	_ =	shalt  }
0x57: {  	_ =	shalt  }
0x58: {  	_ =	shalt  }
0x59: {  	_ =	shalt  }
0x5a: {  	_ =	shalt  }
0x5b: {  	_ =	shalt  }
0x5c: {  	_ =	shalt  }
0x5d: {  	_ =	shalt  }
0x5e: {  	_ =	shalt  }
0x5f: {  	_ =	shalt  }
0x60: {  	_ =	shalt  }
0x61: {  	_ =	shalt  }
0x62: {  	_ =	shalt  }
0x63: {  	_ =	shalt  }
0x64: {  	_ =	shalt  }
0x65: {  	_ =	shalt  }
0x66: {  	_ =	shalt  }
0x67: {  	_ =	shalt  }
0x68: {  	_ =	shalt  }
0x69: {  	_ =	shalt  }
0x6a: {  	_ =	shalt  }
0x6b: {  	_ =	shalt  }
0x6c: {  	_ =	shalt  }
0x6d: {  	_ =	shalt  }
0x6e: {  	_ =	shalt  }
0x6f: {  	_ =	shalt  }
0x70: {  	_ =	shalt  }
0x71: {  	_ =	shalt  }
0x72: {  	_ =	shalt  }
0x73: {  	_ =	shalt  }
0x74: {  	_ =	shalt  }
0x75: {  	_ =	shalt  }
0x76: {  	_ =	shalt  }
0x77: {  	_ =	shalt  }
0x78: {  	_ =	shalt  }
0x79: {  	_ =	shalt  }
0x7a: {  	_ =	shalt  }
0x7b: {  	_ =	shalt  }
0x7c: {  	_ =	shalt  }
0x7d: {  	_ =	shalt  }
0x7e: {  	_ =	shalt  }
0x7f: {  	_ =	shalt  }
0x80: {  	_ =	shalt  }
0x81: {  	_ =	shalt  }
0x82: {  	_ =	shalt  }
0x83: {  	_ =	shalt  }
0x84: {  	_ =	shalt  }
0x85: {  	_ =	shalt  }
0x86: {  	_ =	shalt  }
0x87: {  	_ =	shalt  }
.Lfunc_end0:
.L_simem_size_0:
called_computation.2_lowered:
.L_overlay_start_0:
0x88: {  	s2 =	sld [smem:$0x3FD9]  }
0x89: {  	s3 =	sld [smem:$0x3FFE];
	_ =	sdelay $0x1  }
0x8a: {  	s1 =	srdreg.scid  }
0x8b: {  	s0 =	sand.u32 $0x1, s1  }
0x8c: {  	s17 =	sshll.u32 s0, $0xA;
	s2 =	sadd.s32 s3, s2  }
0x8d: {  	s2 =	sadd.s32 s2, s17  }
0x8e: {  	[smem:$0x3FC0] =	sst s2  }
0x8f: {  	_ = 	snop  }
0x90: {  	s2 =	sld [smem:$0x3FD0];
	(tm) =	ssettm $0x1  }
0x91: {  	s18 =	sld [smem:$0x3FFB];
	_ =	sdelay $0x3  }
0x92: {  	_ =	strace s18  }
0x93: {  	s3 =	sld [smem:$0x3FFC];
	_ =	sdelay $0x3  }
0x94: {  	_ =	strace s3  }
0x95: {  	s3 =	sld [smem:$0x3FFD];
	_ =	sdelay $0x3  }
0x96: {  	_ =	strace s3  }
0x97: {  	_ =	strace $0x8FFFFFFF  }
0x98: {  	s19 =	sld [smem:$0x3FDB];
	_ =	sdelay $0x1  }
0x99: {  	s4 =	simm.s32 $_scs_section_size  }
0x9a: {  	s5 =	simm.s32 $_size__tile_overlayer_lowered;
	s6 =	simm.s32 $_tile_overlayer_lowered  }
0x9b: {  	s22 =	simm.s32 $0x1BFF;
	s21 =	sshll.u32 s6, $0x1;
	s3 =	sadd.s32 s4, s19  }
0x9c: {  	s7 =	simm.s32 $0x0;
	s20 =	sshll.u32 s5, $0x1;
	s5 =	sadd.s32 s21, s3  }
0x9d: {  	[timem:s7], [sflag:s22] =	dma.local [hbm:s5], s20  }
0x9e: {  	_ =	swait.ge [sflag:s22], s20  }
0x9f: {  	s4 =	ssub.s32 $0x0, s20;
	[sflag:s22] =	ssyncset.done $0x0  }
0xa0: {  	[sflag:s22] =	ssyncadd.s32 s4;
	_ =	sdelay $0x1  }
0xa1: {  	s23 =	simm.s32 $0x1B8B  }
0xa2: {  	_ =	swait.ge [sflag:s23], $0x1  }
0xa3: {  	[sflag:s23] =	ssyncset.done $0x0  }
0xa4: {  	s25 =	simm.s32 $0x1B8E;
	s24 =	sld [smem:$0x3FFE];
	[sflag:s23] =	ssyncadd.s32 $0xFFFFFFFF  }
0xa5: {  	s26 =	simm.s32 $execute0_lowered;
	[smem:$0x3FD2] =	sst s25  }
0xa6: {  	s5 =	sshll.u32 s26, $0x1;
	_ =	strace $0x8000004C;
	[dreg:$0x1] =	wrdreg $0xFFFFFFFF  }
0xa7: {  	s28 =	simm.s32 $_size_execute0_lowered;
	s3 =	sadd.s32 s3, s5;
	[dreg:$0x0] =	wrdreg $0x0  }
0xa8: {  	s5 =	sshll.u32 s28, $0x1;
	[dreg:$0x2] =	wrdreg s3  }
0xa9: {  	[dreg:$0x3] =	wrdreg s5  }
0xaa: {  	[dreg:$0x4] =	wrdreg $0xC0  }
0xab: {  	_ =	task [dreg:s7], $0x5FFFF  }
0xac: {  	[dreg:$0x1] =	wrdreg $0xFFFFFFFF  }
0xad: {  	[dreg:$0x0] =	wrdreg $0x60  }
0xae: {  	[dreg:$0x2] =	wrdreg s2  }
0xaf: {  	[dreg:$0x3] =	wrdreg s24  }
0xb0: {  	[dreg:$0x4] =	wrdreg $0x3C000  }
0xb1: {  	[dreg:$0x5] =	wrdreg $0x9  }
0xb2: {  	_ =	task.clear_ibuf [dreg:s7], $0x6FFFF;
	_ =	strace $0x9000004C  }
0xb3: {  	s29 =	simm.s32 $0x9;
	_ =	strace $0x8000004E  }
0xb4: {  	_ =	swait.ge [sflag:s29], $0x1  }
0xb5: {  	[sflag:s29] =	ssyncadd.s32 $0xFFFFFFFF  }
0xb6: {  	_ =	strace $0x9000004E  }
0xb7: {  	_ =	sfence  }
0xb8: {  	s30 =	sld [smem:$0x0];
	_ =	sdelay $0x2  }
0xb9: {  	s31 =	sshll.u32 s1, $0xD;
	s1 =	sshrl.u32 s1, $0x2  }
0xba: {  	s3 =	sand.u32 $0x4000, s31;
	s1 =	sadd.s32 s1, s30  }
0xbb: {  	s0 =	sor.u32 s3, s0;
	s1 =	sshll.u32 s1, $0x11  }
0xbc: {  	s0 =	sor.u32 s1, s0  }
0xbd: {  	s0 =	sadd.s32 $0x8F2B, s0  }
0xbe: {  	[sflag:s0] =	ssyncadd.remote.s32 $0x1  }
0xbf: {  	_ =	sfence.sel $0xFFFF  }
0xc0: {  	[dreg:$0x0] =	wrdreg $0xFFFFFFFF;
	(pc) =	sbr.abs _section_cstart, $3  }
0xc1: {  	[dreg:$0x1] =	wrdreg $0xFFFFFFFF  }
0xc2: {  	_ =	task.clear_ibuf [dreg:s7], $0x2FFFF;
	_ =	strace $0x9FFFFFFF  }
0xc3: {  	(tm) =	ssettm $0x7FFFFFFF  }
tec
execute0_lowered:
.L_overlay_start_1:
0x0: {  	(tag) =	ssettag $0x1  }
0x1: {  	s1 =	rddreg [dreg:$0x0]  }
0x2: {  	s0 =	rddreg [dreg:$0x1]  }
0x3: {  	s2 =	rddreg [dreg:$0x2]  }
0x4: {  	s3 =	simm.s32 $0x0;
	s6 =	srdreg.scid;
	s11 =	stileid.u32  }
0x5: {  	s28 =	simm.s32 $0x40;
	s29 =	simm.s32 $0x1400;
	s30 =	simm.s32 $0x1E00  }
0x6: {  	s31 =	simm.s32 $0x8;
	[smem:$0x7FF] =	sst s3;
	s4 =	sadd.s32 $0x4000, s0  }
0x7: {  	s5 =	sadd.s32 $0xE000, s0;
	s7 =	sadd.s32 $0x18000, s0;
	s12 =	sadd.s32 $0x25200, s0  }
0x8: {  	s6 =	sand.u32 $0x1, s6;
	s13 =	sadd.s32 $0x18E00, s0;
	s8 =	smul.u32 $0x6400, s11  }
0x9: {  	p4 =	sne.s32 s11, $0xF;
	p0 =	seq.s32 s11, $0xF;
	s21 =	smul.u32 $0xA0, s11  }
0xa: {  	s22 =	sadd.s32 $0x5DC00, s2;
	_ =	strace $0x8000004D;
	[dreg:$0x4] =	wrdreg s7  }
0xb: {  	s10 =	sshll.u32 s6, $0x4;
	s14 =	ssub.s32 $0x2, s6;
	[dreg:$0x5] =	wrdreg s12  }
0xc: {  	p1 =	seq.s32 s6, $0x0;
	s20 =	smul.u32 $0xA00, s6;
	[dreg:$0x6] =	wrdreg s13  }
0xd: {  	s26 =	sshrl.u32 s22, $0x3;
	s22 =	simm.s32 $0x0;
	s0 =	sor.u32 s11, s10  }
0xe: {  	s9 =	sshrl.u32 s14, $0x1;
	s10 =	sshll.u32 s11, $0x6;
	s15 =	sadd.s32 s8, s2  }
0xf: {  	p2 =	por !p1, !p4;
	p3 =	por !p1, !p0;
	s8 =	sshrl.u32 s8, $0x3  }
0x10: {  	s11 =	simm.s32 $0xB;
	[dreg:$0x10] =	wrdreg s26;
	s26 =	simm.s32 $0x9  }
0x11: {  	s0 =	smul.u32 $0x500, s0;
	s7 =	ssub.s32 s14, s9;
	[dreg:$0x7] =	wrdreg s15  }
0x12: {  	s16 =	sor.u32 $0x1C0B, s10;
	p1 =	por !p2, !p2;
	p2 =	por !p3, !p3  }
0x13: {  	p3 =	seq.s32 s6, $0x1;
	s23 =	sadd.s32 s12, s8;
	s24 =	sadd.s32 s13, s8  }
0x14: {  	s14 =	simm.s32 $0x3200;
	s6 =	simm.s32 $0x1;
	s15 =	simm.s32 $0x3  }
0x15: {  	s10 =	simm.s32 $0x4;
	s12 =	simm.s32 $0x5;
	[dreg:$0x8] =	wrdreg s16  }
0x16: {  	s9 =	simm.s32 $0x7;
	s13 =	simm.s32 $0xA;
	[dreg:$0xd] =	wrdreg s23  }
0x17: {  	p4 =	por !p4, !p3;
	[dreg:$0xe] =	wrdreg s24;
	s7 =	smax.u32 s7, $0x1  }
0x18: {  	s23 =	simm.s32 $0x500;
	s24 =	simm.s32 $0xF00;
	s17 =	sadd.s32 s4, s0  }
0x19: {  	s18 =	sadd.s32 s5, s0;
	s0 =	sor.u32 $0xA0, s0;
	[dreg:$0xf] =	wrdreg s7  }
0x1a: {  	[dreg:$0x9] =	wrdreg s17;
	s19 =	sadd.s32 s4, s0;
	s0 =	sadd.s32 s5, s0  }
0x1b: {  	s16 =	simm.s32 $0x6;
	[dreg:$0xc] =	wrdreg s0;
	s0 =	sadd.s32 s21, s20  }
.Ltmp0:
0x1c: {  	[dreg:$0xa] =	wrdreg s18;
	s0 =	sshll.u32 s0, $0x3;
	(pc) =	sbr.rel .LBB2_1-.Ltmp0, $4  }
0x1d: {  	p4 =	por !p4, !p4;
	[dreg:$0xb] =	wrdreg s19;
	s25 =	sadd.s32 $0x1E0, s0  }
0x1e: {  	s21 =	simm.s32 $0x1380;
	s0 =	sadd.s32 $0x140, s0;
	s17 =	sadd.s32 s25, s4  }
0x1f: {  	s18 =	sadd.s32 s25, s5;
	s19 =	sadd.s32 s0, s4;
	s20 =	sadd.s32 s0, s5  }
0x20: {  	s0 =	simm.s32 $0x2800;
	s25 =	simm.s32 $0x2;
	s4 =	simm.s32 $0x13C0  }
.LBB2_8:
0x21: {  	s5 =	sadd.s32 $0xBB80, s7;
	s7 =	rddreg [dreg:$0x10]  }
0x22: {  	[hbm:s5], [sflag:s8] =	dma.local [spmem:s7], $0x7D0  }
0x23: {  	_ =	swait.ge [sflag:s11], $0x7D0  }
0x24: {  	[sflag:s11] =	ssyncset.done $0x0  }
0x25: {  	[sflag:s11] =	ssyncadd.s32 $0xFFFFF830  }
.LBB2_9:
0x26: {  	s22 =	sadd.s32 $0x1, s22;
	s5 =	rddreg [dreg:$0xf]  }
0x27: {  	p5 =	sne.s32 s22, s5  }
.Ltmp1:
0x28: {  	_ = 	snop;
	(pc) =	sbr.rel @!p5 .LBB2_10-.Ltmp1, $1  }
0x29: {  	_ =	sdelay $0x3  }
.LBB2_1:
0x2a: {  	[dreg:$0x11] =	wrdreg s22  }
0x2b: {  	s5 =	rddreg [dreg:$0x7]  }
0x2c: {  	s22 =	rddreg [dreg:$0x4]  }
0x2d: {  	s8 =	rddreg [dreg:$0x8];
	s7 =	sshrl.u32 s5, $0x3  }
0x2e: {  	[dreg:$0x12] =	wrdreg s7  }
0x2f: {  	[spmem:s7], [sflag:s8] =	dma.local [hbm:s22], $0xC80  }
0x30: {  	_ =	swait.ge [sflag:s11], $0xC80  }
0x31: {  	[sflag:s11] =	ssyncset.done $0x0  }
0x32: {  	[sflag:s11] =	ssyncadd.s32 $0xFFFFF380  }
0x33: {  	[bflag:$0x0] =	sbarrier.arrive $0xFFFF  }
0x34: {  	s8 =	rddreg [dreg:$0x9]  }
0x35: {  	[tilespmem:s3], [sflag:$0x9] =	stream.linear.gather [hbm4b:s8+s3], $0x500, $0x38;
	[tilespmem:$0xA000] =	vst v63  }
0x36: {  	s22 =	simm.s32 $0xA00;
	s11 =	rddreg [dreg:$0xa]  }
0x37: {  	[tilespmem:s22], [sflag:$0x9] =	stream.linear.gather [hbm4b:s11+s3], $0x500, $0x38;
	[tilespmem:$0xA000] =	vst v63  }
0x38: {  	s7 =	rddreg [dreg:$0xb]  }
0x39: {  	[tilespmem:s23], [sflag:$0xA] =	stream.linear.gather [hbm4b:s7+s3], $0x500, $0x38;
	[tilespmem:$0xA000] =	vst v63  }
0x3a: {  	s8 =	rddreg [dreg:$0xc]  }
0x3b: {  	[tilespmem:s24], [sflag:$0xA] =	stream.linear.gather [hbm4b:s8+s3], $0x500, $0x38;
	[tilespmem:$0xA000] =	vst v63  }
0x3c: {  	_ =	swait.ge [sflag:s26], $0x500  }
0x3d: {  	[sflag:s26] =	ssyncset.done $0x0  }
0x3e: {  	[sflag:s26] =	ssyncadd.s32 $0xFFFFFB00  }
0x3f: {  	_ =	swait.ge [sflag:s26], $0x500  }
0x40: {  	[sflag:s26] =	ssyncset.done $0x0  }
0x41: {  	[sflag:s26] =	ssyncadd.s32 $0xFFFFFB00  }
0x42: {  	[tilespmem:s29], [sflag:$0x1] =	stream.indirect.gather [hbm4b:s1+s28], $0x28, s3, s28, $0xb8;
	[tilespmem:$0xA000] =	vst v63  }
0x43: {  	_ = 	snop  }
0x44: {  	[tilespmem:s30], [sflag:$0x2] =	stream.indirect.gather [hbm4b:s1+s28], $0x28, s28, s28, $0xb8;
	[tilespmem:$0xA000] =	vst v63  }
0x45: {  	s11 =	simm.s32 $0x80  }
0x46: {  	[tilespmem:s0], [sflag:$0x3] =	stream.indirect.gather [hbm4b:s1+s28], $0x28, s11, s28, $0xb8;
	[tilespmem:$0xA000] =	vst v63  }
0x47: {  	s22 =	simm.s32 $0xC0;
	s7 =	simm.s32 $0x0;
	s8 =	simm.s32 $0x1340  }
0x48: {  	[tilespmem:s14], [sflag:$0x4] =	stream.indirect.gather [hbm4b:s1+s28], $0x28, s22, s28, $0xb8;
	[tilespmem:$0xA000] =	vst v63  }
.LBB2_2:
0x49: {  	_ =	swait.ge [sflag:s6], $0xA00  }
0x4a: {  	[sflag:s6] =	ssyncset.done $0x0  }
0x4b: {  	s5 =	simm.s32 $0xA00;
	[sflag:s6] =	ssyncadd.s32 $0xFFFFF600  }
0x4c: {  	[spmem:s2] =	stream.indirect.scatter.add.f32 [tilespmem:s29], [sflag:$0x5], $0x28, s5, s28, $0xb8;
	[tilespmem:$0xA000] =	vst v63  }
0x4d: {  	_ =	swait.ge [sflag:s25], $0xA00  }
0x4e: {  	[sflag:s25] =	ssyncset.done $0x0  }
0x4f: {  	s11 =	simm.s32 $0xA40;
	[sflag:s25] =	ssyncadd.s32 $0xFFFFF600  }
0x50: {  	[spmem:s2] =	stream.indirect.scatter.add.f32 [tilespmem:s30], [sflag:$0x6], $0x28, s11, s28, $0xb8;
	[tilespmem:$0xA000] =	vst v63  }
0x51: {  	_ =	swait.ge [sflag:s15], $0xA00  }
0x52: {  	[sflag:s15] =	ssyncset.done $0x0  }
0x53: {  	s22 =	simm.s32 $0xA80;
	[sflag:s15] =	ssyncadd.s32 $0xFFFFF600  }
0x54: {  	[spmem:s2] =	stream.indirect.scatter.add.f32 [tilespmem:s0], [sflag:$0x7], $0x28, s22, s28, $0xb8;
	[tilespmem:$0xA000] =	vst v63  }
0x55: {  	_ =	swait.ge [sflag:s10], $0xA00  }
0x56: {  	[sflag:s10] =	ssyncset.done $0x0  }
0x57: {  	s11 =	simm.s32 $0xAC0;
	[sflag:s10] =	ssyncadd.s32 $0xFFFFF600  }
0x58: {  	[spmem:s2] =	stream.indirect.scatter.add.f32 [tilespmem:s14], [sflag:$0x8], $0x28, s11, s28, $0xb8;
	[tilespmem:$0xA000] =	vst v63  }
0x59: {  	_ =	swait.ge [sflag:s12], $0xA00  }
0x5a: {  	[sflag:s12] =	ssyncset.done $0x0  }
0x5b: {  	s22 =	simm.s32 $0x100;
	[sflag:s12] =	ssyncadd.s32 $0xFFFFF600  }
0x5c: {  	[tilespmem:s29], [sflag:$0x1] =	stream.indirect.gather [hbm4b:s1+s28], $0x28, s22, s28, $0xb8;
	[tilespmem:$0xA000] =	vst v63  }
0x5d: {  	_ =	swait.ge [sflag:s16], $0xA00  }
0x5e: {  	[sflag:s16] =	ssyncset.done $0x0  }
0x5f: {  	s11 =	simm.s32 $0x140;
	[sflag:s16] =	ssyncadd.s32 $0xFFFFF600  }
0x60: {  	[tilespmem:s30], [sflag:$0x2] =	stream.indirect.gather [hbm4b:s1+s28], $0x28, s11, s28, $0xb8;
	[tilespmem:$0xA000] =	vst v63  }
0x61: {  	_ =	swait.ge [sflag:s9], $0xA00  }
0x62: {  	[sflag:s9] =	ssyncset.done $0x0  }
0x63: {  	s22 =	simm.s32 $0x180;
	[sflag:s9] =	ssyncadd.s32 $0xFFFFF600  }
0x64: {  	[tilespmem:s0], [sflag:$0x3] =	stream.indirect.gather [hbm4b:s1+s28], $0x28, s22, s28, $0xb8;
	[tilespmem:$0xA000] =	vst v63  }
0x65: {  	_ =	swait.ge [sflag:s31], $0xA00  }
0x66: {  	[sflag:s31] =	ssyncset.done $0x0  }
0x67: {  	s11 =	simm.s32 $0x1C0;
	[sflag:s31] =	ssyncadd.s32 $0xFFFFF600  }
0x68: {  	[tilespmem:s14], [sflag:$0x4] =	stream.indirect.gather [hbm4b:s1+s28], $0x28, s11, s28, $0xb8;
	[tilespmem:$0xA000] =	vst v63  }
0x69: {  	_ =	swait.ge [sflag:s6], $0xA00  }
0x6a: {  	[sflag:s6] =	ssyncset.done $0x0  }
0x6b: {  	s22 =	simm.s32 $0xB00;
	[sflag:s6] =	ssyncadd.s32 $0xFFFFF600  }
0x6c: {  	[spmem:s2] =	stream.indirect.scatter.add.f32 [tilespmem:s29], [sflag:$0x5], $0x28, s22, s28, $0xb8;
	[tilespmem:$0xA000] =	vst v63  }
0x6d: {  	_ =	swait.ge [sflag:s25], $0xA00  }
0x6e: {  	[sflag:s25] =	ssyncset.done $0x0  }
0x6f: {  	s11 =	simm.s32 $0xB40;
	[sflag:s25] =	ssyncadd.s32 $0xFFFFF600  }
0x70: {  	[spmem:s2] =	stream.indirect.scatter.add.f32 [tilespmem:s30], [sflag:$0x6], $0x28, s11, s28, $0xb8;
	[tilespmem:$0xA000] =	vst v63  }
0x71: {  	_ =	swait.ge [sflag:s15], $0xA00  }
0x72: {  	[sflag:s15] =	ssyncset.done $0x0  }
0x73: {  	s22 =	simm.s32 $0xB80;
	[sflag:s15] =	ssyncadd.s32 $0xFFFFF600  }
0x74: {  	[spmem:s2] =	stream.indirect.scatter.add.f32 [tilespmem:s0], [sflag:$0x7], $0x28, s22, s28, $0xb8;
	[tilespmem:$0xA000] =	vst v63  }
0x75: {  	_ =	swait.ge [sflag:s10], $0xA00  }
0x76: {  	[sflag:s10] =	ssyncset.done $0x0  }
0x77: {  	s11 =	simm.s32 $0xBC0;
	[sflag:s10] =	ssyncadd.s32 $0xFFFFF600  }
0x78: {  	[spmem:s2] =	stream.indirect.scatter.add.f32 [tilespmem:s14], [sflag:$0x8], $0x28, s11, s28, $0xb8;
	[tilespmem:$0xA000] =	vst v63  }
0x79: {  	_ =	swait.ge [sflag:s12], $0xA00  }
0x7a: {  	[sflag:s12] =	ssyncset.done $0x0  }
0x7b: {  	s22 =	simm.s32 $0x200;
	[sflag:s12] =	ssyncadd.s32 $0xFFFFF600  }
0x7c: {  	[tilespmem:s29], [sflag:$0x1] =	stream.indirect.gather [hbm4b:s1+s28], $0x28, s22, s28, $0xb8;
	[tilespmem:$0xA000] =	vst v63  }
0x7d: {  	_ =	swait.ge [sflag:s16], $0xA00  }
0x7e: {  	[sflag:s16] =	ssyncset.done $0x0  }
0x7f: {  	s11 =	simm.s32 $0x240;
	[sflag:s16] =	ssyncadd.s32 $0xFFFFF600  }
0x80: {  	[tilespmem:s30], [sflag:$0x2] =	stream.indirect.gather [hbm4b:s1+s28], $0x28, s11, s28, $0xb8;
	[tilespmem:$0xA000] =	vst v63  }
0x81: {  	_ =	swait.ge [sflag:s9], $0xA00  }
0x82: {  	[sflag:s9] =	ssyncset.done $0x0  }
0x83: {  	s22 =	simm.s32 $0x280;
	[sflag:s9] =	ssyncadd.s32 $0xFFFFF600  }
0x84: {  	[tilespmem:s0], [sflag:$0x3] =	stream.indirect.gather [hbm4b:s1+s28], $0x28, s22, s28, $0xb8;
	[tilespmem:$0xA000] =	vst v63  }
0x85: {  	_ =	swait.ge [sflag:s31], $0xA00  }
0x86: {  	[sflag:s31] =	ssyncset.done $0x0  }
0x87: {  	s11 =	simm.s32 $0x2C0;
	[sflag:s31] =	ssyncadd.s32 $0xFFFFF600  }
0x88: {  	[tilespmem:s14], [sflag:$0x4] =	stream.indirect.gather [hbm4b:s1+s28], $0x28, s11, s28, $0xb8;
	[tilespmem:$0xA000] =	vst v63  }
0x89: {  	_ =	swait.ge [sflag:s6], $0xA00  }
0x8a: {  	[sflag:s6] =	ssyncset.done $0x0  }
0x8b: {  	s22 =	simm.s32 $0xC00;
	[sflag:s6] =	ssyncadd.s32 $0xFFFFF600  }
0x8c: {  	[spmem:s2] =	stream.indirect.scatter.add.f32 [tilespmem:s29], [sflag:$0x5], $0x28, s22, s28, $0xb8;
	[tilespmem:$0xA000] =	vst v63  }
0x8d: {  	_ =	swait.ge [sflag:s25], $0xA00  }
0x8e: {  	[sflag:s25] =	ssyncset.done $0x0  }
0x8f: {  	s11 =	simm.s32 $0xC40;
	[sflag:s25] =	ssyncadd.s32 $0xFFFFF600  }
0x90: {  	[spmem:s2] =	stream.indirect.scatter.add.f32 [tilespmem:s30], [sflag:$0x6], $0x28, s11, s28, $0xb8;
	[tilespmem:$0xA000] =	vst v63  }
0x91: {  	_ =	swait.ge [sflag:s15], $0xA00  }
0x92: {  	[sflag:s15] =	ssyncset.done $0x0  }
0x93: {  	s22 =	simm.s32 $0xC80;
	[sflag:s15] =	ssyncadd.s32 $0xFFFFF600  }
0x94: {  	[spmem:s2] =	stream.indirect.scatter.add.f32 [tilespmem:s0], [sflag:$0x7], $0x28, s22, s28, $0xb8;
	[tilespmem:$0xA000] =	vst v63  }
0x95: {  	_ =	swait.ge [sflag:s10], $0xA00  }
0x96: {  	[sflag:s10] =	ssyncset.done $0x0  }
0x97: {  	s11 =	simm.s32 $0xCC0;
	[sflag:s10] =	ssyncadd.s32 $0xFFFFF600  }
0x98: {  	[spmem:s2] =	stream.indirect.scatter.add.f32 [tilespmem:s14], [sflag:$0x8], $0x28, s11, s28, $0xb8;
	[tilespmem:$0xA000] =	vst v63  }
0x99: {  	_ =	swait.ge [sflag:s12], $0xA00  }
0x9a: {  	[sflag:s12] =	ssyncset.done $0x0  }
0x9b: {  	s22 =	simm.s32 $0x300;
	[sflag:s12] =	ssyncadd.s32 $0xFFFFF600  }
0x9c: {  	[tilespmem:s29], [sflag:$0x1] =	stream.indirect.gather [hbm4b:s1+s28], $0x28, s22, s28, $0xb8;
	[tilespmem:$0xA000] =	vst v63  }
0x9d: {  	_ =	swait.ge [sflag:s16], $0xA00  }
0x9e: {  	[sflag:s16] =	ssyncset.done $0x0  }
0x9f: {  	s11 =	simm.s32 $0x340;
	[sflag:s16] =	ssyncadd.s32 $0xFFFFF600  }
0xa0: {  	[tilespmem:s30], [sflag:$0x2] =	stream.indirect.gather [hbm4b:s1+s28], $0x28, s11, s28, $0xb8;
	[tilespmem:$0xA000] =	vst v63  }
0xa1: {  	_ =	swait.ge [sflag:s9], $0xA00  }
0xa2: {  	[sflag:s9] =	ssyncset.done $0x0  }
0xa3: {  	s22 =	simm.s32 $0x380;
	[sflag:s9] =	ssyncadd.s32 $0xFFFFF600  }
0xa4: {  	[tilespmem:s0], [sflag:$0x3] =	stream.indirect.gather [hbm4b:s1+s28], $0x28, s22, s28, $0xb8;
	[tilespmem:$0xA000] =	vst v63  }
0xa5: {  	_ =	swait.ge [sflag:s31], $0xA00  }
0xa6: {  	[sflag:s31] =	ssyncset.done $0x0  }
0xa7: {  	s11 =	simm.s32 $0x3C0;
	[sflag:s31] =	ssyncadd.s32 $0xFFFFF600  }
0xa8: {  	[tilespmem:s14], [sflag:$0x4] =	stream.indirect.gather [hbm4b:s1+s28], $0x28, s11, s28, $0xb8;
	[tilespmem:$0xA000] =	vst v63  }
0xa9: {  	_ =	swait.ge [sflag:s6], $0xA00  }
0xaa: {  	[sflag:s6] =	ssyncset.done $0x0  }
0xab: {  	s22 =	simm.s32 $0xD00;
	[sflag:s6] =	ssyncadd.s32 $0xFFFFF600  }
0xac: {  	[spmem:s2] =	stream.indirect.scatter.add.f32 [tilespmem:s29], [sflag:$0x5], $0x28, s22, s28, $0xb8;
	[tilespmem:$0xA000] =	vst v63  }
0xad: {  	_ =	swait.ge [sflag:s25], $0xA00  }
0xae: {  	[sflag:s25] =	ssyncset.done $0x0  }
0xaf: {  	s11 =	simm.s32 $0xD40;
	[sflag:s25] =	ssyncadd.s32 $0xFFFFF600  }
0xb0: {  	[spmem:s2] =	stream.indirect.scatter.add.f32 [tilespmem:s30], [sflag:$0x6], $0x28, s11, s28, $0xb8;
	[tilespmem:$0xA000] =	vst v63  }
0xb1: {  	_ =	swait.ge [sflag:s15], $0xA00  }
0xb2: {  	[sflag:s15] =	ssyncset.done $0x0  }
0xb3: {  	s22 =	simm.s32 $0xD80;
	[sflag:s15] =	ssyncadd.s32 $0xFFFFF600  }
0xb4: {  	[spmem:s2] =	stream.indirect.scatter.add.f32 [tilespmem:s0], [sflag:$0x7], $0x28, s22, s28, $0xb8;
	[tilespmem:$0xA000] =	vst v63  }
0xb5: {  	_ =	swait.ge [sflag:s10], $0xA00  }
0xb6: {  	[sflag:s10] =	ssyncset.done $0x0  }
0xb7: {  	s11 =	simm.s32 $0xDC0;
	[sflag:s10] =	ssyncadd.s32 $0xFFFFF600  }
0xb8: {  	[spmem:s2] =	stream.indirect.scatter.add.f32 [tilespmem:s14], [sflag:$0x8], $0x28, s11, s28, $0xb8;
	[tilespmem:$0xA000] =	vst v63  }
0xb9: {  	_ =	swait.ge [sflag:s12], $0xA00  }
0xba: {  	[sflag:s12] =	ssyncset.done $0x0  }
0xbb: {  	s22 =	simm.s32 $0x400;
	[sflag:s12] =	ssyncadd.s32 $0xFFFFF600  }
0xbc: {  	[tilespmem:s29], [sflag:$0x1] =	stream.indirect.gather [hbm4b:s1+s28], $0x28, s22, s28, $0xb8;
	[tilespmem:$0xA000] =	vst v63  }
0xbd: {  	_ =	swait.ge [sflag:s16], $0xA00  }
0xbe: {  	[sflag:s16] =	ssyncset.done $0x0  }
0xbf: {  	s11 =	simm.s32 $0x440;
	[sflag:s16] =	ssyncadd.s32 $0xFFFFF600  }
0xc0: {  	[tilespmem:s30], [sflag:$0x2] =	stream.indirect.gather [hbm4b:s1+s28], $0x28, s11, s28, $0xb8;
	[tilespmem:$0xA000] =	vst v63  }
0xc1: {  	_ =	swait.ge [sflag:s9], $0xA00  }
0xc2: {  	[sflag:s9] =	ssyncset.done $0x0  }
0xc3: {  	s22 =	simm.s32 $0x480;
	[sflag:s9] =	ssyncadd.s32 $0xFFFFF600  }
0xc4: {  	[tilespmem:s0], [sflag:$0x3] =	stream.indirect.gather [hbm4b:s1+s28], $0x28, s22, s28, $0xb8;
	[tilespmem:$0xA000] =	vst v63  }
0xc5: {  	_ =	swait.ge [sflag:s31], $0xA00  }
0xc6: {  	[sflag:s31] =	ssyncset.done $0x0  }
0xc7: {  	s11 =	simm.s32 $0x4C0;
	[sflag:s31] =	ssyncadd.s32 $0xFFFFF600  }
0xc8: {  	[tilespmem:s14], [sflag:$0x4] =	stream.indirect.gather [hbm4b:s1+s28], $0x28, s11, s28, $0xb8;
	[tilespmem:$0xA000] =	vst v63  }
0xc9: {  	_ =	swait.ge [sflag:s6], $0xA00  }
0xca: {  	[sflag:s6] =	ssyncset.done $0x0  }
0xcb: {  	s22 =	simm.s32 $0xE00;
	[sflag:s6] =	ssyncadd.s32 $0xFFFFF600  }
0xcc: {  	[spmem:s2] =	stream.indirect.scatter.add.f32 [tilespmem:s29], [sflag:$0x5], $0x28, s22, s28, $0xb8;
	[tilespmem:$0xA000] =	vst v63  }
0xcd: {  	_ =	swait.ge [sflag:s25], $0xA00  }
0xce: {  	[sflag:s25] =	ssyncset.done $0x0  }
0xcf: {  	s11 =	simm.s32 $0xE40;
	[sflag:s25] =	ssyncadd.s32 $0xFFFFF600  }
0xd0: {  	[spmem:s2] =	stream.indirect.scatter.add.f32 [tilespmem:s30], [sflag:$0x6], $0x28, s11, s28, $0xb8;
	[tilespmem:$0xA000] =	vst v63  }
0xd1: {  	_ =	swait.ge [sflag:s15], $0xA00  }
0xd2: {  	[sflag:s15] =	ssyncset.done $0x0  }
0xd3: {  	s22 =	simm.s32 $0xE80;
	[sflag:s15] =	ssyncadd.s32 $0xFFFFF600  }
0xd4: {  	[spmem:s2] =	stream.indirect.scatter.add.f32 [tilespmem:s0], [sflag:$0x7], $0x28, s22, s28, $0xb8;
	[tilespmem:$0xA000] =	vst v63  }
0xd5: {  	_ =	swait.ge [sflag:s10], $0xA00  }
0xd6: {  	[sflag:s10] =	ssyncset.done $0x0  }
0xd7: {  	s11 =	simm.s32 $0xEC0;
	[sflag:s10] =	ssyncadd.s32 $0xFFFFF600  }
0xd8: {  	[spmem:s2] =	stream.indirect.scatter.add.f32 [tilespmem:s14], [sflag:$0x8], $0x28, s11, s28, $0xb8;
	[tilespmem:$0xA000] =	vst v63  }
0xd9: {  	_ =	swait.ge [sflag:s13], $0x500  }
0xda: {  	[sflag:s13] =	ssyncset.done $0x0  }
0xdb: {  	[sflag:s13] =	ssyncadd.s32 $0xFFFFFB00  }
0xdc: {  	_ =	swait.ge [sflag:s13], $0x500  }
0xdd: {  	[sflag:s13] =	ssyncset.done $0x0  }
0xde: {  	[sflag:s13] =	ssyncadd.s32 $0xFFFFFB00  }
0xdf: {  	_ =	swait.ge [sflag:s12], $0xA00  }
0xe0: {  	[sflag:s12] =	ssyncset.done $0x0  }
0xe1: {  	[sflag:s12] =	ssyncadd.s32 $0xFFFFF600  }
0xe2: {  	[tilespmem:s29], [sflag:$0x1] =	stream.indirect.gather [hbm4b:s1+s28], $0x28, s23, s28, $0xb8;
	[tilespmem:$0xA000] =	vst v63  }
0xe3: {  	_ =	swait.ge [sflag:s16], $0xA00  }
0xe4: {  	[sflag:s16] =	ssyncset.done $0x0  }
0xe5: {  	s22 =	simm.s32 $0x540;
	[sflag:s16] =	ssyncadd.s32 $0xFFFFF600  }
0xe6: {  	[tilespmem:s30], [sflag:$0x2] =	stream.indirect.gather [hbm4b:s1+s28], $0x28, s22, s28, $0xb8;
	[tilespmem:$0xA000] =	vst v63  }
0xe7: {  	_ =	swait.ge [sflag:s9], $0xA00  }
0xe8: {  	[sflag:s9] =	ssyncset.done $0x0  }
0xe9: {  	s11 =	simm.s32 $0x580;
	[sflag:s9] =	ssyncadd.s32 $0xFFFFF600  }
0xea: {  	[tilespmem:s0], [sflag:$0x3] =	stream.indirect.gather [hbm4b:s1+s28], $0x28, s11, s28, $0xb8;
	[tilespmem:$0xA000] =	vst v63  }
0xeb: {  	_ =	swait.ge [sflag:s31], $0xA00  }
0xec: {  	[sflag:s31] =	ssyncset.done $0x0  }
0xed: {  	p5 =	seq.s32 s7, $0x3C0;
	s22 =	simm.s32 $0x5C0;
	[sflag:s31] =	ssyncadd.s32 $0xFFFFF600  }
0xee: {  	[tilespmem:s14], [sflag:$0x4] =	stream.indirect.gather [hbm4b:s1+s28], $0x28, s22, s28, $0xb8;
	[tilespmem:$0xA000] =	vst v63  }
0xef: {  	s5 =	sadd.s32 @!p5 s7, s19;
	s22 =	simm.s32 @!p5 $0x0  }
0xf0: {  	[tilespmem:s22], [sflag:$0x9] =	stream.linear.gather @!p5 [hbm4b:s5+s22], $0x500, $0x38;
	[tilespmem:$0xA000] =	vst v63  }
0xf1: {  	s11 =	simm.s32 @!p5 $0xA00;
	s5 =	sadd.s32 @!p5 s7, s20  }
0xf2: {  	[tilespmem:s11], [sflag:$0x9] =	stream.linear.gather @!p5 [hbm4b:s5+s22], $0x500, $0x38;
	[tilespmem:$0xA000] =	vst v63  }
0xf3: {  	_ =	swait.ge [sflag:s6], $0xA00  }
0xf4: {  	[sflag:s6] =	ssyncset.done $0x0  }
0xf5: {  	[sflag:s6] =	ssyncadd.s32 $0xFFFFF600  }
0xf6: {  	[spmem:s2] =	stream.indirect.scatter.add.f32 [tilespmem:s29], [sflag:$0x5], $0x28, s24, s28, $0xb8;
	[tilespmem:$0xA000] =	vst v63  }
0xf7: {  	_ =	swait.ge [sflag:s25], $0xA00  }
0xf8: {  	[sflag:s25] =	ssyncset.done $0x0  }
0xf9: {  	s11 =	simm.s32 $0xF40;
	[sflag:s25] =	ssyncadd.s32 $0xFFFFF600  }
0xfa: {  	[spmem:s2] =	stream.indirect.scatter.add.f32 [tilespmem:s30], [sflag:$0x6], $0x28, s11, s28, $0xb8;
	[tilespmem:$0xA000] =	vst v63  }
0xfb: {  	_ =	swait.ge [sflag:s15], $0xA00  }
0xfc: {  	[sflag:s15] =	ssyncset.done $0x0  }
0xfd: {  	s22 =	simm.s32 $0xF80;
	[sflag:s15] =	ssyncadd.s32 $0xFFFFF600  }
0xfe: {  	[spmem:s2] =	stream.indirect.scatter.add.f32 [tilespmem:s0], [sflag:$0x7], $0x28, s22, s28, $0xb8;
	[tilespmem:$0xA000] =	vst v63  }
0xff: {  	_ =	swait.ge [sflag:s10], $0xA00  }
0x100: {  	[sflag:s10] =	ssyncset.done $0x0  }
0x101: {  	s11 =	simm.s32 $0xFC0;
	[sflag:s10] =	ssyncadd.s32 $0xFFFFF600  }
0x102: {  	[spmem:s2] =	stream.indirect.scatter.add.f32 [tilespmem:s14], [sflag:$0x8], $0x28, s11, s28, $0xb8;
	[tilespmem:$0xA000] =	vst v63  }
0x103: {  	_ =	swait.ge [sflag:s12], $0xA00  }
0x104: {  	[sflag:s12] =	ssyncset.done $0x0  }
0x105: {  	s22 =	simm.s32 $0x600;
	[sflag:s12] =	ssyncadd.s32 $0xFFFFF600  }
0x106: {  	[tilespmem:s29], [sflag:$0x1] =	stream.indirect.gather [hbm4b:s1+s28], $0x28, s22, s28, $0xb8;
	[tilespmem:$0xA000] =	vst v63  }
0x107: {  	_ =	swait.ge [sflag:s16], $0xA00  }
0x108: {  	[sflag:s16] =	ssyncset.done $0x0  }
0x109: {  	s11 =	simm.s32 $0x640;
	[sflag:s16] =	ssyncadd.s32 $0xFFFFF600  }
0x10a: {  	[tilespmem:s30], [sflag:$0x2] =	stream.indirect.gather [hbm4b:s1+s28], $0x28, s11, s28, $0xb8;
	[tilespmem:$0xA000] =	vst v63  }
0x10b: {  	_ =	swait.ge [sflag:s9], $0xA00  }
0x10c: {  	[sflag:s9] =	ssyncset.done $0x0  }
0x10d: {  	s22 =	simm.s32 $0x680;
	[sflag:s9] =	ssyncadd.s32 $0xFFFFF600  }
0x10e: {  	[tilespmem:s0], [sflag:$0x3] =	stream.indirect.gather [hbm4b:s1+s28], $0x28, s22, s28, $0xb8;
	[tilespmem:$0xA000] =	vst v63  }
0x10f: {  	_ =	swait.ge [sflag:s31], $0xA00  }
0x110: {  	[sflag:s31] =	ssyncset.done $0x0  }
0x111: {  	s11 =	simm.s32 $0x6C0;
	[sflag:s31] =	ssyncadd.s32 $0xFFFFF600  }
0x112: {  	[tilespmem:s14], [sflag:$0x4] =	stream.indirect.gather [hbm4b:s1+s28], $0x28, s11, s28, $0xb8;
	[tilespmem:$0xA000] =	vst v63  }
0x113: {  	_ =	swait.ge [sflag:s6], $0xA00  }
0x114: {  	[sflag:s6] =	ssyncset.done $0x0  }
0x115: {  	s22 =	simm.s32 $0x1000;
	[sflag:s6] =	ssyncadd.s32 $0xFFFFF600  }
0x116: {  	[spmem:s2] =	stream.indirect.scatter.add.f32 [tilespmem:s29], [sflag:$0x5], $0x28, s22, s28, $0xb8;
	[tilespmem:$0xA000] =	vst v63  }
0x117: {  	_ =	swait.ge [sflag:s25], $0xA00  }
0x118: {  	[sflag:s25] =	ssyncset.done $0x0  }
0x119: {  	s11 =	simm.s32 $0x1040;
	[sflag:s25] =	ssyncadd.s32 $0xFFFFF600  }
0x11a: {  	[spmem:s2] =	stream.indirect.scatter.add.f32 [tilespmem:s30], [sflag:$0x6], $0x28, s11, s28, $0xb8;
	[tilespmem:$0xA000] =	vst v63  }
0x11b: {  	_ =	swait.ge [sflag:s15], $0xA00  }
0x11c: {  	[sflag:s15] =	ssyncset.done $0x0  }
0x11d: {  	s22 =	simm.s32 $0x1080;
	[sflag:s15] =	ssyncadd.s32 $0xFFFFF600  }
0x11e: {  	[spmem:s2] =	stream.indirect.scatter.add.f32 [tilespmem:s0], [sflag:$0x7], $0x28, s22, s28, $0xb8;
	[tilespmem:$0xA000] =	vst v63  }
0x11f: {  	_ =	swait.ge [sflag:s10], $0xA00  }
0x120: {  	[sflag:s10] =	ssyncset.done $0x0  }
0x121: {  	s11 =	simm.s32 $0x10C0;
	[sflag:s10] =	ssyncadd.s32 $0xFFFFF600  }
0x122: {  	[spmem:s2] =	stream.indirect.scatter.add.f32 [tilespmem:s14], [sflag:$0x8], $0x28, s11, s28, $0xb8;
	[tilespmem:$0xA000] =	vst v63  }
0x123: {  	_ =	swait.ge [sflag:s12], $0xA00  }
0x124: {  	[sflag:s12] =	ssyncset.done $0x0  }
0x125: {  	s22 =	simm.s32 $0x700;
	[sflag:s12] =	ssyncadd.s32 $0xFFFFF600  }
0x126: {  	[tilespmem:s29], [sflag:$0x1] =	stream.indirect.gather [hbm4b:s1+s28], $0x28, s22, s28, $0xb8;
	[tilespmem:$0xA000] =	vst v63  }
0x127: {  	_ =	swait.ge [sflag:s16], $0xA00  }
0x128: {  	[sflag:s16] =	ssyncset.done $0x0  }
0x129: {  	s11 =	simm.s32 $0x740;
	[sflag:s16] =	ssyncadd.s32 $0xFFFFF600  }
0x12a: {  	[tilespmem:s30], [sflag:$0x2] =	stream.indirect.gather [hbm4b:s1+s28], $0x28, s11, s28, $0xb8;
	[tilespmem:$0xA000] =	vst v63  }
0x12b: {  	_ =	swait.ge [sflag:s9], $0xA00  }
0x12c: {  	[sflag:s9] =	ssyncset.done $0x0  }
0x12d: {  	s22 =	simm.s32 $0x780;
	[sflag:s9] =	ssyncadd.s32 $0xFFFFF600  }
0x12e: {  	[tilespmem:s0], [sflag:$0x3] =	stream.indirect.gather [hbm4b:s1+s28], $0x28, s22, s28, $0xb8;
	[tilespmem:$0xA000] =	vst v63  }
0x12f: {  	_ =	swait.ge [sflag:s31], $0xA00  }
0x130: {  	[sflag:s31] =	ssyncset.done $0x0  }
0x131: {  	s11 =	simm.s32 $0x7C0;
	[sflag:s31] =	ssyncadd.s32 $0xFFFFF600  }
0x132: {  	[tilespmem:s14], [sflag:$0x4] =	stream.indirect.gather [hbm4b:s1+s28], $0x28, s11, s28, $0xb8;
	[tilespmem:$0xA000] =	vst v63  }
0x133: {  	_ =	swait.ge [sflag:s6], $0xA00  }
0x134: {  	[sflag:s6] =	ssyncset.done $0x0  }
0x135: {  	s22 =	simm.s32 $0x1100;
	[sflag:s6] =	ssyncadd.s32 $0xFFFFF600  }
0x136: {  	[spmem:s2] =	stream.indirect.scatter.add.f32 [tilespmem:s29], [sflag:$0x5], $0x28, s22, s28, $0xb8;
	[tilespmem:$0xA000] =	vst v63  }
0x137: {  	_ =	swait.ge [sflag:s25], $0xA00  }
0x138: {  	[sflag:s25] =	ssyncset.done $0x0  }
0x139: {  	s11 =	simm.s32 $0x1140;
	[sflag:s25] =	ssyncadd.s32 $0xFFFFF600  }
0x13a: {  	[spmem:s2] =	stream.indirect.scatter.add.f32 [tilespmem:s30], [sflag:$0x6], $0x28, s11, s28, $0xb8;
	[tilespmem:$0xA000] =	vst v63  }
0x13b: {  	_ =	swait.ge [sflag:s15], $0xA00  }
0x13c: {  	[sflag:s15] =	ssyncset.done $0x0  }
0x13d: {  	s22 =	simm.s32 $0x1180;
	[sflag:s15] =	ssyncadd.s32 $0xFFFFF600  }
0x13e: {  	[spmem:s2] =	stream.indirect.scatter.add.f32 [tilespmem:s0], [sflag:$0x7], $0x28, s22, s28, $0xb8;
	[tilespmem:$0xA000] =	vst v63  }
0x13f: {  	_ =	swait.ge [sflag:s10], $0xA00  }
0x140: {  	[sflag:s10] =	ssyncset.done $0x0  }
0x141: {  	s11 =	simm.s32 $0x11C0;
	[sflag:s10] =	ssyncadd.s32 $0xFFFFF600  }
0x142: {  	[spmem:s2] =	stream.indirect.scatter.add.f32 [tilespmem:s14], [sflag:$0x8], $0x28, s11, s28, $0xb8;
	[tilespmem:$0xA000] =	vst v63  }
0x143: {  	_ =	swait.ge [sflag:s12], $0xA00  }
0x144: {  	[sflag:s12] =	ssyncset.done $0x0  }
0x145: {  	s22 =	simm.s32 $0x800;
	[sflag:s12] =	ssyncadd.s32 $0xFFFFF600  }
0x146: {  	[tilespmem:s29], [sflag:$0x1] =	stream.indirect.gather [hbm4b:s1+s28], $0x28, s22, s28, $0xb8;
	[tilespmem:$0xA000] =	vst v63  }
0x147: {  	_ =	swait.ge [sflag:s16], $0xA00  }
0x148: {  	[sflag:s16] =	ssyncset.done $0x0  }
0x149: {  	s11 =	simm.s32 $0x840;
	[sflag:s16] =	ssyncadd.s32 $0xFFFFF600  }
0x14a: {  	[tilespmem:s30], [sflag:$0x2] =	stream.indirect.gather [hbm4b:s1+s28], $0x28, s11, s28, $0xb8;
	[tilespmem:$0xA000] =	vst v63  }
0x14b: {  	_ =	swait.ge [sflag:s9], $0xA00  }
0x14c: {  	[sflag:s9] =	ssyncset.done $0x0  }
0x14d: {  	s22 =	simm.s32 $0x880;
	[sflag:s9] =	ssyncadd.s32 $0xFFFFF600  }
0x14e: {  	[tilespmem:s0], [sflag:$0x3] =	stream.indirect.gather [hbm4b:s1+s28], $0x28, s22, s28, $0xb8;
	[tilespmem:$0xA000] =	vst v63  }
0x14f: {  	_ =	swait.ge [sflag:s31], $0xA00  }
0x150: {  	[sflag:s31] =	ssyncset.done $0x0  }
0x151: {  	s11 =	simm.s32 $0x8C0;
	[sflag:s31] =	ssyncadd.s32 $0xFFFFF600  }
0x152: {  	[tilespmem:s14], [sflag:$0x4] =	stream.indirect.gather [hbm4b:s1+s28], $0x28, s11, s28, $0xb8;
	[tilespmem:$0xA000] =	vst v63  }
0x153: {  	_ =	swait.ge [sflag:s6], $0xA00  }
0x154: {  	[sflag:s6] =	ssyncset.done $0x0  }
0x155: {  	s22 =	simm.s32 $0x1200;
	[sflag:s6] =	ssyncadd.s32 $0xFFFFF600  }
0x156: {  	[spmem:s2] =	stream.indirect.scatter.add.f32 [tilespmem:s29], [sflag:$0x5], $0x28, s22, s28, $0xb8;
	[tilespmem:$0xA000] =	vst v63  }
0x157: {  	_ =	swait.ge [sflag:s25], $0xA00  }
0x158: {  	[sflag:s25] =	ssyncset.done $0x0  }
0x159: {  	s11 =	simm.s32 $0x1240;
	[sflag:s25] =	ssyncadd.s32 $0xFFFFF600  }
0x15a: {  	[spmem:s2] =	stream.indirect.scatter.add.f32 [tilespmem:s30], [sflag:$0x6], $0x28, s11, s28, $0xb8;
	[tilespmem:$0xA000] =	vst v63  }
0x15b: {  	_ =	swait.ge [sflag:s15], $0xA00  }
0x15c: {  	[sflag:s15] =	ssyncset.done $0x0  }
0x15d: {  	s22 =	simm.s32 $0x1280;
	[sflag:s15] =	ssyncadd.s32 $0xFFFFF600  }
0x15e: {  	[spmem:s2] =	stream.indirect.scatter.add.f32 [tilespmem:s0], [sflag:$0x7], $0x28, s22, s28, $0xb8;
	[tilespmem:$0xA000] =	vst v63  }
0x15f: {  	_ =	swait.ge [sflag:s10], $0xA00  }
0x160: {  	[sflag:s10] =	ssyncset.done $0x0  }
0x161: {  	s11 =	simm.s32 $0x12C0;
	[sflag:s10] =	ssyncadd.s32 $0xFFFFF600  }
0x162: {  	[spmem:s2] =	stream.indirect.scatter.add.f32 [tilespmem:s14], [sflag:$0x8], $0x28, s11, s28, $0xb8;
	[tilespmem:$0xA000] =	vst v63  }
0x163: {  	_ =	swait.ge [sflag:s12], $0xA00  }
0x164: {  	[sflag:s12] =	ssyncset.done $0x0  }
0x165: {  	s22 =	simm.s32 $0x900;
	[sflag:s12] =	ssyncadd.s32 $0xFFFFF600  }
0x166: {  	[tilespmem:s29], [sflag:$0x1] =	stream.indirect.gather [hbm4b:s1+s28], $0x28, s22, s28, $0xb8;
	[tilespmem:$0xA000] =	vst v63  }
0x167: {  	_ =	swait.ge [sflag:s16], $0xA00  }
0x168: {  	[sflag:s16] =	ssyncset.done $0x0  }
0x169: {  	s11 =	simm.s32 $0x940;
	[sflag:s16] =	ssyncadd.s32 $0xFFFFF600  }
0x16a: {  	[tilespmem:s30], [sflag:$0x2] =	stream.indirect.gather [hbm4b:s1+s28], $0x28, s11, s28, $0xb8;
	[tilespmem:$0xA000] =	vst v63  }
0x16b: {  	_ =	swait.ge [sflag:s9], $0xA00  }
0x16c: {  	[sflag:s9] =	ssyncset.done $0x0  }
0x16d: {  	s22 =	simm.s32 $0x980;
	[sflag:s9] =	ssyncadd.s32 $0xFFFFF600  }
0x16e: {  	[tilespmem:s0], [sflag:$0x3] =	stream.indirect.gather [hbm4b:s1+s28], $0x28, s22, s28, $0xb8;
	[tilespmem:$0xA000] =	vst v63  }
0x16f: {  	_ =	swait.ge [sflag:s31], $0xA00  }
0x170: {  	[sflag:s31] =	ssyncset.done $0x0  }
0x171: {  	s11 =	simm.s32 $0x9C0;
	[sflag:s31] =	ssyncadd.s32 $0xFFFFF600  }
0x172: {  	[tilespmem:s14], [sflag:$0x4] =	stream.indirect.gather [hbm4b:s1+s28], $0x28, s11, s28, $0xb8;
	[tilespmem:$0xA000] =	vst v63  }
0x173: {  	_ =	swait.ge [sflag:s6], $0xA00  }
0x174: {  	[sflag:s6] =	ssyncset.done $0x0  }
0x175: {  	s22 =	simm.s32 $0x1300;
	[sflag:s6] =	ssyncadd.s32 $0xFFFFF600  }
0x176: {  	[spmem:s2] =	stream.indirect.scatter.add.f32 [tilespmem:s29], [sflag:$0x5], $0x28, s22, s28, $0xb8;
	[tilespmem:$0xA000] =	vst v63  }
0x177: {  	_ =	swait.ge [sflag:s25], $0xA00  }
0x178: {  	[sflag:s25] =	ssyncset.done $0x0  }
0x179: {  	[sflag:s25] =	ssyncadd.s32 $0xFFFFF600  }
0x17a: {  	[spmem:s2] =	stream.indirect.scatter.add.f32 [tilespmem:s30], [sflag:$0x6], $0x28, s8, s28, $0xb8;
	[tilespmem:$0xA000] =	vst v63  }
0x17b: {  	_ =	swait.ge [sflag:s15], $0xA00  }
0x17c: {  	[sflag:s15] =	ssyncset.done $0x0  }
0x17d: {  	[sflag:s15] =	ssyncadd.s32 $0xFFFFF600  }
0x17e: {  	[spmem:s2] =	stream.indirect.scatter.add.f32 [tilespmem:s0], [sflag:$0x7], $0x28, s21, s28, $0xb8;
	[tilespmem:$0xA000] =	vst v63  }
.Ltmp2:
0x17f: {  	_ = 	snop;
	(pc) =	sbr.rel @p5 .LBB2_4-.Ltmp2, $4  }
0x180: {  	_ =	swait.ge [sflag:s10], $0xA00  }
0x181: {  	[sflag:s10] =	ssyncset.done $0x0  }
0x182: {  	[sflag:s10] =	ssyncadd.s32 $0xFFFFF600  }
0x183: {  	[spmem:s2] =	stream.indirect.scatter.add.f32 [tilespmem:s14], [sflag:$0x8], $0x28, s4, s28, $0xb8;
	[tilespmem:$0xA000] =	vst v63  }
0x184: {  	_ =	swait.ge [sflag:s26], $0x500  }
0x185: {  	[sflag:s26] =	ssyncset.done $0x0  }
0x186: {  	[sflag:s26] =	ssyncadd.s32 $0xFFFFFB00  }
0x187: {  	_ =	swait.ge [sflag:s26], $0x500  }
0x188: {  	[sflag:s26] =	ssyncset.done $0x0  }
0x189: {  	[sflag:s26] =	ssyncadd.s32 $0xFFFFFB00  }
0x18a: {  	_ =	swait.ge [sflag:s12], $0xA00  }
0x18b: {  	[sflag:s12] =	ssyncset.done $0x0  }
0x18c: {  	[sflag:s12] =	ssyncadd.s32 $0xFFFFF600  }
0x18d: {  	[tilespmem:s29], [sflag:$0x1] =	stream.indirect.gather [hbm4b:s1+s28], $0x28, s3, s28, $0xb8;
	[tilespmem:$0xA000] =	vst v63  }
0x18e: {  	_ =	swait.ge [sflag:s16], $0xA00  }
0x18f: {  	[sflag:s16] =	ssyncset.done $0x0  }
0x190: {  	[sflag:s16] =	ssyncadd.s32 $0xFFFFF600  }
0x191: {  	[tilespmem:s30], [sflag:$0x2] =	stream.indirect.gather [hbm4b:s1+s28], $0x28, s28, s28, $0xb8;
	[tilespmem:$0xA000] =	vst v63  }
0x192: {  	_ =	swait.ge [sflag:s9], $0xA00  }
0x193: {  	[sflag:s9] =	ssyncset.done $0x0  }
0x194: {  	s5 =	simm.s32 $0x80;
	[sflag:s9] =	ssyncadd.s32 $0xFFFFF600  }
0x195: {  	[tilespmem:s0], [sflag:$0x3] =	stream.indirect.gather [hbm4b:s1+s28], $0x28, s5, s28, $0xb8;
	[tilespmem:$0xA000] =	vst v63  }
0x196: {  	_ =	swait.ge [sflag:s31], $0xA00  }
0x197: {  	[sflag:s31] =	ssyncset.done $0x0  }
0x198: {  	s22 =	simm.s32 $0xC0;
	[sflag:s31] =	ssyncadd.s32 $0xFFFFF600  }
0x199: {  	[tilespmem:s14], [sflag:$0x4] =	stream.indirect.gather [hbm4b:s1+s28], $0x28, s22, s28, $0xb8;
	[tilespmem:$0xA000] =	vst v63  }
.Ltmp3:
0x19a: {  	_ = 	snop;
	(pc) =	sbr.rel .LBB2_2-.Ltmp3, $4  }
0x19b: {  	s11 =	sadd.s32 s7, s17  }
0x19c: {  	[tilespmem:s23], [sflag:$0xA] =	stream.linear.gather [hbm4b:s11+s3], $0x500, $0x38;
	[tilespmem:$0xA000] =	vst v63  }
0x19d: {  	s22 =	sadd.s32 s7, s18;
	s7 =	sadd.s32 $0x140, s7  }
0x19e: {  	[tilespmem:s24], [sflag:$0xA] =	stream.linear.gather [hbm4b:s22+s3], $0x500, $0x38;
	[tilespmem:$0xA000] =	vst v63  }
.LBB2_4:
0x19f: {  	_ =	swait.ge [sflag:s12], $0xA00  }
0x1a0: {  	[sflag:s12] =	ssyncset.done $0x0  }
0x1a1: {  	[sflag:s12] =	ssyncadd.s32 $0xFFFFF600  }
0x1a2: {  	_ =	swait.ge [sflag:s16], $0xA00  }
0x1a3: {  	[sflag:s16] =	ssyncset.done $0x0  }
0x1a4: {  	[sflag:s16] =	ssyncadd.s32 $0xFFFFF600  }
0x1a5: {  	_ =	swait.ge [sflag:s9], $0xA00  }
0x1a6: {  	[sflag:s9] =	ssyncset.done $0x0  }
0x1a7: {  	[sflag:s9] =	ssyncadd.s32 $0xFFFFF600  }
.Ltmp4:
0x1a8: {  	_ =	swait.ge [sflag:s31], $0xA00;
	(pc) =	sbr.rel @!p1 .LBB2_6-.Ltmp4, $4  }
0x1a9: {  	[sflag:s31] =	ssyncset.done $0x0  }
0x1aa: {  	[sflag:s31] =	ssyncadd.s32 $0xFFFFF600  }
0x1ab: {  	[bflag:$0x0] =	sbarrier.arrive $0xFFFF  }
0x1ac: {  	s11 =	simm.s32 $0xB;
	s8 =	rddreg [dreg:$0x8]  }
0x1ad: {  	s5 =	rddreg [dreg:$0xd]  }
.Ltmp5:
0x1ae: {  	s7 =	rddreg [dreg:$0x12];
	(pc) =	sbr.rel .LBB2_7-.Ltmp5, $4  }
0x1af: {  	[hbm:s5], [sflag:s8] =	dma.local [spmem:s7], $0xC80  }
0x1b0: {  	_ =	swait.ge [sflag:s11], $0xC80  }
0x1b1: {  	[sflag:s11] =	ssyncset.done $0x0  }
0x1b2: {  	p5 =	por $0x0, $0x0;
	s22 =	rddreg [dreg:$0x11];
	[sflag:s11] =	ssyncadd.s32 $0xFFFFF380  }
.LBB2_6:
.Ltmp6:
0x1b3: {  	(pc) =	sbr.rel @p2 .LBB2_8-.Ltmp6, $3  }
0x1b4: {  	_ =	sdelay $0x1  }
0x1b5: {  	s7 =	rddreg [dreg:$0x5]  }
0x1b6: {  	p5 =	por p0, p0;
	s22 =	rddreg [dreg:$0x11]  }
.LBB2_7:
0x1b7: {  	s5 =	rddreg [dreg:$0x7];
	p6 =	por @p4 $0x1, $0x1  }
0x1b8: {  	s7 =	rddreg [dreg:$0xe];
	s5 =	sshrl.u32 @p4 s5, $0x3;
	p6 =	por @!p4 p3, p3  }
0x1b9: {  	[hbm:s7], [sflag:s8] =	dma.local @p4 [spmem:s5], $0xC80  }
0x1ba: {  	p5 =	por !p6, !p5  }
0x1bb: {  	p5 =	por !p5, !p5  }
.Ltmp7:
0x1bc: {  	_ = 	snop;
	(pc) =	sbr.rel @!p5 .LBB2_9-.Ltmp7, $4  }
.Ltmp8:
0x1bd: {  	s5 =	simm.s32 @p4 $0xB;
	(pc) =	sbr.rel @p5 .LBB2_8-.Ltmp8, $4  }
0x1be: {  	_ =	swait.ge @p4 [sflag:s5], $0xC80  }
0x1bf: {  	[sflag:s5] =	ssyncset.done @p4 $0x0  }
0x1c0: {  	s7 =	rddreg [dreg:$0x6];
	[sflag:s5] =	ssyncadd.s32 @p4 $0xFFFFF380  }
0x1c1: {  	_ = 	snop  }
.LBB2_10:
0x1c2: {  	_ =	sfence.sel $0x180000  }
0x1c3: {  	[bflag:$0x0] =	sbarrier.arrive $0xFFFF  }
0x1c4: {  	_ =	strace $0x9000004D  }
0x1c5: {  	s0 =	stileid.u32;
	[bflag:$0x2] =	sbarrier.arrive $0xFFFF  }
0x1c6: {  	p0 =	sne.s32 s0, $0x0;
	s0 =	rddreg [dreg:$0x3]  }
0x1c7: {  	s0 =	sadd.s32 @!p0 $0x100000, s0  }
0x1c8: {  	[sflag:s0] =	ssyncadd.tile.s32 @!p0 $0x1;
	_ =	shalt  }
.Lfunc_end2:
_tile_overlayer_lowered:
.L_overlay_start_2:
0x1c9: {  	(tag) =	ssettag $0x2  }
0x1ca: {  	s0 =	rddreg [dreg:$0x0];
	s2 =	stileid.u32  }
0x1cb: {  	s1 =	rddreg [dreg:$0x1];
	p0 =	sne.s32 s2, $0x0  }
0x1cc: {  	s3 =	rddreg [dreg:$0x2];
	[bflag:$0x3] =	sbarrier.arrive $0xFFFF;
	s2 =	simm.s32 @!p0 $0x1C0B  }
0x1cd: {  	[timem:s3], [sflag:s2] =	dma.local @!p0 [hbm:s0], s1  }
0x1ce: {  	s0 =	simm.s32 @!p0 $0xB  }
0x1cf: {  	_ =	swait.ge @!p0 [sflag:s0], s1  }
0x1d0: {  	s1 =	ssub.s32 @!p0 $0x0, s1;
	[sflag:s0] =	ssyncset.done @!p0 $0x0  }
0x1d1: {  	[sflag:s0] =	ssyncadd.s32 @!p0 s1  }
0x1d2: {  	[bflag:$0x3] =	sbarrier.arrive $0xFFFF  }
0x1d3: {  	_ =	shalt  }

// kernel: kernel.9.cloned.1.call-start
scs
__scs_entry_jumppad:
0x0: {  	(pc) =	sbr.rel $0x88, $3  }
0x1: {  	(tag) =	ssettag $0x0;
	lr =	simm.s32 $0x1  }
0x2: {  	[smem:$0x3F99] =	sst lr;
	_ =	strace $0xD0000000  }
0x3: {  	_ = 	snop  }
0x4: {  	_ = 	snop  }
0x5: {  	_ = 	snop  }
0x6: {  	_ = 	snop  }
0x7: {  	_ = 	snop  }
__scs_overlays_trampoline_lowered:
0x8: {  	[smem:$0x3FA8] =	sst s0  }
0x9: {  	[smem:$0x3FA9] =	sst s1  }
0xa: {  	[smem:$0x3FAA] =	sst s2  }
0xb: {  	[smem:$0x3FAB] =	sst s3  }
0xc: {  	[smem:$0x3FAC] =	sst s4  }
0xd: {  	[smem:$0x3FAD] =	sst s5  }
0xe: {  	[smem:$0x3FAE] =	sst s6  }
0xf: {  	[smem:$0x3FAF] =	sst s7  }
0x10: {  	[smem:$0x3FB0] =	sst s8  }
0x11: {  	[smem:$0x3FB1] =	sst s9;
	s0 =	simm.s32 @!p0 $0x0  }
0x12: {  	s1 =	sld [smem:$0x3F97];
	s0 =	simm.s32 @p0 $0x1  }
0x13: {  	[smem:$0x3FB2] =	sst s0;
	s0 =	simm.s32 @!p1 $0x0  }
0x14: {  	s2 =	sld [smem:$0x3F96];
	s0 =	simm.s32 @p1 $0x1  }
0x15: {  	[smem:$0x3FB3] =	sst s0;
	s0 =	simm.s32 @!p2 $0x0  }
0x16: {  	s3 =	sld [smem:$0x3FDB];
	s0 =	simm.s32 @p2 $0x1  }
0x17: {  	s4 =	simm.s32 $0x1BF5;
	[smem:$0x3FB5] =	sst s0  }
0x18: {  	s0 =	sld [smem:$0x3F98];
	_ =	swait.ge [sflag:s4], $0x0  }
0x19: {  	s7 =	sld [smem:$0x3F99]  }
0x1a: {  	s8 =	sadd.s32 $0xFFFFE003, lr  }
0x1b: {  	s9 =	sadd.s32 $0xFFFFFEF7, lr;
	s5 =	simm.s32 $0xFFFFFFFF;
	p2 =	slt.u32 s8, $0xFFFFF086  }
0x1c: {  	p1 =	slt.u32 s9, $0xF7A;
	s5 =	simm.s32 @!p2 $0x0  }
0x1d: {  	s5 =	simm.s32 @p1 $0x1;
	p0 =	seq.s32 s7, s2  }
0x1e: {  	s7 =	smul.u32 @!p0 $0xF7A, s2;
	p2 =	seq.s32 @!p0 s5, $0x0  }
0x1f: {  	s9 =	smul.u32 $0xF7A, s1;
	s8 =	simm.s32 @!p0 $0x1BF5;
	p2 =	por !p2, p0  }
0x20: {  	[sflag:s8] =	ssyncset.s32 @!p0 $0xFFFFF086;
	s6 =	sadd.s32 @!p0 s3, s7;
	s7 =	simm.s32 @!p0 $0x108  }
0x21: {  	s3 =	sadd.s32 s3, s9;
	s6 =	sadd.s32 @!p0 $0x88, s6;
	s7 =	simm.s32 @p2 $0x1082  }
0x22: {  	[simem:s7], [sflag:s8] =	dma.local @!p0 [hbm:s6], $0xF7A  }
0x23: {  	s9 =	sor.u32 $0xD0000000, s2;
	s6 =	simm.s32 $0x108;
	_ =	swait.ge @!p0 [sflag:s8], $0x0  }
0x24: {  	s3 =	sadd.s32 $0x88, s3;
	s6 =	simm.s32 @!p1 $0x1082;
	[sflag:s4] =	ssyncset.s32 $0xFFFFF086  }
0x25: {  	[simem:s6], [sflag:s4] =	dma.local [hbm:s3], $0xF7A  }
0x26: {  	[smem:$0x3F99] =	sst s1;
	(tag) =	ssettag s2;
	_ =	strace s9  }
0x27: {  	s1 =	sld [smem:$0x3FA9]  }
0x28: {  	s2 =	sld [smem:$0x3FAA]  }
0x29: {  	s4 =	sld [smem:$0x3FAC]  }
0x2a: {  	p0 =	seq.s32 s5, $0x0;
	s5 =	sld [smem:$0x3FAD]  }
0x2b: {  	s6 =	sld [smem:$0x3FAE]  }
0x2c: {  	s7 =	sld [smem:$0x3FAF]  }
0x2d: {  	s3 =	simm.s32 $0x108;
	s8 =	sld [smem:$0x3FB0]  }
0x2e: {  	s3 =	simm.s32 @!p0 $0x1082;
	s9 =	sld [smem:$0x3FB1]  }
0x2f: {  	lr =	sadd.s32 s0, s3;
	s0 =	sld [smem:$0x3FA8]  }
0x30: {  	s3 =	sld [smem:$0x3FAB]  }
0x31: {  	[smem:$0x3FB4] =	sst s10  }
0x32: {  	s10 =	sld [smem:$0x3FB2];
	_ =	sdelay $0x3  }
0x33: {  	p0 =	seq.s32 s10, $0x1;
	s10 =	sld [smem:$0x3FB4];
	_ =	sdelay $0x3  }
0x34: {  	[smem:$0x3FB4] =	sst s10  }
0x35: {  	s10 =	sld [smem:$0x3FB3];
	_ =	sdelay $0x3  }
0x36: {  	p1 =	seq.s32 s10, $0x1;
	s10 =	sld [smem:$0x3FB4];
	_ =	sdelay $0x3  }
0x37: {  	[smem:$0x3FB4] =	sst s10  }
0x38: {  	s10 =	sld [smem:$0x3FB5]  }
0x39: {  	_ = 	snop;
	(pc) =	sbr.ind lr, $3  }
0x3a: {  	_ = 	snop  }
0x3b: {  	_ = 	snop  }
0x3c: {  	p2 =	seq.s32 s10, $0x1;
	s10 =	sld [smem:$0x3FB4]  }
0x3d: {  	_ =	shalt  }
0x3e: {  	_ =	shalt  }
0x3f: {  	_ =	shalt  }
0x40: {  	_ =	shalt  }
0x41: {  	_ =	shalt  }
0x42: {  	_ =	shalt  }
0x43: {  	_ =	shalt  }
0x44: {  	_ =	shalt  }
0x45: {  	_ =	shalt  }
0x46: {  	_ =	shalt  }
0x47: {  	_ =	shalt  }
0x48: {  	_ =	shalt  }
0x49: {  	_ =	shalt  }
0x4a: {  	_ =	shalt  }
0x4b: {  	_ =	shalt  }
0x4c: {  	_ =	shalt  }
0x4d: {  	_ =	shalt  }
0x4e: {  	_ =	shalt  }
0x4f: {  	_ =	shalt  }
0x50: {  	_ =	shalt  }
0x51: {  	_ =	shalt  }
0x52: {  	_ =	shalt  }
0x53: {  	_ =	shalt  }
0x54: {  	_ =	shalt  }
0x55: {  	_ =	shalt  }
0x56: {  	_ =	shalt  }
0x57: {  	_ =	shalt  }
0x58: {  	_ =	shalt  }
0x59: {  	_ =	shalt  }
0x5a: {  	_ =	shalt  }
0x5b: {  	_ =	shalt  }
0x5c: {  	_ =	shalt  }
0x5d: {  	_ =	shalt  }
0x5e: {  	_ =	shalt  }
0x5f: {  	_ =	shalt  }
0x60: {  	_ =	shalt  }
0x61: {  	_ =	shalt  }
0x62: {  	_ =	shalt  }
0x63: {  	_ =	shalt  }
0x64: {  	_ =	shalt  }
0x65: {  	_ =	shalt  }
0x66: {  	_ =	shalt  }
0x67: {  	_ =	shalt  }
0x68: {  	_ =	shalt  }
0x69: {  	_ =	shalt  }
0x6a: {  	_ =	shalt  }
0x6b: {  	_ =	shalt  }
0x6c: {  	_ =	shalt  }
0x6d: {  	_ =	shalt  }
0x6e: {  	_ =	shalt  }
0x6f: {  	_ =	shalt  }
0x70: {  	_ =	shalt  }
0x71: {  	_ =	shalt  }
0x72: {  	_ =	shalt  }
0x73: {  	_ =	shalt  }
0x74: {  	_ =	shalt  }
0x75: {  	_ =	shalt  }
0x76: {  	_ =	shalt  }
0x77: {  	_ =	shalt  }
0x78: {  	_ =	shalt  }
0x79: {  	_ =	shalt  }
0x7a: {  	_ =	shalt  }
0x7b: {  	_ =	shalt  }
0x7c: {  	_ =	shalt  }
0x7d: {  	_ =	shalt  }
0x7e: {  	_ =	shalt  }
0x7f: {  	_ =	shalt  }
0x80: {  	_ =	shalt  }
0x81: {  	_ =	shalt  }
0x82: {  	_ =	shalt  }
0x83: {  	_ =	shalt  }
0x84: {  	_ =	shalt  }
0x85: {  	_ =	shalt  }
0x86: {  	_ =	shalt  }
0x87: {  	_ =	shalt  }
.Lfunc_end0:
.L_simem_size_0:
called_computation_lowered:
.L_overlay_start_0:
0x88: {  	s2 =	sld [smem:$0x3FD9]  }
0x89: {  	s3 =	sld [smem:$0x3FFE];
	_ =	sdelay $0x1  }
0x8a: {  	s1 =	srdreg.scid  }
0x8b: {  	s0 =	sand.u32 $0x1, s1  }
0x8c: {  	s17 =	sshll.u32 s0, $0xA;
	s2 =	sadd.s32 s3, s2  }
0x8d: {  	s2 =	sadd.s32 s2, s17  }
0x8e: {  	[smem:$0x3FC0] =	sst s2  }
0x8f: {  	_ = 	snop  }
0x90: {  	s2 =	sld [smem:$0x3FD0];
	(tm) =	ssettm $0x1  }
0x91: {  	s18 =	sld [smem:$0x3FFB];
	_ =	sdelay $0x3  }
0x92: {  	_ =	strace s18  }
0x93: {  	s3 =	sld [smem:$0x3FFC];
	_ =	sdelay $0x3  }
0x94: {  	_ =	strace s3  }
0x95: {  	s3 =	sld [smem:$0x3FFD];
	_ =	sdelay $0x3  }
0x96: {  	_ =	strace s3  }
0x97: {  	_ =	strace $0x8FFFFFFF  }
0x98: {  	s19 =	sld [smem:$0x3FDB];
	_ =	sdelay $0x1  }
0x99: {  	s4 =	simm.s32 $_scs_section_size  }
0x9a: {  	s5 =	simm.s32 $_size__tile_overlayer_lowered;
	s6 =	simm.s32 $_tile_overlayer_lowered  }
0x9b: {  	s22 =	simm.s32 $0x1BFF;
	s21 =	sshll.u32 s6, $0x1;
	s3 =	sadd.s32 s4, s19  }
0x9c: {  	s7 =	simm.s32 $0x0;
	s20 =	sshll.u32 s5, $0x1;
	s5 =	sadd.s32 s21, s3  }
0x9d: {  	[timem:s7], [sflag:s22] =	dma.local [hbm:s5], s20  }
0x9e: {  	_ =	swait.ge [sflag:s22], s20  }
0x9f: {  	s4 =	ssub.s32 $0x0, s20;
	[sflag:s22] =	ssyncset.done $0x0  }
0xa0: {  	[sflag:s22] =	ssyncadd.s32 s4;
	_ =	sdelay $0x1  }
0xa1: {  	s23 =	simm.s32 $0x1B8B  }
0xa2: {  	_ =	swait.ge [sflag:s23], $0x1  }
0xa3: {  	[sflag:s23] =	ssyncset.done $0x0  }
0xa4: {  	s25 =	simm.s32 $0x1B8E;
	s24 =	sld [smem:$0x3FFE];
	[sflag:s23] =	ssyncadd.s32 $0xFFFFFFFF  }
0xa5: {  	s26 =	simm.s32 $execute0_lowered;
	[smem:$0x3FD2] =	sst s25  }
0xa6: {  	s5 =	sshll.u32 s26, $0x1;
	_ =	strace $0x80000046;
	[dreg:$0x1] =	wrdreg $0xFFFFFFFF  }
0xa7: {  	s28 =	simm.s32 $_size_execute0_lowered;
	s3 =	sadd.s32 s3, s5;
	[dreg:$0x0] =	wrdreg $0x0  }
0xa8: {  	s5 =	sshll.u32 s28, $0x1;
	[dreg:$0x2] =	wrdreg s3  }
0xa9: {  	[dreg:$0x3] =	wrdreg s5  }
0xaa: {  	[dreg:$0x4] =	wrdreg $0xC0  }
0xab: {  	_ =	task [dreg:s7], $0x5FFFF  }
0xac: {  	[dreg:$0x1] =	wrdreg $0xFFFFFFFF  }
0xad: {  	[dreg:$0x0] =	wrdreg $0x60  }
0xae: {  	[dreg:$0x2] =	wrdreg s24  }
0xaf: {  	[dreg:$0x3] =	wrdreg s2  }
0xb0: {  	[dreg:$0x4] =	wrdreg $0x30000  }
0xb1: {  	[dreg:$0x5] =	wrdreg $0x9  }
0xb2: {  	_ =	task.clear_ibuf [dreg:s7], $0x6FFFF;
	_ =	strace $0x90000046  }
0xb3: {  	s29 =	simm.s32 $0x9;
	_ =	strace $0x80000048  }
0xb4: {  	_ =	swait.ge [sflag:s29], $0x1  }
0xb5: {  	[sflag:s29] =	ssyncadd.s32 $0xFFFFFFFF  }
0xb6: {  	_ =	strace $0x90000048  }
0xb7: {  	_ =	sfence  }
0xb8: {  	s30 =	sld [smem:$0x0];
	_ =	sdelay $0x2  }
0xb9: {  	s31 =	sshll.u32 s1, $0xD;
	s1 =	sshrl.u32 s1, $0x2  }
0xba: {  	s3 =	sand.u32 $0x4000, s31;
	s1 =	sadd.s32 s1, s30  }
0xbb: {  	s0 =	sor.u32 s3, s0;
	s1 =	sshll.u32 s1, $0x11  }
0xbc: {  	s0 =	sor.u32 s1, s0  }
0xbd: {  	s0 =	sadd.s32 $0x8F2B, s0  }
0xbe: {  	[sflag:s0] =	ssyncadd.remote.s32 $0x1  }
0xbf: {  	_ =	sfence.sel $0xFFFF  }
0xc0: {  	[dreg:$0x0] =	wrdreg $0xFFFFFFFF;
	(pc) =	sbr.abs _section_cstart, $3  }
0xc1: {  	[dreg:$0x1] =	wrdreg $0xFFFFFFFF  }
0xc2: {  	_ =	task.clear_ibuf [dreg:s7], $0x2FFFF;
	_ =	strace $0x9FFFFFFF  }
0xc3: {  	(tm) =	ssettm $0x7FFFFFFF  }
tec
execute0_lowered:
.L_overlay_start_1:
0x0: {  	(tag) =	ssettag $0x1  }
0x1: {  	s0 =	rddreg [dreg:$0x0]  }
0x2: {  	s12 =	rddreg [dreg:$0x1]  }
0x3: {  	s1 =	srdreg.scid;
	s3 =	rddreg [dreg:$0x2]  }
0x4: {  	s10 =	stileid.u32;
	s4 =	simm.s32 $0x0;
	s15 =	simm.s32 $0x2  }
0x5: {  	s16 =	simm.s32 $0x2800;
	s17 =	simm.s32 $0x80;
	s28 =	simm.s32 $0x500  }
0x6: {  	s29 =	simm.s32 $0x580;
	s30 =	simm.s32 $0x600;
	s31 =	simm.s32 $0x680  }
0x7: {  	s18 =	simm.s32 $0x0;
	s1 =	sand.u32 $0x1, s1;
	[smem:$0x7FF] =	sst s4  }
0x8: {  	s11 =	smul.u32 $0x2800, s10;
	s5 =	sadd.s32 $0x18600, s0;
	s6 =	sadd.s32 $0x18000, s0  }
0x9: {  	s7 =	sadd.s32 $0x18800, s0;
	s24 =	sshll.u32 s10, $0x6;
	p4 =	sne.s32 s10, $0xF  }
0xa: {  	p0 =	seq.s32 s10, $0xF;
	s26 =	sadd.s32 $0x25800, s3;
	s2 =	sshll.u32 s1, $0x4  }
0xb: {  	_ =	strace $0x80000047;
	s8 =	ssub.s32 $0x2, s1;
	p2 =	seq.s32 s1, $0x0  }
0xc: {  	p3 =	seq.s32 s1, $0x1;
	s1 =	simm.s32 $0x780;
	s2 =	sor.u32 s10, s2  }
0xd: {  	s9 =	sshrl.u32 s8, $0x1;
	p1 =	por !p2, !p4;
	p2 =	por !p2, !p0  }
0xe: {  	s25 =	sshrl.u32 s11, $0x3;
	p4 =	por !p4, !p3;
	s2 =	smul.u32 $0x500, s2  }
0xf: {  	s23 =	ssub.s32 s8, s9;
	s8 =	sadd.s32 s11, s3;
	s9 =	sor.u32 $0x1C02, s24  }
.Ltmp0:
0x10: {  	p1 =	por !p1, !p1;
	p2 =	por !p2, !p2;
	(pc) =	sbr.rel .LBB2_1-.Ltmp0, $4  }
0x11: {  	s11 =	sadd.s32 s12, s25;
	p4 =	por !p4, !p4;
	s12 =	sadd.s32 s7, s25  }
0x12: {  	s24 =	simm.s32 $0x400;
	s25 =	sshrl.u32 s26, $0x3;
	s26 =	simm.s32 $0x480  }
0x13: {  	s13 =	smax.u32 s23, $0x1;
	s14 =	sshrl.u32 s8, $0x3;
	s2 =	sadd.s32 s2, s0  }
0x14: {  	s0 =	simm.s32 $0x700;
	s10 =	sadd.s32 $0xE000, s2;
	s2 =	simm.s32 $0x1  }
.LBB2_7:
0x15: {  	s19 =	sadd.s32 $0x4B00, s19  }
0x16: {  	[hbm:s19], [sflag:s9] =	dma.local [spmem:s25], $0x320  }
0x17: {  	_ =	swait.ge [sflag:s15], $0x320  }
0x18: {  	[sflag:s15] =	ssyncset.done $0x0  }
0x19: {  	[sflag:s15] =	ssyncadd.s32 $0xFFFFFCE0  }
.LBB2_8:
0x1a: {  	s18 =	sadd.s32 $0x1, s18  }
0x1b: {  	p5 =	sne.s32 s18, s13  }
.Ltmp1:
0x1c: {  	_ = 	snop;
	(pc) =	sbr.rel @!p5 .LBB2_9-.Ltmp1, $1  }
0x1d: {  	_ =	sdelay $0x3  }
.LBB2_1:
0x1e: {  	[spmem:s14], [sflag:s9] =	dma.local [hbm:s6], $0x500  }
0x1f: {  	_ =	swait.ge [sflag:s15], $0x500  }
0x20: {  	[sflag:s15] =	ssyncset.done $0x0  }
0x21: {  	[sflag:s15] =	ssyncadd.s32 $0xFFFFFB00  }
0x22: {  	[tilespmem:s16], [sflag:$0x2] =	stream.linear.gather [hbm4b:s5+s4], $0x800, $0x38;
	[tilespmem:$0x5800] =	vst v63  }
0x23: {  	_ =	swait.ge [sflag:s15], $0x800  }
0x24: {  	[sflag:s15] =	ssyncset.done $0x0  }
0x25: {  	[sflag:s15] =	ssyncadd.s32 $0xFFFFF800  }
0x26: {  	[tilespmem:s4], [sflag:$0x2] =	stream.linear.gather [hbm4b:s10+s4], $0x2800, $0x38;
	[tilespmem:$0x5800] =	vst v63  }
0x27: {  	_ =	swait.ge [sflag:s15], $0x2800  }
0x28: {  	[sflag:s15] =	ssyncset.done $0x0  }
0x29: {  	[sflag:s15] =	ssyncadd.s32 $0xFFFFD800  }
0x2a: {  	[bflag:$0x0] =	sbarrier.arrive $0xFFFF  }
0x2b: {  	[spmem:s3] =	stream.indirect.scatter.add.f32 [tilespmem:s16], [sflag:$0x1], $0x10, s4, s17, $0xb8;
	[tilespmem:$0x5800] =	vst v63  }
0x2c: {  	_ = 	snop  }
0x2d: {  	[spmem:s3] =	stream.indirect.scatter.add.f32 [tilespmem:s16], [sflag:$0x1], $0x10, s17, s17, $0xb8;
	[tilespmem:$0x5800] =	vst v63  }
0x2e: {  	s19 =	simm.s32 $0x100  }
0x2f: {  	[spmem:s3] =	stream.indirect.scatter.add.f32 [tilespmem:s16], [sflag:$0x1], $0x10, s19, s17, $0xb8;
	[tilespmem:$0x5800] =	vst v63  }
0x30: {  	s23 =	simm.s32 $0x180  }
0x31: {  	[spmem:s3] =	stream.indirect.scatter.add.f32 [tilespmem:s16], [sflag:$0x1], $0x10, s23, s17, $0xb8;
	[tilespmem:$0x5800] =	vst v63  }
0x32: {  	s20 =	simm.s32 $0x200  }
0x33: {  	[spmem:s3] =	stream.indirect.scatter.add.f32 [tilespmem:s16], [sflag:$0x1], $0x10, s20, s17, $0xb8;
	[tilespmem:$0x5800] =	vst v63  }
0x34: {  	s21 =	simm.s32 $0x280  }
0x35: {  	[spmem:s3] =	stream.indirect.scatter.add.f32 [tilespmem:s16], [sflag:$0x1], $0x10, s21, s17, $0xb8;
	[tilespmem:$0x5800] =	vst v63  }
0x36: {  	s22 =	simm.s32 $0x300  }
0x37: {  	[spmem:s3] =	stream.indirect.scatter.add.f32 [tilespmem:s16], [sflag:$0x1], $0x10, s22, s17, $0xb8;
	[tilespmem:$0x5800] =	vst v63  }
0x38: {  	s23 =	simm.s32 $0x380  }
0x39: {  	[spmem:s3] =	stream.indirect.scatter.add.f32 [tilespmem:s16], [sflag:$0x1], $0x10, s23, s17, $0xb8;
	[tilespmem:$0x5800] =	vst v63  }
0x3a: {  	_ = 	snop  }
0x3b: {  	[spmem:s3] =	stream.indirect.scatter.add.f32 [tilespmem:s16], [sflag:$0x1], $0x10, s24, s17, $0xb8;
	[tilespmem:$0x5800] =	vst v63  }
0x3c: {  	_ = 	snop  }
0x3d: {  	[spmem:s3] =	stream.indirect.scatter.add.f32 [tilespmem:s16], [sflag:$0x1], $0x10, s26, s17, $0xb8;
	[tilespmem:$0x5800] =	vst v63  }
0x3e: {  	_ = 	snop  }
0x3f: {  	[spmem:s3] =	stream.indirect.scatter.add.f32 [tilespmem:s16], [sflag:$0x1], $0x10, s28, s17, $0xb8;
	[tilespmem:$0x5800] =	vst v63  }
0x40: {  	_ = 	snop  }
0x41: {  	[spmem:s3] =	stream.indirect.scatter.add.f32 [tilespmem:s16], [sflag:$0x1], $0x10, s29, s17, $0xb8;
	[tilespmem:$0x5800] =	vst v63  }
0x42: {  	_ = 	snop  }
0x43: {  	[spmem:s3] =	stream.indirect.scatter.add.f32 [tilespmem:s16], [sflag:$0x1], $0x10, s30, s17, $0xb8;
	[tilespmem:$0x5800] =	vst v63  }
0x44: {  	_ = 	snop  }
0x45: {  	[spmem:s3] =	stream.indirect.scatter.add.f32 [tilespmem:s16], [sflag:$0x1], $0x10, s31, s17, $0xb8;
	[tilespmem:$0x5800] =	vst v63  }
0x46: {  	_ = 	snop  }
0x47: {  	[spmem:s3] =	stream.indirect.scatter.add.f32 [tilespmem:s16], [sflag:$0x1], $0x10, s0, s17, $0xb8;
	[tilespmem:$0x5800] =	vst v63  }
0x48: {  	_ = 	snop  }
0x49: {  	[spmem:s3] =	stream.indirect.scatter.add.f32 [tilespmem:s16], [sflag:$0x1], $0x10, s1, s17, $0xb8;
	[tilespmem:$0x5800] =	vst v63  }
0x4a: {  	s20 =	simm.s32 $0x800  }
0x4b: {  	[spmem:s3] =	stream.indirect.scatter.add.f32 [tilespmem:s16], [sflag:$0x1], $0x10, s20, s17, $0xb8;
	[tilespmem:$0x5800] =	vst v63  }
0x4c: {  	s21 =	simm.s32 $0x880  }
0x4d: {  	[spmem:s3] =	stream.indirect.scatter.add.f32 [tilespmem:s16], [sflag:$0x1], $0x10, s21, s17, $0xb8;
	[tilespmem:$0x5800] =	vst v63  }
0x4e: {  	s22 =	simm.s32 $0x900  }
0x4f: {  	[spmem:s3] =	stream.indirect.scatter.add.f32 [tilespmem:s16], [sflag:$0x1], $0x10, s22, s17, $0xb8;
	[tilespmem:$0x5800] =	vst v63  }
0x50: {  	s23 =	simm.s32 $0x980  }
0x51: {  	[spmem:s3] =	stream.indirect.scatter.add.f32 [tilespmem:s16], [sflag:$0x1], $0x10, s23, s17, $0xb8;
	[tilespmem:$0x5800] =	vst v63  }
0x52: {  	s20 =	simm.s32 $0xA00  }
0x53: {  	[spmem:s3] =	stream.indirect.scatter.add.f32 [tilespmem:s16], [sflag:$0x1], $0x10, s20, s17, $0xb8;
	[tilespmem:$0x5800] =	vst v63  }
0x54: {  	s21 =	simm.s32 $0xA80  }
0x55: {  	[spmem:s3] =	stream.indirect.scatter.add.f32 [tilespmem:s16], [sflag:$0x1], $0x10, s21, s17, $0xb8;
	[tilespmem:$0x5800] =	vst v63  }
0x56: {  	s22 =	simm.s32 $0xB00  }
0x57: {  	[spmem:s3] =	stream.indirect.scatter.add.f32 [tilespmem:s16], [sflag:$0x1], $0x10, s22, s17, $0xb8;
	[tilespmem:$0x5800] =	vst v63  }
0x58: {  	s23 =	simm.s32 $0xB80  }
0x59: {  	[spmem:s3] =	stream.indirect.scatter.add.f32 [tilespmem:s16], [sflag:$0x1], $0x10, s23, s17, $0xb8;
	[tilespmem:$0x5800] =	vst v63  }
0x5a: {  	s20 =	simm.s32 $0xC00  }
0x5b: {  	[spmem:s3] =	stream.indirect.scatter.add.f32 [tilespmem:s16], [sflag:$0x1], $0x10, s20, s17, $0xb8;
	[tilespmem:$0x5800] =	vst v63  }
0x5c: {  	s21 =	simm.s32 $0xC80  }
0x5d: {  	[spmem:s3] =	stream.indirect.scatter.add.f32 [tilespmem:s16], [sflag:$0x1], $0x10, s21, s17, $0xb8;
	[tilespmem:$0x5800] =	vst v63  }
0x5e: {  	s22 =	simm.s32 $0xD00  }
0x5f: {  	[spmem:s3] =	stream.indirect.scatter.add.f32 [tilespmem:s16], [sflag:$0x1], $0x10, s22, s17, $0xb8;
	[tilespmem:$0x5800] =	vst v63  }
0x60: {  	s23 =	simm.s32 $0xD80  }
0x61: {  	[spmem:s3] =	stream.indirect.scatter.add.f32 [tilespmem:s16], [sflag:$0x1], $0x10, s23, s17, $0xb8;
	[tilespmem:$0x5800] =	vst v63  }
0x62: {  	s20 =	simm.s32 $0xE00  }
0x63: {  	[spmem:s3] =	stream.indirect.scatter.add.f32 [tilespmem:s16], [sflag:$0x1], $0x10, s20, s17, $0xb8;
	[tilespmem:$0x5800] =	vst v63  }
0x64: {  	s21 =	simm.s32 $0xE80  }
0x65: {  	[spmem:s3] =	stream.indirect.scatter.add.f32 [tilespmem:s16], [sflag:$0x1], $0x10, s21, s17, $0xb8;
	[tilespmem:$0x5800] =	vst v63  }
0x66: {  	s22 =	simm.s32 $0xF00  }
0x67: {  	[spmem:s3] =	stream.indirect.scatter.add.f32 [tilespmem:s16], [sflag:$0x1], $0x10, s22, s17, $0xb8;
	[tilespmem:$0x5800] =	vst v63  }
0x68: {  	s23 =	simm.s32 $0xF80  }
0x69: {  	[spmem:s3] =	stream.indirect.scatter.add.f32 [tilespmem:s16], [sflag:$0x1], $0x10, s23, s17, $0xb8;
	[tilespmem:$0x5800] =	vst v63  }
0x6a: {  	_ =	swait.ge [sflag:s2], $0x800  }
0x6b: {  	[sflag:s2] =	ssyncset.done $0x0  }
0x6c: {  	[sflag:s2] =	ssyncadd.s32 $0xFFFFF800  }
0x6d: {  	_ =	swait.ge [sflag:s2], $0x800  }
0x6e: {  	[sflag:s2] =	ssyncset.done $0x0  }
0x6f: {  	[sflag:s2] =	ssyncadd.s32 $0xFFFFF800  }
0x70: {  	_ =	swait.ge [sflag:s2], $0x800  }
0x71: {  	[sflag:s2] =	ssyncset.done $0x0  }
0x72: {  	[sflag:s2] =	ssyncadd.s32 $0xFFFFF800  }
0x73: {  	_ =	swait.ge [sflag:s2], $0x800  }
0x74: {  	[sflag:s2] =	ssyncset.done $0x0  }
0x75: {  	[sflag:s2] =	ssyncadd.s32 $0xFFFFF800  }
0x76: {  	_ =	swait.ge [sflag:s2], $0x800  }
0x77: {  	[sflag:s2] =	ssyncset.done $0x0  }
0x78: {  	[sflag:s2] =	ssyncadd.s32 $0xFFFFF800  }
0x79: {  	_ =	swait.ge [sflag:s2], $0x800  }
0x7a: {  	[sflag:s2] =	ssyncset.done $0x0  }
0x7b: {  	[sflag:s2] =	ssyncadd.s32 $0xFFFFF800  }
0x7c: {  	_ =	swait.ge [sflag:s2], $0x800  }
0x7d: {  	[sflag:s2] =	ssyncset.done $0x0  }
0x7e: {  	[sflag:s2] =	ssyncadd.s32 $0xFFFFF800  }
0x7f: {  	_ =	swait.ge [sflag:s2], $0x800  }
0x80: {  	[sflag:s2] =	ssyncset.done $0x0  }
0x81: {  	[sflag:s2] =	ssyncadd.s32 $0xFFFFF800  }
0x82: {  	_ =	swait.ge [sflag:s2], $0x800  }
0x83: {  	[sflag:s2] =	ssyncset.done $0x0  }
0x84: {  	[sflag:s2] =	ssyncadd.s32 $0xFFFFF800  }
0x85: {  	_ =	swait.ge [sflag:s2], $0x800  }
0x86: {  	[sflag:s2] =	ssyncset.done $0x0  }
0x87: {  	[sflag:s2] =	ssyncadd.s32 $0xFFFFF800  }
0x88: {  	_ =	swait.ge [sflag:s2], $0x800  }
0x89: {  	[sflag:s2] =	ssyncset.done $0x0  }
0x8a: {  	[sflag:s2] =	ssyncadd.s32 $0xFFFFF800  }
0x8b: {  	_ =	swait.ge [sflag:s2], $0x800  }
0x8c: {  	[sflag:s2] =	ssyncset.done $0x0  }
0x8d: {  	[sflag:s2] =	ssyncadd.s32 $0xFFFFF800  }
0x8e: {  	_ =	swait.ge [sflag:s2], $0x800  }
0x8f: {  	[sflag:s2] =	ssyncset.done $0x0  }
0x90: {  	[sflag:s2] =	ssyncadd.s32 $0xFFFFF800  }
0x91: {  	_ =	swait.ge [sflag:s2], $0x800  }
0x92: {  	[sflag:s2] =	ssyncset.done $0x0  }
0x93: {  	[sflag:s2] =	ssyncadd.s32 $0xFFFFF800  }
0x94: {  	_ =	swait.ge [sflag:s2], $0x800  }
0x95: {  	[sflag:s2] =	ssyncset.done $0x0  }
0x96: {  	[sflag:s2] =	ssyncadd.s32 $0xFFFFF800  }
0x97: {  	_ =	swait.ge [sflag:s2], $0x800  }
0x98: {  	s19 =	simm.s32 $0x4000;
	s21 =	simm.s32 $0x800;
	[sflag:s2] =	ssyncset.done $0x0  }
.LBB2_2:
0x99: {  	s23 =	sadd.s32 $0x800, s21  }
0x9a: {  	[sflag:s2] =	ssyncadd.s32 $0xFFFFF800;
	s20 =	smov.u32 s19;
	s22 =	sadd.s32 $0x2000, s19  }
0x9b: {  	[spmem:s3] =	stream.indirect.scatter.add.f32 [tilespmem:s16], [sflag:$0x1], $0x10, s23, s17, $0xb8;
	[tilespmem:$0x5800] =	vst v63  }
0x9c: {  	p5 =	sne.s32 s19, $0x6000;
	s19 =	sadd.s32 $0x880, s21  }
0x9d: {  	[spmem:s3] =	stream.indirect.scatter.add.f32 [tilespmem:s16], [sflag:$0x1], $0x10, s19, s17, $0xb8;
	[tilespmem:$0x5800] =	vst v63  }
0x9e: {  	s19 =	sadd.s32 $0x900, s21  }
0x9f: {  	[spmem:s3] =	stream.indirect.scatter.add.f32 [tilespmem:s16], [sflag:$0x1], $0x10, s19, s17, $0xb8;
	[tilespmem:$0x5800] =	vst v63  }
0xa0: {  	s19 =	sadd.s32 $0x980, s21  }
0xa1: {  	[spmem:s3] =	stream.indirect.scatter.add.f32 [tilespmem:s16], [sflag:$0x1], $0x10, s19, s17, $0xb8;
	[tilespmem:$0x5800] =	vst v63  }
0xa2: {  	s19 =	sadd.s32 $0xA00, s21  }
0xa3: {  	[spmem:s3] =	stream.indirect.scatter.add.f32 [tilespmem:s16], [sflag:$0x1], $0x10, s19, s17, $0xb8;
	[tilespmem:$0x5800] =	vst v63  }
0xa4: {  	s19 =	sadd.s32 $0xA80, s21  }
0xa5: {  	[spmem:s3] =	stream.indirect.scatter.add.f32 [tilespmem:s16], [sflag:$0x1], $0x10, s19, s17, $0xb8;
	[tilespmem:$0x5800] =	vst v63  }
0xa6: {  	s19 =	sadd.s32 $0xB00, s21  }
0xa7: {  	[spmem:s3] =	stream.indirect.scatter.add.f32 [tilespmem:s16], [sflag:$0x1], $0x10, s19, s17, $0xb8;
	[tilespmem:$0x5800] =	vst v63  }
0xa8: {  	s19 =	sadd.s32 $0xB80, s21  }
0xa9: {  	[spmem:s3] =	stream.indirect.scatter.add.f32 [tilespmem:s16], [sflag:$0x1], $0x10, s19, s17, $0xb8;
	[tilespmem:$0x5800] =	vst v63  }
0xaa: {  	s19 =	sadd.s32 $0xC00, s21  }
0xab: {  	[spmem:s3] =	stream.indirect.scatter.add.f32 [tilespmem:s16], [sflag:$0x1], $0x10, s19, s17, $0xb8;
	[tilespmem:$0x5800] =	vst v63  }
0xac: {  	s19 =	sadd.s32 $0xC80, s21  }
0xad: {  	[spmem:s3] =	stream.indirect.scatter.add.f32 [tilespmem:s16], [sflag:$0x1], $0x10, s19, s17, $0xb8;
	[tilespmem:$0x5800] =	vst v63  }
0xae: {  	s19 =	sadd.s32 $0xD00, s21  }
0xaf: {  	[spmem:s3] =	stream.indirect.scatter.add.f32 [tilespmem:s16], [sflag:$0x1], $0x10, s19, s17, $0xb8;
	[tilespmem:$0x5800] =	vst v63  }
0xb0: {  	s19 =	sadd.s32 $0xD80, s21  }
0xb1: {  	[spmem:s3] =	stream.indirect.scatter.add.f32 [tilespmem:s16], [sflag:$0x1], $0x10, s19, s17, $0xb8;
	[tilespmem:$0x5800] =	vst v63  }
0xb2: {  	s19 =	sadd.s32 $0xE00, s21  }
0xb3: {  	[spmem:s3] =	stream.indirect.scatter.add.f32 [tilespmem:s16], [sflag:$0x1], $0x10, s19, s17, $0xb8;
	[tilespmem:$0x5800] =	vst v63  }
0xb4: {  	s19 =	sadd.s32 $0xE80, s21  }
0xb5: {  	[spmem:s3] =	stream.indirect.scatter.add.f32 [tilespmem:s16], [sflag:$0x1], $0x10, s19, s17, $0xb8;
	[tilespmem:$0x5800] =	vst v63  }
0xb6: {  	s19 =	sadd.s32 $0xF00, s21  }
0xb7: {  	[spmem:s3] =	stream.indirect.scatter.add.f32 [tilespmem:s16], [sflag:$0x1], $0x10, s19, s17, $0xb8;
	[tilespmem:$0x5800] =	vst v63  }
0xb8: {  	s19 =	sadd.s32 $0xF80, s21  }
0xb9: {  	[spmem:s3] =	stream.indirect.scatter.add.f32 [tilespmem:s16], [sflag:$0x1], $0x10, s19, s17, $0xb8;
	[tilespmem:$0x5800] =	vst v63  }
0xba: {  	_ =	swait.ge [sflag:s2], $0x800  }
0xbb: {  	[sflag:s2] =	ssyncset.done $0x0  }
0xbc: {  	[sflag:s2] =	ssyncadd.s32 $0xFFFFF800  }
0xbd: {  	_ =	swait.ge [sflag:s2], $0x800  }
0xbe: {  	[sflag:s2] =	ssyncset.done $0x0  }
0xbf: {  	[sflag:s2] =	ssyncadd.s32 $0xFFFFF800  }
0xc0: {  	_ =	swait.ge [sflag:s2], $0x800  }
0xc1: {  	[sflag:s2] =	ssyncset.done $0x0  }
0xc2: {  	[sflag:s2] =	ssyncadd.s32 $0xFFFFF800  }
0xc3: {  	_ =	swait.ge [sflag:s2], $0x800  }
0xc4: {  	[sflag:s2] =	ssyncset.done $0x0  }
0xc5: {  	[sflag:s2] =	ssyncadd.s32 $0xFFFFF800  }
0xc6: {  	_ =	swait.ge [sflag:s2], $0x800  }
0xc7: {  	[sflag:s2] =	ssyncset.done $0x0  }
0xc8: {  	[sflag:s2] =	ssyncadd.s32 $0xFFFFF800  }
0xc9: {  	_ =	swait.ge [sflag:s2], $0x800  }
0xca: {  	[sflag:s2] =	ssyncset.done $0x0  }
0xcb: {  	[sflag:s2] =	ssyncadd.s32 $0xFFFFF800  }
0xcc: {  	_ =	swait.ge [sflag:s2], $0x800  }
0xcd: {  	[sflag:s2] =	ssyncset.done $0x0  }
0xce: {  	[sflag:s2] =	ssyncadd.s32 $0xFFFFF800  }
0xcf: {  	_ =	swait.ge [sflag:s2], $0x800  }
0xd0: {  	[sflag:s2] =	ssyncset.done $0x0  }
0xd1: {  	[sflag:s2] =	ssyncadd.s32 $0xFFFFF800  }
0xd2: {  	_ =	swait.ge [sflag:s2], $0x800  }
0xd3: {  	[sflag:s2] =	ssyncset.done $0x0  }
0xd4: {  	[sflag:s2] =	ssyncadd.s32 $0xFFFFF800  }
0xd5: {  	_ =	swait.ge [sflag:s2], $0x800  }
0xd6: {  	[sflag:s2] =	ssyncset.done $0x0  }
0xd7: {  	[sflag:s2] =	ssyncadd.s32 $0xFFFFF800  }
0xd8: {  	_ =	swait.ge [sflag:s2], $0x800  }
0xd9: {  	[sflag:s2] =	ssyncset.done $0x0  }
0xda: {  	[sflag:s2] =	ssyncadd.s32 $0xFFFFF800  }
0xdb: {  	_ =	swait.ge [sflag:s2], $0x800  }
0xdc: {  	[sflag:s2] =	ssyncset.done $0x0  }
0xdd: {  	[sflag:s2] =	ssyncadd.s32 $0xFFFFF800  }
0xde: {  	_ =	swait.ge [sflag:s2], $0x800  }
0xdf: {  	[sflag:s2] =	ssyncset.done $0x0  }
0xe0: {  	[sflag:s2] =	ssyncadd.s32 $0xFFFFF800  }
0xe1: {  	_ =	swait.ge [sflag:s2], $0x800  }
0xe2: {  	[sflag:s2] =	ssyncset.done $0x0  }
0xe3: {  	[sflag:s2] =	ssyncadd.s32 $0xFFFFF800  }
.Ltmp2:
0xe4: {  	_ =	swait.ge [sflag:s2], $0x800;
	(pc) =	sbr.rel @p5 .LBB2_2-.Ltmp2, $4  }
0xe5: {  	[sflag:s2] =	ssyncset.done $0x0  }
0xe6: {  	[sflag:s2] =	ssyncadd.s32 $0xFFFFF800  }
0xe7: {  	_ =	swait.ge [sflag:s2], $0x800  }
0xe8: {  	s21 =	sshra.s32 s20, $0x2;
	s19 =	smov.u32 s22;
	[sflag:s2] =	ssyncset.done $0x0  }
0xe9: {  	s19 =	sadd.s32 $0x800, s21;
	[sflag:s2] =	ssyncadd.s32 $0xFFFFF800  }
0xea: {  	[spmem:s3] =	stream.indirect.scatter.add.f32 [tilespmem:s16], [sflag:$0x1], $0x10, s19, s17, $0xb8;
	[tilespmem:$0x5800] =	vst v63  }
0xeb: {  	s20 =	sadd.s32 $0x880, s21  }
0xec: {  	[spmem:s3] =	stream.indirect.scatter.add.f32 [tilespmem:s16], [sflag:$0x1], $0x10, s20, s17, $0xb8;
	[tilespmem:$0x5800] =	vst v63  }
0xed: {  	s22 =	sadd.s32 $0x900, s21  }
0xee: {  	[spmem:s3] =	stream.indirect.scatter.add.f32 [tilespmem:s16], [sflag:$0x1], $0x10, s22, s17, $0xb8;
	[tilespmem:$0x5800] =	vst v63  }
0xef: {  	s23 =	sadd.s32 $0x980, s21  }
0xf0: {  	[spmem:s3] =	stream.indirect.scatter.add.f32 [tilespmem:s16], [sflag:$0x1], $0x10, s23, s17, $0xb8;
	[tilespmem:$0x5800] =	vst v63  }
0xf1: {  	s20 =	sadd.s32 $0xA00, s21  }
0xf2: {  	[spmem:s3] =	stream.indirect.scatter.add.f32 [tilespmem:s16], [sflag:$0x1], $0x10, s20, s17, $0xb8;
	[tilespmem:$0x5800] =	vst v63  }
0xf3: {  	s22 =	sadd.s32 $0xA80, s21  }
0xf4: {  	[spmem:s3] =	stream.indirect.scatter.add.f32 [tilespmem:s16], [sflag:$0x1], $0x10, s22, s17, $0xb8;
	[tilespmem:$0x5800] =	vst v63  }
0xf5: {  	s23 =	sadd.s32 $0xB00, s21  }
0xf6: {  	[spmem:s3] =	stream.indirect.scatter.add.f32 [tilespmem:s16], [sflag:$0x1], $0x10, s23, s17, $0xb8;
	[tilespmem:$0x5800] =	vst v63  }
0xf7: {  	s20 =	sadd.s32 $0xB80, s21  }
0xf8: {  	[spmem:s3] =	stream.indirect.scatter.add.f32 [tilespmem:s16], [sflag:$0x1], $0x10, s20, s17, $0xb8;
	[tilespmem:$0x5800] =	vst v63  }
0xf9: {  	s22 =	sadd.s32 $0xC00, s21  }
0xfa: {  	[spmem:s3] =	stream.indirect.scatter.add.f32 [tilespmem:s16], [sflag:$0x1], $0x10, s22, s17, $0xb8;
	[tilespmem:$0x5800] =	vst v63  }
0xfb: {  	s23 =	sadd.s32 $0xC80, s21  }
0xfc: {  	[spmem:s3] =	stream.indirect.scatter.add.f32 [tilespmem:s16], [sflag:$0x1], $0x10, s23, s17, $0xb8;
	[tilespmem:$0x5800] =	vst v63  }
0xfd: {  	s20 =	sadd.s32 $0xD00, s21  }
0xfe: {  	[spmem:s3] =	stream.indirect.scatter.add.f32 [tilespmem:s16], [sflag:$0x1], $0x10, s20, s17, $0xb8;
	[tilespmem:$0x5800] =	vst v63  }
0xff: {  	s22 =	sadd.s32 $0xD80, s21  }
0x100: {  	[spmem:s3] =	stream.indirect.scatter.add.f32 [tilespmem:s16], [sflag:$0x1], $0x10, s22, s17, $0xb8;
	[tilespmem:$0x5800] =	vst v63  }
0x101: {  	s23 =	sadd.s32 $0xE00, s21  }
0x102: {  	[spmem:s3] =	stream.indirect.scatter.add.f32 [tilespmem:s16], [sflag:$0x1], $0x10, s23, s17, $0xb8;
	[tilespmem:$0x5800] =	vst v63  }
0x103: {  	s20 =	sadd.s32 $0xE80, s21  }
0x104: {  	[spmem:s3] =	stream.indirect.scatter.add.f32 [tilespmem:s16], [sflag:$0x1], $0x10, s20, s17, $0xb8;
	[tilespmem:$0x5800] =	vst v63  }
0x105: {  	s22 =	sadd.s32 $0xF00, s21  }
0x106: {  	[spmem:s3] =	stream.indirect.scatter.add.f32 [tilespmem:s16], [sflag:$0x1], $0x10, s22, s17, $0xb8;
	[tilespmem:$0x5800] =	vst v63  }
0x107: {  	s23 =	sadd.s32 $0xF80, s21  }
0x108: {  	[spmem:s3] =	stream.indirect.scatter.add.f32 [tilespmem:s16], [sflag:$0x1], $0x10, s23, s17, $0xb8;
	[tilespmem:$0x5800] =	vst v63  }
0x109: {  	_ =	swait.ge [sflag:s2], $0x800  }
0x10a: {  	[sflag:s2] =	ssyncset.done $0x0  }
0x10b: {  	[sflag:s2] =	ssyncadd.s32 $0xFFFFF800  }
0x10c: {  	_ =	swait.ge [sflag:s2], $0x800  }
0x10d: {  	[sflag:s2] =	ssyncset.done $0x0  }
0x10e: {  	[sflag:s2] =	ssyncadd.s32 $0xFFFFF800  }
0x10f: {  	_ =	swait.ge [sflag:s2], $0x800  }
0x110: {  	[sflag:s2] =	ssyncset.done $0x0  }
0x111: {  	[sflag:s2] =	ssyncadd.s32 $0xFFFFF800  }
0x112: {  	_ =	swait.ge [sflag:s2], $0x800  }
0x113: {  	[sflag:s2] =	ssyncset.done $0x0  }
0x114: {  	[sflag:s2] =	ssyncadd.s32 $0xFFFFF800  }
0x115: {  	_ =	swait.ge [sflag:s2], $0x800  }
0x116: {  	[sflag:s2] =	ssyncset.done $0x0  }
0x117: {  	[sflag:s2] =	ssyncadd.s32 $0xFFFFF800  }
0x118: {  	_ =	swait.ge [sflag:s2], $0x800  }
0x119: {  	[sflag:s2] =	ssyncset.done $0x0  }
0x11a: {  	[sflag:s2] =	ssyncadd.s32 $0xFFFFF800  }
0x11b: {  	_ =	swait.ge [sflag:s2], $0x800  }
0x11c: {  	[sflag:s2] =	ssyncset.done $0x0  }
0x11d: {  	[sflag:s2] =	ssyncadd.s32 $0xFFFFF800  }
0x11e: {  	_ =	swait.ge [sflag:s2], $0x800  }
0x11f: {  	[sflag:s2] =	ssyncset.done $0x0  }
0x120: {  	[sflag:s2] =	ssyncadd.s32 $0xFFFFF800  }
0x121: {  	_ =	swait.ge [sflag:s2], $0x800  }
0x122: {  	[sflag:s2] =	ssyncset.done $0x0  }
0x123: {  	[sflag:s2] =	ssyncadd.s32 $0xFFFFF800  }
0x124: {  	_ =	swait.ge [sflag:s2], $0x800  }
0x125: {  	[sflag:s2] =	ssyncset.done $0x0  }
0x126: {  	[sflag:s2] =	ssyncadd.s32 $0xFFFFF800  }
0x127: {  	_ =	swait.ge [sflag:s2], $0x800  }
0x128: {  	[sflag:s2] =	ssyncset.done $0x0  }
0x129: {  	[sflag:s2] =	ssyncadd.s32 $0xFFFFF800  }
0x12a: {  	_ =	swait.ge [sflag:s2], $0x800  }
0x12b: {  	[sflag:s2] =	ssyncset.done $0x0  }
0x12c: {  	[sflag:s2] =	ssyncadd.s32 $0xFFFFF800  }
0x12d: {  	_ =	swait.ge [sflag:s2], $0x800  }
0x12e: {  	[sflag:s2] =	ssyncset.done $0x0  }
0x12f: {  	[sflag:s2] =	ssyncadd.s32 $0xFFFFF800  }
0x130: {  	_ =	swait.ge [sflag:s2], $0x800  }
0x131: {  	[sflag:s2] =	ssyncset.done $0x0  }
0x132: {  	[sflag:s2] =	ssyncadd.s32 $0xFFFFF800  }
0x133: {  	_ =	swait.ge [sflag:s2], $0x800  }
0x134: {  	[sflag:s2] =	ssyncset.done $0x0  }
0x135: {  	[sflag:s2] =	ssyncadd.s32 $0xFFFFF800  }
0x136: {  	_ =	swait.ge [sflag:s2], $0x800  }
0x137: {  	[sflag:s2] =	ssyncset.done $0x0  }
0x138: {  	[sflag:s2] =	ssyncadd.s32 $0xFFFFF800  }
0x139: {  	_ =	swait.ge [sflag:s2], $0x800  }
0x13a: {  	[sflag:s2] =	ssyncset.done $0x0  }
0x13b: {  	[sflag:s2] =	ssyncadd.s32 $0xFFFFF800  }
0x13c: {  	_ =	swait.ge [sflag:s2], $0x800  }
0x13d: {  	[sflag:s2] =	ssyncset.done $0x0  }
0x13e: {  	[sflag:s2] =	ssyncadd.s32 $0xFFFFF800  }
0x13f: {  	_ =	swait.ge [sflag:s2], $0x800  }
0x140: {  	[sflag:s2] =	ssyncset.done $0x0  }
0x141: {  	[sflag:s2] =	ssyncadd.s32 $0xFFFFF800  }
0x142: {  	_ =	swait.ge [sflag:s2], $0x800  }
0x143: {  	[sflag:s2] =	ssyncset.done $0x0  }
0x144: {  	[sflag:s2] =	ssyncadd.s32 $0xFFFFF800  }
0x145: {  	_ =	swait.ge [sflag:s2], $0x800  }
0x146: {  	[sflag:s2] =	ssyncset.done $0x0  }
0x147: {  	[sflag:s2] =	ssyncadd.s32 $0xFFFFF800  }
0x148: {  	_ =	swait.ge [sflag:s2], $0x800  }
0x149: {  	[sflag:s2] =	ssyncset.done $0x0  }
0x14a: {  	[sflag:s2] =	ssyncadd.s32 $0xFFFFF800  }
0x14b: {  	_ =	swait.ge [sflag:s2], $0x800  }
0x14c: {  	[sflag:s2] =	ssyncset.done $0x0  }
0x14d: {  	[sflag:s2] =	ssyncadd.s32 $0xFFFFF800  }
0x14e: {  	_ =	swait.ge [sflag:s2], $0x800  }
0x14f: {  	[sflag:s2] =	ssyncset.done $0x0  }
0x150: {  	[sflag:s2] =	ssyncadd.s32 $0xFFFFF800  }
0x151: {  	_ =	swait.ge [sflag:s2], $0x800  }
0x152: {  	[sflag:s2] =	ssyncset.done $0x0  }
0x153: {  	[sflag:s2] =	ssyncadd.s32 $0xFFFFF800  }
0x154: {  	_ =	swait.ge [sflag:s2], $0x800  }
0x155: {  	[sflag:s2] =	ssyncset.done $0x0  }
0x156: {  	[sflag:s2] =	ssyncadd.s32 $0xFFFFF800  }
0x157: {  	_ =	swait.ge [sflag:s2], $0x800  }
0x158: {  	[sflag:s2] =	ssyncset.done $0x0  }
0x159: {  	[sflag:s2] =	ssyncadd.s32 $0xFFFFF800  }
0x15a: {  	_ =	swait.ge [sflag:s2], $0x800  }
0x15b: {  	[sflag:s2] =	ssyncset.done $0x0  }
0x15c: {  	[sflag:s2] =	ssyncadd.s32 $0xFFFFF800  }
0x15d: {  	_ =	swait.ge [sflag:s2], $0x800  }
0x15e: {  	[sflag:s2] =	ssyncset.done $0x0  }
0x15f: {  	[sflag:s2] =	ssyncadd.s32 $0xFFFFF800  }
0x160: {  	_ =	swait.ge [sflag:s2], $0x800  }
0x161: {  	[sflag:s2] =	ssyncset.done $0x0  }
0x162: {  	[sflag:s2] =	ssyncadd.s32 $0xFFFFF800  }
0x163: {  	_ =	swait.ge [sflag:s2], $0x800  }
0x164: {  	[sflag:s2] =	ssyncset.done $0x0  }
0x165: {  	[sflag:s2] =	ssyncadd.s32 $0xFFFFF800  }
.Ltmp3:
0x166: {  	_ =	swait.ge [sflag:s2], $0x800;
	(pc) =	sbr.rel @!p1 .LBB2_5-.Ltmp3, $3  }
0x167: {  	[sflag:s2] =	ssyncset.done $0x0  }
0x168: {  	[sflag:s2] =	ssyncadd.s32 $0xFFFFF800  }
0x169: {  	[bflag:$0x0] =	sbarrier.arrive $0xFFFF;
	_ =	sdelay $0x1  }
.Ltmp4:
0x16a: {  	(pc) =	sbr.rel .LBB2_6-.Ltmp4, $4  }
0x16b: {  	[hbm:s11], [sflag:s9] =	dma.local [spmem:s14], $0x500  }
0x16c: {  	_ =	swait.ge [sflag:s15], $0x500  }
0x16d: {  	[sflag:s15] =	ssyncset.done $0x0  }
0x16e: {  	p5 =	por $0x0, $0x0;
	[sflag:s15] =	ssyncadd.s32 $0xFFFFFB00  }
.LBB2_5:
.Ltmp5:
0x16f: {  	(pc) =	sbr.rel @p2 .LBB2_7-.Ltmp5, $2  }
0x170: {  	_ =	sdelay $0x2  }
0x171: {  	p5 =	por p0, p0;
	s19 =	rddreg [dreg:$0x1]  }
.LBB2_6:
0x172: {  	s19 =	sshrl.u32 @p4 s8, $0x3;
	p6 =	por @p4 $0x1, $0x1  }
0x173: {  	[hbm:s12], [sflag:s9] =	dma.local @p4 [spmem:s19], $0x500  }
0x174: {  	p6 =	por @!p4 p3, p3  }
0x175: {  	p5 =	por !p6, !p5  }
0x176: {  	p5 =	por !p5, !p5  }
.Ltmp6:
0x177: {  	_ = 	snop;
	(pc) =	sbr.rel @!p5 .LBB2_8-.Ltmp6, $4  }
.Ltmp7:
0x178: {  	s19 =	simm.s32 @p4 $0x2;
	(pc) =	sbr.rel @p5 .LBB2_7-.Ltmp7, $4  }
0x179: {  	_ =	swait.ge @p4 [sflag:s19], $0x500  }
0x17a: {  	[sflag:s19] =	ssyncset.done @p4 $0x0  }
0x17b: {  	[sflag:s19] =	ssyncadd.s32 @p4 $0xFFFFFB00;
	s19 =	smov.u32 s7  }
0x17c: {  	_ = 	snop  }
.LBB2_9:
0x17d: {  	_ =	sfence.sel $0x180000  }
0x17e: {  	[bflag:$0x0] =	sbarrier.arrive $0xFFFF  }
0x17f: {  	_ =	strace $0x90000047  }
0x180: {  	s0 =	stileid.u32;
	[bflag:$0x2] =	sbarrier.arrive $0xFFFF  }
0x181: {  	p0 =	sne.s32 s0, $0x0;
	s0 =	rddreg [dreg:$0x3]  }
0x182: {  	s0 =	sadd.s32 @!p0 $0x100000, s0  }
0x183: {  	[sflag:s0] =	ssyncadd.tile.s32 @!p0 $0x1;
	_ =	shalt  }
.Lfunc_end2:
_tile_overlayer_lowered:
.L_overlay_start_2:
0x184: {  	(tag) =	ssettag $0x2  }
0x185: {  	s0 =	rddreg [dreg:$0x0];
	s2 =	stileid.u32  }
0x186: {  	s1 =	rddreg [dreg:$0x1];
	p0 =	sne.s32 s2, $0x0  }
0x187: {  	s3 =	rddreg [dreg:$0x2];
	[bflag:$0x3] =	sbarrier.arrive $0xFFFF;
	s2 =	simm.s32 @!p0 $0x1C02  }
0x188: {  	[timem:s3], [sflag:s2] =	dma.local @!p0 [hbm:s0], s1  }
0x189: {  	s0 =	simm.s32 @!p0 $0x2  }
0x18a: {  	_ =	swait.ge @!p0 [sflag:s0], s1  }
0x18b: {  	s1 =	ssub.s32 @!p0 $0x0, s1;
	[sflag:s0] =	ssyncset.done @!p0 $0x0  }
0x18c: {  	[sflag:s0] =	ssyncadd.s32 @!p0 s1  }
0x18d: {  	[bflag:$0x3] =	sbarrier.arrive $0xFFFF  }
0x18e: {  	_ =	shalt  }

</sc_bundles>
